<compile_context>
chip_gen: v7x
topology: tpu7x:2x2x1
jax: 0.10.2.dev20260603
libtpu: 0.0.44.dev20260713+nightly
codegen_flags: <defaults>
</compile_context>

<pallas_src>
import dataclasses
import functools

import jax
import jax.numpy as jnp
from jax import lax
from jax.experimental import pallas as pl
from jax.experimental.pallas import tpu as pltpu
from jax.experimental.pallas import tpu_sc as plsc

_N = 10000
_E = 160000
_B = 128
_K = 5
_KT = 25

_NC = 2
_NS = 16
_NW = _NC * _NS
_L = 16

_CH = 128
_NCHUNK = 40
_EW = _CH * _NCHUNK
_EP = _EW * _NW
_NA = 10240
_RPS = _NA // _NS
_NPW = _NA // _NW
_PT = 520

_HIGH = lax.Precision.HIGHEST


def _mesh():
    return plsc.VectorSubcoreMesh(
        core_axis_name="c", subcore_axis_name="s",
        num_cores=_NC, num_subcores=_NS)


def _sc_params():
    return pltpu.CompilerParams(needs_layout_passes=False,
                                use_tc_tiling_on_sc=False)



def _prep_kernel(ea0, ea1, rowr):
    def body(a0, a1, rr, *outs):
        v0 = a0[...] * float(_K - 1)
        lo0 = jnp.clip(jnp.floor(v0), 0.0, float(_K - 2))
        f0 = v0 - lo0
        v1 = a1[...] * float(_K - 1)
        lo1 = jnp.clip(jnp.floor(v1), 0.0, float(_K - 2))
        f1 = v1 - lo1
        l0 = lo0.astype(jnp.int32)
        l1 = lo1.astype(jnp.int32)
        rbase = rr[...] * _KT
        bs = [(1.0 - f0) * (1.0 - f1), (1.0 - f0) * f1,
              f0 * (1.0 - f1), f0 * f1]
        wi = [l0 + _K * l1, l0 + _K * l1 + _K,
              l0 + 1 + _K * l1, l0 + 1 + _K * l1 + _K]
        for t in range(4):
            outs[t][...] = bs[t]
            outs[4 + t][...] = rbase + wi[t]
    shp = ea0.shape
    return pl.pallas_call(
        body,
        out_shape=[jax.ShapeDtypeStruct(shp, jnp.float32)] * 4
        + [jax.ShapeDtypeStruct(shp, jnp.int32)] * 4,
    )(ea0, ea1, rowr)


def _dense_prologue(h, wall, root, bias):
    n, cin = h.shape
    ktout = wall.shape[1]
    cout = root.shape[1]
    blk = 1000

    def body(h_ref, w_ref, r_ref, b_ref, y_ref, xr_ref):
        hb = h_ref[...]
        y_ref[...] = jnp.dot(hb, w_ref[...],
                             preferred_element_type=jnp.float32,
                             precision=_HIGH)
        xr_ref[...] = jnp.dot(hb, r_ref[...],
                              preferred_element_type=jnp.float32,
                              precision=_HIGH) + b_ref[...]

    return pl.pallas_call(
        body,
        grid=(n // blk,),
        in_specs=[pl.BlockSpec((blk, cin), lambda i: (i, 0)),
                  pl.BlockSpec((cin, ktout), lambda i: (0, 0)),
                  pl.BlockSpec((cin, cout), lambda i: (0, 0)),
                  pl.BlockSpec((1, cout), lambda i: (0, 0))],
        out_specs=[pl.BlockSpec((blk, ktout), lambda i: (i, 0)),
                   pl.BlockSpec((blk, cout), lambda i: (i, 0))],
        out_shape=[jax.ShapeDtypeStruct((n, ktout), jnp.float32),
                   jax.ShapeDtypeStruct((n, cout), jnp.float32)],
    )(h, wall, root, bias)


def _epilogue(aggp, degp, xr):
    n, cout = xr.shape
    blk = 1000

    def body(a_ref, d_ref, x_ref, h_ref):
        agg = a_ref[0] + a_ref[1]
        dg = d_ref[0][:, :1] + d_ref[1][:, :1]
        dg = jnp.clip(dg, 1.0, None)
        v = agg / dg + x_ref[...]
        h_ref[...] = jnp.where(v > 0, v, jnp.exp(v) - 1.0)

    return pl.pallas_call(
        body,
        grid=(n // blk,),
        in_specs=[pl.BlockSpec((_NC, blk, cout), lambda i: (0, i, 0)),
                  pl.BlockSpec((_NC, blk, _L), lambda i: (0, i, 0)),
                  pl.BlockSpec((blk, cout), lambda i: (i, 0))],
        out_specs=pl.BlockSpec((blk, cout), lambda i: (i, 0)),
        out_shape=jax.ShapeDtypeStruct((n, cout), jnp.float32),
    )(aggp, degp, xr)


def _cluster_kernel(px, py, bt):
    def body(x_r, y_r, b_r, o_r):
        ix = jnp.clip(jnp.floor(x_r[...] / 14.0), 0.0, 1.0).astype(jnp.int32)
        iy = jnp.clip(jnp.floor(y_r[...] / 14.0), 0.0, 1.0).astype(jnp.int32)
        o_r[...] = b_r[...] * 4 + iy * 2 + ix
    return pl.pallas_call(
        body,
        out_shape=jax.ShapeDtypeStruct(px.shape, jnp.int32),
    )(px, py, bt)


def _pool_reduce(parts):
    def body(p_ref, o_ref):
        m = jnp.max(p_ref[...], axis=0)[:512]
        o_ref[...] = jnp.where(jnp.isfinite(m), m, 0.0)
    return pl.pallas_call(
        body,
        out_shape=jax.ShapeDtypeStruct((512, 64), jnp.float32),
    )(parts)


def _mlp(pm, w1, b1, w2, b2):
    def body(p_ref, w1_ref, b1_ref, w2_ref, b2_ref, o_ref):
        g = jnp.dot(p_ref[...], w1_ref[...],
                    preferred_element_type=jnp.float32,
                    precision=_HIGH) + b1_ref[...]
        g = jnp.where(g > 0, g, jnp.exp(g) - 1.0)
        o = jnp.dot(g, w2_ref[...],
                    preferred_element_type=jnp.float32,
                    precision=_HIGH) + b2_ref[...]
        m = jnp.max(o, axis=1, keepdims=True)
        s = jnp.log(jnp.sum(jnp.exp(o - m), axis=1, keepdims=True))
        o_ref[...] = o - m - s
    return pl.pallas_call(
        body,
        out_shape=jax.ShapeDtypeStruct((_B, 10), jnp.float32),
    )(pm, w1, b1, w2, b2)



def _sc_spline_edge(ytab, ridx, bas, col2, cout, with_deg):
    nseg = cout // _L
    outs = [jax.ShapeDtypeStruct((_NC, _NA, cout), jnp.float32)]
    scratch = [pltpu.VMEM((4 * _CH,), jnp.int32),
               pltpu.VMEM((4 * _CH,), jnp.float32),
               pltpu.VMEM((1, _CH), jnp.int32),
               pltpu.VMEM((4 * _CH, cout), jnp.float32),
               pltpu.VMEM((_CH, cout), jnp.float32),
               pltpu.VMEM((_CH, cout), jnp.float32),
               pltpu.VMEM_SHARED((_NA, cout), jnp.float32)]
    if with_deg:
        outs.append(jax.ShapeDtypeStruct((_NC, _NA, _L), jnp.float32))
        scratch.append(pltpu.VMEM((_CH, _L), jnp.float32))
        scratch.append(pltpu.VMEM_SHARED((_NA, _L), jnp.float32))

    zslices = [(i * 128, 128) for i in range(_RPS // 128)]

    def body(y_h, ridx_h, bas_h, col_h, *rest):
        if with_deg:
            (agg_o, deg_o, idx_v, bas_v, col_v, taps_v, msg_v, zer_v,
             agg_sh, ones_v, deg_sh) = rest
        else:
            (agg_o, idx_v, bas_v, col_v, taps_v, msg_v, zer_v,
             agg_sh) = rest
        cid = lax.axis_index("c")
        sid = lax.axis_index("s")
        w = sid * _NC + cid
        z16 = jnp.zeros((_L,), jnp.float32)

        @pl.loop(0, _CH)
        def _(r):
            for c in range(nseg):
                zer_v[r, pl.ds(c * _L, _L)] = z16

        rb = sid * _RPS
        for off, sz in zslices:
            pltpu.sync_copy(zer_v.at[pl.ds(0, sz)],
                            agg_sh.at[pl.ds(rb + off, sz)])
        if with_deg:
            @pl.loop(0, _CH)
            def _(r):
                ones_v[r] = z16
            for off, sz in zslices:
                pltpu.sync_copy(ones_v.at[pl.ds(0, sz)],
                                deg_sh.at[pl.ds(rb + off, sz)])
            one16 = z16 + 1.0

            @pl.loop(0, _CH)
            def _(r):
                ones_v[r] = one16

        plsc.subcore_barrier()

        @pl.loop(0, _NCHUNK)
        def _(ch):
            e0 = w * _EW + ch * _CH
            o4 = e0 * 4
            pltpu.sync_copy(ridx_h.at[pl.ds(o4, 4 * _CH)], idx_v)
            pltpu.sync_copy(bas_h.at[pl.ds(o4, 4 * _CH)], bas_v)
            pltpu.sync_copy(col_h.at[pl.ds(w * _NCHUNK + ch, 1)], col_v)
            for j in range(4):
                pltpu.sync_copy(y_h.at[idx_v.at[pl.ds(j * _CH, _CH)]],
                                taps_v.at[pl.ds(j * _CH, _CH)])

            @pl.loop(0, _CH)
            def _(e):
                b4 = []
                for t in range(4):
                    bi = jnp.zeros((_L,), jnp.int32) + (e * 4 + t)
                    b4.append(plsc.load_gather(bas_v, [bi]))
                for c in range(nseg):
                    acc = b4[0] * taps_v[e * 4, pl.ds(c * _L, _L)]
                    for t in range(1, 4):
                        acc = acc + b4[t] * taps_v[e * 4 + t,
                                                   pl.ds(c * _L, _L)]
                    msg_v[e, pl.ds(c * _L, _L)] = acc

            pltpu.sync_copy(msg_v, agg_sh.at[col_v.at[0]], add=True)
            if with_deg:
                pltpu.sync_copy(ones_v, deg_sh.at[col_v.at[0]], add=True)

        plsc.subcore_barrier()
        pltpu.sync_copy(agg_sh.at[pl.ds(rb, _RPS)],
                        agg_o.at[cid, pl.ds(rb, _RPS)])
        if with_deg:
            pltpu.sync_copy(deg_sh.at[pl.ds(rb, _RPS)],
                            deg_o.at[cid, pl.ds(rb, _RPS)])

    k = pl.kernel(body, out_type=tuple(outs), mesh=_mesh(),
                  scratch_types=scratch, compiler_params=_sc_params())
    return k(ytab, ridx, bas, col2)


def _sc_pool(hpad, cl2):
    scratch = [pltpu.VMEM((_NPW, 64), jnp.float32),
               pltpu.VMEM((1, _NPW), jnp.int32),
               pltpu.VMEM((_PT, 64), jnp.float32)]

    def body(h_h, c_h, o_h, hbuf, cbuf, table):
        w = lax.axis_index("s") * _NC + lax.axis_index("c")
        ninf = jnp.zeros((_L,), jnp.float32) - jnp.inf

        @pl.loop(0, _PT)
        def _(r):
            for c in range(4):
                table[r, pl.ds(c * _L, _L)] = ninf

        pltpu.sync_copy(h_h.at[pl.ds(w * _NPW, _NPW)], hbuf)
        pltpu.sync_copy(c_h.at[pl.ds(w, 1)], cbuf)
        z = jnp.zeros((_L,), jnp.int32)
        lane = lax.iota(jnp.int32, 16)

        @pl.loop(0, _NPW)
        def _(i):
            cv = plsc.load_gather(cbuf, [z, z + i])
            for c in range(4):
                ci = lane + c * _L
                g = plsc.load_gather(table, [cv, ci])
                m = jnp.maximum(g, hbuf[i, pl.ds(c * _L, _L)])
                plsc.store_scatter(table, [cv, ci], m)

        pltpu.sync_copy(table, o_h.at[w])

    k = pl.kernel(body,
                  out_type=jax.ShapeDtypeStruct((_NW, _PT, 64), jnp.float32),
                  mesh=_mesh(), scratch_types=scratch,
                  compiler_params=_sc_params())
    return k(hpad, cl2)



def kernel(x, edge_attr, pos, w1, r1, b1, w2, r2, b2, w3, r3, b3,
           fc1_w, fc1_b, fc2_w, fc2_b, edge_index, batch):
    row = edge_index[0].astype(jnp.int32)
    col = edge_index[1].astype(jnp.int32)

    ea0 = edge_attr[:, 0].reshape(1250, 128)
    ea1 = edge_attr[:, 1].reshape(1250, 128)
    rowr = row.reshape(1250, 128)
    prep = _prep_kernel(ea0, ea1, rowr)
    bas = jnp.stack([t.reshape(-1) for t in prep[:4]], 1).reshape(-1)
    rid = jnp.stack([t.reshape(-1) for t in prep[4:]], 1).reshape(-1)
    bas = jnp.pad(bas, (0, 4 * (_EP - _E)))
    rid = jnp.pad(rid, (0, 4 * (_EP - _E)))
    col2 = jnp.pad(col, (0, _EP - _E),
                   constant_values=_N).reshape(_EP // _CH, _CH)

    xp = jnp.pad(x, ((0, 0), (0, 7)))
    w1a = jnp.pad(w1.transpose(1, 0, 2).reshape(1, _KT * 32),
                  ((0, 7), (0, 0)))
    r1p = jnp.pad(r1, ((0, 7), (0, 0)))
    y1, xr1 = _dense_prologue(xp, w1a, r1p, b1.reshape(1, -1))
    agg1, degp = _sc_spline_edge(y1.reshape(_N * _KT, 32), rid, bas, col2,
                                 32, True)
    h1 = _epilogue(agg1, degp, xr1)

    w2a = w2.transpose(1, 0, 2).reshape(32, _KT * 64)
    y2, xr2 = _dense_prologue(h1, w2a, r2, b2.reshape(1, -1))
    (agg2,) = _sc_spline_edge(y2.reshape(_N * _KT, 64), rid, bas, col2,
                              64, False)
    h2 = _epilogue(agg2, degp, xr2)

    w3a = w3.transpose(1, 0, 2).reshape(64, _KT * 64)
    y3, xr3 = _dense_prologue(h2, w3a, r3, b3.reshape(1, -1))
    (agg3,) = _sc_spline_edge(y3.reshape(_N * _KT, 64), rid, bas, col2,
                              64, False)
    h3 = _epilogue(agg3, degp, xr3)

    cl = _cluster_kernel(pos[:, 0].reshape(80, 125),
                         pos[:, 1].reshape(80, 125),
                         batch.astype(jnp.int32).reshape(80, 125))
    clp = jnp.pad(cl.reshape(-1), (0, _NA - _N),
                  constant_values=512).reshape(_NW, _NPW)
    hp = jnp.pad(h3, ((0, _NA - _N), (0, 0)))
    parts = _sc_pool(hp, clp)
    pooled = _pool_reduce(parts)

    pm = pooled.reshape(_B, 256)
    return _mlp(pm, fc1_w, fc1_b.reshape(1, -1), fc2_w, fc2_b.reshape(1, -1))

# --- scband reference (transcript-rebuilt; emitter-appended) ---
"""Pipeline reference for scband-mnistnet-67602785239194 (READ-ONLY COPY).

The authoritative reference and input builder live on the scoring server;
editing this copy changes nothing except your own understanding.
"""

import jax, jax.numpy as jnp
import numpy as np

N = 10000
E = 160000
B = 128
K = 5
KT = 25

def spline_coeff(pseudo):
    # degree-1 open B-spline basis, kernel_size=5 per dim, dim=2 (torch_spline_conv semantics)
    v = pseudo * (K - 1)
    lo = jnp.clip(jnp.floor(v), 0, K - 2)
    frac = v - lo
    loi = lo.astype(jnp.int32)
    w = jnp.stack([1.0 - frac, frac], axis=-1)  # [E, 2, 2]
    idx = loi[:, :, None] + jnp.array([0, 1], jnp.int32)[None, None, :]  # [E, 2, 2]
    basis = (w[:, 0, :, None] * w[:, 1, None, :]).reshape(-1, 4)
    wi = (idx[:, 0, :, None] + K * idx[:, 1, None, :]).reshape(-1, 4)
    Cmat = jnp.zeros((pseudo.shape[0], KT), pseudo.dtype)
    Cmat = Cmat.at[jnp.arange(pseudo.shape[0])[:, None], wi].add(basis)
    return Cmat

def spline_conv(x, edge_index, Cmat, weight, root, bias):
    row, col = edge_index[0], edge_index[1]
    xj = x[row]
    msg = jnp.zeros((xj.shape[0], weight.shape[2]), x.dtype)
    for k in range(KT):
        msg = msg + Cmat[:, k:k + 1] * (xj @ weight[k])
    agg = jax.ops.segment_sum(msg, col, num_segments=x.shape[0])
    deg = jax.ops.segment_sum(jnp.ones((msg.shape[0],), x.dtype), col, num_segments=x.shape[0])
    agg = agg / jnp.clip(deg, 1.0, None)[:, None]
    return agg + x @ root + bias

def voxel_max_pool(x, pos, batch):
    # voxel_grid(pos, batch, size=14, start=0, end=27.99) -> 2x2 grid per graph; max_pool_x size=4
    ix = jnp.clip(jnp.floor(pos[:, 0] / 14.0), 0, 1).astype(jnp.int32)
    iy = jnp.clip(jnp.floor(pos[:, 1] / 14.0), 0, 1).astype(jnp.int32)
    cluster = batch.astype(jnp.int32) * 4 + iy * 2 + ix
    pooled = jax.ops.segment_max(x, cluster, num_segments=B * 4)
    pooled = jnp.where(jnp.isfinite(pooled), pooled, 0.0)
    return pooled.reshape(B, 4 * x.shape[1])

def setup_inputs(seed: int = 0):
    key = jax.random.key(seed)
    ks = jax.random.split(key, 20)
    x = jax.random.normal(ks[0], (N, 1), jnp.float32)
    edge_index = jax.random.randint(ks[1], (2, E), 0, N)
    edge_attr = jax.random.uniform(ks[2], (E, 2), dtype=jnp.float32)
    batch = jnp.sort(jax.random.randint(ks[3], (N,), 0, B))
    pos = jax.random.uniform(ks[4], (N, 2), dtype=jnp.float32) * 27.99
    s = 0.1
    w1 = jax.random.normal(ks[5], (KT, 1, 32), jnp.float32) * s
    r1 = jax.random.normal(ks[6], (1, 32), jnp.float32) * s
    b1 = jnp.zeros((32,), jnp.float32)
    w2 = jax.random.normal(ks[7], (KT, 32, 64), jnp.float32) * s
    r2 = jax.random.normal(ks[8], (32, 64), jnp.float32) * s
    b2 = jnp.zeros((64,), jnp.float32)
    w3 = jax.random.normal(ks[9], (KT, 64, 64), jnp.float32) * s
    r3 = jax.random.normal(ks[10], (64, 64), jnp.float32) * s
    b3 = jnp.zeros((64,), jnp.float32)
    fc1_w = jax.random.normal(ks[11], (256, 128), jnp.float32) * s
    fc1_b = jnp.zeros((128,), jnp.float32)
    fc2_w = jax.random.normal(ks[12], (128, 10), jnp.float32) * s
    fc2_b = jnp.zeros((10,), jnp.float32)
    return {"x": x, "edge_attr": edge_attr, "pos": pos, "w1": w1, "r1": r1, "b1": b1, "w2": w2, "r2": r2, "b2": b2, "w3": w3, "r3": r3, "b3": b3, "fc1_w": fc1_w, "fc1_b": fc1_b, "fc2_w": fc2_w, "fc2_b": fc2_b, "edge_index": edge_index, "batch": batch}

def reference(x, edge_attr, pos, w1, r1, b1, w2, r2, b2, w3, r3, b3, fc1_w, fc1_b, fc2_w, fc2_b, edge_index, batch):
    Cmat = spline_coeff(edge_attr)
    h = jax.nn.elu(spline_conv(x, edge_index, Cmat, w1, r1, b1))
    h = jax.nn.elu(spline_conv(h, edge_index, Cmat, w2, r2, b2))
    h = jax.nn.elu(spline_conv(h, edge_index, Cmat, w3, r3, b3))
    g = voxel_max_pool(h, pos, batch)
    g = jax.nn.elu(g @ fc1_w + fc1_b)
    g = g @ fc2_w + fc2_b
    return jax.nn.log_softmax(g, axis=1)

if __name__ == "__main__":
    import jax
    _d = setup_inputs()
    print(jax.jit(kernel)(*tuple(_d.values())))

</pallas_src>

<mosaic_0001>
#map = affine_map<(d0, d1) -> (0, 0)>
#map1 = affine_map<(d0, d1) -> (0)>
#map2 = affine_map<(d0, d1) -> (0, 0, 0)>
module attributes {stable_mosaic.version = 14 : i64} {
  func.func @body(%arg0: i32, %arg1: i32, %arg2: memref<250000x32xf32, #tpu.memory_space<hbm>>, %arg3: memref<655360xi32, #tpu.memory_space<hbm>>, %arg4: memref<655360xf32, #tpu.memory_space<hbm>>, %arg5: memref<1280x128xi32, #tpu.memory_space<hbm>>, %arg6: memref<2x10240x32xf32, #tpu.memory_space<hbm>>, %arg7: memref<2x10240x16xf32, #tpu.memory_space<hbm>>, %arg8: memref<512xi32, #tpu.memory_space<vmem>>, %arg9: memref<512xf32, #tpu.memory_space<vmem>>, %arg10: memref<1x128xi32, #tpu.memory_space<vmem>>, %arg11: memref<512x32xf32, #tpu.memory_space<vmem>>, %arg12: memref<128x32xf32, #tpu.memory_space<vmem>>, %arg13: memref<128x32xf32, #tpu.memory_space<vmem>>, %arg14: memref<10240x32xf32, #tpu.memory_space<vmem_shared>>, %arg15: memref<128x16xf32, #tpu.memory_space<vmem>>, %arg16: memref<10240x16xf32, #tpu.memory_space<vmem_shared>>) attributes {dimension_semantics = [#tpu.dimension_semantics<core_parallel>, #tpu.dimension_semantics<subcore_parallel>], iteration_bounds = array<i64: 2, 16>, scalar_prefetch = 0 : i64, scratch_operands = 9 : i64, tpu.core_type = #tpu.core_type<sc_vector_subcore>, window_params = [{transform_indices = #map}, {transform_indices = #map1}, {transform_indices = #map1}, {transform_indices = #map}, {transform_indices = #map2}, {transform_indices = #map2}]} {
    %mul3A = arith.constant 2 : i32
    %mul3A_0 = arith.muli %arg1, %mul3A : i32
    %add3A = arith.addi %mul3A_0, %arg0 : i32
    %broadcast_in_dim3A = arith.constant 0.000000e+00 : f32
    %broadcast_in_dim3A_1 = vector.broadcast %broadcast_in_dim3A : f32 to vector<16xf32>
    %scan3A = arith.constant 0 : i32
    %scan3A_2 = arith.constant 128 : i32
    %scan3A_3 = arith.addi %scan3A, %scan3A_2 : i32
    %scan3A_4 = arith.constant 1 : i32
    scf.for %scan3A_47 = %scan3A to %scan3A_3 step %scan3A_4  : i32 {
      %mul3A_48 = arith.constant 1 : i32
      %mul3A_49 = arith.muli %scan3A_47, %mul3A_48 : i32
      %add3A_50 = arith.constant 0 : i32
      %add3A_51 = arith.addi %add3A_50, %mul3A_49 : i32
      %swap3A = arith.index_cast %add3A_51 : i32 to index
      %swap3A_52 = arith.constant 0 : index
      %swap3A_53 = tpu.vector_load %arg13[%swap3A, %swap3A_52] {strides = array<i32>} : memref<128x32xf32, #tpu.memory_space<vmem>>, vector<16xf32>,
      tpu.vector_store %arg13[%swap3A, %swap3A_52], %broadcast_in_dim3A_1 {strides = array<i32>} : memref<128x32xf32, #tpu.memory_space<vmem>>, vector<16xf32>,
      %swap3A_54 = arith.index_cast %add3A_51 : i32 to index
      %swap3A_55 = arith.constant 16 : index
      %swap3A_56 = tpu.vector_load %arg13[%swap3A_54, %swap3A_55] {strides = array<i32>} : memref<128x32xf32, #tpu.memory_space<vmem>>, vector<16xf32>,
      tpu.vector_store %arg13[%swap3A_54, %swap3A_55], %broadcast_in_dim3A_1 {strides = array<i32>} : memref<128x32xf32, #tpu.memory_space<vmem>>, vector<16xf32>,
    }
    %scan3A_5 = arith.constant 128 : i32
    %mul3A_6 = arith.constant 640 : i32
    %mul3A_7 = arith.muli %arg1, %mul3A_6 : i32
    %add3A_8 = arith.constant 0 : i32
    %add3A_9 = arith.addi %mul3A_7, %add3A_8 : i32
    "tpu.region"() ({
      %run_scoped3A = tpu.sem_alloc : memref<!tpu.dma_semaphore, #tpu.memory_space<semaphore_mem>>
      %dma_start3A = arith.constant 0 : i32
      %dma_start3A_47 = arith.constant 0 : i32
      %dma_start3A_48 = tpu.memref_slice %arg13[%dma_start3A, %dma_start3A_47] : memref<128x32xf32, #tpu.memory_space<vmem>> -> memref<128x32xf32, #tpu.memory_space<vmem>>
      %dma_start3A_49 = arith.constant 0 : i32
      %dma_start3A_50 = tpu.memref_slice %arg14[%add3A_9, %dma_start3A_49] : memref<10240x32xf32, #tpu.memory_space<vmem_shared>> -> memref<128x32xf32, #tpu.memory_space<vmem_shared>>
      %dma_start3A_51 = arith.constant 0 : i32
      %dma_start3A_52 = tpu.memref_slice %arg14[%add3A_9, %dma_start3A_51] : memref<10240x32xf32, #tpu.memory_space<vmem_shared>> -> memref<128x32xf32, #tpu.memory_space<vmem_shared>>
      %dma_start3A_53 = arith.constant 0 : i32
      %dma_start3A_54 = arith.constant 0 : i32
      %dma_start3A_55 = tpu.memref_slice %arg13[%dma_start3A_53, %dma_start3A_54] : memref<128x32xf32, #tpu.memory_space<vmem>> -> memref<128x32xf32, #tpu.memory_space<vmem>>
      tpu.enqueue_dma source(%dma_start3A_55 : memref<128x32xf32, #tpu.memory_space<vmem>>) target(%dma_start3A_52 : memref<128x32xf32, #tpu.memory_space<vmem_shared>>) target_semaphore(%run_scoped3A : memref<!tpu.dma_semaphore, #tpu.memory_space<semaphore_mem>>)
      %dma_wait3A = arith.constant 0 : i32
      %dma_wait3A_56 = arith.constant 0 : i32
      %dma_wait3A_57 = tpu.memref_slice %arg13[%dma_wait3A, %dma_wait3A_56] : memref<128x32xf32, #tpu.memory_space<vmem>> -> memref<128x32xf32, #tpu.memory_space<vmem>>
      %dma_wait3A_58 = arith.constant 0 : i32
      %dma_wait3A_59 = tpu.memref_slice %arg14[%add3A_9, %dma_wait3A_58] : memref<10240x32xf32, #tpu.memory_space<vmem_shared>> -> memref<128x32xf32, #tpu.memory_space<vmem_shared>>
      %dma_wait3A_60 = arith.constant 0 : i32
      %dma_wait3A_61 = tpu.memref_slice %arg14[%add3A_9, %dma_wait3A_60] : memref<10240x32xf32, #tpu.memory_space<vmem_shared>> -> memref<128x32xf32, #tpu.memory_space<vmem_shared>>
      %dma_wait3A_62 = arith.constant 0 : i32
      %dma_wait3A_63 = arith.constant 0 : i32
      %dma_wait3A_64 = tpu.memref_slice %arg13[%dma_wait3A_62, %dma_wait3A_63] : memref<128x32xf32, #tpu.memory_space<vmem>> -> memref<128x32xf32, #tpu.memory_space<vmem>>
      tpu.wait_dma2 semaphore(%run_scoped3A : memref<!tpu.dma_semaphore, #tpu.memory_space<semaphore_mem>>) src(%dma_wait3A_64 : memref<128x32xf32, #tpu.memory_space<vmem>>) dst(%dma_wait3A_61 : memref<128x32xf32, #tpu.memory_space<vmem_shared>>)
      tpu.yield
    }) : () -> ()
    %add3A_10 = arith.constant 128 : i32
    %add3A_11 = arith.addi %mul3A_7, %add3A_10 : i32
    "tpu.region"() ({
      %run_scoped3A = tpu.sem_alloc : memref<!tpu.dma_semaphore, #tpu.memory_space<semaphore_mem>>
      %dma_start3A = arith.constant 0 : i32
      %dma_start3A_47 = arith.constant 0 : i32
      %dma_start3A_48 = tpu.memref_slice %arg13[%dma_start3A, %dma_start3A_47] : memref<128x32xf32, #tpu.memory_space<vmem>> -> memref<128x32xf32, #tpu.memory_space<vmem>>
      %dma_start3A_49 = arith.constant 0 : i32
      %dma_start3A_50 = tpu.memref_slice %arg14[%add3A_11, %dma_start3A_49] : memref<10240x32xf32, #tpu.memory_space<vmem_shared>> -> memref<128x32xf32, #tpu.memory_space<vmem_shared>>
      %dma_start3A_51 = arith.constant 0 : i32
      %dma_start3A_52 = tpu.memref_slice %arg14[%add3A_11, %dma_start3A_51] : memref<10240x32xf32, #tpu.memory_space<vmem_shared>> -> memref<128x32xf32, #tpu.memory_space<vmem_shared>>
      %dma_start3A_53 = arith.constant 0 : i32
      %dma_start3A_54 = arith.constant 0 : i32
      %dma_start3A_55 = tpu.memref_slice %arg13[%dma_start3A_53, %dma_start3A_54] : memref<128x32xf32, #tpu.memory_space<vmem>> -> memref<128x32xf32, #tpu.memory_space<vmem>>
      tpu.enqueue_dma source(%dma_start3A_55 : memref<128x32xf32, #tpu.memory_space<vmem>>) target(%dma_start3A_52 : memref<128x32xf32, #tpu.memory_space<vmem_shared>>) target_semaphore(%run_scoped3A : memref<!tpu.dma_semaphore, #tpu.memory_space<semaphore_mem>>)
      %dma_wait3A = arith.constant 0 : i32
      %dma_wait3A_56 = arith.constant 0 : i32
      %dma_wait3A_57 = tpu.memref_slice %arg13[%dma_wait3A, %dma_wait3A_56] : memref<128x32xf32, #tpu.memory_space<vmem>> -> memref<128x32xf32, #tpu.memory_space<vmem>>
      %dma_wait3A_58 = arith.constant 0 : i32
      %dma_wait3A_59 = tpu.memref_slice %arg14[%add3A_11, %dma_wait3A_58] : memref<10240x32xf32, #tpu.memory_space<vmem_shared>> -> memref<128x32xf32, #tpu.memory_space<vmem_shared>>
      %dma_wait3A_60 = arith.constant 0 : i32
      %dma_wait3A_61 = tpu.memref_slice %arg14[%add3A_11, %dma_wait3A_60] : memref<10240x32xf32, #tpu.memory_space<vmem_shared>> -> memref<128x32xf32, #tpu.memory_space<vmem_shared>>
      %dma_wait3A_62 = arith.constant 0 : i32
      %dma_wait3A_63 = arith.constant 0 : i32
      %dma_wait3A_64 = tpu.memref_slice %arg13[%dma_wait3A_62, %dma_wait3A_63] : memref<128x32xf32, #tpu.memory_space<vmem>> -> memref<128x32xf32, #tpu.memory_space<vmem>>
      tpu.wait_dma2 semaphore(%run_scoped3A : memref<!tpu.dma_semaphore, #tpu.memory_space<semaphore_mem>>) src(%dma_wait3A_64 : memref<128x32xf32, #tpu.memory_space<vmem>>) dst(%dma_wait3A_61 : memref<128x32xf32, #tpu.memory_space<vmem_shared>>)
      tpu.yield
    }) : () -> ()
    %add3A_12 = arith.constant 256 : i32
    %add3A_13 = arith.addi %mul3A_7, %add3A_12 : i32
    "tpu.region"() ({
      %run_scoped3A = tpu.sem_alloc : memref<!tpu.dma_semaphore, #tpu.memory_space<semaphore_mem>>
      %dma_start3A = arith.constant 0 : i32
      %dma_start3A_47 = arith.constant 0 : i32
      %dma_start3A_48 = tpu.memref_slice %arg13[%dma_start3A, %dma_start3A_47] : memref<128x32xf32, #tpu.memory_space<vmem>> -> memref<128x32xf32, #tpu.memory_space<vmem>>
      %dma_start3A_49 = arith.constant 0 : i32
      %dma_start3A_50 = tpu.memref_slice %arg14[%add3A_13, %dma_start3A_49] : memref<10240x32xf32, #tpu.memory_space<vmem_shared>> -> memref<128x32xf32, #tpu.memory_space<vmem_shared>>
      %dma_start3A_51 = arith.constant 0 : i32
      %dma_start3A_52 = tpu.memref_slice %arg14[%add3A_13, %dma_start3A_51] : memref<10240x32xf32, #tpu.memory_space<vmem_shared>> -> memref<128x32xf32, #tpu.memory_space<vmem_shared>>
      %dma_start3A_53 = arith.constant 0 : i32
      %dma_start3A_54 = arith.constant 0 : i32
      %dma_start3A_55 = tpu.memref_slice %arg13[%dma_start3A_53, %dma_start3A_54] : memref<128x32xf32, #tpu.memory_space<vmem>> -> memref<128x32xf32, #tpu.memory_space<vmem>>
      tpu.enqueue_dma source(%dma_start3A_55 : memref<128x32xf32, #tpu.memory_space<vmem>>) target(%dma_start3A_52 : memref<128x32xf32, #tpu.memory_space<vmem_shared>>) target_semaphore(%run_scoped3A : memref<!tpu.dma_semaphore, #tpu.memory_space<semaphore_mem>>)
      %dma_wait3A = arith.constant 0 : i32
      %dma_wait3A_56 = arith.constant 0 : i32
      %dma_wait3A_57 = tpu.memref_slice %arg13[%dma_wait3A, %dma_wait3A_56] : memref<128x32xf32, #tpu.memory_space<vmem>> -> memref<128x32xf32, #tpu.memory_space<vmem>>
      %dma_wait3A_58 = arith.constant 0 : i32
      %dma_wait3A_59 = tpu.memref_slice %arg14[%add3A_13, %dma_wait3A_58] : memref<10240x32xf32, #tpu.memory_space<vmem_shared>> -> memref<128x32xf32, #tpu.memory_space<vmem_shared>>
      %dma_wait3A_60 = arith.constant 0 : i32
      %dma_wait3A_61 = tpu.memref_slice %arg14[%add3A_13, %dma_wait3A_60] : memref<10240x32xf32, #tpu.memory_space<vmem_shared>> -> memref<128x32xf32, #tpu.memory_space<vmem_shared>>
      %dma_wait3A_62 = arith.constant 0 : i32
      %dma_wait3A_63 = arith.constant 0 : i32
      %dma_wait3A_64 = tpu.memref_slice %arg13[%dma_wait3A_62, %dma_wait3A_63] : memref<128x32xf32, #tpu.memory_space<vmem>> -> memref<128x32xf32, #tpu.memory_space<vmem>>
      tpu.wait_dma2 semaphore(%run_scoped3A : memref<!tpu.dma_semaphore, #tpu.memory_space<semaphore_mem>>) src(%dma_wait3A_64 : memref<128x32xf32, #tpu.memory_space<vmem>>) dst(%dma_wait3A_61 : memref<128x32xf32, #tpu.memory_space<vmem_shared>>)
      tpu.yield
    }) : () -> ()
    %add3A_14 = arith.constant 384 : i32
    %add3A_15 = arith.addi %mul3A_7, %add3A_14 : i32
    "tpu.region"() ({
      %run_scoped3A = tpu.sem_alloc : memref<!tpu.dma_semaphore, #tpu.memory_space<semaphore_mem>>
      %dma_start3A = arith.constant 0 : i32
      %dma_start3A_47 = arith.constant 0 : i32
      %dma_start3A_48 = tpu.memref_slice %arg13[%dma_start3A, %dma_start3A_47] : memref<128x32xf32, #tpu.memory_space<vmem>> -> memref<128x32xf32, #tpu.memory_space<vmem>>
      %dma_start3A_49 = arith.constant 0 : i32
      %dma_start3A_50 = tpu.memref_slice %arg14[%add3A_15, %dma_start3A_49] : memref<10240x32xf32, #tpu.memory_space<vmem_shared>> -> memref<128x32xf32, #tpu.memory_space<vmem_shared>>
      %dma_start3A_51 = arith.constant 0 : i32
      %dma_start3A_52 = tpu.memref_slice %arg14[%add3A_15, %dma_start3A_51] : memref<10240x32xf32, #tpu.memory_space<vmem_shared>> -> memref<128x32xf32, #tpu.memory_space<vmem_shared>>
      %dma_start3A_53 = arith.constant 0 : i32
      %dma_start3A_54 = arith.constant 0 : i32
      %dma_start3A_55 = tpu.memref_slice %arg13[%dma_start3A_53, %dma_start3A_54] : memref<128x32xf32, #tpu.memory_space<vmem>> -> memref<128x32xf32, #tpu.memory_space<vmem>>
      tpu.enqueue_dma source(%dma_start3A_55 : memref<128x32xf32, #tpu.memory_space<vmem>>) target(%dma_start3A_52 : memref<128x32xf32, #tpu.memory_space<vmem_shared>>) target_semaphore(%run_scoped3A : memref<!tpu.dma_semaphore, #tpu.memory_space<semaphore_mem>>)
      %dma_wait3A = arith.constant 0 : i32
      %dma_wait3A_56 = arith.constant 0 : i32
      %dma_wait3A_57 = tpu.memref_slice %arg13[%dma_wait3A, %dma_wait3A_56] : memref<128x32xf32, #tpu.memory_space<vmem>> -> memref<128x32xf32, #tpu.memory_space<vmem>>
      %dma_wait3A_58 = arith.constant 0 : i32
      %dma_wait3A_59 = tpu.memref_slice %arg14[%add3A_15, %dma_wait3A_58] : memref<10240x32xf32, #tpu.memory_space<vmem_shared>> -> memref<128x32xf32, #tpu.memory_space<vmem_shared>>
      %dma_wait3A_60 = arith.constant 0 : i32
      %dma_wait3A_61 = tpu.memref_slice %arg14[%add3A_15, %dma_wait3A_60] : memref<10240x32xf32, #tpu.memory_space<vmem_shared>> -> memref<128x32xf32, #tpu.memory_space<vmem_shared>>
      %dma_wait3A_62 = arith.constant 0 : i32
      %dma_wait3A_63 = arith.constant 0 : i32
      %dma_wait3A_64 = tpu.memref_slice %arg13[%dma_wait3A_62, %dma_wait3A_63] : memref<128x32xf32, #tpu.memory_space<vmem>> -> memref<128x32xf32, #tpu.memory_space<vmem>>
      tpu.wait_dma2 semaphore(%run_scoped3A : memref<!tpu.dma_semaphore, #tpu.memory_space<semaphore_mem>>) src(%dma_wait3A_64 : memref<128x32xf32, #tpu.memory_space<vmem>>) dst(%dma_wait3A_61 : memref<128x32xf32, #tpu.memory_space<vmem_shared>>)
      tpu.yield
    }) : () -> ()
    %add3A_16 = arith.constant 512 : i32
    %add3A_17 = arith.addi %mul3A_7, %add3A_16 : i32
    "tpu.region"() ({
      %run_scoped3A = tpu.sem_alloc : memref<!tpu.dma_semaphore, #tpu.memory_space<semaphore_mem>>
      %dma_start3A = arith.constant 0 : i32
      %dma_start3A_47 = arith.constant 0 : i32
      %dma_start3A_48 = tpu.memref_slice %arg13[%dma_start3A, %dma_start3A_47] : memref<128x32xf32, #tpu.memory_space<vmem>> -> memref<128x32xf32, #tpu.memory_space<vmem>>
      %dma_start3A_49 = arith.constant 0 : i32
      %dma_start3A_50 = tpu.memref_slice %arg14[%add3A_17, %dma_start3A_49] : memref<10240x32xf32, #tpu.memory_space<vmem_shared>> -> memref<128x32xf32, #tpu.memory_space<vmem_shared>>
      %dma_start3A_51 = arith.constant 0 : i32
      %dma_start3A_52 = tpu.memref_slice %arg14[%add3A_17, %dma_start3A_51] : memref<10240x32xf32, #tpu.memory_space<vmem_shared>> -> memref<128x32xf32, #tpu.memory_space<vmem_shared>>
      %dma_start3A_53 = arith.constant 0 : i32
      %dma_start3A_54 = arith.constant 0 : i32
      %dma_start3A_55 = tpu.memref_slice %arg13[%dma_start3A_53, %dma_start3A_54] : memref<128x32xf32, #tpu.memory_space<vmem>> -> memref<128x32xf32, #tpu.memory_space<vmem>>
      tpu.enqueue_dma source(%dma_start3A_55 : memref<128x32xf32, #tpu.memory_space<vmem>>) target(%dma_start3A_52 : memref<128x32xf32, #tpu.memory_space<vmem_shared>>) target_semaphore(%run_scoped3A : memref<!tpu.dma_semaphore, #tpu.memory_space<semaphore_mem>>)
      %dma_wait3A = arith.constant 0 : i32
      %dma_wait3A_56 = arith.constant 0 : i32
      %dma_wait3A_57 = tpu.memref_slice %arg13[%dma_wait3A, %dma_wait3A_56] : memref<128x32xf32, #tpu.memory_space<vmem>> -> memref<128x32xf32, #tpu.memory_space<vmem>>
      %dma_wait3A_58 = arith.constant 0 : i32
      %dma_wait3A_59 = tpu.memref_slice %arg14[%add3A_17, %dma_wait3A_58] : memref<10240x32xf32, #tpu.memory_space<vmem_shared>> -> memref<128x32xf32, #tpu.memory_space<vmem_shared>>
      %dma_wait3A_60 = arith.constant 0 : i32
      %dma_wait3A_61 = tpu.memref_slice %arg14[%add3A_17, %dma_wait3A_60] : memref<10240x32xf32, #tpu.memory_space<vmem_shared>> -> memref<128x32xf32, #tpu.memory_space<vmem_shared>>
      %dma_wait3A_62 = arith.constant 0 : i32
      %dma_wait3A_63 = arith.constant 0 : i32
      %dma_wait3A_64 = tpu.memref_slice %arg13[%dma_wait3A_62, %dma_wait3A_63] : memref<128x32xf32, #tpu.memory_space<vmem>> -> memref<128x32xf32, #tpu.memory_space<vmem>>
      tpu.wait_dma2 semaphore(%run_scoped3A : memref<!tpu.dma_semaphore, #tpu.memory_space<semaphore_mem>>) src(%dma_wait3A_64 : memref<128x32xf32, #tpu.memory_space<vmem>>) dst(%dma_wait3A_61 : memref<128x32xf32, #tpu.memory_space<vmem_shared>>)
      tpu.yield
    }) : () -> ()
    %scan3A_18 = arith.constant 0 : i32
    %scan3A_19 = arith.constant 128 : i32
    %scan3A_20 = arith.addi %scan3A_18, %scan3A_19 : i32
    %scan3A_21 = arith.constant 1 : i32
    scf.for %scan3A_47 = %scan3A_18 to %scan3A_20 step %scan3A_21  : i32 {
      %mul3A_48 = arith.constant 1 : i32
      %mul3A_49 = arith.muli %scan3A_47, %mul3A_48 : i32
      %add3A_50 = arith.constant 0 : i32
      %add3A_51 = arith.addi %add3A_50, %mul3A_49 : i32
      %swap3A = arith.index_cast %add3A_51 : i32 to index
      %swap3A_52 = arith.constant 0 : index
      %swap3A_53 = tpu.vector_load %arg15[%swap3A, %swap3A_52] {strides = array<i32>} : memref<128x16xf32, #tpu.memory_space<vmem>>, vector<16xf32>,
      tpu.vector_store %arg15[%swap3A, %swap3A_52], %broadcast_in_dim3A_1 {strides = array<i32>} : memref<128x16xf32, #tpu.memory_space<vmem>>, vector<16xf32>,
    }
    %scan3A_22 = arith.constant 128 : i32
    %add3A_23 = arith.constant 0 : i32
    %add3A_24 = arith.addi %mul3A_7, %add3A_23 : i32
    "tpu.region"() ({
      %run_scoped3A = tpu.sem_alloc : memref<!tpu.dma_semaphore, #tpu.memory_space<semaphore_mem>>
      %dma_start3A = arith.constant 0 : i32
      %dma_start3A_47 = arith.constant 0 : i32
      %dma_start3A_48 = tpu.memref_slice %arg15[%dma_start3A, %dma_start3A_47] : memref<128x16xf32, #tpu.memory_space<vmem>> -> memref<128x16xf32, #tpu.memory_space<vmem>>
      %dma_start3A_49 = arith.constant 0 : i32
      %dma_start3A_50 = tpu.memref_slice %arg16[%add3A_24, %dma_start3A_49] : memref<10240x16xf32, #tpu.memory_space<vmem_shared>> -> memref<128x16xf32, #tpu.memory_space<vmem_shared>>
      %dma_start3A_51 = arith.constant 0 : i32
      %dma_start3A_52 = tpu.memref_slice %arg16[%add3A_24, %dma_start3A_51] : memref<10240x16xf32, #tpu.memory_space<vmem_shared>> -> memref<128x16xf32, #tpu.memory_space<vmem_shared>>
      %dma_start3A_53 = arith.constant 0 : i32
      %dma_start3A_54 = arith.constant 0 : i32
      %dma_start3A_55 = tpu.memref_slice %arg15[%dma_start3A_53, %dma_start3A_54] : memref<128x16xf32, #tpu.memory_space<vmem>> -> memref<128x16xf32, #tpu.memory_space<vmem>>
      tpu.enqueue_dma source(%dma_start3A_55 : memref<128x16xf32, #tpu.memory_space<vmem>>) target(%dma_start3A_52 : memref<128x16xf32, #tpu.memory_space<vmem_shared>>) target_semaphore(%run_scoped3A : memref<!tpu.dma_semaphore, #tpu.memory_space<semaphore_mem>>)
      %dma_wait3A = arith.constant 0 : i32
      %dma_wait3A_56 = arith.constant 0 : i32
      %dma_wait3A_57 = tpu.memref_slice %arg15[%dma_wait3A, %dma_wait3A_56] : memref<128x16xf32, #tpu.memory_space<vmem>> -> memref<128x16xf32, #tpu.memory_space<vmem>>
      %dma_wait3A_58 = arith.constant 0 : i32
      %dma_wait3A_59 = tpu.memref_slice %arg16[%add3A_24, %dma_wait3A_58] : memref<10240x16xf32, #tpu.memory_space<vmem_shared>> -> memref<128x16xf32, #tpu.memory_space<vmem_shared>>
      %dma_wait3A_60 = arith.constant 0 : i32
      %dma_wait3A_61 = tpu.memref_slice %arg16[%add3A_24, %dma_wait3A_60] : memref<10240x16xf32, #tpu.memory_space<vmem_shared>> -> memref<128x16xf32, #tpu.memory_space<vmem_shared>>
      %dma_wait3A_62 = arith.constant 0 : i32
      %dma_wait3A_63 = arith.constant 0 : i32
      %dma_wait3A_64 = tpu.memref_slice %arg15[%dma_wait3A_62, %dma_wait3A_63] : memref<128x16xf32, #tpu.memory_space<vmem>> -> memref<128x16xf32, #tpu.memory_space<vmem>>
      tpu.wait_dma2 semaphore(%run_scoped3A : memref<!tpu.dma_semaphore, #tpu.memory_space<semaphore_mem>>) src(%dma_wait3A_64 : memref<128x16xf32, #tpu.memory_space<vmem>>) dst(%dma_wait3A_61 : memref<128x16xf32, #tpu.memory_space<vmem_shared>>)
      tpu.yield
    }) : () -> ()
    %add3A_25 = arith.constant 128 : i32
    %add3A_26 = arith.addi %mul3A_7, %add3A_25 : i32
    "tpu.region"() ({
      %run_scoped3A = tpu.sem_alloc : memref<!tpu.dma_semaphore, #tpu.memory_space<semaphore_mem>>
      %dma_start3A = arith.constant 0 : i32
      %dma_start3A_47 = arith.constant 0 : i32
      %dma_start3A_48 = tpu.memref_slice %arg15[%dma_start3A, %dma_start3A_47] : memref<128x16xf32, #tpu.memory_space<vmem>> -> memref<128x16xf32, #tpu.memory_space<vmem>>
      %dma_start3A_49 = arith.constant 0 : i32
      %dma_start3A_50 = tpu.memref_slice %arg16[%add3A_26, %dma_start3A_49] : memref<10240x16xf32, #tpu.memory_space<vmem_shared>> -> memref<128x16xf32, #tpu.memory_space<vmem_shared>>
      %dma_start3A_51 = arith.constant 0 : i32
      %dma_start3A_52 = tpu.memref_slice %arg16[%add3A_26, %dma_start3A_51] : memref<10240x16xf32, #tpu.memory_space<vmem_shared>> -> memref<128x16xf32, #tpu.memory_space<vmem_shared>>
      %dma_start3A_53 = arith.constant 0 : i32
      %dma_start3A_54 = arith.constant 0 : i32
      %dma_start3A_55 = tpu.memref_slice %arg15[%dma_start3A_53, %dma_start3A_54] : memref<128x16xf32, #tpu.memory_space<vmem>> -> memref<128x16xf32, #tpu.memory_space<vmem>>
      tpu.enqueue_dma source(%dma_start3A_55 : memref<128x16xf32, #tpu.memory_space<vmem>>) target(%dma_start3A_52 : memref<128x16xf32, #tpu.memory_space<vmem_shared>>) target_semaphore(%run_scoped3A : memref<!tpu.dma_semaphore, #tpu.memory_space<semaphore_mem>>)
      %dma_wait3A = arith.constant 0 : i32
      %dma_wait3A_56 = arith.constant 0 : i32
      %dma_wait3A_57 = tpu.memref_slice %arg15[%dma_wait3A, %dma_wait3A_56] : memref<128x16xf32, #tpu.memory_space<vmem>> -> memref<128x16xf32, #tpu.memory_space<vmem>>
      %dma_wait3A_58 = arith.constant 0 : i32
      %dma_wait3A_59 = tpu.memref_slice %arg16[%add3A_26, %dma_wait3A_58] : memref<10240x16xf32, #tpu.memory_space<vmem_shared>> -> memref<128x16xf32, #tpu.memory_space<vmem_shared>>
      %dma_wait3A_60 = arith.constant 0 : i32
      %dma_wait3A_61 = tpu.memref_slice %arg16[%add3A_26, %dma_wait3A_60] : memref<10240x16xf32, #tpu.memory_space<vmem_shared>> -> memref<128x16xf32, #tpu.memory_space<vmem_shared>>
      %dma_wait3A_62 = arith.constant 0 : i32
      %dma_wait3A_63 = arith.constant 0 : i32
      %dma_wait3A_64 = tpu.memref_slice %arg15[%dma_wait3A_62, %dma_wait3A_63] : memref<128x16xf32, #tpu.memory_space<vmem>> -> memref<128x16xf32, #tpu.memory_space<vmem>>
      tpu.wait_dma2 semaphore(%run_scoped3A : memref<!tpu.dma_semaphore, #tpu.memory_space<semaphore_mem>>) src(%dma_wait3A_64 : memref<128x16xf32, #tpu.memory_space<vmem>>) dst(%dma_wait3A_61 : memref<128x16xf32, #tpu.memory_space<vmem_shared>>)
      tpu.yield
    }) : () -> ()
    %add3A_27 = arith.constant 256 : i32
    %add3A_28 = arith.addi %mul3A_7, %add3A_27 : i32
    "tpu.region"() ({
      %run_scoped3A = tpu.sem_alloc : memref<!tpu.dma_semaphore, #tpu.memory_space<semaphore_mem>>
      %dma_start3A = arith.constant 0 : i32
      %dma_start3A_47 = arith.constant 0 : i32
      %dma_start3A_48 = tpu.memref_slice %arg15[%dma_start3A, %dma_start3A_47] : memref<128x16xf32, #tpu.memory_space<vmem>> -> memref<128x16xf32, #tpu.memory_space<vmem>>
      %dma_start3A_49 = arith.constant 0 : i32
      %dma_start3A_50 = tpu.memref_slice %arg16[%add3A_28, %dma_start3A_49] : memref<10240x16xf32, #tpu.memory_space<vmem_shared>> -> memref<128x16xf32, #tpu.memory_space<vmem_shared>>
      %dma_start3A_51 = arith.constant 0 : i32
      %dma_start3A_52 = tpu.memref_slice %arg16[%add3A_28, %dma_start3A_51] : memref<10240x16xf32, #tpu.memory_space<vmem_shared>> -> memref<128x16xf32, #tpu.memory_space<vmem_shared>>
      %dma_start3A_53 = arith.constant 0 : i32
      %dma_start3A_54 = arith.constant 0 : i32
      %dma_start3A_55 = tpu.memref_slice %arg15[%dma_start3A_53, %dma_start3A_54] : memref<128x16xf32, #tpu.memory_space<vmem>> -> memref<128x16xf32, #tpu.memory_space<vmem>>
      tpu.enqueue_dma source(%dma_start3A_55 : memref<128x16xf32, #tpu.memory_space<vmem>>) target(%dma_start3A_52 : memref<128x16xf32, #tpu.memory_space<vmem_shared>>) target_semaphore(%run_scoped3A : memref<!tpu.dma_semaphore, #tpu.memory_space<semaphore_mem>>)
      %dma_wait3A = arith.constant 0 : i32
      %dma_wait3A_56 = arith.constant 0 : i32
      %dma_wait3A_57 = tpu.memref_slice %arg15[%dma_wait3A, %dma_wait3A_56] : memref<128x16xf32, #tpu.memory_space<vmem>> -> memref<128x16xf32, #tpu.memory_space<vmem>>
      %dma_wait3A_58 = arith.constant 0 : i32
      %dma_wait3A_59 = tpu.memref_slice %arg16[%add3A_28, %dma_wait3A_58] : memref<10240x16xf32, #tpu.memory_space<vmem_shared>> -> memref<128x16xf32, #tpu.memory_space<vmem_shared>>
      %dma_wait3A_60 = arith.constant 0 : i32
      %dma_wait3A_61 = tpu.memref_slice %arg16[%add3A_28, %dma_wait3A_60] : memref<10240x16xf32, #tpu.memory_space<vmem_shared>> -> memref<128x16xf32, #tpu.memory_space<vmem_shared>>
      %dma_wait3A_62 = arith.constant 0 : i32
      %dma_wait3A_63 = arith.constant 0 : i32
      %dma_wait3A_64 = tpu.memref_slice %arg15[%dma_wait3A_62, %dma_wait3A_63] : memref<128x16xf32, #tpu.memory_space<vmem>> -> memref<128x16xf32, #tpu.memory_space<vmem>>
      tpu.wait_dma2 semaphore(%run_scoped3A : memref<!tpu.dma_semaphore, #tpu.memory_space<semaphore_mem>>) src(%dma_wait3A_64 : memref<128x16xf32, #tpu.memory_space<vmem>>) dst(%dma_wait3A_61 : memref<128x16xf32, #tpu.memory_space<vmem_shared>>)
      tpu.yield
    }) : () -> ()
    %add3A_29 = arith.constant 384 : i32
    %add3A_30 = arith.addi %mul3A_7, %add3A_29 : i32
    "tpu.region"() ({
      %run_scoped3A = tpu.sem_alloc : memref<!tpu.dma_semaphore, #tpu.memory_space<semaphore_mem>>
      %dma_start3A = arith.constant 0 : i32
      %dma_start3A_47 = arith.constant 0 : i32
      %dma_start3A_48 = tpu.memref_slice %arg15[%dma_start3A, %dma_start3A_47] : memref<128x16xf32, #tpu.memory_space<vmem>> -> memref<128x16xf32, #tpu.memory_space<vmem>>
      %dma_start3A_49 = arith.constant 0 : i32
      %dma_start3A_50 = tpu.memref_slice %arg16[%add3A_30, %dma_start3A_49] : memref<10240x16xf32, #tpu.memory_space<vmem_shared>> -> memref<128x16xf32, #tpu.memory_space<vmem_shared>>
      %dma_start3A_51 = arith.constant 0 : i32
      %dma_start3A_52 = tpu.memref_slice %arg16[%add3A_30, %dma_start3A_51] : memref<10240x16xf32, #tpu.memory_space<vmem_shared>> -> memref<128x16xf32, #tpu.memory_space<vmem_shared>>
      %dma_start3A_53 = arith.constant 0 : i32
      %dma_start3A_54 = arith.constant 0 : i32
      %dma_start3A_55 = tpu.memref_slice %arg15[%dma_start3A_53, %dma_start3A_54] : memref<128x16xf32, #tpu.memory_space<vmem>> -> memref<128x16xf32, #tpu.memory_space<vmem>>
      tpu.enqueue_dma source(%dma_start3A_55 : memref<128x16xf32, #tpu.memory_space<vmem>>) target(%dma_start3A_52 : memref<128x16xf32, #tpu.memory_space<vmem_shared>>) target_semaphore(%run_scoped3A : memref<!tpu.dma_semaphore, #tpu.memory_space<semaphore_mem>>)
      %dma_wait3A = arith.constant 0 : i32
      %dma_wait3A_56 = arith.constant 0 : i32
      %dma_wait3A_57 = tpu.memref_slice %arg15[%dma_wait3A, %dma_wait3A_56] : memref<128x16xf32, #tpu.memory_space<vmem>> -> memref<128x16xf32, #tpu.memory_space<vmem>>
      %dma_wait3A_58 = arith.constant 0 : i32
      %dma_wait3A_59 = tpu.memref_slice %arg16[%add3A_30, %dma_wait3A_58] : memref<10240x16xf32, #tpu.memory_space<vmem_shared>> -> memref<128x16xf32, #tpu.memory_space<vmem_shared>>
      %dma_wait3A_60 = arith.constant 0 : i32
      %dma_wait3A_61 = tpu.memref_slice %arg16[%add3A_30, %dma_wait3A_60] : memref<10240x16xf32, #tpu.memory_space<vmem_shared>> -> memref<128x16xf32, #tpu.memory_space<vmem_shared>>
      %dma_wait3A_62 = arith.constant 0 : i32
      %dma_wait3A_63 = arith.constant 0 : i32
      %dma_wait3A_64 = tpu.memref_slice %arg15[%dma_wait3A_62, %dma_wait3A_63] : memref<128x16xf32, #tpu.memory_space<vmem>> -> memref<128x16xf32, #tpu.memory_space<vmem>>
      tpu.wait_dma2 semaphore(%run_scoped3A : memref<!tpu.dma_semaphore, #tpu.memory_space<semaphore_mem>>) src(%dma_wait3A_64 : memref<128x16xf32, #tpu.memory_space<vmem>>) dst(%dma_wait3A_61 : memref<128x16xf32, #tpu.memory_space<vmem_shared>>)
      tpu.yield
    }) : () -> ()
    %add3A_31 = arith.constant 512 : i32
    %add3A_32 = arith.addi %mul3A_7, %add3A_31 : i32
    "tpu.region"() ({
      %run_scoped3A = tpu.sem_alloc : memref<!tpu.dma_semaphore, #tpu.memory_space<semaphore_mem>>
      %dma_start3A = arith.constant 0 : i32
      %dma_start3A_47 = arith.constant 0 : i32
      %dma_start3A_48 = tpu.memref_slice %arg15[%dma_start3A, %dma_start3A_47] : memref<128x16xf32, #tpu.memory_space<vmem>> -> memref<128x16xf32, #tpu.memory_space<vmem>>
      %dma_start3A_49 = arith.constant 0 : i32
      %dma_start3A_50 = tpu.memref_slice %arg16[%add3A_32, %dma_start3A_49] : memref<10240x16xf32, #tpu.memory_space<vmem_shared>> -> memref<128x16xf32, #tpu.memory_space<vmem_shared>>
      %dma_start3A_51 = arith.constant 0 : i32
      %dma_start3A_52 = tpu.memref_slice %arg16[%add3A_32, %dma_start3A_51] : memref<10240x16xf32, #tpu.memory_space<vmem_shared>> -> memref<128x16xf32, #tpu.memory_space<vmem_shared>>
      %dma_start3A_53 = arith.constant 0 : i32
      %dma_start3A_54 = arith.constant 0 : i32
      %dma_start3A_55 = tpu.memref_slice %arg15[%dma_start3A_53, %dma_start3A_54] : memref<128x16xf32, #tpu.memory_space<vmem>> -> memref<128x16xf32, #tpu.memory_space<vmem>>
      tpu.enqueue_dma source(%dma_start3A_55 : memref<128x16xf32, #tpu.memory_space<vmem>>) target(%dma_start3A_52 : memref<128x16xf32, #tpu.memory_space<vmem_shared>>) target_semaphore(%run_scoped3A : memref<!tpu.dma_semaphore, #tpu.memory_space<semaphore_mem>>)
      %dma_wait3A = arith.constant 0 : i32
      %dma_wait3A_56 = arith.constant 0 : i32
      %dma_wait3A_57 = tpu.memref_slice %arg15[%dma_wait3A, %dma_wait3A_56] : memref<128x16xf32, #tpu.memory_space<vmem>> -> memref<128x16xf32, #tpu.memory_space<vmem>>
      %dma_wait3A_58 = arith.constant 0 : i32
      %dma_wait3A_59 = tpu.memref_slice %arg16[%add3A_32, %dma_wait3A_58] : memref<10240x16xf32, #tpu.memory_space<vmem_shared>> -> memref<128x16xf32, #tpu.memory_space<vmem_shared>>
      %dma_wait3A_60 = arith.constant 0 : i32
      %dma_wait3A_61 = tpu.memref_slice %arg16[%add3A_32, %dma_wait3A_60] : memref<10240x16xf32, #tpu.memory_space<vmem_shared>> -> memref<128x16xf32, #tpu.memory_space<vmem_shared>>
      %dma_wait3A_62 = arith.constant 0 : i32
      %dma_wait3A_63 = arith.constant 0 : i32
      %dma_wait3A_64 = tpu.memref_slice %arg15[%dma_wait3A_62, %dma_wait3A_63] : memref<128x16xf32, #tpu.memory_space<vmem>> -> memref<128x16xf32, #tpu.memory_space<vmem>>
      tpu.wait_dma2 semaphore(%run_scoped3A : memref<!tpu.dma_semaphore, #tpu.memory_space<semaphore_mem>>) src(%dma_wait3A_64 : memref<128x16xf32, #tpu.memory_space<vmem>>) dst(%dma_wait3A_61 : memref<128x16xf32, #tpu.memory_space<vmem_shared>>)
      tpu.yield
    }) : () -> ()
    %add3A_33 = arith.constant 1.000000e+00 : f32
    %add3A_34 = vector.broadcast %add3A_33 : f32 to vector<16xf32>
    %add3A_35 = arith.addf %broadcast_in_dim3A_1, %add3A_34 : vector<16xf32>
    %scan3A_36 = arith.constant 0 : i32
    %scan3A_37 = arith.constant 128 : i32
    %scan3A_38 = arith.addi %scan3A_36, %scan3A_37 : i32
    %scan3A_39 = arith.constant 1 : i32
    scf.for %scan3A_47 = %scan3A_36 to %scan3A_38 step %scan3A_39  : i32 {
      %mul3A_48 = arith.constant 1 : i32
      %mul3A_49 = arith.muli %scan3A_47, %mul3A_48 : i32
      %add3A_50 = arith.constant 0 : i32
      %add3A_51 = arith.addi %add3A_50, %mul3A_49 : i32
      %swap3A = arith.index_cast %add3A_51 : i32 to index
      %swap3A_52 = arith.constant 0 : index
      %swap3A_53 = tpu.vector_load %arg15[%swap3A, %swap3A_52] {strides = array<i32>} : memref<128x16xf32, #tpu.memory_space<vmem>>, vector<16xf32>,
      tpu.vector_store %arg15[%swap3A, %swap3A_52], %add3A_35 {strides = array<i32>} : memref<128x16xf32, #tpu.memory_space<vmem>>, vector<16xf32>,
    }
    %scan3A_40 = arith.constant 128 : i32
    %barrier3A = arith.constant 0 : index
    tpu.barrier barrier_id(%barrier3A)
    %scan3A_41 = arith.constant 0 : i32
    %scan3A_42 = arith.constant 40 : i32
    %scan3A_43 = arith.addi %scan3A_41, %scan3A_42 : i32
    %scan3A_44 = arith.constant 1 : i32
    scf.for %scan3A_47 = %scan3A_41 to %scan3A_43 step %scan3A_44  : i32 {
      %mul3A_48 = arith.constant 1 : i32
      %mul3A_49 = arith.muli %scan3A_47, %mul3A_48 : i32
      %add3A_50 = arith.constant 0 : i32
      %add3A_51 = arith.addi %add3A_50, %mul3A_49 : i32
      %mul3A_52 = arith.constant 5120 : i32
      %mul3A_53 = arith.muli %add3A, %mul3A_52 : i32
      %mul3A_54 = arith.constant 128 : i32
      %mul3A_55 = arith.muli %add3A_51, %mul3A_54 : i32
      %add3A_56 = arith.addi %mul3A_53, %mul3A_55 : i32
      %mul3A_57 = arith.constant 4 : i32
      %mul3A_58 = arith.muli %add3A_56, %mul3A_57 : i32
      "tpu.region"() ({
        %run_scoped3A_68 = tpu.sem_alloc : memref<!tpu.dma_semaphore, #tpu.memory_space<semaphore_mem>>
        %dma_start3A = tpu.memref_slice %arg3[%mul3A_58] : memref<655360xi32, #tpu.memory_space<hbm>> -> memref<512xi32, #tpu.memory_space<hbm>>
        %dma_start3A_69 = tpu.memref_slice %arg3[%mul3A_58] : memref<655360xi32, #tpu.memory_space<hbm>> -> memref<512xi32, #tpu.memory_space<hbm>>
        tpu.enqueue_dma source(%dma_start3A_69 : memref<512xi32, #tpu.memory_space<hbm>>) target(%arg8 : memref<512xi32, #tpu.memory_space<vmem>>) target_semaphore(%run_scoped3A_68 : memref<!tpu.dma_semaphore, #tpu.memory_space<semaphore_mem>>)
        %dma_wait3A = tpu.memref_slice %arg3[%mul3A_58] : memref<655360xi32, #tpu.memory_space<hbm>> -> memref<512xi32, #tpu.memory_space<hbm>>
        %dma_wait3A_70 = tpu.memref_slice %arg3[%mul3A_58] : memref<655360xi32, #tpu.memory_space<hbm>> -> memref<512xi32, #tpu.memory_space<hbm>>
        tpu.wait_dma2 semaphore(%run_scoped3A_68 : memref<!tpu.dma_semaphore, #tpu.memory_space<semaphore_mem>>) src(%dma_wait3A_70 : memref<512xi32, #tpu.memory_space<hbm>>) dst(%arg8 : memref<512xi32, #tpu.memory_space<vmem>>)
        tpu.yield
      }) : () -> ()
      "tpu.region"() ({
        %run_scoped3A_68 = tpu.sem_alloc : memref<!tpu.dma_semaphore, #tpu.memory_space<semaphore_mem>>
        %dma_start3A = tpu.memref_slice %arg4[%mul3A_58] : memref<655360xf32, #tpu.memory_space<hbm>> -> memref<512xf32, #tpu.memory_space<hbm>>
        %dma_start3A_69 = tpu.memref_slice %arg4[%mul3A_58] : memref<655360xf32, #tpu.memory_space<hbm>> -> memref<512xf32, #tpu.memory_space<hbm>>
        tpu.enqueue_dma source(%dma_start3A_69 : memref<512xf32, #tpu.memory_space<hbm>>) target(%arg9 : memref<512xf32, #tpu.memory_space<vmem>>) target_semaphore(%run_scoped3A_68 : memref<!tpu.dma_semaphore, #tpu.memory_space<semaphore_mem>>)
        %dma_wait3A = tpu.memref_slice %arg4[%mul3A_58] : memref<655360xf32, #tpu.memory_space<hbm>> -> memref<512xf32, #tpu.memory_space<hbm>>
        %dma_wait3A_70 = tpu.memref_slice %arg4[%mul3A_58] : memref<655360xf32, #tpu.memory_space<hbm>> -> memref<512xf32, #tpu.memory_space<hbm>>
        tpu.wait_dma2 semaphore(%run_scoped3A_68 : memref<!tpu.dma_semaphore, #tpu.memory_space<semaphore_mem>>) src(%dma_wait3A_70 : memref<512xf32, #tpu.memory_space<hbm>>) dst(%arg9 : memref<512xf32, #tpu.memory_space<vmem>>)
        tpu.yield
      }) : () -> ()
      %mul3A_59 = arith.constant 40 : i32
      %mul3A_60 = arith.muli %add3A, %mul3A_59 : i32
      %add3A_61 = arith.addi %mul3A_60, %add3A_51 : i32
      "tpu.region"() ({
        %run_scoped3A_68 = tpu.sem_alloc : memref<!tpu.dma_semaphore, #tpu.memory_space<semaphore_mem>>
        %dma_start3A = arith.constant 0 : i32
        %dma_start3A_69 = tpu.memref_slice %arg5[%add3A_61, %dma_start3A] : memref<1280x128xi32, #tpu.memory_space<hbm>> -> memref<1x128xi32, #tpu.memory_space<hbm>>
        %dma_start3A_70 = arith.constant 0 : i32
        %dma_start3A_71 = tpu.memref_slice %arg5[%add3A_61, %dma_start3A_70] : memref<1280x128xi32, #tpu.memory_space<hbm>> -> memref<1x128xi32, #tpu.memory_space<hbm>>
        tpu.enqueue_dma source(%dma_start3A_71 : memref<1x128xi32, #tpu.memory_space<hbm>>) target(%arg10 : memref<1x128xi32, #tpu.memory_space<vmem>>) target_semaphore(%run_scoped3A_68 : memref<!tpu.dma_semaphore, #tpu.memory_space<semaphore_mem>>)
        %dma_wait3A = arith.constant 0 : i32
        %dma_wait3A_72 = tpu.memref_slice %arg5[%add3A_61, %dma_wait3A] : memref<1280x128xi32, #tpu.memory_space<hbm>> -> memref<1x128xi32, #tpu.memory_space<hbm>>
        %dma_wait3A_73 = arith.constant 0 : i32
        %dma_wait3A_74 = tpu.memref_slice %arg5[%add3A_61, %dma_wait3A_73] : memref<1280x128xi32, #tpu.memory_space<hbm>> -> memref<1x128xi32, #tpu.memory_space<hbm>>
        tpu.wait_dma2 semaphore(%run_scoped3A_68 : memref<!tpu.dma_semaphore, #tpu.memory_space<semaphore_mem>>) src(%dma_wait3A_74 : memref<1x128xi32, #tpu.memory_space<hbm>>) dst(%arg10 : memref<1x128xi32, #tpu.memory_space<vmem>>)
        tpu.yield
      }) : () -> ()
      "tpu.region"() ({
        %run_scoped3A_68 = tpu.sem_alloc : memref<!tpu.dma_semaphore, #tpu.memory_space<semaphore_mem>>
        %dma_start3A = arith.constant 0 : i32
        %dma_start3A_69 = arith.constant 0 : i32
        %dma_start3A_70 = tpu.memref_slice %arg11[%dma_start3A, %dma_start3A_69] : memref<512x32xf32, #tpu.memory_space<vmem>> -> memref<128x32xf32, #tpu.memory_space<vmem>>
        %dma_start3A_71 = arith.constant 0 : i32
        %dma_start3A_72 = tpu.memref_slice %arg8[%dma_start3A_71] : memref<512xi32, #tpu.memory_space<vmem>> -> memref<128xi32, #tpu.memory_space<vmem>>
        %dma_start3A_73 = arith.constant 0 : i32
        %dma_start3A_74 = arith.constant 0 : i32
        %dma_start3A_75 = tpu.memref_slice %arg2[%dma_start3A_73, %dma_start3A_74] : memref<250000x32xf32, #tpu.memory_space<hbm>> -> memref<250000x32xf32, #tpu.memory_space<hbm>>
        tpu.enqueue_indirect_dma source(%dma_start3A_75 : memref<250000x32xf32, #tpu.memory_space<hbm>>) target(%dma_start3A_70 : memref<128x32xf32, #tpu.memory_space<vmem>>) offsets(%dma_start3A_72 : memref<128xi32, #tpu.memory_space<vmem>>) semaphore(%run_scoped3A_68 : memref<!tpu.dma_semaphore, #tpu.memory_space<semaphore_mem>>)
        %dma_wait3A = arith.constant 0 : i32
        %dma_wait3A_76 = arith.constant 0 : i32
        %dma_wait3A_77 = tpu.memref_slice %arg11[%dma_wait3A, %dma_wait3A_76] : memref<512x32xf32, #tpu.memory_space<vmem>> -> memref<128x32xf32, #tpu.memory_space<vmem>>
        %dma_wait3A_78 = arith.constant 0 : i32
        %dma_wait3A_79 = tpu.memref_slice %arg8[%dma_wait3A_78] : memref<512xi32, #tpu.memory_space<vmem>> -> memref<128xi32, #tpu.memory_space<vmem>>
        %dma_wait3A_80 = arith.constant 0 : i32
        %dma_wait3A_81 = arith.constant 0 : i32
        %dma_wait3A_82 = tpu.memref_slice %arg2[%dma_wait3A_80, %dma_wait3A_81] : memref<250000x32xf32, #tpu.memory_space<hbm>> -> memref<250000x32xf32, #tpu.memory_space<hbm>>
        tpu.wait_indirect_dma semaphore(%run_scoped3A_68 : memref<!tpu.dma_semaphore, #tpu.memory_space<semaphore_mem>>) src(%dma_wait3A_82 : memref<250000x32xf32, #tpu.memory_space<hbm>>) dst(%dma_wait3A_77 : memref<128x32xf32, #tpu.memory_space<vmem>>)
        tpu.yield
      }) : () -> ()
      "tpu.region"() ({
        %run_scoped3A_68 = tpu.sem_alloc : memref<!tpu.dma_semaphore, #tpu.memory_space<semaphore_mem>>
        %dma_start3A = arith.constant 128 : i32
        %dma_start3A_69 = arith.constant 0 : i32
        %dma_start3A_70 = tpu.memref_slice %arg11[%dma_start3A, %dma_start3A_69] : memref<512x32xf32, #tpu.memory_space<vmem>> -> memref<128x32xf32, #tpu.memory_space<vmem>>
        %dma_start3A_71 = arith.constant 128 : i32
        %dma_start3A_72 = tpu.memref_slice %arg8[%dma_start3A_71] : memref<512xi32, #tpu.memory_space<vmem>> -> memref<128xi32, #tpu.memory_space<vmem>>
        %dma_start3A_73 = arith.constant 0 : i32
        %dma_start3A_74 = arith.constant 0 : i32
        %dma_start3A_75 = tpu.memref_slice %arg2[%dma_start3A_73, %dma_start3A_74] : memref<250000x32xf32, #tpu.memory_space<hbm>> -> memref<250000x32xf32, #tpu.memory_space<hbm>>
        tpu.enqueue_indirect_dma source(%dma_start3A_75 : memref<250000x32xf32, #tpu.memory_space<hbm>>) target(%dma_start3A_70 : memref<128x32xf32, #tpu.memory_space<vmem>>) offsets(%dma_start3A_72 : memref<128xi32, #tpu.memory_space<vmem>>) semaphore(%run_scoped3A_68 : memref<!tpu.dma_semaphore, #tpu.memory_space<semaphore_mem>>)
        %dma_wait3A = arith.constant 128 : i32
        %dma_wait3A_76 = arith.constant 0 : i32
        %dma_wait3A_77 = tpu.memref_slice %arg11[%dma_wait3A, %dma_wait3A_76] : memref<512x32xf32, #tpu.memory_space<vmem>> -> memref<128x32xf32, #tpu.memory_space<vmem>>
        %dma_wait3A_78 = arith.constant 128 : i32
        %dma_wait3A_79 = tpu.memref_slice %arg8[%dma_wait3A_78] : memref<512xi32, #tpu.memory_space<vmem>> -> memref<128xi32, #tpu.memory_space<vmem>>
        %dma_wait3A_80 = arith.constant 0 : i32
        %dma_wait3A_81 = arith.constant 0 : i32
        %dma_wait3A_82 = tpu.memref_slice %arg2[%dma_wait3A_80, %dma_wait3A_81] : memref<250000x32xf32, #tpu.memory_space<hbm>> -> memref<250000x32xf32, #tpu.memory_space<hbm>>
        tpu.wait_indirect_dma semaphore(%run_scoped3A_68 : memref<!tpu.dma_semaphore, #tpu.memory_space<semaphore_mem>>) src(%dma_wait3A_82 : memref<250000x32xf32, #tpu.memory_space<hbm>>) dst(%dma_wait3A_77 : memref<128x32xf32, #tpu.memory_space<vmem>>)
        tpu.yield
      }) : () -> ()
      "tpu.region"() ({
        %run_scoped3A_68 = tpu.sem_alloc : memref<!tpu.dma_semaphore, #tpu.memory_space<semaphore_mem>>
        %dma_start3A = arith.constant 256 : i32
        %dma_start3A_69 = arith.constant 0 : i32
        %dma_start3A_70 = tpu.memref_slice %arg11[%dma_start3A, %dma_start3A_69] : memref<512x32xf32, #tpu.memory_space<vmem>> -> memref<128x32xf32, #tpu.memory_space<vmem>>
        %dma_start3A_71 = arith.constant 256 : i32
        %dma_start3A_72 = tpu.memref_slice %arg8[%dma_start3A_71] : memref<512xi32, #tpu.memory_space<vmem>> -> memref<128xi32, #tpu.memory_space<vmem>>
        %dma_start3A_73 = arith.constant 0 : i32
        %dma_start3A_74 = arith.constant 0 : i32
        %dma_start3A_75 = tpu.memref_slice %arg2[%dma_start3A_73, %dma_start3A_74] : memref<250000x32xf32, #tpu.memory_space<hbm>> -> memref<250000x32xf32, #tpu.memory_space<hbm>>
        tpu.enqueue_indirect_dma source(%dma_start3A_75 : memref<250000x32xf32, #tpu.memory_space<hbm>>) target(%dma_start3A_70 : memref<128x32xf32, #tpu.memory_space<vmem>>) offsets(%dma_start3A_72 : memref<128xi32, #tpu.memory_space<vmem>>) semaphore(%run_scoped3A_68 : memref<!tpu.dma_semaphore, #tpu.memory_space<semaphore_mem>>)
        %dma_wait3A = arith.constant 256 : i32
        %dma_wait3A_76 = arith.constant 0 : i32
        %dma_wait3A_77 = tpu.memref_slice %arg11[%dma_wait3A, %dma_wait3A_76] : memref<512x32xf32, #tpu.memory_space<vmem>> -> memref<128x32xf32, #tpu.memory_space<vmem>>
        %dma_wait3A_78 = arith.constant 256 : i32
        %dma_wait3A_79 = tpu.memref_slice %arg8[%dma_wait3A_78] : memref<512xi32, #tpu.memory_space<vmem>> -> memref<128xi32, #tpu.memory_space<vmem>>
        %dma_wait3A_80 = arith.constant 0 : i32
        %dma_wait3A_81 = arith.constant 0 : i32
        %dma_wait3A_82 = tpu.memref_slice %arg2[%dma_wait3A_80, %dma_wait3A_81] : memref<250000x32xf32, #tpu.memory_space<hbm>> -> memref<250000x32xf32, #tpu.memory_space<hbm>>
        tpu.wait_indirect_dma semaphore(%run_scoped3A_68 : memref<!tpu.dma_semaphore, #tpu.memory_space<semaphore_mem>>) src(%dma_wait3A_82 : memref<250000x32xf32, #tpu.memory_space<hbm>>) dst(%dma_wait3A_77 : memref<128x32xf32, #tpu.memory_space<vmem>>)
        tpu.yield
      }) : () -> ()
      "tpu.region"() ({
        %run_scoped3A_68 = tpu.sem_alloc : memref<!tpu.dma_semaphore, #tpu.memory_space<semaphore_mem>>
        %dma_start3A = arith.constant 384 : i32
        %dma_start3A_69 = arith.constant 0 : i32
        %dma_start3A_70 = tpu.memref_slice %arg11[%dma_start3A, %dma_start3A_69] : memref<512x32xf32, #tpu.memory_space<vmem>> -> memref<128x32xf32, #tpu.memory_space<vmem>>
        %dma_start3A_71 = arith.constant 384 : i32
        %dma_start3A_72 = tpu.memref_slice %arg8[%dma_start3A_71] : memref<512xi32, #tpu.memory_space<vmem>> -> memref<128xi32, #tpu.memory_space<vmem>>
        %dma_start3A_73 = arith.constant 0 : i32
        %dma_start3A_74 = arith.constant 0 : i32
        %dma_start3A_75 = tpu.memref_slice %arg2[%dma_start3A_73, %dma_start3A_74] : memref<250000x32xf32, #tpu.memory_space<hbm>> -> memref<250000x32xf32, #tpu.memory_space<hbm>>
        tpu.enqueue_indirect_dma source(%dma_start3A_75 : memref<250000x32xf32, #tpu.memory_space<hbm>>) target(%dma_start3A_70 : memref<128x32xf32, #tpu.memory_space<vmem>>) offsets(%dma_start3A_72 : memref<128xi32, #tpu.memory_space<vmem>>) semaphore(%run_scoped3A_68 : memref<!tpu.dma_semaphore, #tpu.memory_space<semaphore_mem>>)
        %dma_wait3A = arith.constant 384 : i32
        %dma_wait3A_76 = arith.constant 0 : i32
        %dma_wait3A_77 = tpu.memref_slice %arg11[%dma_wait3A, %dma_wait3A_76] : memref<512x32xf32, #tpu.memory_space<vmem>> -> memref<128x32xf32, #tpu.memory_space<vmem>>
        %dma_wait3A_78 = arith.constant 384 : i32
        %dma_wait3A_79 = tpu.memref_slice %arg8[%dma_wait3A_78] : memref<512xi32, #tpu.memory_space<vmem>> -> memref<128xi32, #tpu.memory_space<vmem>>
        %dma_wait3A_80 = arith.constant 0 : i32
        %dma_wait3A_81 = arith.constant 0 : i32
        %dma_wait3A_82 = tpu.memref_slice %arg2[%dma_wait3A_80, %dma_wait3A_81] : memref<250000x32xf32, #tpu.memory_space<hbm>> -> memref<250000x32xf32, #tpu.memory_space<hbm>>
        tpu.wait_indirect_dma semaphore(%run_scoped3A_68 : memref<!tpu.dma_semaphore, #tpu.memory_space<semaphore_mem>>) src(%dma_wait3A_82 : memref<250000x32xf32, #tpu.memory_space<hbm>>) dst(%dma_wait3A_77 : memref<128x32xf32, #tpu.memory_space<vmem>>)
        tpu.yield
      }) : () -> ()
      %scan3A_62 = arith.constant 0 : i32
      %scan3A_63 = arith.constant 128 : i32
      %scan3A_64 = arith.addi %scan3A_62, %scan3A_63 : i32
      %scan3A_65 = arith.constant 1 : i32
      scf.for %scan3A_68 = %scan3A_62 to %scan3A_64 step %scan3A_65  : i32 {
        %mul3A_69 = arith.constant 1 : i32
        %mul3A_70 = arith.muli %scan3A_68, %mul3A_69 : i32
        %add3A_71 = arith.constant 0 : i32
        %add3A_72 = arith.addi %add3A_71, %mul3A_70 : i32
        %broadcast_in_dim3A_73 = arith.constant 0 : i32
        %broadcast_in_dim3A_74 = vector.broadcast %broadcast_in_dim3A_73 : i32 to vector<16xi32>
        %mul3A_75 = arith.constant 4 : i32
        %mul3A_76 = arith.muli %add3A_72, %mul3A_75 : i32
        %add3A_77 = arith.constant 0 : i32
        %add3A_78 = arith.addi %mul3A_76, %add3A_77 : i32
        %add3A_79 = vector.broadcast %add3A_78 : i32 to vector<16xi32>
        %add3A_80 = arith.addi %broadcast_in_dim3A_74, %add3A_79 : vector<16xi32>
        %gather3A = tpu.vector_load_idx %arg9[%add3A_80] : memref<512xf32, #tpu.memory_space<vmem>>[vector<16xi32>], vector<16xf32>,
        %broadcast_in_dim3A_81 = arith.constant 0 : i32
        %broadcast_in_dim3A_82 = vector.broadcast %broadcast_in_dim3A_81 : i32 to vector<16xi32>
        %mul3A_83 = arith.constant 4 : i32
        %mul3A_84 = arith.muli %add3A_72, %mul3A_83 : i32
        %add3A_85 = arith.constant 1 : i32
        %add3A_86 = arith.addi %mul3A_84, %add3A_85 : i32
        %add3A_87 = vector.broadcast %add3A_86 : i32 to vector<16xi32>
        %add3A_88 = arith.addi %broadcast_in_dim3A_82, %add3A_87 : vector<16xi32>
        %gather3A_89 = tpu.vector_load_idx %arg9[%add3A_88] : memref<512xf32, #tpu.memory_space<vmem>>[vector<16xi32>], vector<16xf32>,
        %broadcast_in_dim3A_90 = arith.constant 0 : i32
        %broadcast_in_dim3A_91 = vector.broadcast %broadcast_in_dim3A_90 : i32 to vector<16xi32>
        %mul3A_92 = arith.constant 4 : i32
        %mul3A_93 = arith.muli %add3A_72, %mul3A_92 : i32
        %add3A_94 = arith.constant 2 : i32
        %add3A_95 = arith.addi %mul3A_93, %add3A_94 : i32
        %add3A_96 = vector.broadcast %add3A_95 : i32 to vector<16xi32>
        %add3A_97 = arith.addi %broadcast_in_dim3A_91, %add3A_96 : vector<16xi32>
        %gather3A_98 = tpu.vector_load_idx %arg9[%add3A_97] : memref<512xf32, #tpu.memory_space<vmem>>[vector<16xi32>], vector<16xf32>,
        %broadcast_in_dim3A_99 = arith.constant 0 : i32
        %broadcast_in_dim3A_100 = vector.broadcast %broadcast_in_dim3A_99 : i32 to vector<16xi32>
        %mul3A_101 = arith.constant 4 : i32
        %mul3A_102 = arith.muli %add3A_72, %mul3A_101 : i32
        %add3A_103 = arith.constant 3 : i32
        %add3A_104 = arith.addi %mul3A_102, %add3A_103 : i32
        %add3A_105 = vector.broadcast %add3A_104 : i32 to vector<16xi32>
        %add3A_106 = arith.addi %broadcast_in_dim3A_100, %add3A_105 : vector<16xi32>
        %gather3A_107 = tpu.vector_load_idx %arg9[%add3A_106] : memref<512xf32, #tpu.memory_space<vmem>>[vector<16xi32>], vector<16xf32>,
        %mul3A_108 = arith.constant 4 : i32
        %mul3A_109 = arith.muli %add3A_72, %mul3A_108 : i32
        %get3A = arith.index_cast %mul3A_109 : i32 to index
        %get3A_110 = arith.constant 0 : index
        %get3A_111 = tpu.vector_load %arg11[%get3A, %get3A_110] {strides = array<i32>} : memref<512x32xf32, #tpu.memory_space<vmem>>, vector<16xf32>,
        %mul3A_112 = arith.mulf %gather3A, %get3A_111 : vector<16xf32>
        %mul3A_113 = arith.constant 4 : i32
        %mul3A_114 = arith.muli %add3A_72, %mul3A_113 : i32
        %add3A_115 = arith.constant 1 : i32
        %add3A_116 = arith.addi %mul3A_114, %add3A_115 : i32
        %get3A_117 = arith.index_cast %add3A_116 : i32 to index
        %get3A_118 = arith.constant 0 : index
        %get3A_119 = tpu.vector_load %arg11[%get3A_117, %get3A_118] {strides = array<i32>} : memref<512x32xf32, #tpu.memory_space<vmem>>, vector<16xf32>,
        %mul3A_120 = arith.mulf %gather3A_89, %get3A_119 : vector<16xf32>
        %add3A_121 = arith.addf %mul3A_112, %mul3A_120 : vector<16xf32>
        %mul3A_122 = arith.constant 4 : i32
        %mul3A_123 = arith.muli %add3A_72, %mul3A_122 : i32
        %add3A_124 = arith.constant 2 : i32
        %add3A_125 = arith.addi %mul3A_123, %add3A_124 : i32
        %get3A_126 = arith.index_cast %add3A_125 : i32 to index
        %get3A_127 = arith.constant 0 : index
        %get3A_128 = tpu.vector_load %arg11[%get3A_126, %get3A_127] {strides = array<i32>} : memref<512x32xf32, #tpu.memory_space<vmem>>, vector<16xf32>,
        %mul3A_129 = arith.mulf %gather3A_98, %get3A_128 : vector<16xf32>
        %add3A_130 = arith.addf %add3A_121, %mul3A_129 : vector<16xf32>
        %mul3A_131 = arith.constant 4 : i32
        %mul3A_132 = arith.muli %add3A_72, %mul3A_131 : i32
        %add3A_133 = arith.constant 3 : i32
        %add3A_134 = arith.addi %mul3A_132, %add3A_133 : i32
        %get3A_135 = arith.index_cast %add3A_134 : i32 to index
        %get3A_136 = arith.constant 0 : index
        %get3A_137 = tpu.vector_load %arg11[%get3A_135, %get3A_136] {strides = array<i32>} : memref<512x32xf32, #tpu.memory_space<vmem>>, vector<16xf32>,
        %mul3A_138 = arith.mulf %gather3A_107, %get3A_137 : vector<16xf32>
        %add3A_139 = arith.addf %add3A_130, %mul3A_138 : vector<16xf32>
        %swap3A = arith.index_cast %add3A_72 : i32 to index
        %swap3A_140 = arith.constant 0 : index
        %swap3A_141 = tpu.vector_load %arg12[%swap3A, %swap3A_140] {strides = array<i32>} : memref<128x32xf32, #tpu.memory_space<vmem>>, vector<16xf32>,
        tpu.vector_store %arg12[%swap3A, %swap3A_140], %add3A_139 {strides = array<i32>} : memref<128x32xf32, #tpu.memory_space<vmem>>, vector<16xf32>,
        %mul3A_142 = arith.constant 4 : i32
        %mul3A_143 = arith.muli %add3A_72, %mul3A_142 : i32
        %get3A_144 = arith.index_cast %mul3A_143 : i32 to index
        %get3A_145 = arith.constant 16 : index
        %get3A_146 = tpu.vector_load %arg11[%get3A_144, %get3A_145] {strides = array<i32>} : memref<512x32xf32, #tpu.memory_space<vmem>>, vector<16xf32>,
        %mul3A_147 = arith.mulf %gather3A, %get3A_146 : vector<16xf32>
        %mul3A_148 = arith.constant 4 : i32
        %mul3A_149 = arith.muli %add3A_72, %mul3A_148 : i32
        %add3A_150 = arith.constant 1 : i32
        %add3A_151 = arith.addi %mul3A_149, %add3A_150 : i32
        %get3A_152 = arith.index_cast %add3A_151 : i32 to index
        %get3A_153 = arith.constant 16 : index
        %get3A_154 = tpu.vector_load %arg11[%get3A_152, %get3A_153] {strides = array<i32>} : memref<512x32xf32, #tpu.memory_space<vmem>>, vector<16xf32>,
        %mul3A_155 = arith.mulf %gather3A_89, %get3A_154 : vector<16xf32>
        %add3A_156 = arith.addf %mul3A_147, %mul3A_155 : vector<16xf32>
        %mul3A_157 = arith.constant 4 : i32
        %mul3A_158 = arith.muli %add3A_72, %mul3A_157 : i32
        %add3A_159 = arith.constant 2 : i32
        %add3A_160 = arith.addi %mul3A_158, %add3A_159 : i32
        %get3A_161 = arith.index_cast %add3A_160 : i32 to index
        %get3A_162 = arith.constant 16 : index
        %get3A_163 = tpu.vector_load %arg11[%get3A_161, %get3A_162] {strides = array<i32>} : memref<512x32xf32, #tpu.memory_space<vmem>>, vector<16xf32>,
        %mul3A_164 = arith.mulf %gather3A_98, %get3A_163 : vector<16xf32>
        %add3A_165 = arith.addf %add3A_156, %mul3A_164 : vector<16xf32>
        %mul3A_166 = arith.constant 4 : i32
        %mul3A_167 = arith.muli %add3A_72, %mul3A_166 : i32
        %add3A_168 = arith.constant 3 : i32
        %add3A_169 = arith.addi %mul3A_167, %add3A_168 : i32
        %get3A_170 = arith.index_cast %add3A_169 : i32 to index
        %get3A_171 = arith.constant 16 : index
        %get3A_172 = tpu.vector_load %arg11[%get3A_170, %get3A_171] {strides = array<i32>} : memref<512x32xf32, #tpu.memory_space<vmem>>, vector<16xf32>,
        %mul3A_173 = arith.mulf %gather3A_107, %get3A_172 : vector<16xf32>
        %add3A_174 = arith.addf %add3A_165, %mul3A_173 : vector<16xf32>
        %swap3A_175 = arith.index_cast %add3A_72 : i32 to index
        %swap3A_176 = arith.constant 16 : index
        %swap3A_177 = tpu.vector_load %arg12[%swap3A_175, %swap3A_176] {strides = array<i32>} : memref<128x32xf32, #tpu.memory_space<vmem>>, vector<16xf32>,
        tpu.vector_store %arg12[%swap3A_175, %swap3A_176], %add3A_174 {strides = array<i32>} : memref<128x32xf32, #tpu.memory_space<vmem>>, vector<16xf32>,
      }
      %scan3A_66 = arith.constant 128 : i32
      %run_scoped3A = arith.constant 0 : i32
      "tpu.region"() ({
        %run_scoped3A_68 = tpu.sem_alloc : memref<!tpu.dma_semaphore, #tpu.memory_space<semaphore_mem>>
        %dma_start3A = arith.constant 0 : i32
        %dma_start3A_69 = tpu.memref_slice %arg10[%run_scoped3A, %dma_start3A] : memref<1x128xi32, #tpu.memory_space<vmem>> -> memref<1x128xi32, #tpu.memory_space<vmem>>
        %dma_start3A_70 = tpu.memref_squeeze %dma_start3A_69 : memref<1x128xi32, #tpu.memory_space<vmem>> -> memref<128xi32, #tpu.memory_space<vmem>>
        %dma_start3A_71 = arith.constant 0 : i32
        %dma_start3A_72 = arith.constant 0 : i32
        %dma_start3A_73 = tpu.memref_slice %arg14[%dma_start3A_71, %dma_start3A_72] : memref<10240x32xf32, #tpu.memory_space<vmem_shared>> -> memref<10240x32xf32, #tpu.memory_space<vmem_shared>>
        tpu.enqueue_indirect_dma source(%arg12 : memref<128x32xf32, #tpu.memory_space<vmem>>) target(%dma_start3A_73 : memref<10240x32xf32, #tpu.memory_space<vmem_shared>>) offsets(%dma_start3A_70 : memref<128xi32, #tpu.memory_space<vmem>>) semaphore(%run_scoped3A_68 : memref<!tpu.dma_semaphore, #tpu.memory_space<semaphore_mem>>) {add = true}
        %dma_wait3A = arith.constant 0 : i32
        %dma_wait3A_74 = tpu.memref_slice %arg10[%run_scoped3A, %dma_wait3A] : memref<1x128xi32, #tpu.memory_space<vmem>> -> memref<1x128xi32, #tpu.memory_space<vmem>>
        %dma_wait3A_75 = tpu.memref_squeeze %dma_wait3A_74 : memref<1x128xi32, #tpu.memory_space<vmem>> -> memref<128xi32, #tpu.memory_space<vmem>>
        %dma_wait3A_76 = arith.constant 0 : i32
        %dma_wait3A_77 = arith.constant 0 : i32
        %dma_wait3A_78 = tpu.memref_slice %arg14[%dma_wait3A_76, %dma_wait3A_77] : memref<10240x32xf32, #tpu.memory_space<vmem_shared>> -> memref<10240x32xf32, #tpu.memory_space<vmem_shared>>
        tpu.wait_indirect_dma semaphore(%run_scoped3A_68 : memref<!tpu.dma_semaphore, #tpu.memory_space<semaphore_mem>>) src(%arg12 : memref<128x32xf32, #tpu.memory_space<vmem>>) dst(%dma_wait3A_78 : memref<10240x32xf32, #tpu.memory_space<vmem_shared>>)
        tpu.yield
      }) : () -> ()
      %run_scoped3A_67 = arith.constant 0 : i32
      "tpu.region"() ({
        %run_scoped3A_68 = tpu.sem_alloc : memref<!tpu.dma_semaphore, #tpu.memory_space<semaphore_mem>>
        %dma_start3A = arith.constant 0 : i32
        %dma_start3A_69 = tpu.memref_slice %arg10[%run_scoped3A_67, %dma_start3A] : memref<1x128xi32, #tpu.memory_space<vmem>> -> memref<1x128xi32, #tpu.memory_space<vmem>>
        %dma_start3A_70 = tpu.memref_squeeze %dma_start3A_69 : memref<1x128xi32, #tpu.memory_space<vmem>> -> memref<128xi32, #tpu.memory_space<vmem>>
        %dma_start3A_71 = arith.constant 0 : i32
        %dma_start3A_72 = arith.constant 0 : i32
        %dma_start3A_73 = tpu.memref_slice %arg16[%dma_start3A_71, %dma_start3A_72] : memref<10240x16xf32, #tpu.memory_space<vmem_shared>> -> memref<10240x16xf32, #tpu.memory_space<vmem_shared>>
        tpu.enqueue_indirect_dma source(%arg15 : memref<128x16xf32, #tpu.memory_space<vmem>>) target(%dma_start3A_73 : memref<10240x16xf32, #tpu.memory_space<vmem_shared>>) offsets(%dma_start3A_70 : memref<128xi32, #tpu.memory_space<vmem>>) semaphore(%run_scoped3A_68 : memref<!tpu.dma_semaphore, #tpu.memory_space<semaphore_mem>>) {add = true}
        %dma_wait3A = arith.constant 0 : i32
        %dma_wait3A_74 = tpu.memref_slice %arg10[%run_scoped3A_67, %dma_wait3A] : memref<1x128xi32, #tpu.memory_space<vmem>> -> memref<1x128xi32, #tpu.memory_space<vmem>>
        %dma_wait3A_75 = tpu.memref_squeeze %dma_wait3A_74 : memref<1x128xi32, #tpu.memory_space<vmem>> -> memref<128xi32, #tpu.memory_space<vmem>>
        %dma_wait3A_76 = arith.constant 0 : i32
        %dma_wait3A_77 = arith.constant 0 : i32
        %dma_wait3A_78 = tpu.memref_slice %arg16[%dma_wait3A_76, %dma_wait3A_77] : memref<10240x16xf32, #tpu.memory_space<vmem_shared>> -> memref<10240x16xf32, #tpu.memory_space<vmem_shared>>
        tpu.wait_indirect_dma semaphore(%run_scoped3A_68 : memref<!tpu.dma_semaphore, #tpu.memory_space<semaphore_mem>>) src(%arg15 : memref<128x16xf32, #tpu.memory_space<vmem>>) dst(%dma_wait3A_78 : memref<10240x16xf32, #tpu.memory_space<vmem_shared>>)
        tpu.yield
      }) : () -> ()
    }
    %scan3A_45 = arith.constant 40 : i32
    %barrier3A_46 = arith.constant 0 : index
    tpu.barrier barrier_id(%barrier3A_46)
    "tpu.region"() ({
      %run_scoped3A = tpu.sem_alloc : memref<!tpu.dma_semaphore, #tpu.memory_space<semaphore_mem>>
      %dma_start3A = arith.constant 0 : i32
      %dma_start3A_47 = tpu.memref_slice %arg6[%arg0, %mul3A_7, %dma_start3A] : memref<2x10240x32xf32, #tpu.memory_space<hbm>> -> memref<1x640x32xf32, #tpu.memory_space<hbm>>
      %dma_start3A_48 = tpu.memref_squeeze %dma_start3A_47 : memref<1x640x32xf32, #tpu.memory_space<hbm>> -> memref<640x32xf32, #tpu.memory_space<hbm>>
      %dma_start3A_49 = arith.constant 0 : i32
      %dma_start3A_50 = tpu.memref_slice %arg14[%mul3A_7, %dma_start3A_49] : memref<10240x32xf32, #tpu.memory_space<vmem_shared>> -> memref<640x32xf32, #tpu.memory_space<vmem_shared>>
      tpu.enqueue_dma source(%dma_start3A_50 : memref<640x32xf32, #tpu.memory_space<vmem_shared>>) target(%dma_start3A_48 : memref<640x32xf32, #tpu.memory_space<hbm>>) target_semaphore(%run_scoped3A : memref<!tpu.dma_semaphore, #tpu.memory_space<semaphore_mem>>)
      %dma_wait3A = arith.constant 0 : i32
      %dma_wait3A_51 = tpu.memref_slice %arg6[%arg0, %mul3A_7, %dma_wait3A] : memref<2x10240x32xf32, #tpu.memory_space<hbm>> -> memref<1x640x32xf32, #tpu.memory_space<hbm>>
      %dma_wait3A_52 = tpu.memref_squeeze %dma_wait3A_51 : memref<1x640x32xf32, #tpu.memory_space<hbm>> -> memref<640x32xf32, #tpu.memory_space<hbm>>
      %dma_wait3A_53 = arith.constant 0 : i32
      %dma_wait3A_54 = tpu.memref_slice %arg14[%mul3A_7, %dma_wait3A_53] : memref<10240x32xf32, #tpu.memory_space<vmem_shared>> -> memref<640x32xf32, #tpu.memory_space<vmem_shared>>
      tpu.wait_dma2 semaphore(%run_scoped3A : memref<!tpu.dma_semaphore, #tpu.memory_space<semaphore_mem>>) src(%dma_wait3A_54 : memref<640x32xf32, #tpu.memory_space<vmem_shared>>) dst(%dma_wait3A_52 : memref<640x32xf32, #tpu.memory_space<hbm>>)
      tpu.yield
    }) : () -> ()
    "tpu.region"() ({
      %run_scoped3A = tpu.sem_alloc : memref<!tpu.dma_semaphore, #tpu.memory_space<semaphore_mem>>
      %dma_start3A = arith.constant 0 : i32
      %dma_start3A_47 = tpu.memref_slice %arg7[%arg0, %mul3A_7, %dma_start3A] : memref<2x10240x16xf32, #tpu.memory_space<hbm>> -> memref<1x640x16xf32, #tpu.memory_space<hbm>>
      %dma_start3A_48 = tpu.memref_squeeze %dma_start3A_47 : memref<1x640x16xf32, #tpu.memory_space<hbm>> -> memref<640x16xf32, #tpu.memory_space<hbm>>
      %dma_start3A_49 = arith.constant 0 : i32
      %dma_start3A_50 = tpu.memref_slice %arg16[%mul3A_7, %dma_start3A_49] : memref<10240x16xf32, #tpu.memory_space<vmem_shared>> -> memref<640x16xf32, #tpu.memory_space<vmem_shared>>
      tpu.enqueue_dma source(%dma_start3A_50 : memref<640x16xf32, #tpu.memory_space<vmem_shared>>) target(%dma_start3A_48 : memref<640x16xf32, #tpu.memory_space<hbm>>) target_semaphore(%run_scoped3A : memref<!tpu.dma_semaphore, #tpu.memory_space<semaphore_mem>>)
      %dma_wait3A = arith.constant 0 : i32
      %dma_wait3A_51 = tpu.memref_slice %arg7[%arg0, %mul3A_7, %dma_wait3A] : memref<2x10240x16xf32, #tpu.memory_space<hbm>> -> memref<1x640x16xf32, #tpu.memory_space<hbm>>
      %dma_wait3A_52 = tpu.memref_squeeze %dma_wait3A_51 : memref<1x640x16xf32, #tpu.memory_space<hbm>> -> memref<640x16xf32, #tpu.memory_space<hbm>>
      %dma_wait3A_53 = arith.constant 0 : i32
      %dma_wait3A_54 = tpu.memref_slice %arg16[%mul3A_7, %dma_wait3A_53] : memref<10240x16xf32, #tpu.memory_space<vmem_shared>> -> memref<640x16xf32, #tpu.memory_space<vmem_shared>>
      tpu.wait_dma2 semaphore(%run_scoped3A : memref<!tpu.dma_semaphore, #tpu.memory_space<semaphore_mem>>) src(%dma_wait3A_54 : memref<640x16xf32, #tpu.memory_space<vmem_shared>>) dst(%dma_wait3A_52 : memref<640x16xf32, #tpu.memory_space<hbm>>)
      tpu.yield
    }) : () -> ()
    return
  }
}

#map = affine_map<(d0, d1) -> (0, 0)>
#map1 = affine_map<(d0, d1) -> (0)>
#map2 = affine_map<(d0, d1) -> (0, 0, 0)>
module attributes {stable_mosaic.version = 14 : i64} {
  func.func @body(%arg0: i32, %arg1: i32, %arg2: memref<250000x64xf32, #tpu.memory_space<hbm>>, %arg3: memref<655360xi32, #tpu.memory_space<hbm>>, %arg4: memref<655360xf32, #tpu.memory_space<hbm>>, %arg5: memref<1280x128xi32, #tpu.memory_space<hbm>>, %arg6: memref<2x10240x64xf32, #tpu.memory_space<hbm>>, %arg7: memref<512xi32, #tpu.memory_space<vmem>>, %arg8: memref<512xf32, #tpu.memory_space<vmem>>, %arg9: memref<1x128xi32, #tpu.memory_space<vmem>>, %arg10: memref<512x64xf32, #tpu.memory_space<vmem>>, %arg11: memref<128x64xf32, #tpu.memory_space<vmem>>, %arg12: memref<128x64xf32, #tpu.memory_space<vmem>>, %arg13: memref<10240x64xf32, #tpu.memory_space<vmem_shared>>) attributes {dimension_semantics = [#tpu.dimension_semantics<core_parallel>, #tpu.dimension_semantics<subcore_parallel>], iteration_bounds = array<i64: 2, 16>, scalar_prefetch = 0 : i64, scratch_operands = 7 : i64, tpu.core_type = #tpu.core_type<sc_vector_subcore>, window_params = [{transform_indices = #map}, {transform_indices = #map1}, {transform_indices = #map1}, {transform_indices = #map}, {transform_indices = #map2}]} {
    %mul3A = arith.constant 2 : i32
    %mul3A_0 = arith.muli %arg1, %mul3A : i32
    %add3A = arith.addi %mul3A_0, %arg0 : i32
    %broadcast_in_dim3A = arith.constant 0.000000e+00 : f32
    %broadcast_in_dim3A_1 = vector.broadcast %broadcast_in_dim3A : f32 to vector<16xf32>
    %scan3A = arith.constant 0 : i32
    %scan3A_2 = arith.constant 128 : i32
    %scan3A_3 = arith.addi %scan3A, %scan3A_2 : i32
    %scan3A_4 = arith.constant 1 : i32
    scf.for %scan3A_24 = %scan3A to %scan3A_3 step %scan3A_4  : i32 {
      %mul3A_25 = arith.constant 1 : i32
      %mul3A_26 = arith.muli %scan3A_24, %mul3A_25 : i32
      %add3A_27 = arith.constant 0 : i32
      %add3A_28 = arith.addi %add3A_27, %mul3A_26 : i32
      %swap3A = arith.index_cast %add3A_28 : i32 to index
      %swap3A_29 = arith.constant 0 : index
      %swap3A_30 = tpu.vector_load %arg12[%swap3A, %swap3A_29] {strides = array<i32>} : memref<128x64xf32, #tpu.memory_space<vmem>>, vector<16xf32>,
      tpu.vector_store %arg12[%swap3A, %swap3A_29], %broadcast_in_dim3A_1 {strides = array<i32>} : memref<128x64xf32, #tpu.memory_space<vmem>>, vector<16xf32>,
      %swap3A_31 = arith.index_cast %add3A_28 : i32 to index
      %swap3A_32 = arith.constant 16 : index
      %swap3A_33 = tpu.vector_load %arg12[%swap3A_31, %swap3A_32] {strides = array<i32>} : memref<128x64xf32, #tpu.memory_space<vmem>>, vector<16xf32>,
      tpu.vector_store %arg12[%swap3A_31, %swap3A_32], %broadcast_in_dim3A_1 {strides = array<i32>} : memref<128x64xf32, #tpu.memory_space<vmem>>, vector<16xf32>,
      %swap3A_34 = arith.index_cast %add3A_28 : i32 to index
      %swap3A_35 = arith.constant 32 : index
      %swap3A_36 = tpu.vector_load %arg12[%swap3A_34, %swap3A_35] {strides = array<i32>} : memref<128x64xf32, #tpu.memory_space<vmem>>, vector<16xf32>,
      tpu.vector_store %arg12[%swap3A_34, %swap3A_35], %broadcast_in_dim3A_1 {strides = array<i32>} : memref<128x64xf32, #tpu.memory_space<vmem>>, vector<16xf32>,
      %swap3A_37 = arith.index_cast %add3A_28 : i32 to index
      %swap3A_38 = arith.constant 48 : index
      %swap3A_39 = tpu.vector_load %arg12[%swap3A_37, %swap3A_38] {strides = array<i32>} : memref<128x64xf32, #tpu.memory_space<vmem>>, vector<16xf32>,
      tpu.vector_store %arg12[%swap3A_37, %swap3A_38], %broadcast_in_dim3A_1 {strides = array<i32>} : memref<128x64xf32, #tpu.memory_space<vmem>>, vector<16xf32>,
    }
    %scan3A_5 = arith.constant 128 : i32
    %mul3A_6 = arith.constant 640 : i32
    %mul3A_7 = arith.muli %arg1, %mul3A_6 : i32
    %add3A_8 = arith.constant 0 : i32
    %add3A_9 = arith.addi %mul3A_7, %add3A_8 : i32
    "tpu.region"() ({
      %run_scoped3A = tpu.sem_alloc : memref<!tpu.dma_semaphore, #tpu.memory_space<semaphore_mem>>
      %dma_start3A = arith.constant 0 : i32
      %dma_start3A_24 = arith.constant 0 : i32
      %dma_start3A_25 = tpu.memref_slice %arg12[%dma_start3A, %dma_start3A_24] : memref<128x64xf32, #tpu.memory_space<vmem>> -> memref<128x64xf32, #tpu.memory_space<vmem>>
      %dma_start3A_26 = arith.constant 0 : i32
      %dma_start3A_27 = tpu.memref_slice %arg13[%add3A_9, %dma_start3A_26] : memref<10240x64xf32, #tpu.memory_space<vmem_shared>> -> memref<128x64xf32, #tpu.memory_space<vmem_shared>>
      %dma_start3A_28 = arith.constant 0 : i32
      %dma_start3A_29 = tpu.memref_slice %arg13[%add3A_9, %dma_start3A_28] : memref<10240x64xf32, #tpu.memory_space<vmem_shared>> -> memref<128x64xf32, #tpu.memory_space<vmem_shared>>
      %dma_start3A_30 = arith.constant 0 : i32
      %dma_start3A_31 = arith.constant 0 : i32
      %dma_start3A_32 = tpu.memref_slice %arg12[%dma_start3A_30, %dma_start3A_31] : memref<128x64xf32, #tpu.memory_space<vmem>> -> memref<128x64xf32, #tpu.memory_space<vmem>>
      tpu.enqueue_dma source(%dma_start3A_32 : memref<128x64xf32, #tpu.memory_space<vmem>>) target(%dma_start3A_29 : memref<128x64xf32, #tpu.memory_space<vmem_shared>>) target_semaphore(%run_scoped3A : memref<!tpu.dma_semaphore, #tpu.memory_space<semaphore_mem>>)
      %dma_wait3A = arith.constant 0 : i32
      %dma_wait3A_33 = arith.constant 0 : i32
      %dma_wait3A_34 = tpu.memref_slice %arg12[%dma_wait3A, %dma_wait3A_33] : memref<128x64xf32, #tpu.memory_space<vmem>> -> memref<128x64xf32, #tpu.memory_space<vmem>>
      %dma_wait3A_35 = arith.constant 0 : i32
      %dma_wait3A_36 = tpu.memref_slice %arg13[%add3A_9, %dma_wait3A_35] : memref<10240x64xf32, #tpu.memory_space<vmem_shared>> -> memref<128x64xf32, #tpu.memory_space<vmem_shared>>
      %dma_wait3A_37 = arith.constant 0 : i32
      %dma_wait3A_38 = tpu.memref_slice %arg13[%add3A_9, %dma_wait3A_37] : memref<10240x64xf32, #tpu.memory_space<vmem_shared>> -> memref<128x64xf32, #tpu.memory_space<vmem_shared>>
      %dma_wait3A_39 = arith.constant 0 : i32
      %dma_wait3A_40 = arith.constant 0 : i32
      %dma_wait3A_41 = tpu.memref_slice %arg12[%dma_wait3A_39, %dma_wait3A_40] : memref<128x64xf32, #tpu.memory_space<vmem>> -> memref<128x64xf32, #tpu.memory_space<vmem>>
      tpu.wait_dma2 semaphore(%run_scoped3A : memref<!tpu.dma_semaphore, #tpu.memory_space<semaphore_mem>>) src(%dma_wait3A_41 : memref<128x64xf32, #tpu.memory_space<vmem>>) dst(%dma_wait3A_38 : memref<128x64xf32, #tpu.memory_space<vmem_shared>>)
      tpu.yield
    }) : () -> ()
    %add3A_10 = arith.constant 128 : i32
    %add3A_11 = arith.addi %mul3A_7, %add3A_10 : i32
    "tpu.region"() ({
      %run_scoped3A = tpu.sem_alloc : memref<!tpu.dma_semaphore, #tpu.memory_space<semaphore_mem>>
      %dma_start3A = arith.constant 0 : i32
      %dma_start3A_24 = arith.constant 0 : i32
      %dma_start3A_25 = tpu.memref_slice %arg12[%dma_start3A, %dma_start3A_24] : memref<128x64xf32, #tpu.memory_space<vmem>> -> memref<128x64xf32, #tpu.memory_space<vmem>>
      %dma_start3A_26 = arith.constant 0 : i32
      %dma_start3A_27 = tpu.memref_slice %arg13[%add3A_11, %dma_start3A_26] : memref<10240x64xf32, #tpu.memory_space<vmem_shared>> -> memref<128x64xf32, #tpu.memory_space<vmem_shared>>
      %dma_start3A_28 = arith.constant 0 : i32
      %dma_start3A_29 = tpu.memref_slice %arg13[%add3A_11, %dma_start3A_28] : memref<10240x64xf32, #tpu.memory_space<vmem_shared>> -> memref<128x64xf32, #tpu.memory_space<vmem_shared>>
      %dma_start3A_30 = arith.constant 0 : i32
      %dma_start3A_31 = arith.constant 0 : i32
      %dma_start3A_32 = tpu.memref_slice %arg12[%dma_start3A_30, %dma_start3A_31] : memref<128x64xf32, #tpu.memory_space<vmem>> -> memref<128x64xf32, #tpu.memory_space<vmem>>
      tpu.enqueue_dma source(%dma_start3A_32 : memref<128x64xf32, #tpu.memory_space<vmem>>) target(%dma_start3A_29 : memref<128x64xf32, #tpu.memory_space<vmem_shared>>) target_semaphore(%run_scoped3A : memref<!tpu.dma_semaphore, #tpu.memory_space<semaphore_mem>>)
      %dma_wait3A = arith.constant 0 : i32
      %dma_wait3A_33 = arith.constant 0 : i32
      %dma_wait3A_34 = tpu.memref_slice %arg12[%dma_wait3A, %dma_wait3A_33] : memref<128x64xf32, #tpu.memory_space<vmem>> -> memref<128x64xf32, #tpu.memory_space<vmem>>
      %dma_wait3A_35 = arith.constant 0 : i32
      %dma_wait3A_36 = tpu.memref_slice %arg13[%add3A_11, %dma_wait3A_35] : memref<10240x64xf32, #tpu.memory_space<vmem_shared>> -> memref<128x64xf32, #tpu.memory_space<vmem_shared>>
      %dma_wait3A_37 = arith.constant 0 : i32
      %dma_wait3A_38 = tpu.memref_slice %arg13[%add3A_11, %dma_wait3A_37] : memref<10240x64xf32, #tpu.memory_space<vmem_shared>> -> memref<128x64xf32, #tpu.memory_space<vmem_shared>>
      %dma_wait3A_39 = arith.constant 0 : i32
      %dma_wait3A_40 = arith.constant 0 : i32
      %dma_wait3A_41 = tpu.memref_slice %arg12[%dma_wait3A_39, %dma_wait3A_40] : memref<128x64xf32, #tpu.memory_space<vmem>> -> memref<128x64xf32, #tpu.memory_space<vmem>>
      tpu.wait_dma2 semaphore(%run_scoped3A : memref<!tpu.dma_semaphore, #tpu.memory_space<semaphore_mem>>) src(%dma_wait3A_41 : memref<128x64xf32, #tpu.memory_space<vmem>>) dst(%dma_wait3A_38 : memref<128x64xf32, #tpu.memory_space<vmem_shared>>)
      tpu.yield
    }) : () -> ()
    %add3A_12 = arith.constant 256 : i32
    %add3A_13 = arith.addi %mul3A_7, %add3A_12 : i32
    "tpu.region"() ({
      %run_scoped3A = tpu.sem_alloc : memref<!tpu.dma_semaphore, #tpu.memory_space<semaphore_mem>>
      %dma_start3A = arith.constant 0 : i32
      %dma_start3A_24 = arith.constant 0 : i32
      %dma_start3A_25 = tpu.memref_slice %arg12[%dma_start3A, %dma_start3A_24] : memref<128x64xf32, #tpu.memory_space<vmem>> -> memref<128x64xf32, #tpu.memory_space<vmem>>
      %dma_start3A_26 = arith.constant 0 : i32
      %dma_start3A_27 = tpu.memref_slice %arg13[%add3A_13, %dma_start3A_26] : memref<10240x64xf32, #tpu.memory_space<vmem_shared>> -> memref<128x64xf32, #tpu.memory_space<vmem_shared>>
      %dma_start3A_28 = arith.constant 0 : i32
      %dma_start3A_29 = tpu.memref_slice %arg13[%add3A_13, %dma_start3A_28] : memref<10240x64xf32, #tpu.memory_space<vmem_shared>> -> memref<128x64xf32, #tpu.memory_space<vmem_shared>>
      %dma_start3A_30 = arith.constant 0 : i32
      %dma_start3A_31 = arith.constant 0 : i32
      %dma_start3A_32 = tpu.memref_slice %arg12[%dma_start3A_30, %dma_start3A_31] : memref<128x64xf32, #tpu.memory_space<vmem>> -> memref<128x64xf32, #tpu.memory_space<vmem>>
      tpu.enqueue_dma source(%dma_start3A_32 : memref<128x64xf32, #tpu.memory_space<vmem>>) target(%dma_start3A_29 : memref<128x64xf32, #tpu.memory_space<vmem_shared>>) target_semaphore(%run_scoped3A : memref<!tpu.dma_semaphore, #tpu.memory_space<semaphore_mem>>)
      %dma_wait3A = arith.constant 0 : i32
      %dma_wait3A_33 = arith.constant 0 : i32
      %dma_wait3A_34 = tpu.memref_slice %arg12[%dma_wait3A, %dma_wait3A_33] : memref<128x64xf32, #tpu.memory_space<vmem>> -> memref<128x64xf32, #tpu.memory_space<vmem>>
      %dma_wait3A_35 = arith.constant 0 : i32
      %dma_wait3A_36 = tpu.memref_slice %arg13[%add3A_13, %dma_wait3A_35] : memref<10240x64xf32, #tpu.memory_space<vmem_shared>> -> memref<128x64xf32, #tpu.memory_space<vmem_shared>>
      %dma_wait3A_37 = arith.constant 0 : i32
      %dma_wait3A_38 = tpu.memref_slice %arg13[%add3A_13, %dma_wait3A_37] : memref<10240x64xf32, #tpu.memory_space<vmem_shared>> -> memref<128x64xf32, #tpu.memory_space<vmem_shared>>
      %dma_wait3A_39 = arith.constant 0 : i32
      %dma_wait3A_40 = arith.constant 0 : i32
      %dma_wait3A_41 = tpu.memref_slice %arg12[%dma_wait3A_39, %dma_wait3A_40] : memref<128x64xf32, #tpu.memory_space<vmem>> -> memref<128x64xf32, #tpu.memory_space<vmem>>
      tpu.wait_dma2 semaphore(%run_scoped3A : memref<!tpu.dma_semaphore, #tpu.memory_space<semaphore_mem>>) src(%dma_wait3A_41 : memref<128x64xf32, #tpu.memory_space<vmem>>) dst(%dma_wait3A_38 : memref<128x64xf32, #tpu.memory_space<vmem_shared>>)
      tpu.yield
    }) : () -> ()
    %add3A_14 = arith.constant 384 : i32
    %add3A_15 = arith.addi %mul3A_7, %add3A_14 : i32
    "tpu.region"() ({
      %run_scoped3A = tpu.sem_alloc : memref<!tpu.dma_semaphore, #tpu.memory_space<semaphore_mem>>
      %dma_start3A = arith.constant 0 : i32
      %dma_start3A_24 = arith.constant 0 : i32
      %dma_start3A_25 = tpu.memref_slice %arg12[%dma_start3A, %dma_start3A_24] : memref<128x64xf32, #tpu.memory_space<vmem>> -> memref<128x64xf32, #tpu.memory_space<vmem>>
      %dma_start3A_26 = arith.constant 0 : i32
      %dma_start3A_27 = tpu.memref_slice %arg13[%add3A_15, %dma_start3A_26] : memref<10240x64xf32, #tpu.memory_space<vmem_shared>> -> memref<128x64xf32, #tpu.memory_space<vmem_shared>>
      %dma_start3A_28 = arith.constant 0 : i32
      %dma_start3A_29 = tpu.memref_slice %arg13[%add3A_15, %dma_start3A_28] : memref<10240x64xf32, #tpu.memory_space<vmem_shared>> -> memref<128x64xf32, #tpu.memory_space<vmem_shared>>
      %dma_start3A_30 = arith.constant 0 : i32
      %dma_start3A_31 = arith.constant 0 : i32
      %dma_start3A_32 = tpu.memref_slice %arg12[%dma_start3A_30, %dma_start3A_31] : memref<128x64xf32, #tpu.memory_space<vmem>> -> memref<128x64xf32, #tpu.memory_space<vmem>>
      tpu.enqueue_dma source(%dma_start3A_32 : memref<128x64xf32, #tpu.memory_space<vmem>>) target(%dma_start3A_29 : memref<128x64xf32, #tpu.memory_space<vmem_shared>>) target_semaphore(%run_scoped3A : memref<!tpu.dma_semaphore, #tpu.memory_space<semaphore_mem>>)
      %dma_wait3A = arith.constant 0 : i32
      %dma_wait3A_33 = arith.constant 0 : i32
      %dma_wait3A_34 = tpu.memref_slice %arg12[%dma_wait3A, %dma_wait3A_33] : memref<128x64xf32, #tpu.memory_space<vmem>> -> memref<128x64xf32, #tpu.memory_space<vmem>>
      %dma_wait3A_35 = arith.constant 0 : i32
      %dma_wait3A_36 = tpu.memref_slice %arg13[%add3A_15, %dma_wait3A_35] : memref<10240x64xf32, #tpu.memory_space<vmem_shared>> -> memref<128x64xf32, #tpu.memory_space<vmem_shared>>
      %dma_wait3A_37 = arith.constant 0 : i32
      %dma_wait3A_38 = tpu.memref_slice %arg13[%add3A_15, %dma_wait3A_37] : memref<10240x64xf32, #tpu.memory_space<vmem_shared>> -> memref<128x64xf32, #tpu.memory_space<vmem_shared>>
      %dma_wait3A_39 = arith.constant 0 : i32
      %dma_wait3A_40 = arith.constant 0 : i32
      %dma_wait3A_41 = tpu.memref_slice %arg12[%dma_wait3A_39, %dma_wait3A_40] : memref<128x64xf32, #tpu.memory_space<vmem>> -> memref<128x64xf32, #tpu.memory_space<vmem>>
      tpu.wait_dma2 semaphore(%run_scoped3A : memref<!tpu.dma_semaphore, #tpu.memory_space<semaphore_mem>>) src(%dma_wait3A_41 : memref<128x64xf32, #tpu.memory_space<vmem>>) dst(%dma_wait3A_38 : memref<128x64xf32, #tpu.memory_space<vmem_shared>>)
      tpu.yield
    }) : () -> ()
    %add3A_16 = arith.constant 512 : i32
    %add3A_17 = arith.addi %mul3A_7, %add3A_16 : i32
    "tpu.region"() ({
      %run_scoped3A = tpu.sem_alloc : memref<!tpu.dma_semaphore, #tpu.memory_space<semaphore_mem>>
      %dma_start3A = arith.constant 0 : i32
      %dma_start3A_24 = arith.constant 0 : i32
      %dma_start3A_25 = tpu.memref_slice %arg12[%dma_start3A, %dma_start3A_24] : memref<128x64xf32, #tpu.memory_space<vmem>> -> memref<128x64xf32, #tpu.memory_space<vmem>>
      %dma_start3A_26 = arith.constant 0 : i32
      %dma_start3A_27 = tpu.memref_slice %arg13[%add3A_17, %dma_start3A_26] : memref<10240x64xf32, #tpu.memory_space<vmem_shared>> -> memref<128x64xf32, #tpu.memory_space<vmem_shared>>
      %dma_start3A_28 = arith.constant 0 : i32
      %dma_start3A_29 = tpu.memref_slice %arg13[%add3A_17, %dma_start3A_28] : memref<10240x64xf32, #tpu.memory_space<vmem_shared>> -> memref<128x64xf32, #tpu.memory_space<vmem_shared>>
      %dma_start3A_30 = arith.constant 0 : i32
      %dma_start3A_31 = arith.constant 0 : i32
      %dma_start3A_32 = tpu.memref_slice %arg12[%dma_start3A_30, %dma_start3A_31] : memref<128x64xf32, #tpu.memory_space<vmem>> -> memref<128x64xf32, #tpu.memory_space<vmem>>
      tpu.enqueue_dma source(%dma_start3A_32 : memref<128x64xf32, #tpu.memory_space<vmem>>) target(%dma_start3A_29 : memref<128x64xf32, #tpu.memory_space<vmem_shared>>) target_semaphore(%run_scoped3A : memref<!tpu.dma_semaphore, #tpu.memory_space<semaphore_mem>>)
      %dma_wait3A = arith.constant 0 : i32
      %dma_wait3A_33 = arith.constant 0 : i32
      %dma_wait3A_34 = tpu.memref_slice %arg12[%dma_wait3A, %dma_wait3A_33] : memref<128x64xf32, #tpu.memory_space<vmem>> -> memref<128x64xf32, #tpu.memory_space<vmem>>
      %dma_wait3A_35 = arith.constant 0 : i32
      %dma_wait3A_36 = tpu.memref_slice %arg13[%add3A_17, %dma_wait3A_35] : memref<10240x64xf32, #tpu.memory_space<vmem_shared>> -> memref<128x64xf32, #tpu.memory_space<vmem_shared>>
      %dma_wait3A_37 = arith.constant 0 : i32
      %dma_wait3A_38 = tpu.memref_slice %arg13[%add3A_17, %dma_wait3A_37] : memref<10240x64xf32, #tpu.memory_space<vmem_shared>> -> memref<128x64xf32, #tpu.memory_space<vmem_shared>>
      %dma_wait3A_39 = arith.constant 0 : i32
      %dma_wait3A_40 = arith.constant 0 : i32
      %dma_wait3A_41 = tpu.memref_slice %arg12[%dma_wait3A_39, %dma_wait3A_40] : memref<128x64xf32, #tpu.memory_space<vmem>> -> memref<128x64xf32, #tpu.memory_space<vmem>>
      tpu.wait_dma2 semaphore(%run_scoped3A : memref<!tpu.dma_semaphore, #tpu.memory_space<semaphore_mem>>) src(%dma_wait3A_41 : memref<128x64xf32, #tpu.memory_space<vmem>>) dst(%dma_wait3A_38 : memref<128x64xf32, #tpu.memory_space<vmem_shared>>)
      tpu.yield
    }) : () -> ()
    %barrier3A = arith.constant 0 : index
    tpu.barrier barrier_id(%barrier3A)
    %scan3A_18 = arith.constant 0 : i32
    %scan3A_19 = arith.constant 40 : i32
    %scan3A_20 = arith.addi %scan3A_18, %scan3A_19 : i32
    %scan3A_21 = arith.constant 1 : i32
    scf.for %scan3A_24 = %scan3A_18 to %scan3A_20 step %scan3A_21  : i32 {
      %mul3A_25 = arith.constant 1 : i32
      %mul3A_26 = arith.muli %scan3A_24, %mul3A_25 : i32
      %add3A_27 = arith.constant 0 : i32
      %add3A_28 = arith.addi %add3A_27, %mul3A_26 : i32
      %mul3A_29 = arith.constant 5120 : i32
      %mul3A_30 = arith.muli %add3A, %mul3A_29 : i32
      %mul3A_31 = arith.constant 128 : i32
      %mul3A_32 = arith.muli %add3A_28, %mul3A_31 : i32
      %add3A_33 = arith.addi %mul3A_30, %mul3A_32 : i32
      %mul3A_34 = arith.constant 4 : i32
      %mul3A_35 = arith.muli %add3A_33, %mul3A_34 : i32
      "tpu.region"() ({
        %run_scoped3A_44 = tpu.sem_alloc : memref<!tpu.dma_semaphore, #tpu.memory_space<semaphore_mem>>
        %dma_start3A = tpu.memref_slice %arg3[%mul3A_35] : memref<655360xi32, #tpu.memory_space<hbm>> -> memref<512xi32, #tpu.memory_space<hbm>>
        %dma_start3A_45 = tpu.memref_slice %arg3[%mul3A_35] : memref<655360xi32, #tpu.memory_space<hbm>> -> memref<512xi32, #tpu.memory_space<hbm>>
        tpu.enqueue_dma source(%dma_start3A_45 : memref<512xi32, #tpu.memory_space<hbm>>) target(%arg7 : memref<512xi32, #tpu.memory_space<vmem>>) target_semaphore(%run_scoped3A_44 : memref<!tpu.dma_semaphore, #tpu.memory_space<semaphore_mem>>)
        %dma_wait3A = tpu.memref_slice %arg3[%mul3A_35] : memref<655360xi32, #tpu.memory_space<hbm>> -> memref<512xi32, #tpu.memory_space<hbm>>
        %dma_wait3A_46 = tpu.memref_slice %arg3[%mul3A_35] : memref<655360xi32, #tpu.memory_space<hbm>> -> memref<512xi32, #tpu.memory_space<hbm>>
        tpu.wait_dma2 semaphore(%run_scoped3A_44 : memref<!tpu.dma_semaphore, #tpu.memory_space<semaphore_mem>>) src(%dma_wait3A_46 : memref<512xi32, #tpu.memory_space<hbm>>) dst(%arg7 : memref<512xi32, #tpu.memory_space<vmem>>)
        tpu.yield
      }) : () -> ()
      "tpu.region"() ({
        %run_scoped3A_44 = tpu.sem_alloc : memref<!tpu.dma_semaphore, #tpu.memory_space<semaphore_mem>>
        %dma_start3A = tpu.memref_slice %arg4[%mul3A_35] : memref<655360xf32, #tpu.memory_space<hbm>> -> memref<512xf32, #tpu.memory_space<hbm>>
        %dma_start3A_45 = tpu.memref_slice %arg4[%mul3A_35] : memref<655360xf32, #tpu.memory_space<hbm>> -> memref<512xf32, #tpu.memory_space<hbm>>
        tpu.enqueue_dma source(%dma_start3A_45 : memref<512xf32, #tpu.memory_space<hbm>>) target(%arg8 : memref<512xf32, #tpu.memory_space<vmem>>) target_semaphore(%run_scoped3A_44 : memref<!tpu.dma_semaphore, #tpu.memory_space<semaphore_mem>>)
        %dma_wait3A = tpu.memref_slice %arg4[%mul3A_35] : memref<655360xf32, #tpu.memory_space<hbm>> -> memref<512xf32, #tpu.memory_space<hbm>>
        %dma_wait3A_46 = tpu.memref_slice %arg4[%mul3A_35] : memref<655360xf32, #tpu.memory_space<hbm>> -> memref<512xf32, #tpu.memory_space<hbm>>
        tpu.wait_dma2 semaphore(%run_scoped3A_44 : memref<!tpu.dma_semaphore, #tpu.memory_space<semaphore_mem>>) src(%dma_wait3A_46 : memref<512xf32, #tpu.memory_space<hbm>>) dst(%arg8 : memref<512xf32, #tpu.memory_space<vmem>>)
        tpu.yield
      }) : () -> ()
      %mul3A_36 = arith.constant 40 : i32
      %mul3A_37 = arith.muli %add3A, %mul3A_36 : i32
      %add3A_38 = arith.addi %mul3A_37, %add3A_28 : i32
      "tpu.region"() ({
        %run_scoped3A_44 = tpu.sem_alloc : memref<!tpu.dma_semaphore, #tpu.memory_space<semaphore_mem>>
        %dma_start3A = arith.constant 0 : i32
        %dma_start3A_45 = tpu.memref_slice %arg5[%add3A_38, %dma_start3A] : memref<1280x128xi32, #tpu.memory_space<hbm>> -> memref<1x128xi32, #tpu.memory_space<hbm>>
        %dma_start3A_46 = arith.constant 0 : i32
        %dma_start3A_47 = tpu.memref_slice %arg5[%add3A_38, %dma_start3A_46] : memref<1280x128xi32, #tpu.memory_space<hbm>> -> memref<1x128xi32, #tpu.memory_space<hbm>>
        tpu.enqueue_dma source(%dma_start3A_47 : memref<1x128xi32, #tpu.memory_space<hbm>>) target(%arg9 : memref<1x128xi32, #tpu.memory_space<vmem>>) target_semaphore(%run_scoped3A_44 : memref<!tpu.dma_semaphore, #tpu.memory_space<semaphore_mem>>)
        %dma_wait3A = arith.constant 0 : i32
        %dma_wait3A_48 = tpu.memref_slice %arg5[%add3A_38, %dma_wait3A] : memref<1280x128xi32, #tpu.memory_space<hbm>> -> memref<1x128xi32, #tpu.memory_space<hbm>>
        %dma_wait3A_49 = arith.constant 0 : i32
        %dma_wait3A_50 = tpu.memref_slice %arg5[%add3A_38, %dma_wait3A_49] : memref<1280x128xi32, #tpu.memory_space<hbm>> -> memref<1x128xi32, #tpu.memory_space<hbm>>
        tpu.wait_dma2 semaphore(%run_scoped3A_44 : memref<!tpu.dma_semaphore, #tpu.memory_space<semaphore_mem>>) src(%dma_wait3A_50 : memref<1x128xi32, #tpu.memory_space<hbm>>) dst(%arg9 : memref<1x128xi32, #tpu.memory_space<vmem>>)
        tpu.yield
      }) : () -> ()
      "tpu.region"() ({
        %run_scoped3A_44 = tpu.sem_alloc : memref<!tpu.dma_semaphore, #tpu.memory_space<semaphore_mem>>
        %dma_start3A = arith.constant 0 : i32
        %dma_start3A_45 = arith.constant 0 : i32
        %dma_start3A_46 = tpu.memref_slice %arg10[%dma_start3A, %dma_start3A_45] : memref<512x64xf32, #tpu.memory_space<vmem>> -> memref<128x64xf32, #tpu.memory_space<vmem>>
        %dma_start3A_47 = arith.constant 0 : i32
        %dma_start3A_48 = tpu.memref_slice %arg7[%dma_start3A_47] : memref<512xi32, #tpu.memory_space<vmem>> -> memref<128xi32, #tpu.memory_space<vmem>>
        %dma_start3A_49 = arith.constant 0 : i32
        %dma_start3A_50 = arith.constant 0 : i32
        %dma_start3A_51 = tpu.memref_slice %arg2[%dma_start3A_49, %dma_start3A_50] : memref<250000x64xf32, #tpu.memory_space<hbm>> -> memref<250000x64xf32, #tpu.memory_space<hbm>>
        tpu.enqueue_indirect_dma source(%dma_start3A_51 : memref<250000x64xf32, #tpu.memory_space<hbm>>) target(%dma_start3A_46 : memref<128x64xf32, #tpu.memory_space<vmem>>) offsets(%dma_start3A_48 : memref<128xi32, #tpu.memory_space<vmem>>) semaphore(%run_scoped3A_44 : memref<!tpu.dma_semaphore, #tpu.memory_space<semaphore_mem>>)
        %dma_wait3A = arith.constant 0 : i32
        %dma_wait3A_52 = arith.constant 0 : i32
        %dma_wait3A_53 = tpu.memref_slice %arg10[%dma_wait3A, %dma_wait3A_52] : memref<512x64xf32, #tpu.memory_space<vmem>> -> memref<128x64xf32, #tpu.memory_space<vmem>>
        %dma_wait3A_54 = arith.constant 0 : i32
        %dma_wait3A_55 = tpu.memref_slice %arg7[%dma_wait3A_54] : memref<512xi32, #tpu.memory_space<vmem>> -> memref<128xi32, #tpu.memory_space<vmem>>
        %dma_wait3A_56 = arith.constant 0 : i32
        %dma_wait3A_57 = arith.constant 0 : i32
        %dma_wait3A_58 = tpu.memref_slice %arg2[%dma_wait3A_56, %dma_wait3A_57] : memref<250000x64xf32, #tpu.memory_space<hbm>> -> memref<250000x64xf32, #tpu.memory_space<hbm>>
        tpu.wait_indirect_dma semaphore(%run_scoped3A_44 : memref<!tpu.dma_semaphore, #tpu.memory_space<semaphore_mem>>) src(%dma_wait3A_58 : memref<250000x64xf32, #tpu.memory_space<hbm>>) dst(%dma_wait3A_53 : memref<128x64xf32, #tpu.memory_space<vmem>>)
        tpu.yield
      }) : () -> ()
      "tpu.region"() ({
        %run_scoped3A_44 = tpu.sem_alloc : memref<!tpu.dma_semaphore, #tpu.memory_space<semaphore_mem>>
        %dma_start3A = arith.constant 128 : i32
        %dma_start3A_45 = arith.constant 0 : i32
        %dma_start3A_46 = tpu.memref_slice %arg10[%dma_start3A, %dma_start3A_45] : memref<512x64xf32, #tpu.memory_space<vmem>> -> memref<128x64xf32, #tpu.memory_space<vmem>>
        %dma_start3A_47 = arith.constant 128 : i32
        %dma_start3A_48 = tpu.memref_slice %arg7[%dma_start3A_47] : memref<512xi32, #tpu.memory_space<vmem>> -> memref<128xi32, #tpu.memory_space<vmem>>
        %dma_start3A_49 = arith.constant 0 : i32
        %dma_start3A_50 = arith.constant 0 : i32
        %dma_start3A_51 = tpu.memref_slice %arg2[%dma_start3A_49, %dma_start3A_50] : memref<250000x64xf32, #tpu.memory_space<hbm>> -> memref<250000x64xf32, #tpu.memory_space<hbm>>
        tpu.enqueue_indirect_dma source(%dma_start3A_51 : memref<250000x64xf32, #tpu.memory_space<hbm>>) target(%dma_start3A_46 : memref<128x64xf32, #tpu.memory_space<vmem>>) offsets(%dma_start3A_48 : memref<128xi32, #tpu.memory_space<vmem>>) semaphore(%run_scoped3A_44 : memref<!tpu.dma_semaphore, #tpu.memory_space<semaphore_mem>>)
        %dma_wait3A = arith.constant 128 : i32
        %dma_wait3A_52 = arith.constant 0 : i32
        %dma_wait3A_53 = tpu.memref_slice %arg10[%dma_wait3A, %dma_wait3A_52] : memref<512x64xf32, #tpu.memory_space<vmem>> -> memref<128x64xf32, #tpu.memory_space<vmem>>
        %dma_wait3A_54 = arith.constant 128 : i32
        %dma_wait3A_55 = tpu.memref_slice %arg7[%dma_wait3A_54] : memref<512xi32, #tpu.memory_space<vmem>> -> memref<128xi32, #tpu.memory_space<vmem>>
        %dma_wait3A_56 = arith.constant 0 : i32
        %dma_wait3A_57 = arith.constant 0 : i32
        %dma_wait3A_58 = tpu.memref_slice %arg2[%dma_wait3A_56, %dma_wait3A_57] : memref<250000x64xf32, #tpu.memory_space<hbm>> -> memref<250000x64xf32, #tpu.memory_space<hbm>>
        tpu.wait_indirect_dma semaphore(%run_scoped3A_44 : memref<!tpu.dma_semaphore, #tpu.memory_space<semaphore_mem>>) src(%dma_wait3A_58 : memref<250000x64xf32, #tpu.memory_space<hbm>>) dst(%dma_wait3A_53 : memref<128x64xf32, #tpu.memory_space<vmem>>)
        tpu.yield
      }) : () -> ()
      "tpu.region"() ({
        %run_scoped3A_44 = tpu.sem_alloc : memref<!tpu.dma_semaphore, #tpu.memory_space<semaphore_mem>>
        %dma_start3A = arith.constant 256 : i32
        %dma_start3A_45 = arith.constant 0 : i32
        %dma_start3A_46 = tpu.memref_slice %arg10[%dma_start3A, %dma_start3A_45] : memref<512x64xf32, #tpu.memory_space<vmem>> -> memref<128x64xf32, #tpu.memory_space<vmem>>
        %dma_start3A_47 = arith.constant 256 : i32
        %dma_start3A_48 = tpu.memref_slice %arg7[%dma_start3A_47] : memref<512xi32, #tpu.memory_space<vmem>> -> memref<128xi32, #tpu.memory_space<vmem>>
        %dma_start3A_49 = arith.constant 0 : i32
        %dma_start3A_50 = arith.constant 0 : i32
        %dma_start3A_51 = tpu.memref_slice %arg2[%dma_start3A_49, %dma_start3A_50] : memref<250000x64xf32, #tpu.memory_space<hbm>> -> memref<250000x64xf32, #tpu.memory_space<hbm>>
        tpu.enqueue_indirect_dma source(%dma_start3A_51 : memref<250000x64xf32, #tpu.memory_space<hbm>>) target(%dma_start3A_46 : memref<128x64xf32, #tpu.memory_space<vmem>>) offsets(%dma_start3A_48 : memref<128xi32, #tpu.memory_space<vmem>>) semaphore(%run_scoped3A_44 : memref<!tpu.dma_semaphore, #tpu.memory_space<semaphore_mem>>)
        %dma_wait3A = arith.constant 256 : i32
        %dma_wait3A_52 = arith.constant 0 : i32
        %dma_wait3A_53 = tpu.memref_slice %arg10[%dma_wait3A, %dma_wait3A_52] : memref<512x64xf32, #tpu.memory_space<vmem>> -> memref<128x64xf32, #tpu.memory_space<vmem>>
        %dma_wait3A_54 = arith.constant 256 : i32
        %dma_wait3A_55 = tpu.memref_slice %arg7[%dma_wait3A_54] : memref<512xi32, #tpu.memory_space<vmem>> -> memref<128xi32, #tpu.memory_space<vmem>>
        %dma_wait3A_56 = arith.constant 0 : i32
        %dma_wait3A_57 = arith.constant 0 : i32
        %dma_wait3A_58 = tpu.memref_slice %arg2[%dma_wait3A_56, %dma_wait3A_57] : memref<250000x64xf32, #tpu.memory_space<hbm>> -> memref<250000x64xf32, #tpu.memory_space<hbm>>
        tpu.wait_indirect_dma semaphore(%run_scoped3A_44 : memref<!tpu.dma_semaphore, #tpu.memory_space<semaphore_mem>>) src(%dma_wait3A_58 : memref<250000x64xf32, #tpu.memory_space<hbm>>) dst(%dma_wait3A_53 : memref<128x64xf32, #tpu.memory_space<vmem>>)
        tpu.yield
      }) : () -> ()
      "tpu.region"() ({
        %run_scoped3A_44 = tpu.sem_alloc : memref<!tpu.dma_semaphore, #tpu.memory_space<semaphore_mem>>
        %dma_start3A = arith.constant 384 : i32
        %dma_start3A_45 = arith.constant 0 : i32
        %dma_start3A_46 = tpu.memref_slice %arg10[%dma_start3A, %dma_start3A_45] : memref<512x64xf32, #tpu.memory_space<vmem>> -> memref<128x64xf32, #tpu.memory_space<vmem>>
        %dma_start3A_47 = arith.constant 384 : i32
        %dma_start3A_48 = tpu.memref_slice %arg7[%dma_start3A_47] : memref<512xi32, #tpu.memory_space<vmem>> -> memref<128xi32, #tpu.memory_space<vmem>>
        %dma_start3A_49 = arith.constant 0 : i32
        %dma_start3A_50 = arith.constant 0 : i32
        %dma_start3A_51 = tpu.memref_slice %arg2[%dma_start3A_49, %dma_start3A_50] : memref<250000x64xf32, #tpu.memory_space<hbm>> -> memref<250000x64xf32, #tpu.memory_space<hbm>>
        tpu.enqueue_indirect_dma source(%dma_start3A_51 : memref<250000x64xf32, #tpu.memory_space<hbm>>) target(%dma_start3A_46 : memref<128x64xf32, #tpu.memory_space<vmem>>) offsets(%dma_start3A_48 : memref<128xi32, #tpu.memory_space<vmem>>) semaphore(%run_scoped3A_44 : memref<!tpu.dma_semaphore, #tpu.memory_space<semaphore_mem>>)
        %dma_wait3A = arith.constant 384 : i32
        %dma_wait3A_52 = arith.constant 0 : i32
        %dma_wait3A_53 = tpu.memref_slice %arg10[%dma_wait3A, %dma_wait3A_52] : memref<512x64xf32, #tpu.memory_space<vmem>> -> memref<128x64xf32, #tpu.memory_space<vmem>>
        %dma_wait3A_54 = arith.constant 384 : i32
        %dma_wait3A_55 = tpu.memref_slice %arg7[%dma_wait3A_54] : memref<512xi32, #tpu.memory_space<vmem>> -> memref<128xi32, #tpu.memory_space<vmem>>
        %dma_wait3A_56 = arith.constant 0 : i32
        %dma_wait3A_57 = arith.constant 0 : i32
        %dma_wait3A_58 = tpu.memref_slice %arg2[%dma_wait3A_56, %dma_wait3A_57] : memref<250000x64xf32, #tpu.memory_space<hbm>> -> memref<250000x64xf32, #tpu.memory_space<hbm>>
        tpu.wait_indirect_dma semaphore(%run_scoped3A_44 : memref<!tpu.dma_semaphore, #tpu.memory_space<semaphore_mem>>) src(%dma_wait3A_58 : memref<250000x64xf32, #tpu.memory_space<hbm>>) dst(%dma_wait3A_53 : memref<128x64xf32, #tpu.memory_space<vmem>>)
        tpu.yield
      }) : () -> ()
      %scan3A_39 = arith.constant 0 : i32
      %scan3A_40 = arith.constant 128 : i32
      %scan3A_41 = arith.addi %scan3A_39, %scan3A_40 : i32
      %scan3A_42 = arith.constant 1 : i32
      scf.for %scan3A_44 = %scan3A_39 to %scan3A_41 step %scan3A_42  : i32 {
        %mul3A_45 = arith.constant 1 : i32
        %mul3A_46 = arith.muli %scan3A_44, %mul3A_45 : i32
        %add3A_47 = arith.constant 0 : i32
        %add3A_48 = arith.addi %add3A_47, %mul3A_46 : i32
        %broadcast_in_dim3A_49 = arith.constant 0 : i32
        %broadcast_in_dim3A_50 = vector.broadcast %broadcast_in_dim3A_49 : i32 to vector<16xi32>
        %mul3A_51 = arith.constant 4 : i32
        %mul3A_52 = arith.muli %add3A_48, %mul3A_51 : i32
        %add3A_53 = arith.constant 0 : i32
        %add3A_54 = arith.addi %mul3A_52, %add3A_53 : i32
        %add3A_55 = vector.broadcast %add3A_54 : i32 to vector<16xi32>
        %add3A_56 = arith.addi %broadcast_in_dim3A_50, %add3A_55 : vector<16xi32>
        %gather3A = tpu.vector_load_idx %arg8[%add3A_56] : memref<512xf32, #tpu.memory_space<vmem>>[vector<16xi32>], vector<16xf32>,
        %broadcast_in_dim3A_57 = arith.constant 0 : i32
        %broadcast_in_dim3A_58 = vector.broadcast %broadcast_in_dim3A_57 : i32 to vector<16xi32>
        %mul3A_59 = arith.constant 4 : i32
        %mul3A_60 = arith.muli %add3A_48, %mul3A_59 : i32
        %add3A_61 = arith.constant 1 : i32
        %add3A_62 = arith.addi %mul3A_60, %add3A_61 : i32
        %add3A_63 = vector.broadcast %add3A_62 : i32 to vector<16xi32>
        %add3A_64 = arith.addi %broadcast_in_dim3A_58, %add3A_63 : vector<16xi32>
        %gather3A_65 = tpu.vector_load_idx %arg8[%add3A_64] : memref<512xf32, #tpu.memory_space<vmem>>[vector<16xi32>], vector<16xf32>,
        %broadcast_in_dim3A_66 = arith.constant 0 : i32
        %broadcast_in_dim3A_67 = vector.broadcast %broadcast_in_dim3A_66 : i32 to vector<16xi32>
        %mul3A_68 = arith.constant 4 : i32
        %mul3A_69 = arith.muli %add3A_48, %mul3A_68 : i32
        %add3A_70 = arith.constant 2 : i32
        %add3A_71 = arith.addi %mul3A_69, %add3A_70 : i32
        %add3A_72 = vector.broadcast %add3A_71 : i32 to vector<16xi32>
        %add3A_73 = arith.addi %broadcast_in_dim3A_67, %add3A_72 : vector<16xi32>
        %gather3A_74 = tpu.vector_load_idx %arg8[%add3A_73] : memref<512xf32, #tpu.memory_space<vmem>>[vector<16xi32>], vector<16xf32>,
        %broadcast_in_dim3A_75 = arith.constant 0 : i32
        %broadcast_in_dim3A_76 = vector.broadcast %broadcast_in_dim3A_75 : i32 to vector<16xi32>
        %mul3A_77 = arith.constant 4 : i32
        %mul3A_78 = arith.muli %add3A_48, %mul3A_77 : i32
        %add3A_79 = arith.constant 3 : i32
        %add3A_80 = arith.addi %mul3A_78, %add3A_79 : i32
        %add3A_81 = vector.broadcast %add3A_80 : i32 to vector<16xi32>
        %add3A_82 = arith.addi %broadcast_in_dim3A_76, %add3A_81 : vector<16xi32>
        %gather3A_83 = tpu.vector_load_idx %arg8[%add3A_82] : memref<512xf32, #tpu.memory_space<vmem>>[vector<16xi32>], vector<16xf32>,
        %mul3A_84 = arith.constant 4 : i32
        %mul3A_85 = arith.muli %add3A_48, %mul3A_84 : i32
        %get3A = arith.index_cast %mul3A_85 : i32 to index
        %get3A_86 = arith.constant 0 : index
        %get3A_87 = tpu.vector_load %arg10[%get3A, %get3A_86] {strides = array<i32>} : memref<512x64xf32, #tpu.memory_space<vmem>>, vector<16xf32>,
        %mul3A_88 = arith.mulf %gather3A, %get3A_87 : vector<16xf32>
        %mul3A_89 = arith.constant 4 : i32
        %mul3A_90 = arith.muli %add3A_48, %mul3A_89 : i32
        %add3A_91 = arith.constant 1 : i32
        %add3A_92 = arith.addi %mul3A_90, %add3A_91 : i32
        %get3A_93 = arith.index_cast %add3A_92 : i32 to index
        %get3A_94 = arith.constant 0 : index
        %get3A_95 = tpu.vector_load %arg10[%get3A_93, %get3A_94] {strides = array<i32>} : memref<512x64xf32, #tpu.memory_space<vmem>>, vector<16xf32>,
        %mul3A_96 = arith.mulf %gather3A_65, %get3A_95 : vector<16xf32>
        %add3A_97 = arith.addf %mul3A_88, %mul3A_96 : vector<16xf32>
        %mul3A_98 = arith.constant 4 : i32
        %mul3A_99 = arith.muli %add3A_48, %mul3A_98 : i32
        %add3A_100 = arith.constant 2 : i32
        %add3A_101 = arith.addi %mul3A_99, %add3A_100 : i32
        %get3A_102 = arith.index_cast %add3A_101 : i32 to index
        %get3A_103 = arith.constant 0 : index
        %get3A_104 = tpu.vector_load %arg10[%get3A_102, %get3A_103] {strides = array<i32>} : memref<512x64xf32, #tpu.memory_space<vmem>>, vector<16xf32>,
        %mul3A_105 = arith.mulf %gather3A_74, %get3A_104 : vector<16xf32>
        %add3A_106 = arith.addf %add3A_97, %mul3A_105 : vector<16xf32>
        %mul3A_107 = arith.constant 4 : i32
        %mul3A_108 = arith.muli %add3A_48, %mul3A_107 : i32
        %add3A_109 = arith.constant 3 : i32
        %add3A_110 = arith.addi %mul3A_108, %add3A_109 : i32
        %get3A_111 = arith.index_cast %add3A_110 : i32 to index
        %get3A_112 = arith.constant 0 : index
        %get3A_113 = tpu.vector_load %arg10[%get3A_111, %get3A_112] {strides = array<i32>} : memref<512x64xf32, #tpu.memory_space<vmem>>, vector<16xf32>,
        %mul3A_114 = arith.mulf %gather3A_83, %get3A_113 : vector<16xf32>
        %add3A_115 = arith.addf %add3A_106, %mul3A_114 : vector<16xf32>
        %swap3A = arith.index_cast %add3A_48 : i32 to index
        %swap3A_116 = arith.constant 0 : index
        %swap3A_117 = tpu.vector_load %arg11[%swap3A, %swap3A_116] {strides = array<i32>} : memref<128x64xf32, #tpu.memory_space<vmem>>, vector<16xf32>,
        tpu.vector_store %arg11[%swap3A, %swap3A_116], %add3A_115 {strides = array<i32>} : memref<128x64xf32, #tpu.memory_space<vmem>>, vector<16xf32>,
        %mul3A_118 = arith.constant 4 : i32
        %mul3A_119 = arith.muli %add3A_48, %mul3A_118 : i32
        %get3A_120 = arith.index_cast %mul3A_119 : i32 to index
        %get3A_121 = arith.constant 16 : index
        %get3A_122 = tpu.vector_load %arg10[%get3A_120, %get3A_121] {strides = array<i32>} : memref<512x64xf32, #tpu.memory_space<vmem>>, vector<16xf32>,
        %mul3A_123 = arith.mulf %gather3A, %get3A_122 : vector<16xf32>
        %mul3A_124 = arith.constant 4 : i32
        %mul3A_125 = arith.muli %add3A_48, %mul3A_124 : i32
        %add3A_126 = arith.constant 1 : i32
        %add3A_127 = arith.addi %mul3A_125, %add3A_126 : i32
        %get3A_128 = arith.index_cast %add3A_127 : i32 to index
        %get3A_129 = arith.constant 16 : index
        %get3A_130 = tpu.vector_load %arg10[%get3A_128, %get3A_129] {strides = array<i32>} : memref<512x64xf32, #tpu.memory_space<vmem>>, vector<16xf32>,
        %mul3A_131 = arith.mulf %gather3A_65, %get3A_130 : vector<16xf32>
        %add3A_132 = arith.addf %mul3A_123, %mul3A_131 : vector<16xf32>
        %mul3A_133 = arith.constant 4 : i32
        %mul3A_134 = arith.muli %add3A_48, %mul3A_133 : i32
        %add3A_135 = arith.constant 2 : i32
        %add3A_136 = arith.addi %mul3A_134, %add3A_135 : i32
        %get3A_137 = arith.index_cast %add3A_136 : i32 to index
        %get3A_138 = arith.constant 16 : index
        %get3A_139 = tpu.vector_load %arg10[%get3A_137, %get3A_138] {strides = array<i32>} : memref<512x64xf32, #tpu.memory_space<vmem>>, vector<16xf32>,
        %mul3A_140 = arith.mulf %gather3A_74, %get3A_139 : vector<16xf32>
        %add3A_141 = arith.addf %add3A_132, %mul3A_140 : vector<16xf32>
        %mul3A_142 = arith.constant 4 : i32
        %mul3A_143 = arith.muli %add3A_48, %mul3A_142 : i32
        %add3A_144 = arith.constant 3 : i32
        %add3A_145 = arith.addi %mul3A_143, %add3A_144 : i32
        %get3A_146 = arith.index_cast %add3A_145 : i32 to index
        %get3A_147 = arith.constant 16 : index
        %get3A_148 = tpu.vector_load %arg10[%get3A_146, %get3A_147] {strides = array<i32>} : memref<512x64xf32, #tpu.memory_space<vmem>>, vector<16xf32>,
        %mul3A_149 = arith.mulf %gather3A_83, %get3A_148 : vector<16xf32>
        %add3A_150 = arith.addf %add3A_141, %mul3A_149 : vector<16xf32>
        %swap3A_151 = arith.index_cast %add3A_48 : i32 to index
        %swap3A_152 = arith.constant 16 : index
        %swap3A_153 = tpu.vector_load %arg11[%swap3A_151, %swap3A_152] {strides = array<i32>} : memref<128x64xf32, #tpu.memory_space<vmem>>, vector<16xf32>,
        tpu.vector_store %arg11[%swap3A_151, %swap3A_152], %add3A_150 {strides = array<i32>} : memref<128x64xf32, #tpu.memory_space<vmem>>, vector<16xf32>,
        %mul3A_154 = arith.constant 4 : i32
        %mul3A_155 = arith.muli %add3A_48, %mul3A_154 : i32
        %get3A_156 = arith.index_cast %mul3A_155 : i32 to index
        %get3A_157 = arith.constant 32 : index
        %get3A_158 = tpu.vector_load %arg10[%get3A_156, %get3A_157] {strides = array<i32>} : memref<512x64xf32, #tpu.memory_space<vmem>>, vector<16xf32>,
        %mul3A_159 = arith.mulf %gather3A, %get3A_158 : vector<16xf32>
        %mul3A_160 = arith.constant 4 : i32
        %mul3A_161 = arith.muli %add3A_48, %mul3A_160 : i32
        %add3A_162 = arith.constant 1 : i32
        %add3A_163 = arith.addi %mul3A_161, %add3A_162 : i32
        %get3A_164 = arith.index_cast %add3A_163 : i32 to index
        %get3A_165 = arith.constant 32 : index
        %get3A_166 = tpu.vector_load %arg10[%get3A_164, %get3A_165] {strides = array<i32>} : memref<512x64xf32, #tpu.memory_space<vmem>>, vector<16xf32>,
        %mul3A_167 = arith.mulf %gather3A_65, %get3A_166 : vector<16xf32>
        %add3A_168 = arith.addf %mul3A_159, %mul3A_167 : vector<16xf32>
        %mul3A_169 = arith.constant 4 : i32
        %mul3A_170 = arith.muli %add3A_48, %mul3A_169 : i32
        %add3A_171 = arith.constant 2 : i32
        %add3A_172 = arith.addi %mul3A_170, %add3A_171 : i32
        %get3A_173 = arith.index_cast %add3A_172 : i32 to index
        %get3A_174 = arith.constant 32 : index
        %get3A_175 = tpu.vector_load %arg10[%get3A_173, %get3A_174] {strides = array<i32>} : memref<512x64xf32, #tpu.memory_space<vmem>>, vector<16xf32>,
        %mul3A_176 = arith.mulf %gather3A_74, %get3A_175 : vector<16xf32>
        %add3A_177 = arith.addf %add3A_168, %mul3A_176 : vector<16xf32>
        %mul3A_178 = arith.constant 4 : i32
        %mul3A_179 = arith.muli %add3A_48, %mul3A_178 : i32
        %add3A_180 = arith.constant 3 : i32
        %add3A_181 = arith.addi %mul3A_179, %add3A_180 : i32
        %get3A_182 = arith.index_cast %add3A_181 : i32 to index
        %get3A_183 = arith.constant 32 : index
        %get3A_184 = tpu.vector_load %arg10[%get3A_182, %get3A_183] {strides = array<i32>} : memref<512x64xf32, #tpu.memory_space<vmem>>, vector<16xf32>,
        %mul3A_185 = arith.mulf %gather3A_83, %get3A_184 : vector<16xf32>
        %add3A_186 = arith.addf %add3A_177, %mul3A_185 : vector<16xf32>
        %swap3A_187 = arith.index_cast %add3A_48 : i32 to index
        %swap3A_188 = arith.constant 32 : index
        %swap3A_189 = tpu.vector_load %arg11[%swap3A_187, %swap3A_188] {strides = array<i32>} : memref<128x64xf32, #tpu.memory_space<vmem>>, vector<16xf32>,
        tpu.vector_store %arg11[%swap3A_187, %swap3A_188], %add3A_186 {strides = array<i32>} : memref<128x64xf32, #tpu.memory_space<vmem>>, vector<16xf32>,
        %mul3A_190 = arith.constant 4 : i32
        %mul3A_191 = arith.muli %add3A_48, %mul3A_190 : i32
        %get3A_192 = arith.index_cast %mul3A_191 : i32 to index
        %get3A_193 = arith.constant 48 : index
        %get3A_194 = tpu.vector_load %arg10[%get3A_192, %get3A_193] {strides = array<i32>} : memref<512x64xf32, #tpu.memory_space<vmem>>, vector<16xf32>,
        %mul3A_195 = arith.mulf %gather3A, %get3A_194 : vector<16xf32>
        %mul3A_196 = arith.constant 4 : i32
        %mul3A_197 = arith.muli %add3A_48, %mul3A_196 : i32
        %add3A_198 = arith.constant 1 : i32
        %add3A_199 = arith.addi %mul3A_197, %add3A_198 : i32
        %get3A_200 = arith.index_cast %add3A_199 : i32 to index
        %get3A_201 = arith.constant 48 : index
        %get3A_202 = tpu.vector_load %arg10[%get3A_200, %get3A_201] {strides = array<i32>} : memref<512x64xf32, #tpu.memory_space<vmem>>, vector<16xf32>,
        %mul3A_203 = arith.mulf %gather3A_65, %get3A_202 : vector<16xf32>
        %add3A_204 = arith.addf %mul3A_195, %mul3A_203 : vector<16xf32>
        %mul3A_205 = arith.constant 4 : i32
        %mul3A_206 = arith.muli %add3A_48, %mul3A_205 : i32
        %add3A_207 = arith.constant 2 : i32
        %add3A_208 = arith.addi %mul3A_206, %add3A_207 : i32
        %get3A_209 = arith.index_cast %add3A_208 : i32 to index
        %get3A_210 = arith.constant 48 : index
        %get3A_211 = tpu.vector_load %arg10[%get3A_209, %get3A_210] {strides = array<i32>} : memref<512x64xf32, #tpu.memory_space<vmem>>, vector<16xf32>,
        %mul3A_212 = arith.mulf %gather3A_74, %get3A_211 : vector<16xf32>
        %add3A_213 = arith.addf %add3A_204, %mul3A_212 : vector<16xf32>
        %mul3A_214 = arith.constant 4 : i32
        %mul3A_215 = arith.muli %add3A_48, %mul3A_214 : i32
        %add3A_216 = arith.constant 3 : i32
        %add3A_217 = arith.addi %mul3A_215, %add3A_216 : i32
        %get3A_218 = arith.index_cast %add3A_217 : i32 to index
        %get3A_219 = arith.constant 48 : index
        %get3A_220 = tpu.vector_load %arg10[%get3A_218, %get3A_219] {strides = array<i32>} : memref<512x64xf32, #tpu.memory_space<vmem>>, vector<16xf32>,
        %mul3A_221 = arith.mulf %gather3A_83, %get3A_220 : vector<16xf32>
        %add3A_222 = arith.addf %add3A_213, %mul3A_221 : vector<16xf32>
        %swap3A_223 = arith.index_cast %add3A_48 : i32 to index
        %swap3A_224 = arith.constant 48 : index
        %swap3A_225 = tpu.vector_load %arg11[%swap3A_223, %swap3A_224] {strides = array<i32>} : memref<128x64xf32, #tpu.memory_space<vmem>>, vector<16xf32>,
        tpu.vector_store %arg11[%swap3A_223, %swap3A_224], %add3A_222 {strides = array<i32>} : memref<128x64xf32, #tpu.memory_space<vmem>>, vector<16xf32>,
      }
      %scan3A_43 = arith.constant 128 : i32
      %run_scoped3A = arith.constant 0 : i32
      "tpu.region"() ({
        %run_scoped3A_44 = tpu.sem_alloc : memref<!tpu.dma_semaphore, #tpu.memory_space<semaphore_mem>>
        %dma_start3A = arith.constant 0 : i32
        %dma_start3A_45 = tpu.memref_slice %arg9[%run_scoped3A, %dma_start3A] : memref<1x128xi32, #tpu.memory_space<vmem>> -> memref<1x128xi32, #tpu.memory_space<vmem>>
        %dma_start3A_46 = tpu.memref_squeeze %dma_start3A_45 : memref<1x128xi32, #tpu.memory_space<vmem>> -> memref<128xi32, #tpu.memory_space<vmem>>
        %dma_start3A_47 = arith.constant 0 : i32
        %dma_start3A_48 = arith.constant 0 : i32
        %dma_start3A_49 = tpu.memref_slice %arg13[%dma_start3A_47, %dma_start3A_48] : memref<10240x64xf32, #tpu.memory_space<vmem_shared>> -> memref<10240x64xf32, #tpu.memory_space<vmem_shared>>
        tpu.enqueue_indirect_dma source(%arg11 : memref<128x64xf32, #tpu.memory_space<vmem>>) target(%dma_start3A_49 : memref<10240x64xf32, #tpu.memory_space<vmem_shared>>) offsets(%dma_start3A_46 : memref<128xi32, #tpu.memory_space<vmem>>) semaphore(%run_scoped3A_44 : memref<!tpu.dma_semaphore, #tpu.memory_space<semaphore_mem>>) {add = true}
        %dma_wait3A = arith.constant 0 : i32
        %dma_wait3A_50 = tpu.memref_slice %arg9[%run_scoped3A, %dma_wait3A] : memref<1x128xi32, #tpu.memory_space<vmem>> -> memref<1x128xi32, #tpu.memory_space<vmem>>
        %dma_wait3A_51 = tpu.memref_squeeze %dma_wait3A_50 : memref<1x128xi32, #tpu.memory_space<vmem>> -> memref<128xi32, #tpu.memory_space<vmem>>
        %dma_wait3A_52 = arith.constant 0 : i32
        %dma_wait3A_53 = arith.constant 0 : i32
        %dma_wait3A_54 = tpu.memref_slice %arg13[%dma_wait3A_52, %dma_wait3A_53] : memref<10240x64xf32, #tpu.memory_space<vmem_shared>> -> memref<10240x64xf32, #tpu.memory_space<vmem_shared>>
        tpu.wait_indirect_dma semaphore(%run_scoped3A_44 : memref<!tpu.dma_semaphore, #tpu.memory_space<semaphore_mem>>) src(%arg11 : memref<128x64xf32, #tpu.memory_space<vmem>>) dst(%dma_wait3A_54 : memref<10240x64xf32, #tpu.memory_space<vmem_shared>>)
        tpu.yield
      }) : () -> ()
    }
    %scan3A_22 = arith.constant 40 : i32
    %barrier3A_23 = arith.constant 0 : index
    tpu.barrier barrier_id(%barrier3A_23)
    "tpu.region"() ({
      %run_scoped3A = tpu.sem_alloc : memref<!tpu.dma_semaphore, #tpu.memory_space<semaphore_mem>>
      %dma_start3A = arith.constant 0 : i32
      %dma_start3A_24 = tpu.memref_slice %arg6[%arg0, %mul3A_7, %dma_start3A] : memref<2x10240x64xf32, #tpu.memory_space<hbm>> -> memref<1x640x64xf32, #tpu.memory_space<hbm>>
      %dma_start3A_25 = tpu.memref_squeeze %dma_start3A_24 : memref<1x640x64xf32, #tpu.memory_space<hbm>> -> memref<640x64xf32, #tpu.memory_space<hbm>>
      %dma_start3A_26 = arith.constant 0 : i32
      %dma_start3A_27 = tpu.memref_slice %arg13[%mul3A_7, %dma_start3A_26] : memref<10240x64xf32, #tpu.memory_space<vmem_shared>> -> memref<640x64xf32, #tpu.memory_space<vmem_shared>>
      tpu.enqueue_dma source(%dma_start3A_27 : memref<640x64xf32, #tpu.memory_space<vmem_shared>>) target(%dma_start3A_25 : memref<640x64xf32, #tpu.memory_space<hbm>>) target_semaphore(%run_scoped3A : memref<!tpu.dma_semaphore, #tpu.memory_space<semaphore_mem>>)
      %dma_wait3A = arith.constant 0 : i32
      %dma_wait3A_28 = tpu.memref_slice %arg6[%arg0, %mul3A_7, %dma_wait3A] : memref<2x10240x64xf32, #tpu.memory_space<hbm>> -> memref<1x640x64xf32, #tpu.memory_space<hbm>>
      %dma_wait3A_29 = tpu.memref_squeeze %dma_wait3A_28 : memref<1x640x64xf32, #tpu.memory_space<hbm>> -> memref<640x64xf32, #tpu.memory_space<hbm>>
      %dma_wait3A_30 = arith.constant 0 : i32
      %dma_wait3A_31 = tpu.memref_slice %arg13[%mul3A_7, %dma_wait3A_30] : memref<10240x64xf32, #tpu.memory_space<vmem_shared>> -> memref<640x64xf32, #tpu.memory_space<vmem_shared>>
      tpu.wait_dma2 semaphore(%run_scoped3A : memref<!tpu.dma_semaphore, #tpu.memory_space<semaphore_mem>>) src(%dma_wait3A_31 : memref<640x64xf32, #tpu.memory_space<vmem_shared>>) dst(%dma_wait3A_29 : memref<640x64xf32, #tpu.memory_space<hbm>>)
      tpu.yield
    }) : () -> ()
    return
  }
}

#map = affine_map<(d0, d1) -> (0, 0)>
#map1 = affine_map<(d0, d1) -> (0, 0, 0)>
module attributes {stable_mosaic.version = 14 : i64} {
  func.func @body(%arg0: i32, %arg1: i32, %arg2: memref<10240x64xf32, #tpu.memory_space<hbm>>, %arg3: memref<32x320xi32, #tpu.memory_space<hbm>>, %arg4: memref<32x520x64xf32, #tpu.memory_space<hbm>>, %arg5: memref<320x64xf32, #tpu.memory_space<vmem>>, %arg6: memref<1x320xi32, #tpu.memory_space<vmem>>, %arg7: memref<520x64xf32, #tpu.memory_space<vmem>>) attributes {dimension_semantics = [#tpu.dimension_semantics<core_parallel>, #tpu.dimension_semantics<subcore_parallel>], iteration_bounds = array<i64: 2, 16>, scalar_prefetch = 0 : i64, scratch_operands = 3 : i64, tpu.core_type = #tpu.core_type<sc_vector_subcore>, window_params = [{transform_indices = #map}, {transform_indices = #map}, {transform_indices = #map1}]} {
    %mul3A = arith.constant 2 : i32
    %mul3A_0 = arith.muli %arg1, %mul3A : i32
    %add3A = arith.addi %mul3A_0, %arg0 : i32
    %broadcast_in_dim3A = arith.constant 0.000000e+00 : f32
    %broadcast_in_dim3A_1 = vector.broadcast %broadcast_in_dim3A : f32 to vector<16xf32>
    %sub3A = arith.constant 0x7F800000 : f32
    %sub3A_2 = vector.broadcast %sub3A : f32 to vector<16xf32>
    %sub3A_3 = arith.subf %broadcast_in_dim3A_1, %sub3A_2 : vector<16xf32>
    %scan3A = arith.constant 0 : i32
    %scan3A_4 = arith.constant 520 : i32
    %scan3A_5 = arith.addi %scan3A, %scan3A_4 : i32
    %scan3A_6 = arith.constant 1 : i32
    scf.for %scan3A_17 = %scan3A to %scan3A_5 step %scan3A_6  : i32 {
      %mul3A_18 = arith.constant 1 : i32
      %mul3A_19 = arith.muli %scan3A_17, %mul3A_18 : i32
      %add3A_20 = arith.constant 0 : i32
      %add3A_21 = arith.addi %add3A_20, %mul3A_19 : i32
      %swap3A = arith.index_cast %add3A_21 : i32 to index
      %swap3A_22 = arith.constant 0 : index
      %swap3A_23 = tpu.vector_load %arg7[%swap3A, %swap3A_22] {strides = array<i32>} : memref<520x64xf32, #tpu.memory_space<vmem>>, vector<16xf32>,
      tpu.vector_store %arg7[%swap3A, %swap3A_22], %sub3A_3 {strides = array<i32>} : memref<520x64xf32, #tpu.memory_space<vmem>>, vector<16xf32>,
      %swap3A_24 = arith.index_cast %add3A_21 : i32 to index
      %swap3A_25 = arith.constant 16 : index
      %swap3A_26 = tpu.vector_load %arg7[%swap3A_24, %swap3A_25] {strides = array<i32>} : memref<520x64xf32, #tpu.memory_space<vmem>>, vector<16xf32>,
      tpu.vector_store %arg7[%swap3A_24, %swap3A_25], %sub3A_3 {strides = array<i32>} : memref<520x64xf32, #tpu.memory_space<vmem>>, vector<16xf32>,
      %swap3A_27 = arith.index_cast %add3A_21 : i32 to index
      %swap3A_28 = arith.constant 32 : index
      %swap3A_29 = tpu.vector_load %arg7[%swap3A_27, %swap3A_28] {strides = array<i32>} : memref<520x64xf32, #tpu.memory_space<vmem>>, vector<16xf32>,
      tpu.vector_store %arg7[%swap3A_27, %swap3A_28], %sub3A_3 {strides = array<i32>} : memref<520x64xf32, #tpu.memory_space<vmem>>, vector<16xf32>,
      %swap3A_30 = arith.index_cast %add3A_21 : i32 to index
      %swap3A_31 = arith.constant 48 : index
      %swap3A_32 = tpu.vector_load %arg7[%swap3A_30, %swap3A_31] {strides = array<i32>} : memref<520x64xf32, #tpu.memory_space<vmem>>, vector<16xf32>,
      tpu.vector_store %arg7[%swap3A_30, %swap3A_31], %sub3A_3 {strides = array<i32>} : memref<520x64xf32, #tpu.memory_space<vmem>>, vector<16xf32>,
    }
    %scan3A_7 = arith.constant 520 : i32
    %mul3A_8 = arith.constant 320 : i32
    %mul3A_9 = arith.muli %add3A, %mul3A_8 : i32
    "tpu.region"() ({
      %run_scoped3A = tpu.sem_alloc : memref<!tpu.dma_semaphore, #tpu.memory_space<semaphore_mem>>
      %dma_start3A = arith.constant 0 : i32
      %dma_start3A_17 = tpu.memref_slice %arg2[%mul3A_9, %dma_start3A] : memref<10240x64xf32, #tpu.memory_space<hbm>> -> memref<320x64xf32, #tpu.memory_space<hbm>>
      %dma_start3A_18 = arith.constant 0 : i32
      %dma_start3A_19 = tpu.memref_slice %arg2[%mul3A_9, %dma_start3A_18] : memref<10240x64xf32, #tpu.memory_space<hbm>> -> memref<320x64xf32, #tpu.memory_space<hbm>>
      tpu.enqueue_dma source(%dma_start3A_19 : memref<320x64xf32, #tpu.memory_space<hbm>>) target(%arg5 : memref<320x64xf32, #tpu.memory_space<vmem>>) target_semaphore(%run_scoped3A : memref<!tpu.dma_semaphore, #tpu.memory_space<semaphore_mem>>)
      %dma_wait3A = arith.constant 0 : i32
      %dma_wait3A_20 = tpu.memref_slice %arg2[%mul3A_9, %dma_wait3A] : memref<10240x64xf32, #tpu.memory_space<hbm>> -> memref<320x64xf32, #tpu.memory_space<hbm>>
      %dma_wait3A_21 = arith.constant 0 : i32
      %dma_wait3A_22 = tpu.memref_slice %arg2[%mul3A_9, %dma_wait3A_21] : memref<10240x64xf32, #tpu.memory_space<hbm>> -> memref<320x64xf32, #tpu.memory_space<hbm>>
      tpu.wait_dma2 semaphore(%run_scoped3A : memref<!tpu.dma_semaphore, #tpu.memory_space<semaphore_mem>>) src(%dma_wait3A_22 : memref<320x64xf32, #tpu.memory_space<hbm>>) dst(%arg5 : memref<320x64xf32, #tpu.memory_space<vmem>>)
      tpu.yield
    }) : () -> ()
    "tpu.region"() ({
      %run_scoped3A = tpu.sem_alloc : memref<!tpu.dma_semaphore, #tpu.memory_space<semaphore_mem>>
      %dma_start3A = arith.constant 0 : i32
      %dma_start3A_17 = tpu.memref_slice %arg3[%add3A, %dma_start3A] : memref<32x320xi32, #tpu.memory_space<hbm>> -> memref<1x320xi32, #tpu.memory_space<hbm>>
      %dma_start3A_18 = arith.constant 0 : i32
      %dma_start3A_19 = tpu.memref_slice %arg3[%add3A, %dma_start3A_18] : memref<32x320xi32, #tpu.memory_space<hbm>> -> memref<1x320xi32, #tpu.memory_space<hbm>>
      tpu.enqueue_dma source(%dma_start3A_19 : memref<1x320xi32, #tpu.memory_space<hbm>>) target(%arg6 : memref<1x320xi32, #tpu.memory_space<vmem>>) target_semaphore(%run_scoped3A : memref<!tpu.dma_semaphore, #tpu.memory_space<semaphore_mem>>)
      %dma_wait3A = arith.constant 0 : i32
      %dma_wait3A_20 = tpu.memref_slice %arg3[%add3A, %dma_wait3A] : memref<32x320xi32, #tpu.memory_space<hbm>> -> memref<1x320xi32, #tpu.memory_space<hbm>>
      %dma_wait3A_21 = arith.constant 0 : i32
      %dma_wait3A_22 = tpu.memref_slice %arg3[%add3A, %dma_wait3A_21] : memref<32x320xi32, #tpu.memory_space<hbm>> -> memref<1x320xi32, #tpu.memory_space<hbm>>
      tpu.wait_dma2 semaphore(%run_scoped3A : memref<!tpu.dma_semaphore, #tpu.memory_space<semaphore_mem>>) src(%dma_wait3A_22 : memref<1x320xi32, #tpu.memory_space<hbm>>) dst(%arg6 : memref<1x320xi32, #tpu.memory_space<vmem>>)
      tpu.yield
    }) : () -> ()
    %broadcast_in_dim3A_10 = arith.constant 0 : i32
    %broadcast_in_dim3A_11 = vector.broadcast %broadcast_in_dim3A_10 : i32 to vector<16xi32>
    %iota3A = tpu.iota {dimensions = array<i32: 0>} : vector<16xi32>
    %scan3A_12 = arith.constant 0 : i32
    %scan3A_13 = arith.constant 320 : i32
    %scan3A_14 = arith.addi %scan3A_12, %scan3A_13 : i32
    %scan3A_15 = arith.constant 1 : i32
    scf.for %scan3A_17 = %scan3A_12 to %scan3A_14 step %scan3A_15  : i32 {
      %mul3A_18 = arith.constant 1 : i32
      %mul3A_19 = arith.muli %scan3A_17, %mul3A_18 : i32
      %add3A_20 = arith.constant 0 : i32
      %add3A_21 = arith.addi %add3A_20, %mul3A_19 : i32
      %add3A_22 = vector.broadcast %add3A_21 : i32 to vector<16xi32>
      %add3A_23 = arith.addi %broadcast_in_dim3A_11, %add3A_22 : vector<16xi32>
      %gather3A = tpu.vector_load_idx %arg6[%broadcast_in_dim3A_11, %add3A_23] : memref<1x320xi32, #tpu.memory_space<vmem>>[vector<16xi32>, vector<16xi32>], vector<16xi32>,
      %add3A_24 = arith.constant 0 : i32
      %add3A_25 = vector.broadcast %add3A_24 : i32 to vector<16xi32>
      %add3A_26 = arith.addi %iota3A, %add3A_25 : vector<16xi32>
      %gather3A_27 = tpu.vector_load_idx %arg7[%gather3A, %add3A_26] : memref<520x64xf32, #tpu.memory_space<vmem>>[vector<16xi32>, vector<16xi32>], vector<16xf32>,
      %get3A = arith.index_cast %add3A_21 : i32 to index
      %get3A_28 = arith.constant 0 : index
      %get3A_29 = tpu.vector_load %arg5[%get3A, %get3A_28] {strides = array<i32>} : memref<320x64xf32, #tpu.memory_space<vmem>>, vector<16xf32>,
      %max3A = arith.maximumf %gather3A_27, %get3A_29 : vector<16xf32>
      tpu.vector_store_idx %arg7[%gather3A, %add3A_26], %max3A : memref<520x64xf32, #tpu.memory_space<vmem>>[vector<16xi32>, vector<16xi32>], vector<16xf32>,
      %add3A_30 = arith.constant 16 : i32
      %add3A_31 = vector.broadcast %add3A_30 : i32 to vector<16xi32>
      %add3A_32 = arith.addi %iota3A, %add3A_31 : vector<16xi32>
      %gather3A_33 = tpu.vector_load_idx %arg7[%gather3A, %add3A_32] : memref<520x64xf32, #tpu.memory_space<vmem>>[vector<16xi32>, vector<16xi32>], vector<16xf32>,
      %get3A_34 = arith.index_cast %add3A_21 : i32 to index
      %get3A_35 = arith.constant 16 : index
      %get3A_36 = tpu.vector_load %arg5[%get3A_34, %get3A_35] {strides = array<i32>} : memref<320x64xf32, #tpu.memory_space<vmem>>, vector<16xf32>,
      %max3A_37 = arith.maximumf %gather3A_33, %get3A_36 : vector<16xf32>
      tpu.vector_store_idx %arg7[%gather3A, %add3A_32], %max3A_37 : memref<520x64xf32, #tpu.memory_space<vmem>>[vector<16xi32>, vector<16xi32>], vector<16xf32>,
      %add3A_38 = arith.constant 32 : i32
      %add3A_39 = vector.broadcast %add3A_38 : i32 to vector<16xi32>
      %add3A_40 = arith.addi %iota3A, %add3A_39 : vector<16xi32>
      %gather3A_41 = tpu.vector_load_idx %arg7[%gather3A, %add3A_40] : memref<520x64xf32, #tpu.memory_space<vmem>>[vector<16xi32>, vector<16xi32>], vector<16xf32>,
      %get3A_42 = arith.index_cast %add3A_21 : i32 to index
      %get3A_43 = arith.constant 32 : index
      %get3A_44 = tpu.vector_load %arg5[%get3A_42, %get3A_43] {strides = array<i32>} : memref<320x64xf32, #tpu.memory_space<vmem>>, vector<16xf32>,
      %max3A_45 = arith.maximumf %gather3A_41, %get3A_44 : vector<16xf32>
      tpu.vector_store_idx %arg7[%gather3A, %add3A_40], %max3A_45 : memref<520x64xf32, #tpu.memory_space<vmem>>[vector<16xi32>, vector<16xi32>], vector<16xf32>,
      %add3A_46 = arith.constant 48 : i32
      %add3A_47 = vector.broadcast %add3A_46 : i32 to vector<16xi32>
      %add3A_48 = arith.addi %iota3A, %add3A_47 : vector<16xi32>
      %gather3A_49 = tpu.vector_load_idx %arg7[%gather3A, %add3A_48] : memref<520x64xf32, #tpu.memory_space<vmem>>[vector<16xi32>, vector<16xi32>], vector<16xf32>,
      %get3A_50 = arith.index_cast %add3A_21 : i32 to index
      %get3A_51 = arith.constant 48 : index
      %get3A_52 = tpu.vector_load %arg5[%get3A_50, %get3A_51] {strides = array<i32>} : memref<320x64xf32, #tpu.memory_space<vmem>>, vector<16xf32>,
      %max3A_53 = arith.maximumf %gather3A_49, %get3A_52 : vector<16xf32>
      tpu.vector_store_idx %arg7[%gather3A, %add3A_48], %max3A_53 : memref<520x64xf32, #tpu.memory_space<vmem>>[vector<16xi32>, vector<16xi32>], vector<16xf32>,
    }
    %scan3A_16 = arith.constant 320 : i32
    "tpu.region"() ({
      %run_scoped3A = tpu.sem_alloc : memref<!tpu.dma_semaphore, #tpu.memory_space<semaphore_mem>>
      %dma_start3A = arith.constant 0 : i32
      %dma_start3A_17 = arith.constant 0 : i32
      %dma_start3A_18 = tpu.memref_slice %arg4[%add3A, %dma_start3A, %dma_start3A_17] : memref<32x520x64xf32, #tpu.memory_space<hbm>> -> memref<1x520x64xf32, #tpu.memory_space<hbm>>
      %dma_start3A_19 = tpu.memref_squeeze %dma_start3A_18 : memref<1x520x64xf32, #tpu.memory_space<hbm>> -> memref<520x64xf32, #tpu.memory_space<hbm>>
      %dma_start3A_20 = arith.constant 0 : i32
      %dma_start3A_21 = arith.constant 0 : i32
      %dma_start3A_22 = tpu.memref_slice %arg4[%add3A, %dma_start3A_20, %dma_start3A_21] : memref<32x520x64xf32, #tpu.memory_space<hbm>> -> memref<1x520x64xf32, #tpu.memory_space<hbm>>
      %dma_start3A_23 = tpu.memref_squeeze %dma_start3A_22 : memref<1x520x64xf32, #tpu.memory_space<hbm>> -> memref<520x64xf32, #tpu.memory_space<hbm>>
      tpu.enqueue_dma source(%arg7 : memref<520x64xf32, #tpu.memory_space<vmem>>) target(%dma_start3A_23 : memref<520x64xf32, #tpu.memory_space<hbm>>) target_semaphore(%run_scoped3A : memref<!tpu.dma_semaphore, #tpu.memory_space<semaphore_mem>>)
      %dma_wait3A = arith.constant 0 : i32
      %dma_wait3A_24 = arith.constant 0 : i32
      %dma_wait3A_25 = tpu.memref_slice %arg4[%add3A, %dma_wait3A, %dma_wait3A_24] : memref<32x520x64xf32, #tpu.memory_space<hbm>> -> memref<1x520x64xf32, #tpu.memory_space<hbm>>
      %dma_wait3A_26 = tpu.memref_squeeze %dma_wait3A_25 : memref<1x520x64xf32, #tpu.memory_space<hbm>> -> memref<520x64xf32, #tpu.memory_space<hbm>>
      %dma_wait3A_27 = arith.constant 0 : i32
      %dma_wait3A_28 = arith.constant 0 : i32
      %dma_wait3A_29 = tpu.memref_slice %arg4[%add3A, %dma_wait3A_27, %dma_wait3A_28] : memref<32x520x64xf32, #tpu.memory_space<hbm>> -> memref<1x520x64xf32, #tpu.memory_space<hbm>>
      %dma_wait3A_30 = tpu.memref_squeeze %dma_wait3A_29 : memref<1x520x64xf32, #tpu.memory_space<hbm>> -> memref<520x64xf32, #tpu.memory_space<hbm>>
      tpu.wait_dma2 semaphore(%run_scoped3A : memref<!tpu.dma_semaphore, #tpu.memory_space<semaphore_mem>>) src(%arg7 : memref<520x64xf32, #tpu.memory_space<vmem>>) dst(%dma_wait3A_30 : memref<520x64xf32, #tpu.memory_space<hbm>>)
      tpu.yield
    }) : () -> ()
    return
  }
}

#map = affine_map<(d0, d1) -> (0, 0)>
#map1 = affine_map<(d0, d1) -> (0)>
#map2 = affine_map<(d0, d1) -> (0, 0, 0)>
module attributes {stable_mosaic.version = 14 : i64} {
  func.func @body(%arg0: i32, %arg1: i32, %arg2: memref<250000x64xf32, #tpu.memory_space<hbm>>, %arg3: memref<655360xi32, #tpu.memory_space<hbm>>, %arg4: memref<655360xf32, #tpu.memory_space<hbm>>, %arg5: memref<1280x128xi32, #tpu.memory_space<hbm>>, %arg6: memref<2x10240x64xf32, #tpu.memory_space<hbm>>, %arg7: memref<512xi32, #tpu.memory_space<vmem>>, %arg8: memref<512xf32, #tpu.memory_space<vmem>>, %arg9: memref<1x128xi32, #tpu.memory_space<vmem>>, %arg10: memref<512x64xf32, #tpu.memory_space<vmem>>, %arg11: memref<128x64xf32, #tpu.memory_space<vmem>>, %arg12: memref<128x64xf32, #tpu.memory_space<vmem>>, %arg13: memref<10240x64xf32, #tpu.memory_space<vmem_shared>>) attributes {dimension_semantics = [#tpu.dimension_semantics<core_parallel>, #tpu.dimension_semantics<subcore_parallel>], iteration_bounds = array<i64: 2, 16>, scalar_prefetch = 0 : i64, scratch_operands = 7 : i64, tpu.core_type = #tpu.core_type<sc_vector_subcore>, window_params = [{transform_indices = #map}, {transform_indices = #map1}, {transform_indices = #map1}, {transform_indices = #map}, {transform_indices = #map2}]} {
    %mul3A = arith.constant 2 : i32
    %mul3A_0 = arith.muli %arg1, %mul3A : i32
    %add3A = arith.addi %mul3A_0, %arg0 : i32
    %broadcast_in_dim3A = arith.constant 0.000000e+00 : f32
    %broadcast_in_dim3A_1 = vector.broadcast %broadcast_in_dim3A : f32 to vector<16xf32>
    %scan3A = arith.constant 0 : i32
    %scan3A_2 = arith.constant 128 : i32
    %scan3A_3 = arith.addi %scan3A, %scan3A_2 : i32
    %scan3A_4 = arith.constant 1 : i32
    scf.for %scan3A_24 = %scan3A to %scan3A_3 step %scan3A_4  : i32 {
      %mul3A_25 = arith.constant 1 : i32
      %mul3A_26 = arith.muli %scan3A_24, %mul3A_25 : i32
      %add3A_27 = arith.constant 0 : i32
      %add3A_28 = arith.addi %add3A_27, %mul3A_26 : i32
      %swap3A = arith.index_cast %add3A_28 : i32 to index
      %swap3A_29 = arith.constant 0 : index
      %swap3A_30 = tpu.vector_load %arg12[%swap3A, %swap3A_29] {strides = array<i32>} : memref<128x64xf32, #tpu.memory_space<vmem>>, vector<16xf32>,
      tpu.vector_store %arg12[%swap3A, %swap3A_29], %broadcast_in_dim3A_1 {strides = array<i32>} : memref<128x64xf32, #tpu.memory_space<vmem>>, vector<16xf32>,
      %swap3A_31 = arith.index_cast %add3A_28 : i32 to index
      %swap3A_32 = arith.constant 16 : index
      %swap3A_33 = tpu.vector_load %arg12[%swap3A_31, %swap3A_32] {strides = array<i32>} : memref<128x64xf32, #tpu.memory_space<vmem>>, vector<16xf32>,
      tpu.vector_store %arg12[%swap3A_31, %swap3A_32], %broadcast_in_dim3A_1 {strides = array<i32>} : memref<128x64xf32, #tpu.memory_space<vmem>>, vector<16xf32>,
      %swap3A_34 = arith.index_cast %add3A_28 : i32 to index
      %swap3A_35 = arith.constant 32 : index
      %swap3A_36 = tpu.vector_load %arg12[%swap3A_34, %swap3A_35] {strides = array<i32>} : memref<128x64xf32, #tpu.memory_space<vmem>>, vector<16xf32>,
      tpu.vector_store %arg12[%swap3A_34, %swap3A_35], %broadcast_in_dim3A_1 {strides = array<i32>} : memref<128x64xf32, #tpu.memory_space<vmem>>, vector<16xf32>,
      %swap3A_37 = arith.index_cast %add3A_28 : i32 to index
      %swap3A_38 = arith.constant 48 : index
      %swap3A_39 = tpu.vector_load %arg12[%swap3A_37, %swap3A_38] {strides = array<i32>} : memref<128x64xf32, #tpu.memory_space<vmem>>, vector<16xf32>,
      tpu.vector_store %arg12[%swap3A_37, %swap3A_38], %broadcast_in_dim3A_1 {strides = array<i32>} : memref<128x64xf32, #tpu.memory_space<vmem>>, vector<16xf32>,
    }
    %scan3A_5 = arith.constant 128 : i32
    %mul3A_6 = arith.constant 640 : i32
    %mul3A_7 = arith.muli %arg1, %mul3A_6 : i32
    %add3A_8 = arith.constant 0 : i32
    %add3A_9 = arith.addi %mul3A_7, %add3A_8 : i32
    "tpu.region"() ({
      %run_scoped3A = tpu.sem_alloc : memref<!tpu.dma_semaphore, #tpu.memory_space<semaphore_mem>>
      %dma_start3A = arith.constant 0 : i32
      %dma_start3A_24 = arith.constant 0 : i32
      %dma_start3A_25 = tpu.memref_slice %arg12[%dma_start3A, %dma_start3A_24] : memref<128x64xf32, #tpu.memory_space<vmem>> -> memref<128x64xf32, #tpu.memory_space<vmem>>
      %dma_start3A_26 = arith.constant 0 : i32
      %dma_start3A_27 = tpu.memref_slice %arg13[%add3A_9, %dma_start3A_26] : memref<10240x64xf32, #tpu.memory_space<vmem_shared>> -> memref<128x64xf32, #tpu.memory_space<vmem_shared>>
      %dma_start3A_28 = arith.constant 0 : i32
      %dma_start3A_29 = tpu.memref_slice %arg13[%add3A_9, %dma_start3A_28] : memref<10240x64xf32, #tpu.memory_space<vmem_shared>> -> memref<128x64xf32, #tpu.memory_space<vmem_shared>>
      %dma_start3A_30 = arith.constant 0 : i32
      %dma_start3A_31 = arith.constant 0 : i32
      %dma_start3A_32 = tpu.memref_slice %arg12[%dma_start3A_30, %dma_start3A_31] : memref<128x64xf32, #tpu.memory_space<vmem>> -> memref<128x64xf32, #tpu.memory_space<vmem>>
      tpu.enqueue_dma source(%dma_start3A_32 : memref<128x64xf32, #tpu.memory_space<vmem>>) target(%dma_start3A_29 : memref<128x64xf32, #tpu.memory_space<vmem_shared>>) target_semaphore(%run_scoped3A : memref<!tpu.dma_semaphore, #tpu.memory_space<semaphore_mem>>)
      %dma_wait3A = arith.constant 0 : i32
      %dma_wait3A_33 = arith.constant 0 : i32
      %dma_wait3A_34 = tpu.memref_slice %arg12[%dma_wait3A, %dma_wait3A_33] : memref<128x64xf32, #tpu.memory_space<vmem>> -> memref<128x64xf32, #tpu.memory_space<vmem>>
      %dma_wait3A_35 = arith.constant 0 : i32
      %dma_wait3A_36 = tpu.memref_slice %arg13[%add3A_9, %dma_wait3A_35] : memref<10240x64xf32, #tpu.memory_space<vmem_shared>> -> memref<128x64xf32, #tpu.memory_space<vmem_shared>>
      %dma_wait3A_37 = arith.constant 0 : i32
      %dma_wait3A_38 = tpu.memref_slice %arg13[%add3A_9, %dma_wait3A_37] : memref<10240x64xf32, #tpu.memory_space<vmem_shared>> -> memref<128x64xf32, #tpu.memory_space<vmem_shared>>
      %dma_wait3A_39 = arith.constant 0 : i32
      %dma_wait3A_40 = arith.constant 0 : i32
      %dma_wait3A_41 = tpu.memref_slice %arg12[%dma_wait3A_39, %dma_wait3A_40] : memref<128x64xf32, #tpu.memory_space<vmem>> -> memref<128x64xf32, #tpu.memory_space<vmem>>
      tpu.wait_dma2 semaphore(%run_scoped3A : memref<!tpu.dma_semaphore, #tpu.memory_space<semaphore_mem>>) src(%dma_wait3A_41 : memref<128x64xf32, #tpu.memory_space<vmem>>) dst(%dma_wait3A_38 : memref<128x64xf32, #tpu.memory_space<vmem_shared>>)
      tpu.yield
    }) : () -> ()
    %add3A_10 = arith.constant 128 : i32
    %add3A_11 = arith.addi %mul3A_7, %add3A_10 : i32
    "tpu.region"() ({
      %run_scoped3A = tpu.sem_alloc : memref<!tpu.dma_semaphore, #tpu.memory_space<semaphore_mem>>
      %dma_start3A = arith.constant 0 : i32
      %dma_start3A_24 = arith.constant 0 : i32
      %dma_start3A_25 = tpu.memref_slice %arg12[%dma_start3A, %dma_start3A_24] : memref<128x64xf32, #tpu.memory_space<vmem>> -> memref<128x64xf32, #tpu.memory_space<vmem>>
      %dma_start3A_26 = arith.constant 0 : i32
      %dma_start3A_27 = tpu.memref_slice %arg13[%add3A_11, %dma_start3A_26] : memref<10240x64xf32, #tpu.memory_space<vmem_shared>> -> memref<128x64xf32, #tpu.memory_space<vmem_shared>>
      %dma_start3A_28 = arith.constant 0 : i32
      %dma_start3A_29 = tpu.memref_slice %arg13[%add3A_11, %dma_start3A_28] : memref<10240x64xf32, #tpu.memory_space<vmem_shared>> -> memref<128x64xf32, #tpu.memory_space<vmem_shared>>
      %dma_start3A_30 = arith.constant 0 : i32
      %dma_start3A_31 = arith.constant 0 : i32
      %dma_start3A_32 = tpu.memref_slice %arg12[%dma_start3A_30, %dma_start3A_31] : memref<128x64xf32, #tpu.memory_space<vmem>> -> memref<128x64xf32, #tpu.memory_space<vmem>>
      tpu.enqueue_dma source(%dma_start3A_32 : memref<128x64xf32, #tpu.memory_space<vmem>>) target(%dma_start3A_29 : memref<128x64xf32, #tpu.memory_space<vmem_shared>>) target_semaphore(%run_scoped3A : memref<!tpu.dma_semaphore, #tpu.memory_space<semaphore_mem>>)
      %dma_wait3A = arith.constant 0 : i32
      %dma_wait3A_33 = arith.constant 0 : i32
      %dma_wait3A_34 = tpu.memref_slice %arg12[%dma_wait3A, %dma_wait3A_33] : memref<128x64xf32, #tpu.memory_space<vmem>> -> memref<128x64xf32, #tpu.memory_space<vmem>>
      %dma_wait3A_35 = arith.constant 0 : i32
      %dma_wait3A_36 = tpu.memref_slice %arg13[%add3A_11, %dma_wait3A_35] : memref<10240x64xf32, #tpu.memory_space<vmem_shared>> -> memref<128x64xf32, #tpu.memory_space<vmem_shared>>
      %dma_wait3A_37 = arith.constant 0 : i32
      %dma_wait3A_38 = tpu.memref_slice %arg13[%add3A_11, %dma_wait3A_37] : memref<10240x64xf32, #tpu.memory_space<vmem_shared>> -> memref<128x64xf32, #tpu.memory_space<vmem_shared>>
      %dma_wait3A_39 = arith.constant 0 : i32
      %dma_wait3A_40 = arith.constant 0 : i32
      %dma_wait3A_41 = tpu.memref_slice %arg12[%dma_wait3A_39, %dma_wait3A_40] : memref<128x64xf32, #tpu.memory_space<vmem>> -> memref<128x64xf32, #tpu.memory_space<vmem>>
      tpu.wait_dma2 semaphore(%run_scoped3A : memref<!tpu.dma_semaphore, #tpu.memory_space<semaphore_mem>>) src(%dma_wait3A_41 : memref<128x64xf32, #tpu.memory_space<vmem>>) dst(%dma_wait3A_38 : memref<128x64xf32, #tpu.memory_space<vmem_shared>>)
      tpu.yield
    }) : () -> ()
    %add3A_12 = arith.constant 256 : i32
    %add3A_13 = arith.addi %mul3A_7, %add3A_12 : i32
    "tpu.region"() ({
      %run_scoped3A = tpu.sem_alloc : memref<!tpu.dma_semaphore, #tpu.memory_space<semaphore_mem>>
      %dma_start3A = arith.constant 0 : i32
      %dma_start3A_24 = arith.constant 0 : i32
      %dma_start3A_25 = tpu.memref_slice %arg12[%dma_start3A, %dma_start3A_24] : memref<128x64xf32, #tpu.memory_space<vmem>> -> memref<128x64xf32, #tpu.memory_space<vmem>>
      %dma_start3A_26 = arith.constant 0 : i32
      %dma_start3A_27 = tpu.memref_slice %arg13[%add3A_13, %dma_start3A_26] : memref<10240x64xf32, #tpu.memory_space<vmem_shared>> -> memref<128x64xf32, #tpu.memory_space<vmem_shared>>
      %dma_start3A_28 = arith.constant 0 : i32
      %dma_start3A_29 = tpu.memref_slice %arg13[%add3A_13, %dma_start3A_28] : memref<10240x64xf32, #tpu.memory_space<vmem_shared>> -> memref<128x64xf32, #tpu.memory_space<vmem_shared>>
      %dma_start3A_30 = arith.constant 0 : i32
      %dma_start3A_31 = arith.constant 0 : i32
      %dma_start3A_32 = tpu.memref_slice %arg12[%dma_start3A_30, %dma_start3A_31] : memref<128x64xf32, #tpu.memory_space<vmem>> -> memref<128x64xf32, #tpu.memory_space<vmem>>
      tpu.enqueue_dma source(%dma_start3A_32 : memref<128x64xf32, #tpu.memory_space<vmem>>) target(%dma_start3A_29 : memref<128x64xf32, #tpu.memory_space<vmem_shared>>) target_semaphore(%run_scoped3A : memref<!tpu.dma_semaphore, #tpu.memory_space<semaphore_mem>>)
      %dma_wait3A = arith.constant 0 : i32
      %dma_wait3A_33 = arith.constant 0 : i32
      %dma_wait3A_34 = tpu.memref_slice %arg12[%dma_wait3A, %dma_wait3A_33] : memref<128x64xf32, #tpu.memory_space<vmem>> -> memref<128x64xf32, #tpu.memory_space<vmem>>
      %dma_wait3A_35 = arith.constant 0 : i32
      %dma_wait3A_36 = tpu.memref_slice %arg13[%add3A_13, %dma_wait3A_35] : memref<10240x64xf32, #tpu.memory_space<vmem_shared>> -> memref<128x64xf32, #tpu.memory_space<vmem_shared>>
      %dma_wait3A_37 = arith.constant 0 : i32
      %dma_wait3A_38 = tpu.memref_slice %arg13[%add3A_13, %dma_wait3A_37] : memref<10240x64xf32, #tpu.memory_space<vmem_shared>> -> memref<128x64xf32, #tpu.memory_space<vmem_shared>>
      %dma_wait3A_39 = arith.constant 0 : i32
      %dma_wait3A_40 = arith.constant 0 : i32
      %dma_wait3A_41 = tpu.memref_slice %arg12[%dma_wait3A_39, %dma_wait3A_40] : memref<128x64xf32, #tpu.memory_space<vmem>> -> memref<128x64xf32, #tpu.memory_space<vmem>>
      tpu.wait_dma2 semaphore(%run_scoped3A : memref<!tpu.dma_semaphore, #tpu.memory_space<semaphore_mem>>) src(%dma_wait3A_41 : memref<128x64xf32, #tpu.memory_space<vmem>>) dst(%dma_wait3A_38 : memref<128x64xf32, #tpu.memory_space<vmem_shared>>)
      tpu.yield
    }) : () -> ()
    %add3A_14 = arith.constant 384 : i32
    %add3A_15 = arith.addi %mul3A_7, %add3A_14 : i32
    "tpu.region"() ({
      %run_scoped3A = tpu.sem_alloc : memref<!tpu.dma_semaphore, #tpu.memory_space<semaphore_mem>>
      %dma_start3A = arith.constant 0 : i32
      %dma_start3A_24 = arith.constant 0 : i32
      %dma_start3A_25 = tpu.memref_slice %arg12[%dma_start3A, %dma_start3A_24] : memref<128x64xf32, #tpu.memory_space<vmem>> -> memref<128x64xf32, #tpu.memory_space<vmem>>
      %dma_start3A_26 = arith.constant 0 : i32
      %dma_start3A_27 = tpu.memref_slice %arg13[%add3A_15, %dma_start3A_26] : memref<10240x64xf32, #tpu.memory_space<vmem_shared>> -> memref<128x64xf32, #tpu.memory_space<vmem_shared>>
      %dma_start3A_28 = arith.constant 0 : i32
      %dma_start3A_29 = tpu.memref_slice %arg13[%add3A_15, %dma_start3A_28] : memref<10240x64xf32, #tpu.memory_space<vmem_shared>> -> memref<128x64xf32, #tpu.memory_space<vmem_shared>>
      %dma_start3A_30 = arith.constant 0 : i32
      %dma_start3A_31 = arith.constant 0 : i32
      %dma_start3A_32 = tpu.memref_slice %arg12[%dma_start3A_30, %dma_start3A_31] : memref<128x64xf32, #tpu.memory_space<vmem>> -> memref<128x64xf32, #tpu.memory_space<vmem>>
      tpu.enqueue_dma source(%dma_start3A_32 : memref<128x64xf32, #tpu.memory_space<vmem>>) target(%dma_start3A_29 : memref<128x64xf32, #tpu.memory_space<vmem_shared>>) target_semaphore(%run_scoped3A : memref<!tpu.dma_semaphore, #tpu.memory_space<semaphore_mem>>)
      %dma_wait3A = arith.constant 0 : i32
      %dma_wait3A_33 = arith.constant 0 : i32
      %dma_wait3A_34 = tpu.memref_slice %arg12[%dma_wait3A, %dma_wait3A_33] : memref<128x64xf32, #tpu.memory_space<vmem>> -> memref<128x64xf32, #tpu.memory_space<vmem>>
      %dma_wait3A_35 = arith.constant 0 : i32
      %dma_wait3A_36 = tpu.memref_slice %arg13[%add3A_15, %dma_wait3A_35] : memref<10240x64xf32, #tpu.memory_space<vmem_shared>> -> memref<128x64xf32, #tpu.memory_space<vmem_shared>>
      %dma_wait3A_37 = arith.constant 0 : i32
      %dma_wait3A_38 = tpu.memref_slice %arg13[%add3A_15, %dma_wait3A_37] : memref<10240x64xf32, #tpu.memory_space<vmem_shared>> -> memref<128x64xf32, #tpu.memory_space<vmem_shared>>
      %dma_wait3A_39 = arith.constant 0 : i32
      %dma_wait3A_40 = arith.constant 0 : i32
      %dma_wait3A_41 = tpu.memref_slice %arg12[%dma_wait3A_39, %dma_wait3A_40] : memref<128x64xf32, #tpu.memory_space<vmem>> -> memref<128x64xf32, #tpu.memory_space<vmem>>
      tpu.wait_dma2 semaphore(%run_scoped3A : memref<!tpu.dma_semaphore, #tpu.memory_space<semaphore_mem>>) src(%dma_wait3A_41 : memref<128x64xf32, #tpu.memory_space<vmem>>) dst(%dma_wait3A_38 : memref<128x64xf32, #tpu.memory_space<vmem_shared>>)
      tpu.yield
    }) : () -> ()
    %add3A_16 = arith.constant 512 : i32
    %add3A_17 = arith.addi %mul3A_7, %add3A_16 : i32
    "tpu.region"() ({
      %run_scoped3A = tpu.sem_alloc : memref<!tpu.dma_semaphore, #tpu.memory_space<semaphore_mem>>
      %dma_start3A = arith.constant 0 : i32
      %dma_start3A_24 = arith.constant 0 : i32
      %dma_start3A_25 = tpu.memref_slice %arg12[%dma_start3A, %dma_start3A_24] : memref<128x64xf32, #tpu.memory_space<vmem>> -> memref<128x64xf32, #tpu.memory_space<vmem>>
      %dma_start3A_26 = arith.constant 0 : i32
      %dma_start3A_27 = tpu.memref_slice %arg13[%add3A_17, %dma_start3A_26] : memref<10240x64xf32, #tpu.memory_space<vmem_shared>> -> memref<128x64xf32, #tpu.memory_space<vmem_shared>>
      %dma_start3A_28 = arith.constant 0 : i32
      %dma_start3A_29 = tpu.memref_slice %arg13[%add3A_17, %dma_start3A_28] : memref<10240x64xf32, #tpu.memory_space<vmem_shared>> -> memref<128x64xf32, #tpu.memory_space<vmem_shared>>
      %dma_start3A_30 = arith.constant 0 : i32
      %dma_start3A_31 = arith.constant 0 : i32
      %dma_start3A_32 = tpu.memref_slice %arg12[%dma_start3A_30, %dma_start3A_31] : memref<128x64xf32, #tpu.memory_space<vmem>> -> memref<128x64xf32, #tpu.memory_space<vmem>>
      tpu.enqueue_dma source(%dma_start3A_32 : memref<128x64xf32, #tpu.memory_space<vmem>>) target(%dma_start3A_29 : memref<128x64xf32, #tpu.memory_space<vmem_shared>>) target_semaphore(%run_scoped3A : memref<!tpu.dma_semaphore, #tpu.memory_space<semaphore_mem>>)
      %dma_wait3A = arith.constant 0 : i32
      %dma_wait3A_33 = arith.constant 0 : i32
      %dma_wait3A_34 = tpu.memref_slice %arg12[%dma_wait3A, %dma_wait3A_33] : memref<128x64xf32, #tpu.memory_space<vmem>> -> memref<128x64xf32, #tpu.memory_space<vmem>>
      %dma_wait3A_35 = arith.constant 0 : i32
      %dma_wait3A_36 = tpu.memref_slice %arg13[%add3A_17, %dma_wait3A_35] : memref<10240x64xf32, #tpu.memory_space<vmem_shared>> -> memref<128x64xf32, #tpu.memory_space<vmem_shared>>
      %dma_wait3A_37 = arith.constant 0 : i32
      %dma_wait3A_38 = tpu.memref_slice %arg13[%add3A_17, %dma_wait3A_37] : memref<10240x64xf32, #tpu.memory_space<vmem_shared>> -> memref<128x64xf32, #tpu.memory_space<vmem_shared>>
      %dma_wait3A_39 = arith.constant 0 : i32
      %dma_wait3A_40 = arith.constant 0 : i32
      %dma_wait3A_41 = tpu.memref_slice %arg12[%dma_wait3A_39, %dma_wait3A_40] : memref<128x64xf32, #tpu.memory_space<vmem>> -> memref<128x64xf32, #tpu.memory_space<vmem>>
      tpu.wait_dma2 semaphore(%run_scoped3A : memref<!tpu.dma_semaphore, #tpu.memory_space<semaphore_mem>>) src(%dma_wait3A_41 : memref<128x64xf32, #tpu.memory_space<vmem>>) dst(%dma_wait3A_38 : memref<128x64xf32, #tpu.memory_space<vmem_shared>>)
      tpu.yield
    }) : () -> ()
    %barrier3A = arith.constant 0 : index
    tpu.barrier barrier_id(%barrier3A)
    %scan3A_18 = arith.constant 0 : i32
    %scan3A_19 = arith.constant 40 : i32
    %scan3A_20 = arith.addi %scan3A_18, %scan3A_19 : i32
    %scan3A_21 = arith.constant 1 : i32
    scf.for %scan3A_24 = %scan3A_18 to %scan3A_20 step %scan3A_21  : i32 {
      %mul3A_25 = arith.constant 1 : i32
      %mul3A_26 = arith.muli %scan3A_24, %mul3A_25 : i32
      %add3A_27 = arith.constant 0 : i32
      %add3A_28 = arith.addi %add3A_27, %mul3A_26 : i32
      %mul3A_29 = arith.constant 5120 : i32
      %mul3A_30 = arith.muli %add3A, %mul3A_29 : i32
      %mul3A_31 = arith.constant 128 : i32
      %mul3A_32 = arith.muli %add3A_28, %mul3A_31 : i32
      %add3A_33 = arith.addi %mul3A_30, %mul3A_32 : i32
      %mul3A_34 = arith.constant 4 : i32
      %mul3A_35 = arith.muli %add3A_33, %mul3A_34 : i32
      "tpu.region"() ({
        %run_scoped3A_44 = tpu.sem_alloc : memref<!tpu.dma_semaphore, #tpu.memory_space<semaphore_mem>>
        %dma_start3A = tpu.memref_slice %arg3[%mul3A_35] : memref<655360xi32, #tpu.memory_space<hbm>> -> memref<512xi32, #tpu.memory_space<hbm>>
        %dma_start3A_45 = tpu.memref_slice %arg3[%mul3A_35] : memref<655360xi32, #tpu.memory_space<hbm>> -> memref<512xi32, #tpu.memory_space<hbm>>
        tpu.enqueue_dma source(%dma_start3A_45 : memref<512xi32, #tpu.memory_space<hbm>>) target(%arg7 : memref<512xi32, #tpu.memory_space<vmem>>) target_semaphore(%run_scoped3A_44 : memref<!tpu.dma_semaphore, #tpu.memory_space<semaphore_mem>>)
        %dma_wait3A = tpu.memref_slice %arg3[%mul3A_35] : memref<655360xi32, #tpu.memory_space<hbm>> -> memref<512xi32, #tpu.memory_space<hbm>>
        %dma_wait3A_46 = tpu.memref_slice %arg3[%mul3A_35] : memref<655360xi32, #tpu.memory_space<hbm>> -> memref<512xi32, #tpu.memory_space<hbm>>
        tpu.wait_dma2 semaphore(%run_scoped3A_44 : memref<!tpu.dma_semaphore, #tpu.memory_space<semaphore_mem>>) src(%dma_wait3A_46 : memref<512xi32, #tpu.memory_space<hbm>>) dst(%arg7 : memref<512xi32, #tpu.memory_space<vmem>>)
        tpu.yield
      }) : () -> ()
      "tpu.region"() ({
        %run_scoped3A_44 = tpu.sem_alloc : memref<!tpu.dma_semaphore, #tpu.memory_space<semaphore_mem>>
        %dma_start3A = tpu.memref_slice %arg4[%mul3A_35] : memref<655360xf32, #tpu.memory_space<hbm>> -> memref<512xf32, #tpu.memory_space<hbm>>
        %dma_start3A_45 = tpu.memref_slice %arg4[%mul3A_35] : memref<655360xf32, #tpu.memory_space<hbm>> -> memref<512xf32, #tpu.memory_space<hbm>>
        tpu.enqueue_dma source(%dma_start3A_45 : memref<512xf32, #tpu.memory_space<hbm>>) target(%arg8 : memref<512xf32, #tpu.memory_space<vmem>>) target_semaphore(%run_scoped3A_44 : memref<!tpu.dma_semaphore, #tpu.memory_space<semaphore_mem>>)
        %dma_wait3A = tpu.memref_slice %arg4[%mul3A_35] : memref<655360xf32, #tpu.memory_space<hbm>> -> memref<512xf32, #tpu.memory_space<hbm>>
        %dma_wait3A_46 = tpu.memref_slice %arg4[%mul3A_35] : memref<655360xf32, #tpu.memory_space<hbm>> -> memref<512xf32, #tpu.memory_space<hbm>>
        tpu.wait_dma2 semaphore(%run_scoped3A_44 : memref<!tpu.dma_semaphore, #tpu.memory_space<semaphore_mem>>) src(%dma_wait3A_46 : memref<512xf32, #tpu.memory_space<hbm>>) dst(%arg8 : memref<512xf32, #tpu.memory_space<vmem>>)
        tpu.yield
      }) : () -> ()
      %mul3A_36 = arith.constant 40 : i32
      %mul3A_37 = arith.muli %add3A, %mul3A_36 : i32
      %add3A_38 = arith.addi %mul3A_37, %add3A_28 : i32
      "tpu.region"() ({
        %run_scoped3A_44 = tpu.sem_alloc : memref<!tpu.dma_semaphore, #tpu.memory_space<semaphore_mem>>
        %dma_start3A = arith.constant 0 : i32
        %dma_start3A_45 = tpu.memref_slice %arg5[%add3A_38, %dma_start3A] : memref<1280x128xi32, #tpu.memory_space<hbm>> -> memref<1x128xi32, #tpu.memory_space<hbm>>
        %dma_start3A_46 = arith.constant 0 : i32
        %dma_start3A_47 = tpu.memref_slice %arg5[%add3A_38, %dma_start3A_46] : memref<1280x128xi32, #tpu.memory_space<hbm>> -> memref<1x128xi32, #tpu.memory_space<hbm>>
        tpu.enqueue_dma source(%dma_start3A_47 : memref<1x128xi32, #tpu.memory_space<hbm>>) target(%arg9 : memref<1x128xi32, #tpu.memory_space<vmem>>) target_semaphore(%run_scoped3A_44 : memref<!tpu.dma_semaphore, #tpu.memory_space<semaphore_mem>>)
        %dma_wait3A = arith.constant 0 : i32
        %dma_wait3A_48 = tpu.memref_slice %arg5[%add3A_38, %dma_wait3A] : memref<1280x128xi32, #tpu.memory_space<hbm>> -> memref<1x128xi32, #tpu.memory_space<hbm>>
        %dma_wait3A_49 = arith.constant 0 : i32
        %dma_wait3A_50 = tpu.memref_slice %arg5[%add3A_38, %dma_wait3A_49] : memref<1280x128xi32, #tpu.memory_space<hbm>> -> memref<1x128xi32, #tpu.memory_space<hbm>>
        tpu.wait_dma2 semaphore(%run_scoped3A_44 : memref<!tpu.dma_semaphore, #tpu.memory_space<semaphore_mem>>) src(%dma_wait3A_50 : memref<1x128xi32, #tpu.memory_space<hbm>>) dst(%arg9 : memref<1x128xi32, #tpu.memory_space<vmem>>)
        tpu.yield
      }) : () -> ()
      "tpu.region"() ({
        %run_scoped3A_44 = tpu.sem_alloc : memref<!tpu.dma_semaphore, #tpu.memory_space<semaphore_mem>>
        %dma_start3A = arith.constant 0 : i32
        %dma_start3A_45 = arith.constant 0 : i32
        %dma_start3A_46 = tpu.memref_slice %arg10[%dma_start3A, %dma_start3A_45] : memref<512x64xf32, #tpu.memory_space<vmem>> -> memref<128x64xf32, #tpu.memory_space<vmem>>
        %dma_start3A_47 = arith.constant 0 : i32
        %dma_start3A_48 = tpu.memref_slice %arg7[%dma_start3A_47] : memref<512xi32, #tpu.memory_space<vmem>> -> memref<128xi32, #tpu.memory_space<vmem>>
        %dma_start3A_49 = arith.constant 0 : i32
        %dma_start3A_50 = arith.constant 0 : i32
        %dma_start3A_51 = tpu.memref_slice %arg2[%dma_start3A_49, %dma_start3A_50] : memref<250000x64xf32, #tpu.memory_space<hbm>> -> memref<250000x64xf32, #tpu.memory_space<hbm>>
        tpu.enqueue_indirect_dma source(%dma_start3A_51 : memref<250000x64xf32, #tpu.memory_space<hbm>>) target(%dma_start3A_46 : memref<128x64xf32, #tpu.memory_space<vmem>>) offsets(%dma_start3A_48 : memref<128xi32, #tpu.memory_space<vmem>>) semaphore(%run_scoped3A_44 : memref<!tpu.dma_semaphore, #tpu.memory_space<semaphore_mem>>)
        %dma_wait3A = arith.constant 0 : i32
        %dma_wait3A_52 = arith.constant 0 : i32
        %dma_wait3A_53 = tpu.memref_slice %arg10[%dma_wait3A, %dma_wait3A_52] : memref<512x64xf32, #tpu.memory_space<vmem>> -> memref<128x64xf32, #tpu.memory_space<vmem>>
        %dma_wait3A_54 = arith.constant 0 : i32
        %dma_wait3A_55 = tpu.memref_slice %arg7[%dma_wait3A_54] : memref<512xi32, #tpu.memory_space<vmem>> -> memref<128xi32, #tpu.memory_space<vmem>>
        %dma_wait3A_56 = arith.constant 0 : i32
        %dma_wait3A_57 = arith.constant 0 : i32
        %dma_wait3A_58 = tpu.memref_slice %arg2[%dma_wait3A_56, %dma_wait3A_57] : memref<250000x64xf32, #tpu.memory_space<hbm>> -> memref<250000x64xf32, #tpu.memory_space<hbm>>
        tpu.wait_indirect_dma semaphore(%run_scoped3A_44 : memref<!tpu.dma_semaphore, #tpu.memory_space<semaphore_mem>>) src(%dma_wait3A_58 : memref<250000x64xf32, #tpu.memory_space<hbm>>) dst(%dma_wait3A_53 : memref<128x64xf32, #tpu.memory_space<vmem>>)
        tpu.yield
      }) : () -> ()
      "tpu.region"() ({
        %run_scoped3A_44 = tpu.sem_alloc : memref<!tpu.dma_semaphore, #tpu.memory_space<semaphore_mem>>
        %dma_start3A = arith.constant 128 : i32
        %dma_start3A_45 = arith.constant 0 : i32
        %dma_start3A_46 = tpu.memref_slice %arg10[%dma_start3A, %dma_start3A_45] : memref<512x64xf32, #tpu.memory_space<vmem>> -> memref<128x64xf32, #tpu.memory_space<vmem>>
        %dma_start3A_47 = arith.constant 128 : i32
        %dma_start3A_48 = tpu.memref_slice %arg7[%dma_start3A_47] : memref<512xi32, #tpu.memory_space<vmem>> -> memref<128xi32, #tpu.memory_space<vmem>>
        %dma_start3A_49 = arith.constant 0 : i32
        %dma_start3A_50 = arith.constant 0 : i32
        %dma_start3A_51 = tpu.memref_slice %arg2[%dma_start3A_49, %dma_start3A_50] : memref<250000x64xf32, #tpu.memory_space<hbm>> -> memref<250000x64xf32, #tpu.memory_space<hbm>>
        tpu.enqueue_indirect_dma source(%dma_start3A_51 : memref<250000x64xf32, #tpu.memory_space<hbm>>) target(%dma_start3A_46 : memref<128x64xf32, #tpu.memory_space<vmem>>) offsets(%dma_start3A_48 : memref<128xi32, #tpu.memory_space<vmem>>) semaphore(%run_scoped3A_44 : memref<!tpu.dma_semaphore, #tpu.memory_space<semaphore_mem>>)
        %dma_wait3A = arith.constant 128 : i32
        %dma_wait3A_52 = arith.constant 0 : i32
        %dma_wait3A_53 = tpu.memref_slice %arg10[%dma_wait3A, %dma_wait3A_52] : memref<512x64xf32, #tpu.memory_space<vmem>> -> memref<128x64xf32, #tpu.memory_space<vmem>>
        %dma_wait3A_54 = arith.constant 128 : i32
        %dma_wait3A_55 = tpu.memref_slice %arg7[%dma_wait3A_54] : memref<512xi32, #tpu.memory_space<vmem>> -> memref<128xi32, #tpu.memory_space<vmem>>
        %dma_wait3A_56 = arith.constant 0 : i32
        %dma_wait3A_57 = arith.constant 0 : i32
        %dma_wait3A_58 = tpu.memref_slice %arg2[%dma_wait3A_56, %dma_wait3A_57] : memref<250000x64xf32, #tpu.memory_space<hbm>> -> memref<250000x64xf32, #tpu.memory_space<hbm>>
        tpu.wait_indirect_dma semaphore(%run_scoped3A_44 : memref<!tpu.dma_semaphore, #tpu.memory_space<semaphore_mem>>) src(%dma_wait3A_58 : memref<250000x64xf32, #tpu.memory_space<hbm>>) dst(%dma_wait3A_53 : memref<128x64xf32, #tpu.memory_space<vmem>>)
        tpu.yield
      }) : () -> ()
      "tpu.region"() ({
        %run_scoped3A_44 = tpu.sem_alloc : memref<!tpu.dma_semaphore, #tpu.memory_space<semaphore_mem>>
        %dma_start3A = arith.constant 256 : i32
        %dma_start3A_45 = arith.constant 0 : i32
        %dma_start3A_46 = tpu.memref_slice %arg10[%dma_start3A, %dma_start3A_45] : memref<512x64xf32, #tpu.memory_space<vmem>> -> memref<128x64xf32, #tpu.memory_space<vmem>>
        %dma_start3A_47 = arith.constant 256 : i32
        %dma_start3A_48 = tpu.memref_slice %arg7[%dma_start3A_47] : memref<512xi32, #tpu.memory_space<vmem>> -> memref<128xi32, #tpu.memory_space<vmem>>
        %dma_start3A_49 = arith.constant 0 : i32
        %dma_start3A_50 = arith.constant 0 : i32
        %dma_start3A_51 = tpu.memref_slice %arg2[%dma_start3A_49, %dma_start3A_50] : memref<250000x64xf32, #tpu.memory_space<hbm>> -> memref<250000x64xf32, #tpu.memory_space<hbm>>
        tpu.enqueue_indirect_dma source(%dma_start3A_51 : memref<250000x64xf32, #tpu.memory_space<hbm>>) target(%dma_start3A_46 : memref<128x64xf32, #tpu.memory_space<vmem>>) offsets(%dma_start3A_48 : memref<128xi32, #tpu.memory_space<vmem>>) semaphore(%run_scoped3A_44 : memref<!tpu.dma_semaphore, #tpu.memory_space<semaphore_mem>>)
        %dma_wait3A = arith.constant 256 : i32
        %dma_wait3A_52 = arith.constant 0 : i32
        %dma_wait3A_53 = tpu.memref_slice %arg10[%dma_wait3A, %dma_wait3A_52] : memref<512x64xf32, #tpu.memory_space<vmem>> -> memref<128x64xf32, #tpu.memory_space<vmem>>
        %dma_wait3A_54 = arith.constant 256 : i32
        %dma_wait3A_55 = tpu.memref_slice %arg7[%dma_wait3A_54] : memref<512xi32, #tpu.memory_space<vmem>> -> memref<128xi32, #tpu.memory_space<vmem>>
        %dma_wait3A_56 = arith.constant 0 : i32
        %dma_wait3A_57 = arith.constant 0 : i32
        %dma_wait3A_58 = tpu.memref_slice %arg2[%dma_wait3A_56, %dma_wait3A_57] : memref<250000x64xf32, #tpu.memory_space<hbm>> -> memref<250000x64xf32, #tpu.memory_space<hbm>>
        tpu.wait_indirect_dma semaphore(%run_scoped3A_44 : memref<!tpu.dma_semaphore, #tpu.memory_space<semaphore_mem>>) src(%dma_wait3A_58 : memref<250000x64xf32, #tpu.memory_space<hbm>>) dst(%dma_wait3A_53 : memref<128x64xf32, #tpu.memory_space<vmem>>)
        tpu.yield
      }) : () -> ()
      "tpu.region"() ({
        %run_scoped3A_44 = tpu.sem_alloc : memref<!tpu.dma_semaphore, #tpu.memory_space<semaphore_mem>>
        %dma_start3A = arith.constant 384 : i32
        %dma_start3A_45 = arith.constant 0 : i32
        %dma_start3A_46 = tpu.memref_slice %arg10[%dma_start3A, %dma_start3A_45] : memref<512x64xf32, #tpu.memory_space<vmem>> -> memref<128x64xf32, #tpu.memory_space<vmem>>
        %dma_start3A_47 = arith.constant 384 : i32
        %dma_start3A_48 = tpu.memref_slice %arg7[%dma_start3A_47] : memref<512xi32, #tpu.memory_space<vmem>> -> memref<128xi32, #tpu.memory_space<vmem>>
        %dma_start3A_49 = arith.constant 0 : i32
        %dma_start3A_50 = arith.constant 0 : i32
        %dma_start3A_51 = tpu.memref_slice %arg2[%dma_start3A_49, %dma_start3A_50] : memref<250000x64xf32, #tpu.memory_space<hbm>> -> memref<250000x64xf32, #tpu.memory_space<hbm>>
        tpu.enqueue_indirect_dma source(%dma_start3A_51 : memref<250000x64xf32, #tpu.memory_space<hbm>>) target(%dma_start3A_46 : memref<128x64xf32, #tpu.memory_space<vmem>>) offsets(%dma_start3A_48 : memref<128xi32, #tpu.memory_space<vmem>>) semaphore(%run_scoped3A_44 : memref<!tpu.dma_semaphore, #tpu.memory_space<semaphore_mem>>)
        %dma_wait3A = arith.constant 384 : i32
        %dma_wait3A_52 = arith.constant 0 : i32
        %dma_wait3A_53 = tpu.memref_slice %arg10[%dma_wait3A, %dma_wait3A_52] : memref<512x64xf32, #tpu.memory_space<vmem>> -> memref<128x64xf32, #tpu.memory_space<vmem>>
        %dma_wait3A_54 = arith.constant 384 : i32
        %dma_wait3A_55 = tpu.memref_slice %arg7[%dma_wait3A_54] : memref<512xi32, #tpu.memory_space<vmem>> -> memref<128xi32, #tpu.memory_space<vmem>>
        %dma_wait3A_56 = arith.constant 0 : i32
        %dma_wait3A_57 = arith.constant 0 : i32
        %dma_wait3A_58 = tpu.memref_slice %arg2[%dma_wait3A_56, %dma_wait3A_57] : memref<250000x64xf32, #tpu.memory_space<hbm>> -> memref<250000x64xf32, #tpu.memory_space<hbm>>
        tpu.wait_indirect_dma semaphore(%run_scoped3A_44 : memref<!tpu.dma_semaphore, #tpu.memory_space<semaphore_mem>>) src(%dma_wait3A_58 : memref<250000x64xf32, #tpu.memory_space<hbm>>) dst(%dma_wait3A_53 : memref<128x64xf32, #tpu.memory_space<vmem>>)
        tpu.yield
      }) : () -> ()
      %scan3A_39 = arith.constant 0 : i32
      %scan3A_40 = arith.constant 128 : i32
      %scan3A_41 = arith.addi %scan3A_39, %scan3A_40 : i32
      %scan3A_42 = arith.constant 1 : i32
      scf.for %scan3A_44 = %scan3A_39 to %scan3A_41 step %scan3A_42  : i32 {
        %mul3A_45 = arith.constant 1 : i32
        %mul3A_46 = arith.muli %scan3A_44, %mul3A_45 : i32
        %add3A_47 = arith.constant 0 : i32
        %add3A_48 = arith.addi %add3A_47, %mul3A_46 : i32
        %broadcast_in_dim3A_49 = arith.constant 0 : i32
        %broadcast_in_dim3A_50 = vector.broadcast %broadcast_in_dim3A_49 : i32 to vector<16xi32>
        %mul3A_51 = arith.constant 4 : i32
        %mul3A_52 = arith.muli %add3A_48, %mul3A_51 : i32
        %add3A_53 = arith.constant 0 : i32
        %add3A_54 = arith.addi %mul3A_52, %add3A_53 : i32
        %add3A_55 = vector.broadcast %add3A_54 : i32 to vector<16xi32>
        %add3A_56 = arith.addi %broadcast_in_dim3A_50, %add3A_55 : vector<16xi32>
        %gather3A = tpu.vector_load_idx %arg8[%add3A_56] : memref<512xf32, #tpu.memory_space<vmem>>[vector<16xi32>], vector<16xf32>,
        %broadcast_in_dim3A_57 = arith.constant 0 : i32
        %broadcast_in_dim3A_58 = vector.broadcast %broadcast_in_dim3A_57 : i32 to vector<16xi32>
        %mul3A_59 = arith.constant 4 : i32
        %mul3A_60 = arith.muli %add3A_48, %mul3A_59 : i32
        %add3A_61 = arith.constant 1 : i32
        %add3A_62 = arith.addi %mul3A_60, %add3A_61 : i32
        %add3A_63 = vector.broadcast %add3A_62 : i32 to vector<16xi32>
        %add3A_64 = arith.addi %broadcast_in_dim3A_58, %add3A_63 : vector<16xi32>
        %gather3A_65 = tpu.vector_load_idx %arg8[%add3A_64] : memref<512xf32, #tpu.memory_space<vmem>>[vector<16xi32>], vector<16xf32>,
        %broadcast_in_dim3A_66 = arith.constant 0 : i32
        %broadcast_in_dim3A_67 = vector.broadcast %broadcast_in_dim3A_66 : i32 to vector<16xi32>
        %mul3A_68 = arith.constant 4 : i32
        %mul3A_69 = arith.muli %add3A_48, %mul3A_68 : i32
        %add3A_70 = arith.constant 2 : i32
        %add3A_71 = arith.addi %mul3A_69, %add3A_70 : i32
        %add3A_72 = vector.broadcast %add3A_71 : i32 to vector<16xi32>
        %add3A_73 = arith.addi %broadcast_in_dim3A_67, %add3A_72 : vector<16xi32>
        %gather3A_74 = tpu.vector_load_idx %arg8[%add3A_73] : memref<512xf32, #tpu.memory_space<vmem>>[vector<16xi32>], vector<16xf32>,
        %broadcast_in_dim3A_75 = arith.constant 0 : i32
        %broadcast_in_dim3A_76 = vector.broadcast %broadcast_in_dim3A_75 : i32 to vector<16xi32>
        %mul3A_77 = arith.constant 4 : i32
        %mul3A_78 = arith.muli %add3A_48, %mul3A_77 : i32
        %add3A_79 = arith.constant 3 : i32
        %add3A_80 = arith.addi %mul3A_78, %add3A_79 : i32
        %add3A_81 = vector.broadcast %add3A_80 : i32 to vector<16xi32>
        %add3A_82 = arith.addi %broadcast_in_dim3A_76, %add3A_81 : vector<16xi32>
        %gather3A_83 = tpu.vector_load_idx %arg8[%add3A_82] : memref<512xf32, #tpu.memory_space<vmem>>[vector<16xi32>], vector<16xf32>,
        %mul3A_84 = arith.constant 4 : i32
        %mul3A_85 = arith.muli %add3A_48, %mul3A_84 : i32
        %get3A = arith.index_cast %mul3A_85 : i32 to index
        %get3A_86 = arith.constant 0 : index
        %get3A_87 = tpu.vector_load %arg10[%get3A, %get3A_86] {strides = array<i32>} : memref<512x64xf32, #tpu.memory_space<vmem>>, vector<16xf32>,
        %mul3A_88 = arith.mulf %gather3A, %get3A_87 : vector<16xf32>
        %mul3A_89 = arith.constant 4 : i32
        %mul3A_90 = arith.muli %add3A_48, %mul3A_89 : i32
        %add3A_91 = arith.constant 1 : i32
        %add3A_92 = arith.addi %mul3A_90, %add3A_91 : i32
        %get3A_93 = arith.index_cast %add3A_92 : i32 to index
        %get3A_94 = arith.constant 0 : index
        %get3A_95 = tpu.vector_load %arg10[%get3A_93, %get3A_94] {strides = array<i32>} : memref<512x64xf32, #tpu.memory_space<vmem>>, vector<16xf32>,
        %mul3A_96 = arith.mulf %gather3A_65, %get3A_95 : vector<16xf32>
        %add3A_97 = arith.addf %mul3A_88, %mul3A_96 : vector<16xf32>
        %mul3A_98 = arith.constant 4 : i32
        %mul3A_99 = arith.muli %add3A_48, %mul3A_98 : i32
        %add3A_100 = arith.constant 2 : i32
        %add3A_101 = arith.addi %mul3A_99, %add3A_100 : i32
        %get3A_102 = arith.index_cast %add3A_101 : i32 to index
        %get3A_103 = arith.constant 0 : index
        %get3A_104 = tpu.vector_load %arg10[%get3A_102, %get3A_103] {strides = array<i32>} : memref<512x64xf32, #tpu.memory_space<vmem>>, vector<16xf32>,
        %mul3A_105 = arith.mulf %gather3A_74, %get3A_104 : vector<16xf32>
        %add3A_106 = arith.addf %add3A_97, %mul3A_105 : vector<16xf32>
        %mul3A_107 = arith.constant 4 : i32
        %mul3A_108 = arith.muli %add3A_48, %mul3A_107 : i32
        %add3A_109 = arith.constant 3 : i32
        %add3A_110 = arith.addi %mul3A_108, %add3A_109 : i32
        %get3A_111 = arith.index_cast %add3A_110 : i32 to index
        %get3A_112 = arith.constant 0 : index
        %get3A_113 = tpu.vector_load %arg10[%get3A_111, %get3A_112] {strides = array<i32>} : memref<512x64xf32, #tpu.memory_space<vmem>>, vector<16xf32>,
        %mul3A_114 = arith.mulf %gather3A_83, %get3A_113 : vector<16xf32>
        %add3A_115 = arith.addf %add3A_106, %mul3A_114 : vector<16xf32>
        %swap3A = arith.index_cast %add3A_48 : i32 to index
        %swap3A_116 = arith.constant 0 : index
        %swap3A_117 = tpu.vector_load %arg11[%swap3A, %swap3A_116] {strides = array<i32>} : memref<128x64xf32, #tpu.memory_space<vmem>>, vector<16xf32>,
        tpu.vector_store %arg11[%swap3A, %swap3A_116], %add3A_115 {strides = array<i32>} : memref<128x64xf32, #tpu.memory_space<vmem>>, vector<16xf32>,
        %mul3A_118 = arith.constant 4 : i32
        %mul3A_119 = arith.muli %add3A_48, %mul3A_118 : i32
        %get3A_120 = arith.index_cast %mul3A_119 : i32 to index
        %get3A_121 = arith.constant 16 : index
        %get3A_122 = tpu.vector_load %arg10[%get3A_120, %get3A_121] {strides = array<i32>} : memref<512x64xf32, #tpu.memory_space<vmem>>, vector<16xf32>,
        %mul3A_123 = arith.mulf %gather3A, %get3A_122 : vector<16xf32>
        %mul3A_124 = arith.constant 4 : i32
        %mul3A_125 = arith.muli %add3A_48, %mul3A_124 : i32
        %add3A_126 = arith.constant 1 : i32
        %add3A_127 = arith.addi %mul3A_125, %add3A_126 : i32
        %get3A_128 = arith.index_cast %add3A_127 : i32 to index
        %get3A_129 = arith.constant 16 : index
        %get3A_130 = tpu.vector_load %arg10[%get3A_128, %get3A_129] {strides = array<i32>} : memref<512x64xf32, #tpu.memory_space<vmem>>, vector<16xf32>,
        %mul3A_131 = arith.mulf %gather3A_65, %get3A_130 : vector<16xf32>
        %add3A_132 = arith.addf %mul3A_123, %mul3A_131 : vector<16xf32>
        %mul3A_133 = arith.constant 4 : i32
        %mul3A_134 = arith.muli %add3A_48, %mul3A_133 : i32
        %add3A_135 = arith.constant 2 : i32
        %add3A_136 = arith.addi %mul3A_134, %add3A_135 : i32
        %get3A_137 = arith.index_cast %add3A_136 : i32 to index
        %get3A_138 = arith.constant 16 : index
        %get3A_139 = tpu.vector_load %arg10[%get3A_137, %get3A_138] {strides = array<i32>} : memref<512x64xf32, #tpu.memory_space<vmem>>, vector<16xf32>,
        %mul3A_140 = arith.mulf %gather3A_74, %get3A_139 : vector<16xf32>
        %add3A_141 = arith.addf %add3A_132, %mul3A_140 : vector<16xf32>
        %mul3A_142 = arith.constant 4 : i32
        %mul3A_143 = arith.muli %add3A_48, %mul3A_142 : i32
        %add3A_144 = arith.constant 3 : i32
        %add3A_145 = arith.addi %mul3A_143, %add3A_144 : i32
        %get3A_146 = arith.index_cast %add3A_145 : i32 to index
        %get3A_147 = arith.constant 16 : index
        %get3A_148 = tpu.vector_load %arg10[%get3A_146, %get3A_147] {strides = array<i32>} : memref<512x64xf32, #tpu.memory_space<vmem>>, vector<16xf32>,
        %mul3A_149 = arith.mulf %gather3A_83, %get3A_148 : vector<16xf32>
        %add3A_150 = arith.addf %add3A_141, %mul3A_149 : vector<16xf32>
        %swap3A_151 = arith.index_cast %add3A_48 : i32 to index
        %swap3A_152 = arith.constant 16 : index
        %swap3A_153 = tpu.vector_load %arg11[%swap3A_151, %swap3A_152] {strides = array<i32>} : memref<128x64xf32, #tpu.memory_space<vmem>>, vector<16xf32>,
        tpu.vector_store %arg11[%swap3A_151, %swap3A_152], %add3A_150 {strides = array<i32>} : memref<128x64xf32, #tpu.memory_space<vmem>>, vector<16xf32>,
        %mul3A_154 = arith.constant 4 : i32
        %mul3A_155 = arith.muli %add3A_48, %mul3A_154 : i32
        %get3A_156 = arith.index_cast %mul3A_155 : i32 to index
        %get3A_157 = arith.constant 32 : index
        %get3A_158 = tpu.vector_load %arg10[%get3A_156, %get3A_157] {strides = array<i32>} : memref<512x64xf32, #tpu.memory_space<vmem>>, vector<16xf32>,
        %mul3A_159 = arith.mulf %gather3A, %get3A_158 : vector<16xf32>
        %mul3A_160 = arith.constant 4 : i32
        %mul3A_161 = arith.muli %add3A_48, %mul3A_160 : i32
        %add3A_162 = arith.constant 1 : i32
        %add3A_163 = arith.addi %mul3A_161, %add3A_162 : i32
        %get3A_164 = arith.index_cast %add3A_163 : i32 to index
        %get3A_165 = arith.constant 32 : index
        %get3A_166 = tpu.vector_load %arg10[%get3A_164, %get3A_165] {strides = array<i32>} : memref<512x64xf32, #tpu.memory_space<vmem>>, vector<16xf32>,
        %mul3A_167 = arith.mulf %gather3A_65, %get3A_166 : vector<16xf32>
        %add3A_168 = arith.addf %mul3A_159, %mul3A_167 : vector<16xf32>
        %mul3A_169 = arith.constant 4 : i32
        %mul3A_170 = arith.muli %add3A_48, %mul3A_169 : i32
        %add3A_171 = arith.constant 2 : i32
        %add3A_172 = arith.addi %mul3A_170, %add3A_171 : i32
        %get3A_173 = arith.index_cast %add3A_172 : i32 to index
        %get3A_174 = arith.constant 32 : index
        %get3A_175 = tpu.vector_load %arg10[%get3A_173, %get3A_174] {strides = array<i32>} : memref<512x64xf32, #tpu.memory_space<vmem>>, vector<16xf32>,
        %mul3A_176 = arith.mulf %gather3A_74, %get3A_175 : vector<16xf32>
        %add3A_177 = arith.addf %add3A_168, %mul3A_176 : vector<16xf32>
        %mul3A_178 = arith.constant 4 : i32
        %mul3A_179 = arith.muli %add3A_48, %mul3A_178 : i32
        %add3A_180 = arith.constant 3 : i32
        %add3A_181 = arith.addi %mul3A_179, %add3A_180 : i32
        %get3A_182 = arith.index_cast %add3A_181 : i32 to index
        %get3A_183 = arith.constant 32 : index
        %get3A_184 = tpu.vector_load %arg10[%get3A_182, %get3A_183] {strides = array<i32>} : memref<512x64xf32, #tpu.memory_space<vmem>>, vector<16xf32>,
        %mul3A_185 = arith.mulf %gather3A_83, %get3A_184 : vector<16xf32>
        %add3A_186 = arith.addf %add3A_177, %mul3A_185 : vector<16xf32>
        %swap3A_187 = arith.index_cast %add3A_48 : i32 to index
        %swap3A_188 = arith.constant 32 : index
        %swap3A_189 = tpu.vector_load %arg11[%swap3A_187, %swap3A_188] {strides = array<i32>} : memref<128x64xf32, #tpu.memory_space<vmem>>, vector<16xf32>,
        tpu.vector_store %arg11[%swap3A_187, %swap3A_188], %add3A_186 {strides = array<i32>} : memref<128x64xf32, #tpu.memory_space<vmem>>, vector<16xf32>,
        %mul3A_190 = arith.constant 4 : i32
        %mul3A_191 = arith.muli %add3A_48, %mul3A_190 : i32
        %get3A_192 = arith.index_cast %mul3A_191 : i32 to index
        %get3A_193 = arith.constant 48 : index
        %get3A_194 = tpu.vector_load %arg10[%get3A_192, %get3A_193] {strides = array<i32>} : memref<512x64xf32, #tpu.memory_space<vmem>>, vector<16xf32>,
        %mul3A_195 = arith.mulf %gather3A, %get3A_194 : vector<16xf32>
        %mul3A_196 = arith.constant 4 : i32
        %mul3A_197 = arith.muli %add3A_48, %mul3A_196 : i32
        %add3A_198 = arith.constant 1 : i32
        %add3A_199 = arith.addi %mul3A_197, %add3A_198 : i32
        %get3A_200 = arith.index_cast %add3A_199 : i32 to index
        %get3A_201 = arith.constant 48 : index
        %get3A_202 = tpu.vector_load %arg10[%get3A_200, %get3A_201] {strides = array<i32>} : memref<512x64xf32, #tpu.memory_space<vmem>>, vector<16xf32>,
        %mul3A_203 = arith.mulf %gather3A_65, %get3A_202 : vector<16xf32>
        %add3A_204 = arith.addf %mul3A_195, %mul3A_203 : vector<16xf32>
        %mul3A_205 = arith.constant 4 : i32
        %mul3A_206 = arith.muli %add3A_48, %mul3A_205 : i32
        %add3A_207 = arith.constant 2 : i32
        %add3A_208 = arith.addi %mul3A_206, %add3A_207 : i32
        %get3A_209 = arith.index_cast %add3A_208 : i32 to index
        %get3A_210 = arith.constant 48 : index
        %get3A_211 = tpu.vector_load %arg10[%get3A_209, %get3A_210] {strides = array<i32>} : memref<512x64xf32, #tpu.memory_space<vmem>>, vector<16xf32>,
        %mul3A_212 = arith.mulf %gather3A_74, %get3A_211 : vector<16xf32>
        %add3A_213 = arith.addf %add3A_204, %mul3A_212 : vector<16xf32>
        %mul3A_214 = arith.constant 4 : i32
        %mul3A_215 = arith.muli %add3A_48, %mul3A_214 : i32
        %add3A_216 = arith.constant 3 : i32
        %add3A_217 = arith.addi %mul3A_215, %add3A_216 : i32
        %get3A_218 = arith.index_cast %add3A_217 : i32 to index
        %get3A_219 = arith.constant 48 : index
        %get3A_220 = tpu.vector_load %arg10[%get3A_218, %get3A_219] {strides = array<i32>} : memref<512x64xf32, #tpu.memory_space<vmem>>, vector<16xf32>,
        %mul3A_221 = arith.mulf %gather3A_83, %get3A_220 : vector<16xf32>
        %add3A_222 = arith.addf %add3A_213, %mul3A_221 : vector<16xf32>
        %swap3A_223 = arith.index_cast %add3A_48 : i32 to index
        %swap3A_224 = arith.constant 48 : index
        %swap3A_225 = tpu.vector_load %arg11[%swap3A_223, %swap3A_224] {strides = array<i32>} : memref<128x64xf32, #tpu.memory_space<vmem>>, vector<16xf32>,
        tpu.vector_store %arg11[%swap3A_223, %swap3A_224], %add3A_222 {strides = array<i32>} : memref<128x64xf32, #tpu.memory_space<vmem>>, vector<16xf32>,
      }
      %scan3A_43 = arith.constant 128 : i32
      %run_scoped3A = arith.constant 0 : i32
      "tpu.region"() ({
        %run_scoped3A_44 = tpu.sem_alloc : memref<!tpu.dma_semaphore, #tpu.memory_space<semaphore_mem>>
        %dma_start3A = arith.constant 0 : i32
        %dma_start3A_45 = tpu.memref_slice %arg9[%run_scoped3A, %dma_start3A] : memref<1x128xi32, #tpu.memory_space<vmem>> -> memref<1x128xi32, #tpu.memory_space<vmem>>
        %dma_start3A_46 = tpu.memref_squeeze %dma_start3A_45 : memref<1x128xi32, #tpu.memory_space<vmem>> -> memref<128xi32, #tpu.memory_space<vmem>>
        %dma_start3A_47 = arith.constant 0 : i32
        %dma_start3A_48 = arith.constant 0 : i32
        %dma_start3A_49 = tpu.memref_slice %arg13[%dma_start3A_47, %dma_start3A_48] : memref<10240x64xf32, #tpu.memory_space<vmem_shared>> -> memref<10240x64xf32, #tpu.memory_space<vmem_shared>>
        tpu.enqueue_indirect_dma source(%arg11 : memref<128x64xf32, #tpu.memory_space<vmem>>) target(%dma_start3A_49 : memref<10240x64xf32, #tpu.memory_space<vmem_shared>>) offsets(%dma_start3A_46 : memref<128xi32, #tpu.memory_space<vmem>>) semaphore(%run_scoped3A_44 : memref<!tpu.dma_semaphore, #tpu.memory_space<semaphore_mem>>) {add = true}
        %dma_wait3A = arith.constant 0 : i32
        %dma_wait3A_50 = tpu.memref_slice %arg9[%run_scoped3A, %dma_wait3A] : memref<1x128xi32, #tpu.memory_space<vmem>> -> memref<1x128xi32, #tpu.memory_space<vmem>>
        %dma_wait3A_51 = tpu.memref_squeeze %dma_wait3A_50 : memref<1x128xi32, #tpu.memory_space<vmem>> -> memref<128xi32, #tpu.memory_space<vmem>>
        %dma_wait3A_52 = arith.constant 0 : i32
        %dma_wait3A_53 = arith.constant 0 : i32
        %dma_wait3A_54 = tpu.memref_slice %arg13[%dma_wait3A_52, %dma_wait3A_53] : memref<10240x64xf32, #tpu.memory_space<vmem_shared>> -> memref<10240x64xf32, #tpu.memory_space<vmem_shared>>
        tpu.wait_indirect_dma semaphore(%run_scoped3A_44 : memref<!tpu.dma_semaphore, #tpu.memory_space<semaphore_mem>>) src(%arg11 : memref<128x64xf32, #tpu.memory_space<vmem>>) dst(%dma_wait3A_54 : memref<10240x64xf32, #tpu.memory_space<vmem_shared>>)
        tpu.yield
      }) : () -> ()
    }
    %scan3A_22 = arith.constant 40 : i32
    %barrier3A_23 = arith.constant 0 : index
    tpu.barrier barrier_id(%barrier3A_23)
    "tpu.region"() ({
      %run_scoped3A = tpu.sem_alloc : memref<!tpu.dma_semaphore, #tpu.memory_space<semaphore_mem>>
      %dma_start3A = arith.constant 0 : i32
      %dma_start3A_24 = tpu.memref_slice %arg6[%arg0, %mul3A_7, %dma_start3A] : memref<2x10240x64xf32, #tpu.memory_space<hbm>> -> memref<1x640x64xf32, #tpu.memory_space<hbm>>
      %dma_start3A_25 = tpu.memref_squeeze %dma_start3A_24 : memref<1x640x64xf32, #tpu.memory_space<hbm>> -> memref<640x64xf32, #tpu.memory_space<hbm>>
      %dma_start3A_26 = arith.constant 0 : i32
      %dma_start3A_27 = tpu.memref_slice %arg13[%mul3A_7, %dma_start3A_26] : memref<10240x64xf32, #tpu.memory_space<vmem_shared>> -> memref<640x64xf32, #tpu.memory_space<vmem_shared>>
      tpu.enqueue_dma source(%dma_start3A_27 : memref<640x64xf32, #tpu.memory_space<vmem_shared>>) target(%dma_start3A_25 : memref<640x64xf32, #tpu.memory_space<hbm>>) target_semaphore(%run_scoped3A : memref<!tpu.dma_semaphore, #tpu.memory_space<semaphore_mem>>)
      %dma_wait3A = arith.constant 0 : i32
      %dma_wait3A_28 = tpu.memref_slice %arg6[%arg0, %mul3A_7, %dma_wait3A] : memref<2x10240x64xf32, #tpu.memory_space<hbm>> -> memref<1x640x64xf32, #tpu.memory_space<hbm>>
      %dma_wait3A_29 = tpu.memref_squeeze %dma_wait3A_28 : memref<1x640x64xf32, #tpu.memory_space<hbm>> -> memref<640x64xf32, #tpu.memory_space<hbm>>
      %dma_wait3A_30 = arith.constant 0 : i32
      %dma_wait3A_31 = tpu.memref_slice %arg13[%mul3A_7, %dma_wait3A_30] : memref<10240x64xf32, #tpu.memory_space<vmem_shared>> -> memref<640x64xf32, #tpu.memory_space<vmem_shared>>
      tpu.wait_dma2 semaphore(%run_scoped3A : memref<!tpu.dma_semaphore, #tpu.memory_space<semaphore_mem>>) src(%dma_wait3A_31 : memref<640x64xf32, #tpu.memory_space<vmem_shared>>) dst(%dma_wait3A_29 : memref<640x64xf32, #tpu.memory_space<hbm>>)
      tpu.yield
    }) : () -> ()
    return
  }
}

module attributes {stable_mosaic.version = 14 : i64} {
  func.func @body(%arg0: memref<1250x128xf32, #tpu.memory_space<vmem>>, %arg1: memref<1250x128xf32, #tpu.memory_space<vmem>>, %arg2: memref<1250x128xi32, #tpu.memory_space<vmem>>, %arg3: memref<1250x128xf32, #tpu.memory_space<vmem>>, %arg4: memref<1250x128xf32, #tpu.memory_space<vmem>>, %arg5: memref<1250x128xf32, #tpu.memory_space<vmem>>, %arg6: memref<1250x128xf32, #tpu.memory_space<vmem>>, %arg7: memref<1250x128xi32, #tpu.memory_space<vmem>>, %arg8: memref<1250x128xi32, #tpu.memory_space<vmem>>, %arg9: memref<1250x128xi32, #tpu.memory_space<vmem>>, %arg10: memref<1250x128xi32, #tpu.memory_space<vmem>>) attributes {dimension_semantics = [], scalar_prefetch = 0 : i64, scratch_operands = 0 : i64, tpu.core_type = #tpu.core_type<tc>} {
    %get3A = arith.constant 0 : index
    %get3A_0 = arith.constant 0 : index
    %get3A_1 = vector.load %arg0[%get3A, %get3A_0] : memref<1250x128xf32, #tpu.memory_space<vmem>>, vector<1250x128xf32>
    %mul3A = arith.constant 4.000000e+00 : f32
    %mul3A_2 = vector.broadcast %mul3A : f32 to vector<1250x128xf32>
    %mul3A_3 = arith.mulf %get3A_1, %mul3A_2 : vector<1250x128xf32>
    %floor3A = math.floor %mul3A_3 : vector<1250x128xf32>
    %jit3A = arith.constant 0.000000e+00 : f32
    %jit3A_4 = arith.constant 3.000000e+00 : f32
    %max3A = vector.broadcast %jit3A : f32 to vector<1250x128xf32>
    %max3A_5 = arith.maximumf %max3A, %floor3A : vector<1250x128xf32>
    %min3A = vector.broadcast %jit3A_4 : f32 to vector<1250x128xf32>
    %min3A_6 = arith.minimumf %min3A, %max3A_5 : vector<1250x128xf32>
    %sub3A = arith.subf %mul3A_3, %min3A_6 : vector<1250x128xf32>
    %get3A_7 = arith.constant 0 : index
    %get3A_8 = arith.constant 0 : index
    %get3A_9 = vector.load %arg1[%get3A_7, %get3A_8] : memref<1250x128xf32, #tpu.memory_space<vmem>>, vector<1250x128xf32>
    %mul3A_10 = arith.constant 4.000000e+00 : f32
    %mul3A_11 = vector.broadcast %mul3A_10 : f32 to vector<1250x128xf32>
    %mul3A_12 = arith.mulf %get3A_9, %mul3A_11 : vector<1250x128xf32>
    %floor3A_13 = math.floor %mul3A_12 : vector<1250x128xf32>
    %jit3A_14 = arith.constant 0.000000e+00 : f32
    %jit3A_15 = arith.constant 3.000000e+00 : f32
    %max3A_16 = vector.broadcast %jit3A_14 : f32 to vector<1250x128xf32>
    %max3A_17 = arith.maximumf %max3A_16, %floor3A_13 : vector<1250x128xf32>
    %min3A_18 = vector.broadcast %jit3A_15 : f32 to vector<1250x128xf32>
    %min3A_19 = arith.minimumf %min3A_18, %max3A_17 : vector<1250x128xf32>
    %sub3A_20 = arith.subf %mul3A_12, %min3A_19 : vector<1250x128xf32>
    %convert_element_type3A = arith.fptosi %min3A_6 : vector<1250x128xf32> to vector<1250x128xi32>
    %convert_element_type3A_21 = arith.fptosi %min3A_19 : vector<1250x128xf32> to vector<1250x128xi32>
    %get3A_22 = arith.constant 0 : index
    %get3A_23 = arith.constant 0 : index
    %get3A_24 = vector.load %arg2[%get3A_22, %get3A_23] : memref<1250x128xi32, #tpu.memory_space<vmem>>, vector<1250x128xi32>
    %mul3A_25 = arith.constant 25 : i32
    %mul3A_26 = vector.broadcast %mul3A_25 : i32 to vector<1250x128xi32>
    %mul3A_27 = arith.muli %get3A_24, %mul3A_26 : vector<1250x128xi32>
    %sub3A_28 = arith.constant 1.000000e+00 : f32
    %sub3A_29 = vector.broadcast %sub3A_28 : f32 to vector<1250x128xf32>
    %sub3A_30 = arith.subf %sub3A_29, %sub3A : vector<1250x128xf32>
    %sub3A_31 = arith.constant 1.000000e+00 : f32
    %sub3A_32 = vector.broadcast %sub3A_31 : f32 to vector<1250x128xf32>
    %sub3A_33 = arith.subf %sub3A_32, %sub3A_20 : vector<1250x128xf32>
    %mul3A_34 = arith.mulf %sub3A_30, %sub3A_33 : vector<1250x128xf32>
    %sub3A_35 = arith.constant 1.000000e+00 : f32
    %sub3A_36 = vector.broadcast %sub3A_35 : f32 to vector<1250x128xf32>
    %sub3A_37 = arith.subf %sub3A_36, %sub3A : vector<1250x128xf32>
    %mul3A_38 = arith.mulf %sub3A_37, %sub3A_20 : vector<1250x128xf32>
    %sub3A_39 = arith.constant 1.000000e+00 : f32
    %sub3A_40 = vector.broadcast %sub3A_39 : f32 to vector<1250x128xf32>
    %sub3A_41 = arith.subf %sub3A_40, %sub3A_20 : vector<1250x128xf32>
    %mul3A_42 = arith.mulf %sub3A, %sub3A_41 : vector<1250x128xf32>
    %mul3A_43 = arith.mulf %sub3A, %sub3A_20 : vector<1250x128xf32>
    %mul3A_44 = arith.constant 5 : i32
    %mul3A_45 = vector.broadcast %mul3A_44 : i32 to vector<1250x128xi32>
    %mul3A_46 = arith.muli %mul3A_45, %convert_element_type3A_21 : vector<1250x128xi32>
    %add3A = arith.addi %convert_element_type3A, %mul3A_46 : vector<1250x128xi32>
    %mul3A_47 = arith.constant 5 : i32
    %mul3A_48 = vector.broadcast %mul3A_47 : i32 to vector<1250x128xi32>
    %mul3A_49 = arith.muli %mul3A_48, %convert_element_type3A_21 : vector<1250x128xi32>
    %add3A_50 = arith.addi %convert_element_type3A, %mul3A_49 : vector<1250x128xi32>
    %add3A_51 = arith.constant 5 : i32
    %add3A_52 = vector.broadcast %add3A_51 : i32 to vector<1250x128xi32>
    %add3A_53 = arith.addi %add3A_50, %add3A_52 : vector<1250x128xi32>
    %add3A_54 = arith.constant 1 : i32
    %add3A_55 = vector.broadcast %add3A_54 : i32 to vector<1250x128xi32>
    %add3A_56 = arith.addi %convert_element_type3A, %add3A_55 : vector<1250x128xi32>
    %mul3A_57 = arith.constant 5 : i32
    %mul3A_58 = vector.broadcast %mul3A_57 : i32 to vector<1250x128xi32>
    %mul3A_59 = arith.muli %mul3A_58, %convert_element_type3A_21 : vector<1250x128xi32>
    %add3A_60 = arith.addi %add3A_56, %mul3A_59 : vector<1250x128xi32>
    %add3A_61 = arith.constant 1 : i32
    %add3A_62 = vector.broadcast %add3A_61 : i32 to vector<1250x128xi32>
    %add3A_63 = arith.addi %convert_element_type3A, %add3A_62 : vector<1250x128xi32>
    %mul3A_64 = arith.constant 5 : i32
    %mul3A_65 = vector.broadcast %mul3A_64 : i32 to vector<1250x128xi32>
    %mul3A_66 = arith.muli %mul3A_65, %convert_element_type3A_21 : vector<1250x128xi32>
    %add3A_67 = arith.addi %add3A_63, %mul3A_66 : vector<1250x128xi32>
    %add3A_68 = arith.constant 5 : i32
    %add3A_69 = vector.broadcast %add3A_68 : i32 to vector<1250x128xi32>
    %add3A_70 = arith.addi %add3A_67, %add3A_69 : vector<1250x128xi32>
    %swap3A = arith.constant 0 : index
    %swap3A_71 = arith.constant 0 : index
    %swap3A_72 = vector.load %arg3[%swap3A, %swap3A_71] : memref<1250x128xf32, #tpu.memory_space<vmem>>, vector<1250x128xf32>
    tpu.vector_store %arg3[%swap3A, %swap3A_71], %mul3A_34 {strides = array<i32>} : memref<1250x128xf32, #tpu.memory_space<vmem>>, vector<1250x128xf32>,
    %add3A_73 = arith.addi %mul3A_27, %add3A : vector<1250x128xi32>
    %swap3A_74 = arith.constant 0 : index
    %swap3A_75 = arith.constant 0 : index
    %swap3A_76 = vector.load %arg7[%swap3A_74, %swap3A_75] : memref<1250x128xi32, #tpu.memory_space<vmem>>, vector<1250x128xi32>
    tpu.vector_store %arg7[%swap3A_74, %swap3A_75], %add3A_73 {strides = array<i32>} : memref<1250x128xi32, #tpu.memory_space<vmem>>, vector<1250x128xi32>,
    %swap3A_77 = arith.constant 0 : index
    %swap3A_78 = arith.constant 0 : index
    %swap3A_79 = vector.load %arg4[%swap3A_77, %swap3A_78] : memref<1250x128xf32, #tpu.memory_space<vmem>>, vector<1250x128xf32>
    tpu.vector_store %arg4[%swap3A_77, %swap3A_78], %mul3A_38 {strides = array<i32>} : memref<1250x128xf32, #tpu.memory_space<vmem>>, vector<1250x128xf32>,
    %add3A_80 = arith.addi %mul3A_27, %add3A_53 : vector<1250x128xi32>
    %swap3A_81 = arith.constant 0 : index
    %swap3A_82 = arith.constant 0 : index
    %swap3A_83 = vector.load %arg8[%swap3A_81, %swap3A_82] : memref<1250x128xi32, #tpu.memory_space<vmem>>, vector<1250x128xi32>
    tpu.vector_store %arg8[%swap3A_81, %swap3A_82], %add3A_80 {strides = array<i32>} : memref<1250x128xi32, #tpu.memory_space<vmem>>, vector<1250x128xi32>,
    %swap3A_84 = arith.constant 0 : index
    %swap3A_85 = arith.constant 0 : index
    %swap3A_86 = vector.load %arg5[%swap3A_84, %swap3A_85] : memref<1250x128xf32, #tpu.memory_space<vmem>>, vector<1250x128xf32>
    tpu.vector_store %arg5[%swap3A_84, %swap3A_85], %mul3A_42 {strides = array<i32>} : memref<1250x128xf32, #tpu.memory_space<vmem>>, vector<1250x128xf32>,
    %add3A_87 = arith.addi %mul3A_27, %add3A_60 : vector<1250x128xi32>
    %swap3A_88 = arith.constant 0 : index
    %swap3A_89 = arith.constant 0 : index
    %swap3A_90 = vector.load %arg9[%swap3A_88, %swap3A_89] : memref<1250x128xi32, #tpu.memory_space<vmem>>, vector<1250x128xi32>
    tpu.vector_store %arg9[%swap3A_88, %swap3A_89], %add3A_87 {strides = array<i32>} : memref<1250x128xi32, #tpu.memory_space<vmem>>, vector<1250x128xi32>,
    %swap3A_91 = arith.constant 0 : index
    %swap3A_92 = arith.constant 0 : index
    %swap3A_93 = vector.load %arg6[%swap3A_91, %swap3A_92] : memref<1250x128xf32, #tpu.memory_space<vmem>>, vector<1250x128xf32>
    tpu.vector_store %arg6[%swap3A_91, %swap3A_92], %mul3A_43 {strides = array<i32>} : memref<1250x128xf32, #tpu.memory_space<vmem>>, vector<1250x128xf32>,
    %add3A_94 = arith.addi %mul3A_27, %add3A_70 : vector<1250x128xi32>
    %swap3A_95 = arith.constant 0 : index
    %swap3A_96 = arith.constant 0 : index
    %swap3A_97 = vector.load %arg10[%swap3A_95, %swap3A_96] : memref<1250x128xi32, #tpu.memory_space<vmem>>, vector<1250x128xi32>
    tpu.vector_store %arg10[%swap3A_95, %swap3A_96], %add3A_94 {strides = array<i32>} : memref<1250x128xi32, #tpu.memory_space<vmem>>, vector<1250x128xi32>,
    return
  }
}

module attributes {stable_mosaic.version = 14 : i64} {
  func.func @body(%arg0: i32, %arg1: memref<1000x8xf32, #tpu.memory_space<vmem>>, %arg2: memref<8x800xf32, #tpu.memory_space<vmem>>, %arg3: memref<8x32xf32, #tpu.memory_space<vmem>>, %arg4: memref<1x32xf32, #tpu.memory_space<vmem>>, %arg5: memref<1000x800xf32, #tpu.memory_space<vmem>>, %arg6: memref<1000x32xf32, #tpu.memory_space<vmem>>) attributes {dimension_semantics = [#tpu.dimension_semantics<arbitrary>], iteration_bounds = array<i64: 10>, scalar_prefetch = 0 : i64, scratch_operands = 0 : i64, tpu.core_type = #tpu.core_type<tc>, window_params = [{transform_indices = @transform_0, window_bounds = array<i64: 1000, 8>}, {pipeline_mode = #tpu.pipeline_mode<synchronous>, transform_indices = @transform_1, window_bounds = array<i64: 8, 800>}, {pipeline_mode = #tpu.pipeline_mode<synchronous>, transform_indices = @transform_2, window_bounds = array<i64: 8, 32>}, {pipeline_mode = #tpu.pipeline_mode<synchronous>, transform_indices = @transform_3, window_bounds = array<i64: 1, 32>}, {transform_indices = @transform_4, window_bounds = array<i64: 1000, 800>}, {transform_indices = @transform_5, window_bounds = array<i64: 1000, 32>}]} {
    %get3A = arith.constant 0 : index
    %get3A_0 = arith.constant 0 : index
    %get3A_1 = vector.load %arg1[%get3A, %get3A_0] : memref<1000x8xf32, #tpu.memory_space<vmem>>, vector<1000x8xf32>
    %get3A_2 = arith.constant 0 : index
    %get3A_3 = arith.constant 0 : index
    %get3A_4 = vector.load %arg2[%get3A_2, %get3A_3] : memref<8x800xf32, #tpu.memory_space<vmem>>, vector<8x800xf32>
    %dot_general3A = arith.constant dense<0.000000e+00> : vector<1000x800xf32>
    %dot_general3A_5 = tpu.matmul %get3A_1, %get3A_4, %dot_general3A {dimension_numbers = #tpu.dot_dimension_numbers<[1], [0], [0], [1], [0, 0, 1, 1], [], []>, precision = #tpu.contract_precision<fp32>, transpose_lhs_hint = false} : vector<1000x8xf32>, vector<8x800xf32>, vector<1000x800xf32> -> vector<1000x800xf32>
    %swap3A = arith.constant 0 : index
    %swap3A_6 = arith.constant 0 : index
    %swap3A_7 = vector.load %arg5[%swap3A, %swap3A_6] : memref<1000x800xf32, #tpu.memory_space<vmem>>, vector<1000x800xf32>
    tpu.vector_store %arg5[%swap3A, %swap3A_6], %dot_general3A_5 {strides = array<i32>} : memref<1000x800xf32, #tpu.memory_space<vmem>>, vector<1000x800xf32>,
    %get3A_8 = arith.constant 0 : index
    %get3A_9 = arith.constant 0 : index
    %get3A_10 = vector.load %arg3[%get3A_8, %get3A_9] : memref<8x32xf32, #tpu.memory_space<vmem>>, vector<8x32xf32>
    %dot_general3A_11 = arith.constant dense<0.000000e+00> : vector<1000x32xf32>
    %dot_general3A_12 = tpu.matmul %get3A_1, %get3A_10, %dot_general3A_11 {dimension_numbers = #tpu.dot_dimension_numbers<[1], [0], [0], [1], [0, 0, 1, 1], [], []>, precision = #tpu.contract_precision<fp32>, transpose_lhs_hint = false} : vector<1000x8xf32>, vector<8x32xf32>, vector<1000x32xf32> -> vector<1000x32xf32>
    %get3A_13 = arith.constant 0 : index
    %get3A_14 = arith.constant 0 : index
    %get3A_15 = vector.load %arg4[%get3A_13, %get3A_14] : memref<1x32xf32, #tpu.memory_space<vmem>>, vector<1x32xf32>
    %add3A = vector.broadcast %get3A_15 : vector<1x32xf32> to vector<1000x32xf32>
    %add3A_16 = arith.addf %dot_general3A_12, %add3A : vector<1000x32xf32>
    %swap3A_17 = arith.constant 0 : index
    %swap3A_18 = arith.constant 0 : index
    %swap3A_19 = vector.load %arg6[%swap3A_17, %swap3A_18] : memref<1000x32xf32, #tpu.memory_space<vmem>>, vector<1000x32xf32>
    tpu.vector_store %arg6[%swap3A_17, %swap3A_18], %add3A_16 {strides = array<i32>} : memref<1000x32xf32, #tpu.memory_space<vmem>>, vector<1000x32xf32>,
    return
  }
  func.func @transform_0(%arg0: i32) -> (i32, i32) {
    %c0_i32 = arith.constant 0 : i32
    %c0_i32_0 = arith.constant 0 : i32
    return %arg0, %c0_i32 : i32, i32
  }
  func.func @transform_1(%arg0: i32) -> (i32, i32) {
    %c0_i32 = arith.constant 0 : i32
    %c0_i32_0 = arith.constant 0 : i32
    %c0_i32_1 = arith.constant 0 : i32
    return %c0_i32, %c0_i32_0 : i32, i32
  }
  func.func @transform_2(%arg0: i32) -> (i32, i32) {
    %c0_i32 = arith.constant 0 : i32
    %c0_i32_0 = arith.constant 0 : i32
    %c0_i32_1 = arith.constant 0 : i32
    return %c0_i32, %c0_i32_0 : i32, i32
  }
  func.func @transform_3(%arg0: i32) -> (i32, i32) {
    %c0_i32 = arith.constant 0 : i32
    %c0_i32_0 = arith.constant 0 : i32
    %c0_i32_1 = arith.constant 0 : i32
    return %c0_i32, %c0_i32_0 : i32, i32
  }
  func.func @transform_4(%arg0: i32) -> (i32, i32) {
    %c0_i32 = arith.constant 0 : i32
    %c0_i32_0 = arith.constant 0 : i32
    return %arg0, %c0_i32 : i32, i32
  }
  func.func @transform_5(%arg0: i32) -> (i32, i32) {
    %c0_i32 = arith.constant 0 : i32
    %c0_i32_0 = arith.constant 0 : i32
    return %arg0, %c0_i32 : i32, i32
  }
}

module attributes {stable_mosaic.version = 14 : i64} {
  func.func @body(%arg0: i32, %arg1: memref<2x1000x32xf32, #tpu.memory_space<vmem>>, %arg2: memref<2x1000x16xf32, #tpu.memory_space<vmem>>, %arg3: memref<1000x32xf32, #tpu.memory_space<vmem>>, %arg4: memref<1000x32xf32, #tpu.memory_space<vmem>>) attributes {dimension_semantics = [#tpu.dimension_semantics<arbitrary>], iteration_bounds = array<i64: 10>, scalar_prefetch = 0 : i64, scratch_operands = 0 : i64, tpu.core_type = #tpu.core_type<tc>, window_params = [{transform_indices = @transform_0, window_bounds = array<i64: 2, 1000, 32>}, {transform_indices = @transform_1, window_bounds = array<i64: 2, 1000, 16>}, {transform_indices = @transform_2, window_bounds = array<i64: 1000, 32>}, {transform_indices = @transform_3, window_bounds = array<i64: 1000, 32>}]} {
    %get3A = arith.constant 0 : index
    %get3A_0 = arith.constant 0 : index
    %get3A_1 = arith.constant 0 : index
    %get3A_2 = vector.load %arg1[%get3A, %get3A_0, %get3A_1] : memref<2x1000x32xf32, #tpu.memory_space<vmem>>, vector<1x1000x32xf32>
    %get3A_3 = vector.shape_cast %get3A_2 : vector<1x1000x32xf32> to vector<1000x32xf32>
    %get3A_4 = arith.constant 1 : index
    %get3A_5 = arith.constant 0 : index
    %get3A_6 = arith.constant 0 : index
    %get3A_7 = vector.load %arg1[%get3A_4, %get3A_5, %get3A_6] : memref<2x1000x32xf32, #tpu.memory_space<vmem>>, vector<1x1000x32xf32>
    %get3A_8 = vector.shape_cast %get3A_7 : vector<1x1000x32xf32> to vector<1000x32xf32>
    %add3A = arith.addf %get3A_3, %get3A_8 : vector<1000x32xf32>
    %get3A_9 = arith.constant 0 : index
    %get3A_10 = arith.constant 0 : index
    %get3A_11 = arith.constant 0 : index
    %get3A_12 = vector.load %arg2[%get3A_9, %get3A_10, %get3A_11] : memref<2x1000x16xf32, #tpu.memory_space<vmem>>, vector<1x1000x16xf32>
    %get3A_13 = vector.shape_cast %get3A_12 : vector<1x1000x16xf32> to vector<1000x16xf32>
    %slice3A = vector.extract_strided_slice %get3A_13 {offsets = [0, 0], sizes = [1000, 1], strides = [1, 1]} : vector<1000x16xf32> to vector<1000x1xf32>
    %get3A_14 = arith.constant 1 : index
    %get3A_15 = arith.constant 0 : index
    %get3A_16 = arith.constant 0 : index
    %get3A_17 = vector.load %arg2[%get3A_14, %get3A_15, %get3A_16] : memref<2x1000x16xf32, #tpu.memory_space<vmem>>, vector<1x1000x16xf32>
    %get3A_18 = vector.shape_cast %get3A_17 : vector<1x1000x16xf32> to vector<1000x16xf32>
    %slice3A_19 = vector.extract_strided_slice %get3A_18 {offsets = [0, 0], sizes = [1000, 1], strides = [1, 1]} : vector<1000x16xf32> to vector<1000x1xf32>
    %add3A_20 = arith.addf %slice3A, %slice3A_19 : vector<1000x1xf32>
    %jit3A = arith.constant 1.000000e+00 : f32
    %max3A = vector.broadcast %jit3A : f32 to vector<1000x1xf32>
    %max3A_21 = arith.maximumf %max3A, %add3A_20 : vector<1000x1xf32>
    %div3A = vector.broadcast %max3A_21 : vector<1000x1xf32> to vector<1000x32xf32>
    %div3A_22 = arith.divf %add3A, %div3A : vector<1000x32xf32>
    %get3A_23 = arith.constant 0 : index
    %get3A_24 = arith.constant 0 : index
    %get3A_25 = vector.load %arg3[%get3A_23, %get3A_24] : memref<1000x32xf32, #tpu.memory_space<vmem>>, vector<1000x32xf32>
    %add3A_26 = arith.addf %div3A_22, %get3A_25 : vector<1000x32xf32>
    %gt3A = arith.constant 0.000000e+00 : f32
    %gt3A_27 = vector.broadcast %gt3A : f32 to vector<1000x32xf32>
    %gt3A_28 = arith.cmpf ogt, %add3A_26, %gt3A_27 : vector<1000x32xf32>
    %exp3A = math.exp %add3A_26 : vector<1000x32xf32>
    %sub3A = arith.constant 1.000000e+00 : f32
    %sub3A_29 = vector.broadcast %sub3A : f32 to vector<1000x32xf32>
    %sub3A_30 = arith.subf %exp3A, %sub3A_29 : vector<1000x32xf32>
    %select_n3A = arith.select %gt3A_28, %add3A_26, %sub3A_30 : vector<1000x32xi1>, vector<1000x32xf32>
    %swap3A = arith.constant 0 : index
    %swap3A_31 = arith.constant 0 : index
    %swap3A_32 = vector.load %arg4[%swap3A, %swap3A_31] : memref<1000x32xf32, #tpu.memory_space<vmem>>, vector<1000x32xf32>
    tpu.vector_store %arg4[%swap3A, %swap3A_31], %select_n3A {strides = array<i32>} : memref<1000x32xf32, #tpu.memory_space<vmem>>, vector<1000x32xf32>,
    return
  }
  func.func @transform_0(%arg0: i32) -> (i32, i32, i32) {
    %c0_i32 = arith.constant 0 : i32
    %c0_i32_0 = arith.constant 0 : i32
    %c0_i32_1 = arith.constant 0 : i32
    return %c0_i32, %arg0, %c0_i32_0 : i32, i32, i32
  }
  func.func @transform_1(%arg0: i32) -> (i32, i32, i32) {
    %c0_i32 = arith.constant 0 : i32
    %c0_i32_0 = arith.constant 0 : i32
    %c0_i32_1 = arith.constant 0 : i32
    return %c0_i32, %arg0, %c0_i32_0 : i32, i32, i32
  }
  func.func @transform_2(%arg0: i32) -> (i32, i32) {
    %c0_i32 = arith.constant 0 : i32
    %c0_i32_0 = arith.constant 0 : i32
    return %arg0, %c0_i32 : i32, i32
  }
  func.func @transform_3(%arg0: i32) -> (i32, i32) {
    %c0_i32 = arith.constant 0 : i32
    %c0_i32_0 = arith.constant 0 : i32
    return %arg0, %c0_i32 : i32, i32
  }
}

module attributes {stable_mosaic.version = 14 : i64} {
  func.func @body(%arg0: i32, %arg1: memref<1000x32xf32, #tpu.memory_space<vmem>>, %arg2: memref<32x1600xf32, #tpu.memory_space<vmem>>, %arg3: memref<32x64xf32, #tpu.memory_space<vmem>>, %arg4: memref<1x64xf32, #tpu.memory_space<vmem>>, %arg5: memref<1000x1600xf32, #tpu.memory_space<vmem>>, %arg6: memref<1000x64xf32, #tpu.memory_space<vmem>>) attributes {dimension_semantics = [#tpu.dimension_semantics<arbitrary>], iteration_bounds = array<i64: 10>, scalar_prefetch = 0 : i64, scratch_operands = 0 : i64, tpu.core_type = #tpu.core_type<tc>, window_params = [{transform_indices = @transform_0, window_bounds = array<i64: 1000, 32>}, {pipeline_mode = #tpu.pipeline_mode<synchronous>, transform_indices = @transform_1, window_bounds = array<i64: 32, 1600>}, {pipeline_mode = #tpu.pipeline_mode<synchronous>, transform_indices = @transform_2, window_bounds = array<i64: 32, 64>}, {pipeline_mode = #tpu.pipeline_mode<synchronous>, transform_indices = @transform_3, window_bounds = array<i64: 1, 64>}, {transform_indices = @transform_4, window_bounds = array<i64: 1000, 1600>}, {transform_indices = @transform_5, window_bounds = array<i64: 1000, 64>}]} {
    %get3A = arith.constant 0 : index
    %get3A_0 = arith.constant 0 : index
    %get3A_1 = vector.load %arg1[%get3A, %get3A_0] : memref<1000x32xf32, #tpu.memory_space<vmem>>, vector<1000x32xf32>
    %get3A_2 = arith.constant 0 : index
    %get3A_3 = arith.constant 0 : index
    %get3A_4 = vector.load %arg2[%get3A_2, %get3A_3] : memref<32x1600xf32, #tpu.memory_space<vmem>>, vector<32x1600xf32>
    %dot_general3A = arith.constant dense<0.000000e+00> : vector<1000x1600xf32>
    %dot_general3A_5 = tpu.matmul %get3A_1, %get3A_4, %dot_general3A {dimension_numbers = #tpu.dot_dimension_numbers<[1], [0], [0], [1], [0, 0, 1, 1], [], []>, precision = #tpu.contract_precision<fp32>, transpose_lhs_hint = false} : vector<1000x32xf32>, vector<32x1600xf32>, vector<1000x1600xf32> -> vector<1000x1600xf32>
    %swap3A = arith.constant 0 : index
    %swap3A_6 = arith.constant 0 : index
    %swap3A_7 = vector.load %arg5[%swap3A, %swap3A_6] : memref<1000x1600xf32, #tpu.memory_space<vmem>>, vector<1000x1600xf32>
    tpu.vector_store %arg5[%swap3A, %swap3A_6], %dot_general3A_5 {strides = array<i32>} : memref<1000x1600xf32, #tpu.memory_space<vmem>>, vector<1000x1600xf32>,
    %get3A_8 = arith.constant 0 : index
    %get3A_9 = arith.constant 0 : index
    %get3A_10 = vector.load %arg3[%get3A_8, %get3A_9] : memref<32x64xf32, #tpu.memory_space<vmem>>, vector<32x64xf32>
    %dot_general3A_11 = arith.constant dense<0.000000e+00> : vector<1000x64xf32>
    %dot_general3A_12 = tpu.matmul %get3A_1, %get3A_10, %dot_general3A_11 {dimension_numbers = #tpu.dot_dimension_numbers<[1], [0], [0], [1], [0, 0, 1, 1], [], []>, precision = #tpu.contract_precision<fp32>, transpose_lhs_hint = false} : vector<1000x32xf32>, vector<32x64xf32>, vector<1000x64xf32> -> vector<1000x64xf32>
    %get3A_13 = arith.constant 0 : index
    %get3A_14 = arith.constant 0 : index
    %get3A_15 = vector.load %arg4[%get3A_13, %get3A_14] : memref<1x64xf32, #tpu.memory_space<vmem>>, vector<1x64xf32>
    %add3A = vector.broadcast %get3A_15 : vector<1x64xf32> to vector<1000x64xf32>
    %add3A_16 = arith.addf %dot_general3A_12, %add3A : vector<1000x64xf32>
    %swap3A_17 = arith.constant 0 : index
    %swap3A_18 = arith.constant 0 : index
    %swap3A_19 = vector.load %arg6[%swap3A_17, %swap3A_18] : memref<1000x64xf32, #tpu.memory_space<vmem>>, vector<1000x64xf32>
    tpu.vector_store %arg6[%swap3A_17, %swap3A_18], %add3A_16 {strides = array<i32>} : memref<1000x64xf32, #tpu.memory_space<vmem>>, vector<1000x64xf32>,
    return
  }
  func.func @transform_0(%arg0: i32) -> (i32, i32) {
    %c0_i32 = arith.constant 0 : i32
    %c0_i32_0 = arith.constant 0 : i32
    return %arg0, %c0_i32 : i32, i32
  }
  func.func @transform_1(%arg0: i32) -> (i32, i32) {
    %c0_i32 = arith.constant 0 : i32
    %c0_i32_0 = arith.constant 0 : i32
    %c0_i32_1 = arith.constant 0 : i32
    return %c0_i32, %c0_i32_0 : i32, i32
  }
  func.func @transform_2(%arg0: i32) -> (i32, i32) {
    %c0_i32 = arith.constant 0 : i32
    %c0_i32_0 = arith.constant 0 : i32
    %c0_i32_1 = arith.constant 0 : i32
    return %c0_i32, %c0_i32_0 : i32, i32
  }
  func.func @transform_3(%arg0: i32) -> (i32, i32) {
    %c0_i32 = arith.constant 0 : i32
    %c0_i32_0 = arith.constant 0 : i32
    %c0_i32_1 = arith.constant 0 : i32
    return %c0_i32, %c0_i32_0 : i32, i32
  }
  func.func @transform_4(%arg0: i32) -> (i32, i32) {
    %c0_i32 = arith.constant 0 : i32
    %c0_i32_0 = arith.constant 0 : i32
    return %arg0, %c0_i32 : i32, i32
  }
  func.func @transform_5(%arg0: i32) -> (i32, i32) {
    %c0_i32 = arith.constant 0 : i32
    %c0_i32_0 = arith.constant 0 : i32
    return %arg0, %c0_i32 : i32, i32
  }
}

module attributes {stable_mosaic.version = 14 : i64} {
  func.func @body(%arg0: i32, %arg1: memref<2x1000x64xf32, #tpu.memory_space<vmem>>, %arg2: memref<2x1000x16xf32, #tpu.memory_space<vmem>>, %arg3: memref<1000x64xf32, #tpu.memory_space<vmem>>, %arg4: memref<1000x64xf32, #tpu.memory_space<vmem>>) attributes {dimension_semantics = [#tpu.dimension_semantics<arbitrary>], iteration_bounds = array<i64: 10>, scalar_prefetch = 0 : i64, scratch_operands = 0 : i64, tpu.core_type = #tpu.core_type<tc>, window_params = [{transform_indices = @transform_0, window_bounds = array<i64: 2, 1000, 64>}, {transform_indices = @transform_1, window_bounds = array<i64: 2, 1000, 16>}, {transform_indices = @transform_2, window_bounds = array<i64: 1000, 64>}, {transform_indices = @transform_3, window_bounds = array<i64: 1000, 64>}]} {
    %get3A = arith.constant 0 : index
    %get3A_0 = arith.constant 0 : index
    %get3A_1 = arith.constant 0 : index
    %get3A_2 = vector.load %arg1[%get3A, %get3A_0, %get3A_1] : memref<2x1000x64xf32, #tpu.memory_space<vmem>>, vector<1x1000x64xf32>
    %get3A_3 = vector.shape_cast %get3A_2 : vector<1x1000x64xf32> to vector<1000x64xf32>
    %get3A_4 = arith.constant 1 : index
    %get3A_5 = arith.constant 0 : index
    %get3A_6 = arith.constant 0 : index
    %get3A_7 = vector.load %arg1[%get3A_4, %get3A_5, %get3A_6] : memref<2x1000x64xf32, #tpu.memory_space<vmem>>, vector<1x1000x64xf32>
    %get3A_8 = vector.shape_cast %get3A_7 : vector<1x1000x64xf32> to vector<1000x64xf32>
    %add3A = arith.addf %get3A_3, %get3A_8 : vector<1000x64xf32>
    %get3A_9 = arith.constant 0 : index
    %get3A_10 = arith.constant 0 : index
    %get3A_11 = arith.constant 0 : index
    %get3A_12 = vector.load %arg2[%get3A_9, %get3A_10, %get3A_11] : memref<2x1000x16xf32, #tpu.memory_space<vmem>>, vector<1x1000x16xf32>
    %get3A_13 = vector.shape_cast %get3A_12 : vector<1x1000x16xf32> to vector<1000x16xf32>
    %slice3A = vector.extract_strided_slice %get3A_13 {offsets = [0, 0], sizes = [1000, 1], strides = [1, 1]} : vector<1000x16xf32> to vector<1000x1xf32>
    %get3A_14 = arith.constant 1 : index
    %get3A_15 = arith.constant 0 : index
    %get3A_16 = arith.constant 0 : index
    %get3A_17 = vector.load %arg2[%get3A_14, %get3A_15, %get3A_16] : memref<2x1000x16xf32, #tpu.memory_space<vmem>>, vector<1x1000x16xf32>
    %get3A_18 = vector.shape_cast %get3A_17 : vector<1x1000x16xf32> to vector<1000x16xf32>
    %slice3A_19 = vector.extract_strided_slice %get3A_18 {offsets = [0, 0], sizes = [1000, 1], strides = [1, 1]} : vector<1000x16xf32> to vector<1000x1xf32>
    %add3A_20 = arith.addf %slice3A, %slice3A_19 : vector<1000x1xf32>
    %jit3A = arith.constant 1.000000e+00 : f32
    %max3A = vector.broadcast %jit3A : f32 to vector<1000x1xf32>
    %max3A_21 = arith.maximumf %max3A, %add3A_20 : vector<1000x1xf32>
    %div3A = vector.broadcast %max3A_21 : vector<1000x1xf32> to vector<1000x64xf32>
    %div3A_22 = arith.divf %add3A, %div3A : vector<1000x64xf32>
    %get3A_23 = arith.constant 0 : index
    %get3A_24 = arith.constant 0 : index
    %get3A_25 = vector.load %arg3[%get3A_23, %get3A_24] : memref<1000x64xf32, #tpu.memory_space<vmem>>, vector<1000x64xf32>
    %add3A_26 = arith.addf %div3A_22, %get3A_25 : vector<1000x64xf32>
    %gt3A = arith.constant 0.000000e+00 : f32
    %gt3A_27 = vector.broadcast %gt3A : f32 to vector<1000x64xf32>
    %gt3A_28 = arith.cmpf ogt, %add3A_26, %gt3A_27 : vector<1000x64xf32>
    %exp3A = math.exp %add3A_26 : vector<1000x64xf32>
    %sub3A = arith.constant 1.000000e+00 : f32
    %sub3A_29 = vector.broadcast %sub3A : f32 to vector<1000x64xf32>
    %sub3A_30 = arith.subf %exp3A, %sub3A_29 : vector<1000x64xf32>
    %select_n3A = arith.select %gt3A_28, %add3A_26, %sub3A_30 : vector<1000x64xi1>, vector<1000x64xf32>
    %swap3A = arith.constant 0 : index
    %swap3A_31 = arith.constant 0 : index
    %swap3A_32 = vector.load %arg4[%swap3A, %swap3A_31] : memref<1000x64xf32, #tpu.memory_space<vmem>>, vector<1000x64xf32>
    tpu.vector_store %arg4[%swap3A, %swap3A_31], %select_n3A {strides = array<i32>} : memref<1000x64xf32, #tpu.memory_space<vmem>>, vector<1000x64xf32>,
    return
  }
  func.func @transform_0(%arg0: i32) -> (i32, i32, i32) {
    %c0_i32 = arith.constant 0 : i32
    %c0_i32_0 = arith.constant 0 : i32
    %c0_i32_1 = arith.constant 0 : i32
    return %c0_i32, %arg0, %c0_i32_0 : i32, i32, i32
  }
  func.func @transform_1(%arg0: i32) -> (i32, i32, i32) {
    %c0_i32 = arith.constant 0 : i32
    %c0_i32_0 = arith.constant 0 : i32
    %c0_i32_1 = arith.constant 0 : i32
    return %c0_i32, %arg0, %c0_i32_0 : i32, i32, i32
  }
  func.func @transform_2(%arg0: i32) -> (i32, i32) {
    %c0_i32 = arith.constant 0 : i32
    %c0_i32_0 = arith.constant 0 : i32
    return %arg0, %c0_i32 : i32, i32
  }
  func.func @transform_3(%arg0: i32) -> (i32, i32) {
    %c0_i32 = arith.constant 0 : i32
    %c0_i32_0 = arith.constant 0 : i32
    return %arg0, %c0_i32 : i32, i32
  }
}

module attributes {stable_mosaic.version = 14 : i64} {
  func.func @body(%arg0: i32, %arg1: memref<1000x64xf32, #tpu.memory_space<vmem>>, %arg2: memref<64x1600xf32, #tpu.memory_space<vmem>>, %arg3: memref<64x64xf32, #tpu.memory_space<vmem>>, %arg4: memref<1x64xf32, #tpu.memory_space<vmem>>, %arg5: memref<1000x1600xf32, #tpu.memory_space<vmem>>, %arg6: memref<1000x64xf32, #tpu.memory_space<vmem>>) attributes {dimension_semantics = [#tpu.dimension_semantics<arbitrary>], iteration_bounds = array<i64: 10>, scalar_prefetch = 0 : i64, scratch_operands = 0 : i64, tpu.core_type = #tpu.core_type<tc>, window_params = [{transform_indices = @transform_0, window_bounds = array<i64: 1000, 64>}, {pipeline_mode = #tpu.pipeline_mode<synchronous>, transform_indices = @transform_1, window_bounds = array<i64: 64, 1600>}, {pipeline_mode = #tpu.pipeline_mode<synchronous>, transform_indices = @transform_2, window_bounds = array<i64: 64, 64>}, {pipeline_mode = #tpu.pipeline_mode<synchronous>, transform_indices = @transform_3, window_bounds = array<i64: 1, 64>}, {transform_indices = @transform_4, window_bounds = array<i64: 1000, 1600>}, {transform_indices = @transform_5, window_bounds = array<i64: 1000, 64>}]} {
    %get3A = arith.constant 0 : index
    %get3A_0 = arith.constant 0 : index
    %get3A_1 = vector.load %arg1[%get3A, %get3A_0] : memref<1000x64xf32, #tpu.memory_space<vmem>>, vector<1000x64xf32>
    %get3A_2 = arith.constant 0 : index
    %get3A_3 = arith.constant 0 : index
    %get3A_4 = vector.load %arg2[%get3A_2, %get3A_3] : memref<64x1600xf32, #tpu.memory_space<vmem>>, vector<64x1600xf32>
    %dot_general3A = arith.constant dense<0.000000e+00> : vector<1000x1600xf32>
    %dot_general3A_5 = tpu.matmul %get3A_1, %get3A_4, %dot_general3A {dimension_numbers = #tpu.dot_dimension_numbers<[1], [0], [0], [1], [0, 0, 1, 1], [], []>, precision = #tpu.contract_precision<fp32>, transpose_lhs_hint = false} : vector<1000x64xf32>, vector<64x1600xf32>, vector<1000x1600xf32> -> vector<1000x1600xf32>
    %swap3A = arith.constant 0 : index
    %swap3A_6 = arith.constant 0 : index
    %swap3A_7 = vector.load %arg5[%swap3A, %swap3A_6] : memref<1000x1600xf32, #tpu.memory_space<vmem>>, vector<1000x1600xf32>
    tpu.vector_store %arg5[%swap3A, %swap3A_6], %dot_general3A_5 {strides = array<i32>} : memref<1000x1600xf32, #tpu.memory_space<vmem>>, vector<1000x1600xf32>,
    %get3A_8 = arith.constant 0 : index
    %get3A_9 = arith.constant 0 : index
    %get3A_10 = vector.load %arg3[%get3A_8, %get3A_9] : memref<64x64xf32, #tpu.memory_space<vmem>>, vector<64x64xf32>
    %dot_general3A_11 = arith.constant dense<0.000000e+00> : vector<1000x64xf32>
    %dot_general3A_12 = tpu.matmul %get3A_1, %get3A_10, %dot_general3A_11 {dimension_numbers = #tpu.dot_dimension_numbers<[1], [0], [0], [1], [0, 0, 1, 1], [], []>, precision = #tpu.contract_precision<fp32>, transpose_lhs_hint = false} : vector<1000x64xf32>, vector<64x64xf32>, vector<1000x64xf32> -> vector<1000x64xf32>
    %get3A_13 = arith.constant 0 : index
    %get3A_14 = arith.constant 0 : index
    %get3A_15 = vector.load %arg4[%get3A_13, %get3A_14] : memref<1x64xf32, #tpu.memory_space<vmem>>, vector<1x64xf32>
    %add3A = vector.broadcast %get3A_15 : vector<1x64xf32> to vector<1000x64xf32>
    %add3A_16 = arith.addf %dot_general3A_12, %add3A : vector<1000x64xf32>
    %swap3A_17 = arith.constant 0 : index
    %swap3A_18 = arith.constant 0 : index
    %swap3A_19 = vector.load %arg6[%swap3A_17, %swap3A_18] : memref<1000x64xf32, #tpu.memory_space<vmem>>, vector<1000x64xf32>
    tpu.vector_store %arg6[%swap3A_17, %swap3A_18], %add3A_16 {strides = array<i32>} : memref<1000x64xf32, #tpu.memory_space<vmem>>, vector<1000x64xf32>,
    return
  }
  func.func @transform_0(%arg0: i32) -> (i32, i32) {
    %c0_i32 = arith.constant 0 : i32
    %c0_i32_0 = arith.constant 0 : i32
    return %arg0, %c0_i32 : i32, i32
  }
  func.func @transform_1(%arg0: i32) -> (i32, i32) {
    %c0_i32 = arith.constant 0 : i32
    %c0_i32_0 = arith.constant 0 : i32
    %c0_i32_1 = arith.constant 0 : i32
    return %c0_i32, %c0_i32_0 : i32, i32
  }
  func.func @transform_2(%arg0: i32) -> (i32, i32) {
    %c0_i32 = arith.constant 0 : i32
    %c0_i32_0 = arith.constant 0 : i32
    %c0_i32_1 = arith.constant 0 : i32
    return %c0_i32, %c0_i32_0 : i32, i32
  }
  func.func @transform_3(%arg0: i32) -> (i32, i32) {
    %c0_i32 = arith.constant 0 : i32
    %c0_i32_0 = arith.constant 0 : i32
    %c0_i32_1 = arith.constant 0 : i32
    return %c0_i32, %c0_i32_0 : i32, i32
  }
  func.func @transform_4(%arg0: i32) -> (i32, i32) {
    %c0_i32 = arith.constant 0 : i32
    %c0_i32_0 = arith.constant 0 : i32
    return %arg0, %c0_i32 : i32, i32
  }
  func.func @transform_5(%arg0: i32) -> (i32, i32) {
    %c0_i32 = arith.constant 0 : i32
    %c0_i32_0 = arith.constant 0 : i32
    return %arg0, %c0_i32 : i32, i32
  }
}

module attributes {stable_mosaic.version = 14 : i64} {
  func.func @body(%arg0: memref<80x125xf32, #tpu.memory_space<vmem>>, %arg1: memref<80x125xf32, #tpu.memory_space<vmem>>, %arg2: memref<80x125xi32, #tpu.memory_space<vmem>>, %arg3: memref<80x125xi32, #tpu.memory_space<vmem>>) attributes {dimension_semantics = [], scalar_prefetch = 0 : i64, scratch_operands = 0 : i64, tpu.core_type = #tpu.core_type<tc>} {
    %get3A = arith.constant 0 : index
    %get3A_0 = arith.constant 0 : index
    %get3A_1 = vector.load %arg0[%get3A, %get3A_0] : memref<80x125xf32, #tpu.memory_space<vmem>>, vector<80x125xf32>
    %div3A = arith.constant 1.400000e+01 : f32
    %div3A_2 = vector.broadcast %div3A : f32 to vector<80x125xf32>
    %div3A_3 = arith.divf %get3A_1, %div3A_2 : vector<80x125xf32>
    %floor3A = math.floor %div3A_3 : vector<80x125xf32>
    %jit3A = arith.constant 0.000000e+00 : f32
    %jit3A_4 = arith.constant 1.000000e+00 : f32
    %max3A = vector.broadcast %jit3A : f32 to vector<80x125xf32>
    %max3A_5 = arith.maximumf %max3A, %floor3A : vector<80x125xf32>
    %min3A = vector.broadcast %jit3A_4 : f32 to vector<80x125xf32>
    %min3A_6 = arith.minimumf %min3A, %max3A_5 : vector<80x125xf32>
    %convert_element_type3A = arith.fptosi %min3A_6 : vector<80x125xf32> to vector<80x125xi32>
    %get3A_7 = arith.constant 0 : index
    %get3A_8 = arith.constant 0 : index
    %get3A_9 = vector.load %arg1[%get3A_7, %get3A_8] : memref<80x125xf32, #tpu.memory_space<vmem>>, vector<80x125xf32>
    %div3A_10 = arith.constant 1.400000e+01 : f32
    %div3A_11 = vector.broadcast %div3A_10 : f32 to vector<80x125xf32>
    %div3A_12 = arith.divf %get3A_9, %div3A_11 : vector<80x125xf32>
    %floor3A_13 = math.floor %div3A_12 : vector<80x125xf32>
    %jit3A_14 = arith.constant 0.000000e+00 : f32
    %jit3A_15 = arith.constant 1.000000e+00 : f32
    %max3A_16 = vector.broadcast %jit3A_14 : f32 to vector<80x125xf32>
    %max3A_17 = arith.maximumf %max3A_16, %floor3A_13 : vector<80x125xf32>
    %min3A_18 = vector.broadcast %jit3A_15 : f32 to vector<80x125xf32>
    %min3A_19 = arith.minimumf %min3A_18, %max3A_17 : vector<80x125xf32>
    %convert_element_type3A_20 = arith.fptosi %min3A_19 : vector<80x125xf32> to vector<80x125xi32>
    %get3A_21 = arith.constant 0 : index
    %get3A_22 = arith.constant 0 : index
    %get3A_23 = vector.load %arg2[%get3A_21, %get3A_22] : memref<80x125xi32, #tpu.memory_space<vmem>>, vector<80x125xi32>
    %mul3A = arith.constant 4 : i32
    %mul3A_24 = vector.broadcast %mul3A : i32 to vector<80x125xi32>
    %mul3A_25 = arith.muli %get3A_23, %mul3A_24 : vector<80x125xi32>
    %mul3A_26 = arith.constant 2 : i32
    %mul3A_27 = vector.broadcast %mul3A_26 : i32 to vector<80x125xi32>
    %mul3A_28 = arith.muli %convert_element_type3A_20, %mul3A_27 : vector<80x125xi32>
    %add3A = arith.addi %mul3A_25, %mul3A_28 : vector<80x125xi32>
    %add3A_29 = arith.addi %add3A, %convert_element_type3A : vector<80x125xi32>
    %swap3A = arith.constant 0 : index
    %swap3A_30 = arith.constant 0 : index
    %swap3A_31 = vector.load %arg3[%swap3A, %swap3A_30] : memref<80x125xi32, #tpu.memory_space<vmem>>, vector<80x125xi32>
    tpu.vector_store %arg3[%swap3A, %swap3A_30], %add3A_29 {strides = array<i32>} : memref<80x125xi32, #tpu.memory_space<vmem>>, vector<80x125xi32>,
    return
  }
}

module attributes {stable_mosaic.version = 14 : i64} {
  func.func @body(%arg0: memref<32x520x64xf32, #tpu.memory_space<vmem>>, %arg1: memref<512x64xf32, #tpu.memory_space<vmem>>) attributes {dimension_semantics = [], scalar_prefetch = 0 : i64, scratch_operands = 0 : i64, tpu.core_type = #tpu.core_type<tc>} {
    %get3A = arith.constant 0 : index
    %get3A_0 = arith.constant 0 : index
    %get3A_1 = arith.constant 0 : index
    %get3A_2 = vector.load %arg0[%get3A, %get3A_0, %get3A_1] : memref<32x520x64xf32, #tpu.memory_space<vmem>>, vector<32x520x64xf32>
    %reduce_max3A = arith.constant dense<0xFF800000> : vector<520x64xf32>
    %reduce_max3A_3 = vector.multi_reduction <maximumf>, %get3A_2, %reduce_max3A [0] : vector<32x520x64xf32> to vector<520x64xf32>
    %slice3A = vector.extract_strided_slice %reduce_max3A_3 {offsets = [0, 0], sizes = [512, 64], strides = [1, 1]} : vector<520x64xf32> to vector<512x64xf32>
    %is_finite3A = tpu.weird %slice3A : vector<512x64xf32> -> vector<512x64xi1>
    %is_finite3A_4 = arith.constant dense<true> : vector<512x64xi1>
    %is_finite3A_5 = arith.xori %is_finite3A, %is_finite3A_4 : vector<512x64xi1>
    %jit3A = arith.constant 0.000000e+00 : f32
    %broadcast_in_dim3A = vector.broadcast %jit3A : f32 to vector<512x64xf32>
    %select_n3A = arith.select %is_finite3A_5, %slice3A, %broadcast_in_dim3A : vector<512x64xi1>, vector<512x64xf32>
    %swap3A = arith.constant 0 : index
    %swap3A_6 = arith.constant 0 : index
    %swap3A_7 = vector.load %arg1[%swap3A, %swap3A_6] : memref<512x64xf32, #tpu.memory_space<vmem>>, vector<512x64xf32>
    tpu.vector_store %arg1[%swap3A, %swap3A_6], %select_n3A {strides = array<i32>} : memref<512x64xf32, #tpu.memory_space<vmem>>, vector<512x64xf32>,
    return
  }
}

module attributes {stable_mosaic.version = 14 : i64} {
  func.func @body(%arg0: memref<128x256xf32, #tpu.memory_space<vmem>>, %arg1: memref<256x128xf32, #tpu.memory_space<vmem>>, %arg2: memref<1x128xf32, #tpu.memory_space<vmem>>, %arg3: memref<128x10xf32, #tpu.memory_space<vmem>>, %arg4: memref<1x10xf32, #tpu.memory_space<vmem>>, %arg5: memref<128x10xf32, #tpu.memory_space<vmem>>) attributes {dimension_semantics = [], scalar_prefetch = 0 : i64, scratch_operands = 0 : i64, tpu.core_type = #tpu.core_type<tc>} {
    %get3A = arith.constant 0 : index
    %get3A_0 = arith.constant 0 : index
    %get3A_1 = vector.load %arg0[%get3A, %get3A_0] : memref<128x256xf32, #tpu.memory_space<vmem>>, vector<128x256xf32>
    %get3A_2 = arith.constant 0 : index
    %get3A_3 = arith.constant 0 : index
    %get3A_4 = vector.load %arg1[%get3A_2, %get3A_3] : memref<256x128xf32, #tpu.memory_space<vmem>>, vector<256x128xf32>
    %dot_general3A = arith.constant dense<0.000000e+00> : vector<128x128xf32>
    %dot_general3A_5 = tpu.matmul %get3A_1, %get3A_4, %dot_general3A {dimension_numbers = #tpu.dot_dimension_numbers<[1], [0], [0], [1], [0, 0, 1, 1], [], []>, precision = #tpu.contract_precision<fp32>, transpose_lhs_hint = false} : vector<128x256xf32>, vector<256x128xf32>, vector<128x128xf32> -> vector<128x128xf32>
    %get3A_6 = arith.constant 0 : index
    %get3A_7 = arith.constant 0 : index
    %get3A_8 = vector.load %arg2[%get3A_6, %get3A_7] : memref<1x128xf32, #tpu.memory_space<vmem>>, vector<1x128xf32>
    %add3A = vector.broadcast %get3A_8 : vector<1x128xf32> to vector<128x128xf32>
    %add3A_9 = arith.addf %dot_general3A_5, %add3A : vector<128x128xf32>
    %gt3A = arith.constant 0.000000e+00 : f32
    %gt3A_10 = vector.broadcast %gt3A : f32 to vector<128x128xf32>
    %gt3A_11 = arith.cmpf ogt, %add3A_9, %gt3A_10 : vector<128x128xf32>
    %exp3A = math.exp %add3A_9 : vector<128x128xf32>
    %sub3A = arith.constant 1.000000e+00 : f32
    %sub3A_12 = vector.broadcast %sub3A : f32 to vector<128x128xf32>
    %sub3A_13 = arith.subf %exp3A, %sub3A_12 : vector<128x128xf32>
    %select_n3A = arith.select %gt3A_11, %add3A_9, %sub3A_13 : vector<128x128xi1>, vector<128x128xf32>
    %get3A_14 = arith.constant 0 : index
    %get3A_15 = arith.constant 0 : index
    %get3A_16 = vector.load %arg3[%get3A_14, %get3A_15] : memref<128x10xf32, #tpu.memory_space<vmem>>, vector<128x10xf32>
    %dot_general3A_17 = arith.constant dense<0.000000e+00> : vector<128x10xf32>
    %dot_general3A_18 = tpu.matmul %select_n3A, %get3A_16, %dot_general3A_17 {dimension_numbers = #tpu.dot_dimension_numbers<[1], [0], [0], [1], [0, 0, 1, 1], [], []>, precision = #tpu.contract_precision<fp32>, transpose_lhs_hint = false} : vector<128x128xf32>, vector<128x10xf32>, vector<128x10xf32> -> vector<128x10xf32>
    %get3A_19 = arith.constant 0 : index
    %get3A_20 = arith.constant 0 : index
    %get3A_21 = vector.load %arg4[%get3A_19, %get3A_20] : memref<1x10xf32, #tpu.memory_space<vmem>>, vector<1x10xf32>
    %add3A_22 = vector.broadcast %get3A_21 : vector<1x10xf32> to vector<128x10xf32>
    %add3A_23 = arith.addf %dot_general3A_18, %add3A_22 : vector<128x10xf32>
    %reduce_max3A = arith.constant dense<0xFF800000> : vector<128xf32>
    %reduce_max3A_24 = vector.multi_reduction <maximumf>, %add3A_23, %reduce_max3A [1] : vector<128x10xf32> to vector<128xf32>
    %broadcast_in_dim3A = vector.shape_cast %reduce_max3A_24 : vector<128xf32> to vector<128x1xf32>
    %sub3A_25 = vector.broadcast %broadcast_in_dim3A : vector<128x1xf32> to vector<128x10xf32>
    %sub3A_26 = arith.subf %add3A_23, %sub3A_25 : vector<128x10xf32>
    %exp3A_27 = math.exp %sub3A_26 : vector<128x10xf32>
    %reduce_sum3A = arith.constant dense<0.000000e+00> : vector<128xf32>
    %reduce_sum3A_28 = vector.multi_reduction <add>, %exp3A_27, %reduce_sum3A [1] : vector<128x10xf32> to vector<128xf32>
    %broadcast_in_dim3A_29 = vector.shape_cast %reduce_sum3A_28 : vector<128xf32> to vector<128x1xf32>
    %log3A = math.log %broadcast_in_dim3A_29 : vector<128x1xf32>
    %sub3A_30 = vector.broadcast %broadcast_in_dim3A : vector<128x1xf32> to vector<128x10xf32>
    %sub3A_31 = arith.subf %add3A_23, %sub3A_30 : vector<128x10xf32>
    %sub3A_32 = vector.broadcast %log3A : vector<128x1xf32> to vector<128x10xf32>
    %sub3A_33 = arith.subf %sub3A_31, %sub3A_32 : vector<128x10xf32>
    %swap3A = arith.constant 0 : index
    %swap3A_34 = arith.constant 0 : index
    %swap3A_35 = vector.load %arg5[%swap3A, %swap3A_34] : memref<128x10xf32, #tpu.memory_space<vmem>>, vector<128x10xf32>
    tpu.vector_store %arg5[%swap3A, %swap3A_34], %sub3A_33 {strides = array<i32>} : memref<128x10xf32, #tpu.memory_space<vmem>>, vector<128x10xf32>,
    return
  }
}

</mosaic_0001>

<sc_bundles>
// kernel: kernel.16.cloned.1.call-start
scs
__scs_entry_jumppad:
0x0: {  	(pc) =	sbr.rel $0x88, $3  }
0x1: {  	(tag) =	ssettag $0x0;
	lr =	simm.s32 $0x1  }
0x2: {  	[smem:$0x3F8F] =	sst lr;
	_ =	strace $0xD0000000  }
0x3: {  	_ = 	snop  }
0x4: {  	_ = 	snop  }
0x5: {  	_ = 	snop  }
0x6: {  	_ = 	snop  }
0x7: {  	_ = 	snop  }
__scs_overlays_trampoline_lowered:
0x8: {  	[smem:$0x3F9E] =	sst s0  }
0x9: {  	[smem:$0x3F9F] =	sst s1  }
0xa: {  	[smem:$0x3FA0] =	sst s2  }
0xb: {  	[smem:$0x3FA1] =	sst s3  }
0xc: {  	[smem:$0x3FA2] =	sst s4  }
0xd: {  	[smem:$0x3FA3] =	sst s5  }
0xe: {  	[smem:$0x3FA4] =	sst s6  }
0xf: {  	[smem:$0x3FA5] =	sst s7  }
0x10: {  	[smem:$0x3FA6] =	sst s8  }
0x11: {  	[smem:$0x3FA7] =	sst s9;
	s0 =	simm.s32 @!p0 $0x0  }
0x12: {  	s1 =	sld [smem:$0x3F8D];
	s0 =	simm.s32 @p0 $0x1  }
0x13: {  	[smem:$0x3FA8] =	sst s0;
	s0 =	simm.s32 @!p1 $0x0  }
0x14: {  	s2 =	sld [smem:$0x3F8C];
	s0 =	simm.s32 @p1 $0x1  }
0x15: {  	[smem:$0x3FA9] =	sst s0;
	s0 =	simm.s32 @!p2 $0x0  }
0x16: {  	s3 =	sld [smem:$0x3FDB];
	s0 =	simm.s32 @p2 $0x1  }
0x17: {  	s4 =	simm.s32 $0x1BF5;
	[smem:$0x3FAB] =	sst s0  }
0x18: {  	s0 =	sld [smem:$0x3F8E];
	_ =	swait.ge [sflag:s4], $0x0  }
0x19: {  	s7 =	sld [smem:$0x3F8F]  }
0x1a: {  	s8 =	sadd.s32 $0xFFFFE003, lr  }
0x1b: {  	s9 =	sadd.s32 $0xFFFFFEF7, lr;
	s5 =	simm.s32 $0xFFFFFFFF;
	p2 =	slt.u32 s8, $0xFFFFF086  }
0x1c: {  	p1 =	slt.u32 s9, $0xF7A;
	s5 =	simm.s32 @!p2 $0x0  }
0x1d: {  	s5 =	simm.s32 @p1 $0x1;
	p0 =	seq.s32 s7, s2  }
0x1e: {  	s7 =	smul.u32 @!p0 $0xF7A, s2;
	p2 =	seq.s32 @!p0 s5, $0x0  }
0x1f: {  	s9 =	smul.u32 $0xF7A, s1;
	s8 =	simm.s32 @!p0 $0x1BF5;
	p2 =	por !p2, p0  }
0x20: {  	[sflag:s8] =	ssyncset.s32 @!p0 $0xFFFFF086;
	s6 =	sadd.s32 @!p0 s3, s7;
	s7 =	simm.s32 @!p0 $0x108  }
0x21: {  	s3 =	sadd.s32 s3, s9;
	s6 =	sadd.s32 @!p0 $0x88, s6;
	s7 =	simm.s32 @p2 $0x1082  }
0x22: {  	[simem:s7], [sflag:s8] =	dma.local @!p0 [hbm:s6], $0xF7A  }
0x23: {  	s9 =	sor.u32 $0xD0000000, s2;
	s6 =	simm.s32 $0x108;
	_ =	swait.ge @!p0 [sflag:s8], $0x0  }
0x24: {  	s3 =	sadd.s32 $0x88, s3;
	s6 =	simm.s32 @!p1 $0x1082;
	[sflag:s4] =	ssyncset.s32 $0xFFFFF086  }
0x25: {  	[simem:s6], [sflag:s4] =	dma.local [hbm:s3], $0xF7A  }
0x26: {  	[smem:$0x3F8F] =	sst s1;
	(tag) =	ssettag s2;
	_ =	strace s9  }
0x27: {  	s1 =	sld [smem:$0x3F9F]  }
0x28: {  	s2 =	sld [smem:$0x3FA0]  }
0x29: {  	s4 =	sld [smem:$0x3FA2]  }
0x2a: {  	p0 =	seq.s32 s5, $0x0;
	s5 =	sld [smem:$0x3FA3]  }
0x2b: {  	s6 =	sld [smem:$0x3FA4]  }
0x2c: {  	s7 =	sld [smem:$0x3FA5]  }
0x2d: {  	s3 =	simm.s32 $0x108;
	s8 =	sld [smem:$0x3FA6]  }
0x2e: {  	s3 =	simm.s32 @!p0 $0x1082;
	s9 =	sld [smem:$0x3FA7]  }
0x2f: {  	lr =	sadd.s32 s0, s3;
	s0 =	sld [smem:$0x3F9E]  }
0x30: {  	s3 =	sld [smem:$0x3FA1]  }
0x31: {  	[smem:$0x3FAA] =	sst s10  }
0x32: {  	s10 =	sld [smem:$0x3FA8];
	_ =	sdelay $0x3  }
0x33: {  	p0 =	seq.s32 s10, $0x1;
	s10 =	sld [smem:$0x3FAA];
	_ =	sdelay $0x3  }
0x34: {  	[smem:$0x3FAA] =	sst s10  }
0x35: {  	s10 =	sld [smem:$0x3FA9];
	_ =	sdelay $0x3  }
0x36: {  	p1 =	seq.s32 s10, $0x1;
	s10 =	sld [smem:$0x3FAA];
	_ =	sdelay $0x3  }
0x37: {  	[smem:$0x3FAA] =	sst s10  }
0x38: {  	s10 =	sld [smem:$0x3FAB]  }
0x39: {  	_ = 	snop;
	(pc) =	sbr.ind lr, $3  }
0x3a: {  	_ = 	snop  }
0x3b: {  	_ = 	snop  }
0x3c: {  	p2 =	seq.s32 s10, $0x1;
	s10 =	sld [smem:$0x3FAA]  }
0x3d: {  	_ =	shalt  }
0x3e: {  	_ =	shalt  }
0x3f: {  	_ =	shalt  }
0x40: {  	_ =	shalt  }
0x41: {  	_ =	shalt  }
0x42: {  	_ =	shalt  }
0x43: {  	_ =	shalt  }
0x44: {  	_ =	shalt  }
0x45: {  	_ =	shalt  }
0x46: {  	_ =	shalt  }
0x47: {  	_ =	shalt  }
0x48: {  	_ =	shalt  }
0x49: {  	_ =	shalt  }
0x4a: {  	_ =	shalt  }
0x4b: {  	_ =	shalt  }
0x4c: {  	_ =	shalt  }
0x4d: {  	_ =	shalt  }
0x4e: {  	_ =	shalt  }
0x4f: {  	_ =	shalt  }
0x50: {  	_ =	shalt  }
0x51: {  	_ =	shalt  }
0x52: {  	_ =	shalt  }
0x53: {  	_ =	shalt  }
0x54: {  	_ =	shalt  }
0x55: {  	_ =	shalt  }
0x56: {  	_ =	shalt  }
0x57: {  	_ =	shalt  }
0x58: {  	_ =	shalt  }
0x59: {  	_ =	shalt  }
0x5a: {  	_ =	shalt  }
0x5b: {  	_ =	shalt  }
0x5c: {  	_ =	shalt  }
0x5d: {  	_ =	shalt  }
0x5e: {  	_ =	shalt  }
0x5f: {  	_ =	shalt  }
0x60: {  	_ =	shalt  }
0x61: {  	_ =	shalt  }
0x62: {  	_ =	shalt  }
0x63: {  	_ =	shalt  }
0x64: {  	_ =	shalt  }
0x65: {  	_ =	shalt  }
0x66: {  	_ =	shalt  }
0x67: {  	_ =	shalt  }
0x68: {  	_ =	shalt  }
0x69: {  	_ =	shalt  }
0x6a: {  	_ =	shalt  }
0x6b: {  	_ =	shalt  }
0x6c: {  	_ =	shalt  }
0x6d: {  	_ =	shalt  }
0x6e: {  	_ =	shalt  }
0x6f: {  	_ =	shalt  }
0x70: {  	_ =	shalt  }
0x71: {  	_ =	shalt  }
0x72: {  	_ =	shalt  }
0x73: {  	_ =	shalt  }
0x74: {  	_ =	shalt  }
0x75: {  	_ =	shalt  }
0x76: {  	_ =	shalt  }
0x77: {  	_ =	shalt  }
0x78: {  	_ =	shalt  }
0x79: {  	_ =	shalt  }
0x7a: {  	_ =	shalt  }
0x7b: {  	_ =	shalt  }
0x7c: {  	_ =	shalt  }
0x7d: {  	_ =	shalt  }
0x7e: {  	_ =	shalt  }
0x7f: {  	_ =	shalt  }
0x80: {  	_ =	shalt  }
0x81: {  	_ =	shalt  }
0x82: {  	_ =	shalt  }
0x83: {  	_ =	shalt  }
0x84: {  	_ =	shalt  }
0x85: {  	_ =	shalt  }
0x86: {  	_ =	shalt  }
0x87: {  	_ =	shalt  }
.Lfunc_end0:
.L_simem_size_0:
called_computation_lowered:
.L_overlay_start_0:
0x88: {  	s2 =	sld [smem:$0x3FD9]  }
0x89: {  	s3 =	sld [smem:$0x3FFE];
	_ =	sdelay $0x1  }
0x8a: {  	s1 =	srdreg.scid  }
0x8b: {  	s0 =	sand.u32 $0x1, s1  }
0x8c: {  	s16 =	sshll.u32 s0, $0xA;
	s2 =	sadd.s32 s3, s2  }
0x8d: {  	s2 =	sadd.s32 s2, s16  }
0x8e: {  	[smem:$0x3FB6] =	sst s2  }
0x8f: {  	_ = 	snop  }
0x90: {  	(tm) =	ssettm $0x1  }
0x91: {  	s17 =	sld [smem:$0x3FFB];
	_ =	sdelay $0x3  }
0x92: {  	_ =	strace s17  }
0x93: {  	s2 =	sld [smem:$0x3FFC];
	_ =	sdelay $0x3  }
0x94: {  	_ =	strace s2  }
0x95: {  	s2 =	sld [smem:$0x3FFD];
	_ =	sdelay $0x3  }
0x96: {  	_ =	strace s2  }
0x97: {  	_ =	strace $0x8FFFFFFF  }
0x98: {  	s18 =	sld [smem:$0x3FDB];
	_ =	sdelay $0x1  }
0x99: {  	s19 =	simm.s32 $_scs_section_size  }
0x9a: {  	s4 =	simm.s32 $_size__tile_overlayer_lowered;
	s5 =	simm.s32 $_tile_overlayer_lowered  }
0x9b: {  	s22 =	simm.s32 $0x1BFF;
	s21 =	sshll.u32 s5, $0x1;
	s2 =	sadd.s32 s19, s18  }
0x9c: {  	s6 =	simm.s32 $0x0;
	s20 =	sshll.u32 s4, $0x1;
	s4 =	sadd.s32 s21, s2  }
0x9d: {  	[timem:s6], [sflag:s22] =	dma.local [hbm:s4], s20  }
0x9e: {  	_ =	swait.ge [sflag:s22], s20  }
0x9f: {  	s3 =	ssub.s32 $0x0, s20;
	[sflag:s22] =	ssyncset.done $0x0  }
0xa0: {  	[sflag:s22] =	ssyncadd.s32 s3;
	_ =	sdelay $0x1  }
0xa1: {  	s23 =	simm.s32 $0x1B8B  }
0xa2: {  	_ =	swait.ge [sflag:s23], $0x1  }
0xa3: {  	[sflag:s23] =	ssyncset.done $0x0  }
0xa4: {  	s25 =	simm.s32 $0x1B8E;
	s24 =	sld [smem:$0x3FFE];
	[sflag:s23] =	ssyncadd.s32 $0xFFFFFFFF  }
0xa5: {  	s26 =	simm.s32 $execute0_lowered;
	[smem:$0x3FD2] =	sst s25  }
0xa6: {  	s4 =	sshll.u32 s26, $0x1;
	_ =	strace $0x80000046;
	[dreg:$0x1] =	wrdreg $0xFFFFFFFF  }
0xa7: {  	s28 =	simm.s32 $_size_execute0_lowered;
	s2 =	sadd.s32 s2, s4;
	[dreg:$0x0] =	wrdreg $0x0  }
0xa8: {  	s4 =	sshll.u32 s28, $0x1;
	[dreg:$0x2] =	wrdreg s2  }
0xa9: {  	[dreg:$0x3] =	wrdreg s4  }
0xaa: {  	[dreg:$0x4] =	wrdreg $0xC0  }
0xab: {  	_ =	task [dreg:s6], $0x5FFFF  }
0xac: {  	[dreg:$0x1] =	wrdreg $0xFFFFFFFF  }
0xad: {  	[dreg:$0x0] =	wrdreg $0x60  }
0xae: {  	[dreg:$0x2] =	wrdreg s24  }
0xaf: {  	[dreg:$0x3] =	wrdreg $0x64800  }
0xb0: {  	[dreg:$0x4] =	wrdreg $0xBC800  }
0xb1: {  	[dreg:$0x5] =	wrdreg $0x9  }
0xb2: {  	_ =	task.clear_ibuf [dreg:s6], $0x6FFFF;
	_ =	strace $0x90000046  }
0xb3: {  	s29 =	simm.s32 $0x9;
	_ =	strace $0x80000048  }
0xb4: {  	_ =	swait.ge [sflag:s29], $0x1  }
0xb5: {  	[sflag:s29] =	ssyncadd.s32 $0xFFFFFFFF  }
0xb6: {  	_ =	strace $0x90000048  }
0xb7: {  	_ =	sfence  }
0xb8: {  	s30 =	sld [smem:$0x0];
	_ =	sdelay $0x2  }
0xb9: {  	s31 =	sshll.u32 s1, $0xD;
	s1 =	sshrl.u32 s1, $0x2  }
0xba: {  	s3 =	sand.u32 $0x4000, s31;
	s1 =	sadd.s32 s1, s30  }
0xbb: {  	s0 =	sor.u32 s3, s0;
	s1 =	sshll.u32 s1, $0x11  }
0xbc: {  	s0 =	sor.u32 s1, s0  }
0xbd: {  	s0 =	sadd.s32 $0x8F2B, s0  }
0xbe: {  	[sflag:s0] =	ssyncadd.remote.s32 $0x1  }
0xbf: {  	_ =	sfence.sel $0xFFFF  }
0xc0: {  	[dreg:$0x0] =	wrdreg $0xFFFFFFFF;
	(pc) =	sbr.abs _section_cstart, $3  }
0xc1: {  	[dreg:$0x1] =	wrdreg $0xFFFFFFFF  }
0xc2: {  	_ =	task.clear_ibuf [dreg:s6], $0x2FFFF;
	_ =	strace $0x9FFFFFFF  }
0xc3: {  	(tm) =	ssettm $0x7FFFFFFF  }
tec
execute0_lowered:
.L_overlay_start_1:
0x0: {  	(tag) =	ssettag $0x1  }
0x1: {  	s0 =	rddreg [dreg:$0x0]  }
0x2: {  	s2 =	rddreg [dreg:$0x1]  }
0x3: {  	s3 =	rddreg [dreg:$0x2]  }
0x4: {  	s1 =	srdreg.scid;
	s16 =	stileid.u32  }
0x5: {  	s4 =	simm.s32 $0x0;
	s28 =	simm.s32 $0x200;
	s29 =	simm.s32 $0x400  }
0x6: {  	s30 =	simm.s32 $0x80;
	s31 =	simm.s32 $0x480;
	s9 =	smul.u32 $0x5000, s16  }
0x7: {  	s1 =	sand.u32 $0x1, s1;
	[smem:$0x7FF] =	sst s4;
	s11 =	smul.u32 $0x2800, s16  }
0x8: {  	s5 =	sadd.s32 $0x127E00, s0;
	s6 =	sadd.s32 $0x16600, s0;
	s7 =	sadd.s32 $0x2600, s0  }
0x9: {  	s8 =	sadd.s32 $0x2A600, s0;
	s13 =	smul.u32 $0x280, s16;
	s20 =	sshll.u32 s16, $0x1  }
0xa: {  	s10 =	smul.u32 $0x50000, s1;
	_ =	strace $0x80000047;
	s14 =	ssub.s32 $0x2, s1  }
0xb: {  	s12 =	smul.u32 $0x28000, s1;
	s1 =	sor.u32 s1, s20;
	s19 =	sshrl.u32 s14, $0x1  }
0xc: {  	s15 =	sadd.s32 $0x80, s13;
	s24 =	sadd.s32 s9, s2;
	s23 =	sadd.s32 $0x100, s13  }
0xd: {  	s25 =	sadd.s32 $0x180, s13;
	s13 =	sadd.s32 $0x200, s13;
	s10 =	sadd.s32 s9, s10  }
0xe: {  	s12 =	sadd.s32 s11, s12;
	s21 =	sshll.u32 s15, $0x5;
	s26 =	sshll.u32 s23, $0x5  }
0xf: {  	s17 =	sshll.u32 s25, $0x5;
	s18 =	sshll.u32 s13, $0x5;
	s9 =	sshll.u32 s23, $0x4  }
0x10: {  	s23 =	sshll.u32 s13, $0x4;
	s13 =	simm.s32 $0x4480;
	s10 =	sshrl.u32 s10, $0x3  }
0x11: {  	s12 =	sshrl.u32 s12, $0x3;
	s22 =	sadd.s32 s21, s2;
	s20 =	sadd.s32 s18, s2  }
0x12: {  	s21 =	sshll.u32 s15, $0x4;
	s9 =	sadd.s32 s9, s3;
	[dreg:$0x4] =	wrdreg s22  }
0x13: {  	s10 =	sadd.s32 s10, s0;
	s0 =	sadd.s32 s12, s0;
	[dreg:$0x7] =	wrdreg s20  }
0x14: {  	s12 =	ssub.s32 s14, s19;
	s14 =	sadd.s32 s26, s2;
	[dreg:$0xa] =	wrdreg s9  }
0x15: {  	s18 =	smul.u32 $0x5000, s1;
	s19 =	sadd.s32 s17, s2;
	[dreg:$0x5] =	wrdreg s14  }
0x16: {  	s17 =	sadd.s32 s11, s3;
	s11 =	sadd.s32 s21, s3;
	[dreg:$0x6] =	wrdreg s19  }
0x17: {  	s22 =	sshll.u32 s25, $0x4;
	s20 =	smul.u32 $0x28, s1;
	[dreg:$0x9] =	wrdreg s11  }
0x18: {  	s1 =	simm.s32 $0x100;
	s9 =	sadd.s32 s22, s3;
	[dreg:$0x8] =	wrdreg s17  }
0x19: {  	s25 =	sadd.s32 $0x2F600, s10;
	s0 =	sadd.s32 $0x43600, s0;
	[dreg:$0xb] =	wrdreg s9  }
0x1a: {  	s26 =	smax.u32 s12, $0x1;
	s10 =	simm.s32 $0x2480;
	[dreg:$0xd] =	wrdreg s25  }
0x1b: {  	s11 =	simm.s32 $0x180;
	s12 =	simm.s32 $0x3480;
	[dreg:$0xe] =	wrdreg s0  }
0x1c: {  	s9 =	sadd.s32 s23, s3;
	[dreg:$0xf] =	wrdreg s26;
	s25 =	simm.s32 $0x1  }
0x1d: {  	v0 =	vimm.f32 $0.0e+00;
	v1 =	vimm.f32 $1.000000000e+00;
	s26 =	simm.s32 $0xB480;
	s0 =	simm.s32 $0x1480;
	[dreg:$0xc] =	wrdreg s9  }
.LBB2_1:
0x1e: {  	s15 =	simm.s32 $0x80;
	s9 =	simm.s32 $0x0  }
.LBB2_2:
0x1f: {  	p0 =	sne.s32 s15, $0x3F80;
	[tilespmem:s9+$0x5480] =	vst v0;
	s16 =	smov.u32 s15;
	s15 =	sadd.s32 $0x80, s15  }
.Ltmp0:
0x20: {  	[tilespmem:s9+$0x5490] =	vst v0;
	(pc) =	sbr.rel @p0 .LBB2_2-.Ltmp0, $2  }
0x21: {  	_ =	sdelay $0x2  }
0x22: {  	s9 =	sshra.s32 s16, $0x2  }
0x23: {  	[tilespmem:s9+$0x5480] =	vst v0  }
0x24: {  	[tilespmem:s9+$0x5490] =	vst v0;
	s14 =	simm.s32 $0x5480  }
0x25: {  	[spmem:s24] =	stream.linear.scatter [tilespmem:s14], [sflag:$0x1], $0x1000, $0x38;
	[tilespmem:$0xE480] =	vst v63  }
0x26: {  	_ =	swait.ge [sflag:s25], $0x1000  }
0x27: {  	[sflag:s25] =	ssyncset.done $0x0  }
0x28: {  	s19 =	rddreg [dreg:$0x4];
	[sflag:s25] =	ssyncadd.s32 $0xFFFFF000  }
0x29: {  	[spmem:s19] =	stream.linear.scatter [tilespmem:s14], [sflag:$0x1], $0x1000, $0x38;
	[tilespmem:$0xE480] =	vst v63  }
0x2a: {  	_ =	swait.ge [sflag:s25], $0x1000  }
0x2b: {  	[sflag:s25] =	ssyncset.done $0x0  }
0x2c: {  	s21 =	rddreg [dreg:$0x5];
	[sflag:s25] =	ssyncadd.s32 $0xFFFFF000  }
0x2d: {  	[spmem:s21] =	stream.linear.scatter [tilespmem:s14], [sflag:$0x1], $0x1000, $0x38;
	[tilespmem:$0xE480] =	vst v63  }
0x2e: {  	_ =	swait.ge [sflag:s25], $0x1000  }
0x2f: {  	[sflag:s25] =	ssyncset.done $0x0  }
0x30: {  	s22 =	rddreg [dreg:$0x6];
	[sflag:s25] =	ssyncadd.s32 $0xFFFFF000  }
0x31: {  	[spmem:s22] =	stream.linear.scatter [tilespmem:s14], [sflag:$0x1], $0x1000, $0x38;
	[tilespmem:$0xE480] =	vst v63  }
0x32: {  	_ =	swait.ge [sflag:s25], $0x1000  }
0x33: {  	[sflag:s25] =	ssyncset.done $0x0  }
0x34: {  	s23 =	rddreg [dreg:$0x7];
	[sflag:s25] =	ssyncadd.s32 $0xFFFFF000  }
0x35: {  	[spmem:s23] =	stream.linear.scatter [tilespmem:s14], [sflag:$0x1], $0x1000, $0x38;
	[tilespmem:$0xE480] =	vst v63  }
0x36: {  	_ =	swait.ge [sflag:s25], $0x1000  }
0x37: {  	[sflag:s25] =	ssyncset.done $0x0  }
0x38: {  	s15 =	simm.s32 $0x40;
	s9 =	simm.s32 $0x0;
	[sflag:s25] =	ssyncadd.s32 $0xFFFFF000  }
.LBB2_4:
0x39: {  	p0 =	sne.s32 s15, $0x1FC0;
	[tilespmem:s9+$0xB480] =	vst v0;
	s9 =	smov.u32 s15;
	s15 =	sadd.s32 $0x40, s15  }
.Ltmp1:
0x3a: {  	(pc) =	sbr.rel @p0 .LBB2_4-.Ltmp1, $2  }
0x3b: {  	_ =	sdelay $0x2  }
0x3c: {  	s9 =	sshra.s32 s9, $0x2  }
0x3d: {  	[tilespmem:s9+$0xB480] =	vst v0  }
0x3e: {  	[spmem:s17] =	stream.linear.scatter [tilespmem:s26], [sflag:$0x1], $0x800, $0x38;
	[tilespmem:$0xE480] =	vst v63  }
0x3f: {  	_ =	swait.ge [sflag:s25], $0x800  }
0x40: {  	[sflag:s25] =	ssyncset.done $0x0  }
0x41: {  	s19 =	rddreg [dreg:$0x9];
	[sflag:s25] =	ssyncadd.s32 $0xFFFFF800  }
0x42: {  	[spmem:s19] =	stream.linear.scatter [tilespmem:s26], [sflag:$0x1], $0x800, $0x38;
	[tilespmem:$0xE480] =	vst v63  }
0x43: {  	_ =	swait.ge [sflag:s25], $0x800  }
0x44: {  	[sflag:s25] =	ssyncset.done $0x0  }
0x45: {  	s21 =	rddreg [dreg:$0xa];
	[sflag:s25] =	ssyncadd.s32 $0xFFFFF800  }
0x46: {  	[spmem:s21] =	stream.linear.scatter [tilespmem:s26], [sflag:$0x1], $0x800, $0x38;
	[tilespmem:$0xE480] =	vst v63  }
0x47: {  	_ =	swait.ge [sflag:s25], $0x800  }
0x48: {  	[sflag:s25] =	ssyncset.done $0x0  }
0x49: {  	s22 =	rddreg [dreg:$0xb];
	[sflag:s25] =	ssyncadd.s32 $0xFFFFF800  }
0x4a: {  	[spmem:s22] =	stream.linear.scatter [tilespmem:s26], [sflag:$0x1], $0x800, $0x38;
	[tilespmem:$0xE480] =	vst v63  }
0x4b: {  	_ =	swait.ge [sflag:s25], $0x800  }
0x4c: {  	[sflag:s25] =	ssyncset.done $0x0  }
0x4d: {  	s23 =	rddreg [dreg:$0xc];
	[sflag:s25] =	ssyncadd.s32 $0xFFFFF800  }
0x4e: {  	[spmem:s23] =	stream.linear.scatter [tilespmem:s26], [sflag:$0x1], $0x800, $0x38;
	[tilespmem:$0xE480] =	vst v63  }
0x4f: {  	_ =	swait.ge [sflag:s25], $0x800  }
0x50: {  	[sflag:s25] =	ssyncset.done $0x0  }
0x51: {  	s15 =	simm.s32 $0x40;
	s9 =	simm.s32 $0x0;
	[sflag:s25] =	ssyncadd.s32 $0xFFFFF800  }
.LBB2_6:
0x52: {  	p0 =	sne.s32 s15, $0x1FC0;
	[tilespmem:s9+$0xB480] =	vst v1;
	s9 =	smov.u32 s15;
	s15 =	sadd.s32 $0x40, s15  }
.Ltmp2:
0x53: {  	(pc) =	sbr.rel @p0 .LBB2_6-.Ltmp2, $2  }
0x54: {  	_ =	sdelay $0x2  }
0x55: {  	s9 =	sshra.s32 s9, $0x2  }
0x56: {  	[tilespmem:s9+$0xB480] =	vst v1  }
0x57: {  	s15 =	simm.s32 $0x0;
	s16 =	simm.s32 $0x0;
	[bflag:$0x0] =	sbarrier.arrive $0xFFFF  }
.LBB2_8:
0x58: {  	s9 =	sshll.u32 s16, $0x9  }
0x59: {  	s9 =	sadd.s32 s18, s9  }
0x5a: {  	s9 =	sshrl.u32 s9, $0x3  }
0x5b: {  	s17 =	sadd.s32 s6, s9  }
0x5c: {  	[tilespmem:s15], [sflag:$0x1] =	stream.linear.gather [hbm4b:s17+s15], $0x200, $0x38;
	[tilespmem:$0xE480] =	vst v63  }
0x5d: {  	_ =	swait.ge [sflag:s25], $0x200  }
0x5e: {  	[sflag:s25] =	ssyncset.done $0x0  }
0x5f: {  	s9 =	sadd.s32 s7, s9;
	[sflag:s25] =	ssyncadd.s32 $0xFFFFFE00  }
0x60: {  	[tilespmem:s28], [sflag:$0x1] =	stream.linear.gather [hbm4b:s9+s15], $0x200, $0x38;
	[tilespmem:$0xE480] =	vst v63  }
0x61: {  	s14 =	sadd.s32 s20, s16;
	_ =	swait.ge [sflag:s25], $0x200  }
0x62: {  	s9 =	sshll.u32 s14, $0x4;
	[sflag:s25] =	ssyncset.done $0x0  }
0x63: {  	s9 =	sadd.s32 s8, s9;
	[sflag:s25] =	ssyncadd.s32 $0xFFFFFE00  }
0x64: {  	[tilespmem:s29], [sflag:$0x1] =	stream.linear.gather [hbm4b:s9+s15], $0x80, $0x38;
	[tilespmem:$0xE480] =	vst v63  }
0x65: {  	_ =	swait.ge [sflag:s25], $0x80  }
0x66: {  	[sflag:s25] =	ssyncset.done $0x0  }
0x67: {  	[sflag:s25] =	ssyncadd.s32 $0xFFFFFF80  }
0x68: {  	[tilespmem:s31], [sflag:$0x1] =	stream.indirect.gather [hbm4b:s5+s30], $0x20, s15, s30, $0xb8;
	[tilespmem:$0xE480] =	vst v63  }
0x69: {  	_ =	swait.ge [sflag:s25], $0x1000  }
0x6a: {  	[sflag:s25] =	ssyncset.done $0x0  }
0x6b: {  	[sflag:s25] =	ssyncadd.s32 $0xFFFFF000  }
0x6c: {  	[tilespmem:s0], [sflag:$0x1] =	stream.indirect.gather [hbm4b:s5+s30], $0x20, s30, s30, $0xb8;
	[tilespmem:$0xE480] =	vst v63  }
0x6d: {  	_ =	swait.ge [sflag:s25], $0x1000  }
0x6e: {  	[sflag:s25] =	ssyncset.done $0x0  }
0x6f: {  	[sflag:s25] =	ssyncadd.s32 $0xFFFFF000  }
0x70: {  	[tilespmem:s10], [sflag:$0x1] =	stream.indirect.gather [hbm4b:s5+s30], $0x20, s1, s30, $0xb8;
	[tilespmem:$0xE480] =	vst v63  }
0x71: {  	v2 =	vmov s15;
	s17 =	simm.s32 $0x1;
	_ =	swait.ge [sflag:s25], $0x1000  }
0x72: {  	v2 =	vand.u32 $0xFFFFFFFC, v2;
	v3 =	vmov s17;
	[sflag:s25] =	ssyncset.done $0x0  }
0x73: {  	s19 =	simm.s32 $0x2;
	v2 =	vbroadcast v2, $0x0;
	v3 =	vand.u32 $0xFFFFFFFD, v3;
	[sflag:s25] =	ssyncadd.s32 $0xFFFFF000  }
0x74: {  	v4 =	vmov s19;
	v3 =	vbroadcast v3, $0x0;
	[tilespmem:s12], [sflag:$0x1] =	stream.indirect.gather [hbm4b:s5+s30], $0x20, s11, s30, $0xb8;
	[tilespmem:$0xE480] =	vst v63  }
0x75: {  	v4 =	vand.u32 $0xFFFFFFFE, v4;
	_ =	swait.ge [sflag:s25], $0x1000  }
0x76: {  	v4 =	vbroadcast v4, $0x0;
	[sflag:s25] =	ssyncset.done $0x0  }
0x77: {  	s19 =	simm.s32 $0x4C0;
	[sflag:s25] =	ssyncadd.s32 $0xFFFFF000  }
0x78: {  	s21 =	simm.s32 $0x3;
	v5 =	vld [tilespmem:s19+$0xFFFFFFE0]  }
0x79: {  	v6 =	vmov s21;
	v2 =	vld.idx.msk [tilespmem:v2+s28+$0x0], $0xffff  }
0x7a: {  	v3 =	vld.idx.msk [tilespmem:v3+s28+$0x0], $0xffff  }
0x7b: {  	v7 =	vld [tilespmem:s19+$0xFFFFFFC0]  }
0x7c: {  	v4 =	vld.idx.msk [tilespmem:v4+s28+$0x0], $0xffff  }
0x7d: {  	v8 =	vld [tilespmem:s19+$0x0]  }
0x7e: {  	v6 =	vld.idx.msk [tilespmem:v6+s28+$0x0], $0xffff  }
0x7f: {  	v9 =	vld [tilespmem:s19+$0x20]  }
0x80: {  	v7 =	vmul.f32 v7, v2;
	v5 =	vmul.f32 v5, v3;
	_ =	sdelay $0x1  }
0x81: {  	v5 =	vadd.f32 v5, v7;
	v7 =	vmul.f32 v8, v4;
	_ =	sdelay $0x1  }
0x82: {  	v5 =	vadd.f32 v7, v5;
	v7 =	vmul.f32 v9, v6;
	_ =	sdelay $0x1  }
0x83: {  	v5 =	vadd.f32 v7, v5  }
0x84: {  	s17 =	simm.s32 $0x4490  }
0x85: {  	[tilespmem:s17+$0xFFFFFFF0] =	vst v5  }
0x86: {  	v5 =	vld [tilespmem:s19+$0xFFFFFFD0]  }
0x87: {  	v7 =	vld [tilespmem:s19+$0xFFFFFFF0];
	_ =	sdelay $0x1  }
0x88: {  	v62 =	vld [tilespmem:s19+$0x10]  }
0x89: {  	v63 =	vld [tilespmem:s19+$0x30];
	_ =	sdelay $0x1  }
0x8a: {  	v2 =	vmul.f32 v5, v2;
	v3 =	vmul.f32 v7, v3;
	_ =	sdelay $0x1  }
0x8b: {  	s21 =	simm.s32 $0x4;
	v4 =	vmul.f32 v62, v4;
	v2 =	vadd.f32 v3, v2  }
0x8c: {  	s22 =	simm.s32 $0x5;
	v5 =	vmov s21;
	v6 =	vmul.f32 v63, v6  }
0x8d: {  	s23 =	simm.s32 $0x6;
	v3 =	vand.u32 $0xFFFFFFFC, v5;
	v5 =	vmov s22;
	v4 =	vadd.f32 v4, v2  }
0x8e: {  	v2 =	vbroadcast v3, $0x0;
	v3 =	vand.u32 $0xFFFFFFFD, v5;
	v5 =	vmov s23  }
0x8f: {  	s22 =	simm.s32 $0x4490;
	s23 =	simm.s32 $0x8;
	v3 =	vbroadcast v3, $0x0;
	v5 =	vand.u32 $0xFFFFFFFE, v5;
	v4 =	vadd.f32 v6, v4  }
.LBB2_9:
0x90: {  	s17 =	sadd.s32 $0x20, s17  }
0x91: {  	v5 =	vbroadcast v5, $0x0;
	s19 =	sadd.s32 $0x80, s19;
	s14 =	smov.u32 s23;
	s9 =	sadd.s32 $0x4, s23  }
0x92: {  	p0 =	sne.s32 s23, $0x1FC;
	[tilespmem:s22+$0x0] =	vst v4;
	s22 =	smov.u32 s17  }
0x93: {  	s23 =	sadd.s32 $0x3, s21;
	s21 =	smov.u32 s14;
	v4 =	vld [tilespmem:s19+$0xFFFFFFE0]  }
0x94: {  	v6 =	vmov s23;
	v2 =	vld.idx.msk [tilespmem:v2+s28+$0x0], $0xffff  }
0x95: {  	v3 =	vld.idx.msk [tilespmem:v3+s28+$0x0], $0xffff  }
0x96: {  	v7 =	vld [tilespmem:s19+$0xFFFFFFC0]  }
0x97: {  	v5 =	vld.idx.msk [tilespmem:v5+s28+$0x0], $0xffff  }
0x98: {  	v8 =	vld [tilespmem:s19+$0x0]  }
0x99: {  	v6 =	vld.idx.msk [tilespmem:v6+s28+$0x0], $0xffff  }
0x9a: {  	v9 =	vld [tilespmem:s19+$0x20]  }
0x9b: {  	v4 =	vmul.f32 v4, v3;
	v7 =	vmul.f32 v7, v2;
	_ =	sdelay $0x1  }
0x9c: {  	v4 =	vadd.f32 v4, v7;
	v7 =	vmul.f32 v8, v5;
	_ =	sdelay $0x1  }
0x9d: {  	v4 =	vadd.f32 v7, v4;
	v7 =	vmul.f32 v9, v6;
	_ =	sdelay $0x1  }
0x9e: {  	v4 =	vadd.f32 v7, v4;
	_ =	sdelay $0x1  }
0x9f: {  	[tilespmem:s17+$0xFFFFFFF0] =	vst v4  }
0xa0: {  	v4 =	vld [tilespmem:s19+$0xFFFFFFD0]  }
0xa1: {  	v7 =	vld [tilespmem:s19+$0xFFFFFFF0]  }
0xa2: {  	v8 =	vld [tilespmem:s19+$0x10];
	_ =	sdelay $0x1  }
0xa3: {  	v9 =	vld [tilespmem:s19+$0x30]  }
0xa4: {  	v2 =	vmul.f32 v4, v2  }
0xa5: {  	v3 =	vmul.f32 v7, v3  }
0xa6: {  	v4 =	vmul.f32 v8, v5  }
.Ltmp3:
0xa7: {  	s14 =	sadd.s32 $0x1, s21;
	v5 =	vmov s21;
	v3 =	vadd.f32 v3, v2;
	(pc) =	sbr.rel @p0 .LBB2_9-.Ltmp3, $4  }
0xa8: {  	v2 =	vand.u32 $0xFFFFFFFC, v5;
	v5 =	vmov s14;
	v6 =	vmul.f32 v9, v6  }
0xa9: {  	s14 =	sadd.s32 $0x2, s21;
	v2 =	vbroadcast v2, $0x0;
	v5 =	vand.u32 $0xFFFFFFFD, v5;
	v4 =	vadd.f32 v4, v3  }
0xaa: {  	v3 =	vbroadcast v5, $0x0;
	v5 =	vmov s14  }
0xab: {  	s23 =	smov.u32 s9;
	v5 =	vand.u32 $0xFFFFFFFE, v5;
	v4 =	vadd.f32 v6, v4  }
0xac: {  	_ =	sdelay $0x1  }
0xad: {  	v5 =	vbroadcast v5, $0x0;
	s9 =	sadd.s32 $0x80, s19;
	[tilespmem:s22+$0x0] =	vst v4  }
0xae: {  	v4 =	vld [tilespmem:s9+$0xFFFFFFE0]  }
0xaf: {  	s14 =	sadd.s32 $0x3, s21;
	v2 =	vld.idx.msk [tilespmem:v2+s28+$0x0], $0xffff  }
0xb0: {  	v6 =	vmov s14;
	v3 =	vld.idx.msk [tilespmem:v3+s28+$0x0], $0xffff  }
0xb1: {  	v7 =	vld [tilespmem:s9+$0xFFFFFFC0]  }
0xb2: {  	v8 =	vld [tilespmem:s9+$0x0]  }
0xb3: {  	v5 =	vld.idx.msk [tilespmem:v5+s28+$0x0], $0xffff  }
0xb4: {  	v9 =	vld [tilespmem:s9+$0x20]  }
0xb5: {  	v6 =	vld.idx.msk [tilespmem:v6+s28+$0x0], $0xffff  }
0xb6: {  	v7 =	vmul.f32 v7, v2;
	v4 =	vmul.f32 v4, v3;
	_ =	sdelay $0x1  }
0xb7: {  	v4 =	vadd.f32 v4, v7;
	v58 =	vmul.f32 v8, v5;
	_ =	sdelay $0x1  }
0xb8: {  	v59 =	vmul.f32 v9, v6;
	v4 =	vadd.f32 v58, v4;
	_ =	sdelay $0x1  }
0xb9: {  	v4 =	vadd.f32 v59, v4  }
0xba: {  	s23 =	sadd.s32 $0x20, s17  }
0xbb: {  	[tilespmem:s23+$0xFFFFFFF0] =	vst v4  }
0xbc: {  	v4 =	vld [tilespmem:s9+$0xFFFFFFD0]  }
0xbd: {  	v60 =	vld [tilespmem:s9+$0xFFFFFFF0];
	_ =	sdelay $0x1  }
0xbe: {  	v61 =	vld [tilespmem:s9+$0x10];
	_ =	sdelay $0x1  }
0xbf: {  	v62 =	vld [tilespmem:s9+$0x30]  }
0xc0: {  	v2 =	vmul.f32 v4, v2;
	v3 =	vmul.f32 v60, v3;
	_ =	sdelay $0x1  }
0xc1: {  	v63 =	vmul.f32 v61, v5;
	v2 =	vadd.f32 v3, v2;
	_ =	sdelay $0x1  }
0xc2: {  	v3 =	vmul.f32 v62, v6;
	v2 =	vadd.f32 v63, v2;
	_ =	sdelay $0x1  }
0xc3: {  	v2 =	vadd.f32 v3, v2;
	_ =	sdelay $0x1  }
0xc4: {  	[tilespmem:s23+$0x0] =	vst v2  }
0xc5: {  	[spmem:s2] =	stream.indirect.scatter.add.f32 [tilespmem:s13], [sflag:$0x1], $0x20, s29, s30, $0xb8;
	[tilespmem:$0xE480] =	vst v63  }
0xc6: {  	s16 =	sadd.s32 $0x1, s16;
	_ =	swait.ge [sflag:s25], $0x1000  }
0xc7: {  	p0 =	sne.s32 s16, $0x28;
	[sflag:s25] =	ssyncset.done $0x0  }
.Ltmp4:
0xc8: {  	[sflag:s25] =	ssyncadd.s32 $0xFFFFF000;
	(pc) =	sbr.rel @p0 .LBB2_8-.Ltmp4, $4  }
0xc9: {  	[spmem:s3] =	stream.indirect.scatter.add.f32 [tilespmem:s26], [sflag:$0x1], $0x10, s29, s30, $0xb8;
	[tilespmem:$0xE480] =	vst v63  }
0xca: {  	_ =	swait.ge [sflag:s25], $0x800  }
0xcb: {  	[sflag:s25] =	ssyncset.done $0x0  }
0xcc: {  	[sflag:s25] =	ssyncadd.s32 $0xFFFFF800  }
0xcd: {  	s9 =	stileid.u32  }
0xce: {  	[bflag:$0x0] =	sbarrier.arrive $0xFFFF;
	s9 =	sshll.u32 s9, $0x6  }
0xcf: {  	s14 =	sshrl.u32 s24, $0x3;
	s15 =	rddreg [dreg:$0xd];
	s9 =	sor.u32 $0x1C01, s9  }
0xd0: {  	[hbm:s15], [sflag:s9] =	dma.local [spmem:s14], $0xA00  }
0xd1: {  	_ =	swait.ge [sflag:s25], $0xA00  }
0xd2: {  	[sflag:s25] =	ssyncset.done $0x0;
	s17 =	rddreg [dreg:$0x8]  }
0xd3: {  	s22 =	rddreg [dreg:$0xe];
	[sflag:s25] =	ssyncadd.s32 $0xFFFFF600;
	s21 =	sshrl.u32 s17, $0x3  }
0xd4: {  	[hbm:s22], [sflag:s9] =	dma.local [spmem:s21], $0x500  }
0xd5: {  	_ =	swait.ge [sflag:s25], $0x500  }
0xd6: {  	s4 =	sadd.s32 $0x1, s4;
	s23 =	rddreg [dreg:$0xf]  }
0xd7: {  	p0 =	sne.s32 s4, s23  }
.Ltmp5:
0xd8: {  	_ = 	snop;
	(pc) =	sbr.rel @p0 .LBB2_1-.Ltmp5, $3  }
0xd9: {  	_ =	sdelay $0x1  }
0xda: {  	[sflag:s25] =	ssyncset.done $0x0  }
0xdb: {  	[sflag:s25] =	ssyncadd.s32 $0xFFFFFB00  }
0xdc: {  	_ =	sfence.sel $0x180000  }
0xdd: {  	[bflag:$0x0] =	sbarrier.arrive $0xFFFF  }
0xde: {  	_ =	strace $0x90000047  }
0xdf: {  	s0 =	stileid.u32;
	[bflag:$0x2] =	sbarrier.arrive $0xFFFF  }
0xe0: {  	p0 =	sne.s32 s0, $0x0;
	s0 =	rddreg [dreg:$0x3]  }
0xe1: {  	s0 =	sadd.s32 @!p0 $0x100000, s0  }
0xe2: {  	[sflag:s0] =	ssyncadd.tile.s32 @!p0 $0x1;
	_ =	shalt  }
.Lfunc_end2:
_tile_overlayer_lowered:
.L_overlay_start_2:
0xe3: {  	(tag) =	ssettag $0x2  }
0xe4: {  	s0 =	rddreg [dreg:$0x0];
	s2 =	stileid.u32  }
0xe5: {  	s1 =	rddreg [dreg:$0x1];
	p0 =	sne.s32 s2, $0x0  }
0xe6: {  	s3 =	rddreg [dreg:$0x2];
	[bflag:$0x3] =	sbarrier.arrive $0xFFFF;
	s2 =	simm.s32 @!p0 $0x1C01  }
0xe7: {  	[timem:s3], [sflag:s2] =	dma.local @!p0 [hbm:s0], s1  }
0xe8: {  	s0 =	simm.s32 @!p0 $0x1  }
0xe9: {  	_ =	swait.ge @!p0 [sflag:s0], s1  }
0xea: {  	s1 =	ssub.s32 @!p0 $0x0, s1;
	[sflag:s0] =	ssyncset.done @!p0 $0x0  }
0xeb: {  	[sflag:s0] =	ssyncadd.s32 @!p0 s1  }
0xec: {  	[bflag:$0x3] =	sbarrier.arrive $0xFFFF  }
0xed: {  	_ =	shalt  }

// kernel: kernel.19.cloned.1.call-start
scs
__scs_entry_jumppad:
0x0: {  	(pc) =	sbr.rel $0x88, $3  }
0x1: {  	(tag) =	ssettag $0x0;
	lr =	simm.s32 $0x1  }
0x2: {  	[smem:$0x3F8F] =	sst lr;
	_ =	strace $0xD0000000  }
0x3: {  	_ = 	snop  }
0x4: {  	_ = 	snop  }
0x5: {  	_ = 	snop  }
0x6: {  	_ = 	snop  }
0x7: {  	_ = 	snop  }
__scs_overlays_trampoline_lowered:
0x8: {  	[smem:$0x3F9E] =	sst s0  }
0x9: {  	[smem:$0x3F9F] =	sst s1  }
0xa: {  	[smem:$0x3FA0] =	sst s2  }
0xb: {  	[smem:$0x3FA1] =	sst s3  }
0xc: {  	[smem:$0x3FA2] =	sst s4  }
0xd: {  	[smem:$0x3FA3] =	sst s5  }
0xe: {  	[smem:$0x3FA4] =	sst s6  }
0xf: {  	[smem:$0x3FA5] =	sst s7  }
0x10: {  	[smem:$0x3FA6] =	sst s8  }
0x11: {  	[smem:$0x3FA7] =	sst s9;
	s0 =	simm.s32 @!p0 $0x0  }
0x12: {  	s1 =	sld [smem:$0x3F8D];
	s0 =	simm.s32 @p0 $0x1  }
0x13: {  	[smem:$0x3FA8] =	sst s0;
	s0 =	simm.s32 @!p1 $0x0  }
0x14: {  	s2 =	sld [smem:$0x3F8C];
	s0 =	simm.s32 @p1 $0x1  }
0x15: {  	[smem:$0x3FA9] =	sst s0;
	s0 =	simm.s32 @!p2 $0x0  }
0x16: {  	s3 =	sld [smem:$0x3FDB];
	s0 =	simm.s32 @p2 $0x1  }
0x17: {  	s4 =	simm.s32 $0x1BF5;
	[smem:$0x3FAB] =	sst s0  }
0x18: {  	s0 =	sld [smem:$0x3F8E];
	_ =	swait.ge [sflag:s4], $0x0  }
0x19: {  	s7 =	sld [smem:$0x3F8F]  }
0x1a: {  	s8 =	sadd.s32 $0xFFFFE003, lr  }
0x1b: {  	s9 =	sadd.s32 $0xFFFFFEF7, lr;
	s5 =	simm.s32 $0xFFFFFFFF;
	p2 =	slt.u32 s8, $0xFFFFF086  }
0x1c: {  	p1 =	slt.u32 s9, $0xF7A;
	s5 =	simm.s32 @!p2 $0x0  }
0x1d: {  	s5 =	simm.s32 @p1 $0x1;
	p0 =	seq.s32 s7, s2  }
0x1e: {  	s7 =	smul.u32 @!p0 $0xF7A, s2;
	p2 =	seq.s32 @!p0 s5, $0x0  }
0x1f: {  	s9 =	smul.u32 $0xF7A, s1;
	s8 =	simm.s32 @!p0 $0x1BF5;
	p2 =	por !p2, p0  }
0x20: {  	[sflag:s8] =	ssyncset.s32 @!p0 $0xFFFFF086;
	s6 =	sadd.s32 @!p0 s3, s7;
	s7 =	simm.s32 @!p0 $0x108  }
0x21: {  	s3 =	sadd.s32 s3, s9;
	s6 =	sadd.s32 @!p0 $0x88, s6;
	s7 =	simm.s32 @p2 $0x1082  }
0x22: {  	[simem:s7], [sflag:s8] =	dma.local @!p0 [hbm:s6], $0xF7A  }
0x23: {  	s9 =	sor.u32 $0xD0000000, s2;
	s6 =	simm.s32 $0x108;
	_ =	swait.ge @!p0 [sflag:s8], $0x0  }
0x24: {  	s3 =	sadd.s32 $0x88, s3;
	s6 =	simm.s32 @!p1 $0x1082;
	[sflag:s4] =	ssyncset.s32 $0xFFFFF086  }
0x25: {  	[simem:s6], [sflag:s4] =	dma.local [hbm:s3], $0xF7A  }
0x26: {  	[smem:$0x3F8F] =	sst s1;
	(tag) =	ssettag s2;
	_ =	strace s9  }
0x27: {  	s1 =	sld [smem:$0x3F9F]  }
0x28: {  	s2 =	sld [smem:$0x3FA0]  }
0x29: {  	s4 =	sld [smem:$0x3FA2]  }
0x2a: {  	p0 =	seq.s32 s5, $0x0;
	s5 =	sld [smem:$0x3FA3]  }
0x2b: {  	s6 =	sld [smem:$0x3FA4]  }
0x2c: {  	s7 =	sld [smem:$0x3FA5]  }
0x2d: {  	s3 =	simm.s32 $0x108;
	s8 =	sld [smem:$0x3FA6]  }
0x2e: {  	s3 =	simm.s32 @!p0 $0x1082;
	s9 =	sld [smem:$0x3FA7]  }
0x2f: {  	lr =	sadd.s32 s0, s3;
	s0 =	sld [smem:$0x3F9E]  }
0x30: {  	s3 =	sld [smem:$0x3FA1]  }
0x31: {  	[smem:$0x3FAA] =	sst s10  }
0x32: {  	s10 =	sld [smem:$0x3FA8];
	_ =	sdelay $0x3  }
0x33: {  	p0 =	seq.s32 s10, $0x1;
	s10 =	sld [smem:$0x3FAA];
	_ =	sdelay $0x3  }
0x34: {  	[smem:$0x3FAA] =	sst s10  }
0x35: {  	s10 =	sld [smem:$0x3FA9];
	_ =	sdelay $0x3  }
0x36: {  	p1 =	seq.s32 s10, $0x1;
	s10 =	sld [smem:$0x3FAA];
	_ =	sdelay $0x3  }
0x37: {  	[smem:$0x3FAA] =	sst s10  }
0x38: {  	s10 =	sld [smem:$0x3FAB]  }
0x39: {  	_ = 	snop;
	(pc) =	sbr.ind lr, $3  }
0x3a: {  	_ = 	snop  }
0x3b: {  	_ = 	snop  }
0x3c: {  	p2 =	seq.s32 s10, $0x1;
	s10 =	sld [smem:$0x3FAA]  }
0x3d: {  	_ =	shalt  }
0x3e: {  	_ =	shalt  }
0x3f: {  	_ =	shalt  }
0x40: {  	_ =	shalt  }
0x41: {  	_ =	shalt  }
0x42: {  	_ =	shalt  }
0x43: {  	_ =	shalt  }
0x44: {  	_ =	shalt  }
0x45: {  	_ =	shalt  }
0x46: {  	_ =	shalt  }
0x47: {  	_ =	shalt  }
0x48: {  	_ =	shalt  }
0x49: {  	_ =	shalt  }
0x4a: {  	_ =	shalt  }
0x4b: {  	_ =	shalt  }
0x4c: {  	_ =	shalt  }
0x4d: {  	_ =	shalt  }
0x4e: {  	_ =	shalt  }
0x4f: {  	_ =	shalt  }
0x50: {  	_ =	shalt  }
0x51: {  	_ =	shalt  }
0x52: {  	_ =	shalt  }
0x53: {  	_ =	shalt  }
0x54: {  	_ =	shalt  }
0x55: {  	_ =	shalt  }
0x56: {  	_ =	shalt  }
0x57: {  	_ =	shalt  }
0x58: {  	_ =	shalt  }
0x59: {  	_ =	shalt  }
0x5a: {  	_ =	shalt  }
0x5b: {  	_ =	shalt  }
0x5c: {  	_ =	shalt  }
0x5d: {  	_ =	shalt  }
0x5e: {  	_ =	shalt  }
0x5f: {  	_ =	shalt  }
0x60: {  	_ =	shalt  }
0x61: {  	_ =	shalt  }
0x62: {  	_ =	shalt  }
0x63: {  	_ =	shalt  }
0x64: {  	_ =	shalt  }
0x65: {  	_ =	shalt  }
0x66: {  	_ =	shalt  }
0x67: {  	_ =	shalt  }
0x68: {  	_ =	shalt  }
0x69: {  	_ =	shalt  }
0x6a: {  	_ =	shalt  }
0x6b: {  	_ =	shalt  }
0x6c: {  	_ =	shalt  }
0x6d: {  	_ =	shalt  }
0x6e: {  	_ =	shalt  }
0x6f: {  	_ =	shalt  }
0x70: {  	_ =	shalt  }
0x71: {  	_ =	shalt  }
0x72: {  	_ =	shalt  }
0x73: {  	_ =	shalt  }
0x74: {  	_ =	shalt  }
0x75: {  	_ =	shalt  }
0x76: {  	_ =	shalt  }
0x77: {  	_ =	shalt  }
0x78: {  	_ =	shalt  }
0x79: {  	_ =	shalt  }
0x7a: {  	_ =	shalt  }
0x7b: {  	_ =	shalt  }
0x7c: {  	_ =	shalt  }
0x7d: {  	_ =	shalt  }
0x7e: {  	_ =	shalt  }
0x7f: {  	_ =	shalt  }
0x80: {  	_ =	shalt  }
0x81: {  	_ =	shalt  }
0x82: {  	_ =	shalt  }
0x83: {  	_ =	shalt  }
0x84: {  	_ =	shalt  }
0x85: {  	_ =	shalt  }
0x86: {  	_ =	shalt  }
0x87: {  	_ =	shalt  }
.Lfunc_end0:
.L_simem_size_0:
called_computation.1_lowered:
.L_overlay_start_0:
0x88: {  	s2 =	sld [smem:$0x3FD9]  }
0x89: {  	s3 =	sld [smem:$0x3FFE];
	_ =	sdelay $0x1  }
0x8a: {  	s1 =	srdreg.scid  }
0x8b: {  	s0 =	sand.u32 $0x1, s1  }
0x8c: {  	s16 =	sshll.u32 s0, $0xA;
	s2 =	sadd.s32 s3, s2  }
0x8d: {  	s2 =	sadd.s32 s2, s16  }
0x8e: {  	[smem:$0x3FB6] =	sst s2  }
0x8f: {  	_ = 	snop  }
0x90: {  	(tm) =	ssettm $0x1  }
0x91: {  	s17 =	sld [smem:$0x3FFB];
	_ =	sdelay $0x3  }
0x92: {  	_ =	strace s17  }
0x93: {  	s2 =	sld [smem:$0x3FFC];
	_ =	sdelay $0x3  }
0x94: {  	_ =	strace s2  }
0x95: {  	s2 =	sld [smem:$0x3FFD];
	_ =	sdelay $0x3  }
0x96: {  	_ =	strace s2  }
0x97: {  	_ =	strace $0x8FFFFFFF  }
0x98: {  	s18 =	sld [smem:$0x3FDB];
	_ =	sdelay $0x1  }
0x99: {  	s19 =	simm.s32 $_scs_section_size  }
0x9a: {  	s4 =	simm.s32 $_size__tile_overlayer_lowered;
	s5 =	simm.s32 $_tile_overlayer_lowered  }
0x9b: {  	s22 =	simm.s32 $0x1BFF;
	s21 =	sshll.u32 s5, $0x1;
	s2 =	sadd.s32 s19, s18  }
0x9c: {  	s6 =	simm.s32 $0x0;
	s20 =	sshll.u32 s4, $0x1;
	s4 =	sadd.s32 s21, s2  }
0x9d: {  	[timem:s6], [sflag:s22] =	dma.local [hbm:s4], s20  }
0x9e: {  	_ =	swait.ge [sflag:s22], s20  }
0x9f: {  	s3 =	ssub.s32 $0x0, s20;
	[sflag:s22] =	ssyncset.done $0x0  }
0xa0: {  	[sflag:s22] =	ssyncadd.s32 s3;
	_ =	sdelay $0x1  }
0xa1: {  	s23 =	simm.s32 $0x1B8B  }
0xa2: {  	_ =	swait.ge [sflag:s23], $0x1  }
0xa3: {  	[sflag:s23] =	ssyncset.done $0x0  }
0xa4: {  	s25 =	simm.s32 $0x1B8E;
	s24 =	sld [smem:$0x3FFE];
	[sflag:s23] =	ssyncadd.s32 $0xFFFFFFFF  }
0xa5: {  	s26 =	simm.s32 $execute0_lowered;
	[smem:$0x3FD2] =	sst s25  }
0xa6: {  	s4 =	sshll.u32 s26, $0x1;
	_ =	strace $0x80000049;
	[dreg:$0x1] =	wrdreg $0xFFFFFFFF  }
0xa7: {  	s28 =	simm.s32 $_size_execute0_lowered;
	s2 =	sadd.s32 s2, s4;
	[dreg:$0x0] =	wrdreg $0x0  }
0xa8: {  	s4 =	sshll.u32 s28, $0x1;
	[dreg:$0x2] =	wrdreg s2  }
0xa9: {  	[dreg:$0x3] =	wrdreg s4  }
0xaa: {  	[dreg:$0x4] =	wrdreg $0xC0  }
0xab: {  	_ =	task [dreg:s6], $0x5FFFF  }
0xac: {  	[dreg:$0x1] =	wrdreg $0xFFFFFFFF  }
0xad: {  	[dreg:$0x0] =	wrdreg $0x60  }
0xae: {  	[dreg:$0x2] =	wrdreg s24  }
0xaf: {  	[dreg:$0x3] =	wrdreg $0xC4800  }
0xb0: {  	[dreg:$0x4] =	wrdreg $0x9  }
0xb1: {  	_ =	task.clear_ibuf [dreg:s6], $0x5FFFF;
	_ =	strace $0x90000049  }
0xb2: {  	s29 =	simm.s32 $0x9;
	_ =	strace $0x8000004B  }
0xb3: {  	_ =	swait.ge [sflag:s29], $0x1  }
0xb4: {  	[sflag:s29] =	ssyncadd.s32 $0xFFFFFFFF  }
0xb5: {  	_ =	strace $0x9000004B  }
0xb6: {  	_ =	sfence  }
0xb7: {  	s30 =	sld [smem:$0x0];
	_ =	sdelay $0x2  }
0xb8: {  	s31 =	sshll.u32 s1, $0xD;
	s1 =	sshrl.u32 s1, $0x2  }
0xb9: {  	s3 =	sand.u32 $0x4000, s31;
	s1 =	sadd.s32 s1, s30  }
0xba: {  	s0 =	sor.u32 s3, s0;
	s1 =	sshll.u32 s1, $0x11  }
0xbb: {  	s0 =	sor.u32 s1, s0  }
0xbc: {  	s0 =	sadd.s32 $0x8F2B, s0  }
0xbd: {  	[sflag:s0] =	ssyncadd.remote.s32 $0x1  }
0xbe: {  	_ =	sfence.sel $0xFFFF  }
0xbf: {  	[dreg:$0x0] =	wrdreg $0xFFFFFFFF;
	(pc) =	sbr.abs _section_cstart, $3  }
0xc0: {  	[dreg:$0x1] =	wrdreg $0xFFFFFFFF  }
0xc1: {  	_ =	task.clear_ibuf [dreg:s6], $0x2FFFF;
	_ =	strace $0x9FFFFFFF  }
0xc2: {  	(tm) =	ssettm $0x7FFFFFFF  }
0xc3: {  	_ =	shalt  }
tec
execute0_lowered:
.L_overlay_start_1:
0x0: {  	(tag) =	ssettag $0x1  }
0x1: {  	s0 =	rddreg [dreg:$0x0]  }
0x2: {  	s2 =	rddreg [dreg:$0x1]  }
0x3: {  	s1 =	srdreg.scid;
	s12 =	stileid.u32;
	s3 =	simm.s32 $0x0  }
0x4: {  	s17 =	simm.s32 $0xA480;
	s18 =	simm.s32 $0x1;
	s19 =	simm.s32 $0x200  }
0x5: {  	s20 =	simm.s32 $0x400;
	s21 =	simm.s32 $0x80;
	s22 =	simm.s32 $0x480  }
0x6: {  	s28 =	simm.s32 $0x6480;
	s29 =	simm.s32 $0x8480;
	s30 =	simm.s32 $0x0  }
0x7: {  	s1 =	sand.u32 $0x1, s1;
	s8 =	smul.u32 $0xA000, s12;
	[smem:$0x7FF] =	sst s3  }
0x8: {  	s4 =	sadd.s32 $0x27B400, s0;
	s10 =	smul.u32 $0x28000, s12;
	s12 =	sshll.u32 s12, $0x1  }
0x9: {  	s6 =	smul.u32 $0xA0000, s1;
	s23 =	ssub.s32 $0x2, s1;
	s1 =	sor.u32 s1, s12  }
0xa: {  	s5 =	sadd.s32 $0x16600, s0;
	_ =	strace $0x8000004A;
	s13 =	smul.u32 $0x5000, s1  }
0xb: {  	s11 =	sshrl.u32 s23, $0x1;
	s10 =	sshrl.u32 s10, $0x2;
	s14 =	smul.u32 $0x28, s1  }
0xc: {  	s7 =	sadd.s32 s8, s6;
	s6 =	sadd.s32 $0x2600, s0;
	s10 =	sadd.s32 s10, s2  }
0xd: {  	s8 =	sadd.s32 s8, s2;
	s9 =	sshrl.u32 s7, $0x3;
	s24 =	sadd.s32 $0x2000, s10  }
0xe: {  	s7 =	sadd.s32 $0x2A600, s0;
	s25 =	sadd.s32 $0x4000, s10;
	[dreg:$0x3] =	wrdreg s24  }
0xf: {  	s26 =	sadd.s32 $0x6000, s10;
	s10 =	sadd.s32 $0x8000, s10;
	[dreg:$0x4] =	wrdreg s25  }
0x10: {  	s0 =	sadd.s32 s9, s0;
	s9 =	ssub.s32 s23, s11;
	[dreg:$0x5] =	wrdreg s26  }
0x11: {  	[dreg:$0x6] =	wrdreg s10;
	s23 =	simm.s32 $0x2480;
	s0 =	sadd.s32 $0x7F600, s0  }
0x12: {  	s24 =	simm.s32 $0x100;
	s31 =	smax.u32 s9, $0x1;
	[dreg:$0x7] =	wrdreg s0  }
0x13: {  	v0 =	vimm.f32 $0.0e+00;
	s25 =	simm.s32 $0x4480;
	s26 =	simm.s32 $0x180;
	[dreg:$0x8] =	wrdreg s31  }
.LBB2_1:
0x14: {  	s1 =	simm.s32 $0x100;
	s0 =	simm.s32 $0x0  }
.LBB2_2:
0x15: {  	p0 =	sne.s32 s1, $0x7F00;
	[tilespmem:s0+$0xA4B0] =	vst v0;
	s9 =	smov.u32 s1;
	s1 =	sadd.s32 $0x100, s1  }
.Ltmp0:
0x16: {  	[tilespmem:s0+$0xA4A0] =	vst v0;
	(pc) =	sbr.rel @p0 .LBB2_2-.Ltmp0, $3  }
0x17: {  	[tilespmem:s0+$0xA480] =	vst v0  }
0x18: {  	[tilespmem:s0+$0xA490] =	vst v0;
	_ =	sdelay $0x1  }
0x19: {  	s0 =	sshra.s32 s9, $0x2  }
0x1a: {  	[tilespmem:s0+$0xA4B0] =	vst v0  }
0x1b: {  	[tilespmem:s0+$0xA4A0] =	vst v0  }
0x1c: {  	[tilespmem:s0+$0xA480] =	vst v0  }
0x1d: {  	[tilespmem:s0+$0xA490] =	vst v0  }
0x1e: {  	[spmem:s8] =	stream.linear.scatter [tilespmem:s17], [sflag:$0x1], $0x2000, $0x38;
	[tilespmem:$0x16480] =	vst v63  }
0x1f: {  	_ =	swait.ge [sflag:s18], $0x2000  }
0x20: {  	[sflag:s18] =	ssyncset.done $0x0  }
0x21: {  	s11 =	rddreg [dreg:$0x3];
	[sflag:s18] =	ssyncadd.s32 $0xFFFFE000  }
0x22: {  	[spmem:s11] =	stream.linear.scatter [tilespmem:s17], [sflag:$0x1], $0x2000, $0x38;
	[tilespmem:$0x16480] =	vst v63  }
0x23: {  	_ =	swait.ge [sflag:s18], $0x2000  }
0x24: {  	[sflag:s18] =	ssyncset.done $0x0  }
0x25: {  	s12 =	rddreg [dreg:$0x4];
	[sflag:s18] =	ssyncadd.s32 $0xFFFFE000  }
0x26: {  	[spmem:s12] =	stream.linear.scatter [tilespmem:s17], [sflag:$0x1], $0x2000, $0x38;
	[tilespmem:$0x16480] =	vst v63  }
0x27: {  	_ =	swait.ge [sflag:s18], $0x2000  }
0x28: {  	[sflag:s18] =	ssyncset.done $0x0  }
0x29: {  	s15 =	rddreg [dreg:$0x5];
	[sflag:s18] =	ssyncadd.s32 $0xFFFFE000  }
0x2a: {  	[spmem:s15] =	stream.linear.scatter [tilespmem:s17], [sflag:$0x1], $0x2000, $0x38;
	[tilespmem:$0x16480] =	vst v63  }
0x2b: {  	_ =	swait.ge [sflag:s18], $0x2000  }
0x2c: {  	[sflag:s18] =	ssyncset.done $0x0  }
0x2d: {  	s16 =	rddreg [dreg:$0x6];
	[sflag:s18] =	ssyncadd.s32 $0xFFFFE000  }
0x2e: {  	[spmem:s16] =	stream.linear.scatter [tilespmem:s17], [sflag:$0x1], $0x2000, $0x38;
	[tilespmem:$0x16480] =	vst v63  }
0x2f: {  	_ =	swait.ge [sflag:s18], $0x2000  }
0x30: {  	[sflag:s18] =	ssyncset.done $0x0  }
0x31: {  	[sflag:s18] =	ssyncadd.s32 $0xFFFFE000  }
0x32: {  	s31 =	simm.s32 $0x0;
	[bflag:$0x0] =	sbarrier.arrive $0xFFFF  }
.LBB2_4:
0x33: {  	s0 =	sshll.u32 s31, $0x9  }
0x34: {  	s0 =	sadd.s32 s13, s0  }
0x35: {  	s0 =	sshrl.u32 s0, $0x3  }
0x36: {  	s1 =	sadd.s32 s5, s0  }
0x37: {  	[tilespmem:s30], [sflag:$0x1] =	stream.linear.gather [hbm4b:s1+s30], $0x200, $0x38;
	[tilespmem:$0x16480] =	vst v63  }
0x38: {  	_ =	swait.ge [sflag:s18], $0x200  }
0x39: {  	[sflag:s18] =	ssyncset.done $0x0  }
0x3a: {  	s0 =	sadd.s32 s6, s0;
	[sflag:s18] =	ssyncadd.s32 $0xFFFFFE00  }
0x3b: {  	[tilespmem:s19], [sflag:$0x1] =	stream.linear.gather [hbm4b:s0+s30], $0x200, $0x38;
	[tilespmem:$0x16480] =	vst v63  }
0x3c: {  	s9 =	sadd.s32 s14, s31;
	_ =	swait.ge [sflag:s18], $0x200  }
0x3d: {  	s0 =	sshll.u32 s9, $0x4;
	[sflag:s18] =	ssyncset.done $0x0  }
0x3e: {  	s0 =	sadd.s32 s7, s0;
	[sflag:s18] =	ssyncadd.s32 $0xFFFFFE00  }
0x3f: {  	[tilespmem:s20], [sflag:$0x1] =	stream.linear.gather [hbm4b:s0+s30], $0x80, $0x38;
	[tilespmem:$0x16480] =	vst v63  }
0x40: {  	_ =	swait.ge [sflag:s18], $0x80  }
0x41: {  	[sflag:s18] =	ssyncset.done $0x0  }
0x42: {  	[sflag:s18] =	ssyncadd.s32 $0xFFFFFF80  }
0x43: {  	[tilespmem:s22], [sflag:$0x1] =	stream.indirect.gather [hbm4b:s4+s21], $0x40, s30, s21, $0xb8;
	[tilespmem:$0x16480] =	vst v63  }
0x44: {  	_ =	swait.ge [sflag:s18], $0x2000  }
0x45: {  	[sflag:s18] =	ssyncset.done $0x0  }
0x46: {  	[sflag:s18] =	ssyncadd.s32 $0xFFFFE000  }
0x47: {  	[tilespmem:s23], [sflag:$0x1] =	stream.indirect.gather [hbm4b:s4+s21], $0x40, s21, s21, $0xb8;
	[tilespmem:$0x16480] =	vst v63  }
0x48: {  	_ =	swait.ge [sflag:s18], $0x2000  }
0x49: {  	[sflag:s18] =	ssyncset.done $0x0  }
0x4a: {  	[sflag:s18] =	ssyncadd.s32 $0xFFFFE000  }
0x4b: {  	[tilespmem:s25], [sflag:$0x1] =	stream.indirect.gather [hbm4b:s4+s21], $0x40, s24, s21, $0xb8;
	[tilespmem:$0x16480] =	vst v63  }
0x4c: {  	v1 =	vmov s30;
	s10 =	simm.s32 $0x1;
	_ =	swait.ge [sflag:s18], $0x2000  }
0x4d: {  	v2 =	vmov s10;
	v1 =	vand.u32 $0xFFFFFFFC, v1;
	[sflag:s18] =	ssyncset.done $0x0  }
0x4e: {  	s11 =	simm.s32 $0x2;
	v2 =	vand.u32 $0xFFFFFFFD, v2;
	v1 =	vbroadcast v1, $0x0;
	[sflag:s18] =	ssyncadd.s32 $0xFFFFE000  }
0x4f: {  	v3 =	vmov s11;
	v2 =	vbroadcast v2, $0x0;
	[tilespmem:s28], [sflag:$0x1] =	stream.indirect.gather [hbm4b:s4+s21], $0x40, s26, s21, $0xb8;
	[tilespmem:$0x16480] =	vst v63  }
0x50: {  	v3 =	vand.u32 $0xFFFFFFFE, v3;
	_ =	swait.ge [sflag:s18], $0x2000  }
0x51: {  	v3 =	vbroadcast v3, $0x0;
	[sflag:s18] =	ssyncset.done $0x0  }
0x52: {  	s12 =	simm.s32 $0x500;
	[sflag:s18] =	ssyncadd.s32 $0xFFFFE000  }
0x53: {  	s15 =	simm.s32 $0x3;
	v4 =	vld [tilespmem:s12+$0xFFFFFF80]  }
0x54: {  	v5 =	vmov s15;
	v1 =	vld.idx.msk [tilespmem:v1+s19+$0x0], $0xffff  }
0x55: {  	v2 =	vld.idx.msk [tilespmem:v2+s19+$0x0], $0xffff  }
0x56: {  	v6 =	vld [tilespmem:s12+$0xFFFFFFC0]  }
0x57: {  	v3 =	vld.idx.msk [tilespmem:v3+s19+$0x0], $0xffff  }
0x58: {  	v7 =	vld [tilespmem:s12+$0x0]  }
0x59: {  	v5 =	vld.idx.msk [tilespmem:v5+s19+$0x0], $0xffff  }
0x5a: {  	v8 =	vld [tilespmem:s12+$0x40]  }
0x5b: {  	v4 =	vmul.f32 v4, v1;
	v6 =	vmul.f32 v6, v2;
	_ =	sdelay $0x1  }
0x5c: {  	v4 =	vadd.f32 v6, v4;
	v6 =	vmul.f32 v7, v3;
	_ =	sdelay $0x1  }
0x5d: {  	v4 =	vadd.f32 v6, v4;
	v6 =	vmul.f32 v8, v5;
	_ =	sdelay $0x1  }
0x5e: {  	v4 =	vadd.f32 v6, v4  }
0x5f: {  	s0 =	simm.s32 $0x84A0  }
0x60: {  	[tilespmem:s0+$0xFFFFFFE0] =	vst v4  }
0x61: {  	v4 =	vld [tilespmem:s12+$0xFFFFFF90]  }
0x62: {  	v6 =	vld [tilespmem:s12+$0xFFFFFFD0];
	_ =	sdelay $0x1  }
0x63: {  	v7 =	vld [tilespmem:s12+$0x10];
	_ =	sdelay $0x1  }
0x64: {  	v61 =	vld [tilespmem:s12+$0x50]  }
0x65: {  	v4 =	vmul.f32 v4, v1;
	v6 =	vmul.f32 v6, v2;
	_ =	sdelay $0x1  }
0x66: {  	v4 =	vadd.f32 v6, v4;
	v6 =	vmul.f32 v7, v3;
	_ =	sdelay $0x1  }
0x67: {  	v4 =	vadd.f32 v6, v4;
	v6 =	vmul.f32 v61, v5;
	_ =	sdelay $0x1  }
0x68: {  	v4 =	vadd.f32 v6, v4;
	_ =	sdelay $0x1  }
0x69: {  	[tilespmem:s0+$0xFFFFFFF0] =	vst v4  }
0x6a: {  	v4 =	vld [tilespmem:s12+$0xFFFFFFA0]  }
0x6b: {  	v6 =	vld [tilespmem:s12+$0xFFFFFFE0];
	_ =	sdelay $0x1  }
0x6c: {  	v7 =	vld [tilespmem:s12+$0x20];
	_ =	sdelay $0x1  }
0x6d: {  	v62 =	vld [tilespmem:s12+$0x60]  }
0x6e: {  	v4 =	vmul.f32 v4, v1;
	v6 =	vmul.f32 v6, v2;
	_ =	sdelay $0x1  }
0x6f: {  	v4 =	vadd.f32 v6, v4;
	v6 =	vmul.f32 v7, v3;
	_ =	sdelay $0x1  }
0x70: {  	v4 =	vadd.f32 v6, v4;
	v6 =	vmul.f32 v62, v5;
	_ =	sdelay $0x1  }
0x71: {  	v4 =	vadd.f32 v6, v4;
	_ =	sdelay $0x1  }
0x72: {  	[tilespmem:s0+$0x0] =	vst v4  }
0x73: {  	v4 =	vld [tilespmem:s12+$0xFFFFFFB0]  }
0x74: {  	v6 =	vld [tilespmem:s12+$0xFFFFFFF0];
	_ =	sdelay $0x1  }
0x75: {  	v7 =	vld [tilespmem:s12+$0x30]  }
0x76: {  	v63 =	vld [tilespmem:s12+$0x70];
	_ =	sdelay $0x1  }
0x77: {  	s9 =	simm.s32 $0x4;
	v1 =	vmul.f32 v4, v1;
	v4 =	vmul.f32 v6, v2  }
0x78: {  	s16 =	simm.s32 $0x5;
	v6 =	vmov s9  }
0x79: {  	v2 =	vmul.f32 v7, v3;
	v7 =	vmov s16;
	v3 =	vadd.f32 v4, v1  }
0x7a: {  	s11 =	simm.s32 $0x8;
	s10 =	simm.s32 $0x84A0;
	s1 =	simm.s32 $0x600;
	v1 =	vmul.f32 v63, v5;
	v5 =	vand.u32 $0xFFFFFFFC, v6;
	v4 =	vand.u32 $0xFFFFFFFD, v7  }
.LBB2_5:
0x7b: {  	s15 =	sadd.s32 $0x2, s9  }
0x7c: {  	v5 =	vbroadcast v5, $0x0;
	v4 =	vbroadcast v4, $0x0;
	v2 =	vadd.f32 v2, v3;
	s0 =	sadd.s32 $0x40, s0;
	s16 =	smov.u32 s11;
	s12 =	sadd.s32 $0x4, s11  }
0x7d: {  	p0 =	sne.s32 s11, $0x1FC;
	v3 =	vmov s15  }
0x7e: {  	v3 =	vand.u32 $0xFFFFFFFE, v3;
	v1 =	vadd.f32 v1, v2  }
0x7f: {  	v2 =	vbroadcast v3, $0x0  }
0x80: {  	[tilespmem:s10+$0x10] =	vst v1;
	s10 =	smov.u32 s0  }
0x81: {  	s11 =	sadd.s32 $0x3, s9;
	s9 =	smov.u32 s16;
	v1 =	vld [tilespmem:s1+$0xFFFFFF80]  }
0x82: {  	v3 =	vld.idx.msk [tilespmem:v5+s19+$0x0], $0xffff;
	v5 =	vmov s11  }
0x83: {  	v4 =	vld.idx.msk [tilespmem:v4+s19+$0x0], $0xffff  }
0x84: {  	v6 =	vld [tilespmem:s1+$0xFFFFFFC0]  }
0x85: {  	v2 =	vld.idx.msk [tilespmem:v2+s19+$0x0], $0xffff  }
0x86: {  	v7 =	vld [tilespmem:s1+$0x0]  }
0x87: {  	v5 =	vld.idx.msk [tilespmem:v5+s19+$0x0], $0xffff  }
0x88: {  	v1 =	vmul.f32 v1, v3;
	v8 =	vld [tilespmem:s1+$0x40]  }
0x89: {  	v6 =	vmul.f32 v6, v4;
	_ =	sdelay $0x1  }
0x8a: {  	v1 =	vadd.f32 v6, v1;
	v6 =	vmul.f32 v7, v2;
	_ =	sdelay $0x1  }
0x8b: {  	v1 =	vadd.f32 v6, v1;
	v6 =	vmul.f32 v8, v5;
	_ =	sdelay $0x1  }
0x8c: {  	v1 =	vadd.f32 v6, v1;
	_ =	sdelay $0x1  }
0x8d: {  	[tilespmem:s0+$0xFFFFFFE0] =	vst v1  }
0x8e: {  	v1 =	vld [tilespmem:s1+$0xFFFFFF90]  }
0x8f: {  	v6 =	vld [tilespmem:s1+$0xFFFFFFD0];
	_ =	sdelay $0x1  }
0x90: {  	v7 =	vld [tilespmem:s1+$0x10];
	_ =	sdelay $0x1  }
0x91: {  	v1 =	vmul.f32 v1, v3;
	v8 =	vld [tilespmem:s1+$0x50]  }
0x92: {  	v6 =	vmul.f32 v6, v4;
	_ =	sdelay $0x1  }
0x93: {  	v1 =	vadd.f32 v6, v1;
	v6 =	vmul.f32 v7, v2;
	_ =	sdelay $0x1  }
0x94: {  	v1 =	vadd.f32 v6, v1;
	v6 =	vmul.f32 v8, v5;
	_ =	sdelay $0x1  }
0x95: {  	v1 =	vadd.f32 v6, v1;
	_ =	sdelay $0x1  }
0x96: {  	[tilespmem:s0+$0xFFFFFFF0] =	vst v1  }
0x97: {  	v1 =	vld [tilespmem:s1+$0xFFFFFFA0]  }
0x98: {  	v6 =	vld [tilespmem:s1+$0xFFFFFFE0];
	_ =	sdelay $0x1  }
0x99: {  	v7 =	vld [tilespmem:s1+$0x20];
	_ =	sdelay $0x1  }
0x9a: {  	v1 =	vmul.f32 v1, v3;
	v8 =	vld [tilespmem:s1+$0x60]  }
0x9b: {  	v6 =	vmul.f32 v6, v4;
	_ =	sdelay $0x1  }
0x9c: {  	v1 =	vadd.f32 v6, v1;
	v6 =	vmul.f32 v7, v2;
	_ =	sdelay $0x1  }
0x9d: {  	v1 =	vadd.f32 v6, v1;
	v6 =	vmul.f32 v8, v5;
	_ =	sdelay $0x1  }
0x9e: {  	v1 =	vadd.f32 v6, v1;
	_ =	sdelay $0x1  }
0x9f: {  	[tilespmem:s0+$0x0] =	vst v1  }
0xa0: {  	v1 =	vld [tilespmem:s1+$0xFFFFFFB0]  }
0xa1: {  	v6 =	vld [tilespmem:s1+$0xFFFFFFF0]  }
0xa2: {  	v7 =	vld [tilespmem:s1+$0x30]  }
0xa3: {  	v8 =	vld [tilespmem:s1+$0x70];
	_ =	sdelay $0x1  }
.Ltmp1:
0xa4: {  	v1 =	vmul.f32 v1, v3;
	(pc) =	sbr.rel @p0 .LBB2_5-.Ltmp1, $4  }
0xa5: {  	v3 =	vmul.f32 v6, v4  }
0xa6: {  	s11 =	sadd.s32 $0x1, s9;
	v4 =	vmov s9;
	v2 =	vmul.f32 v7, v2  }
0xa7: {  	v6 =	vmov s11;
	v3 =	vadd.f32 v3, v1;
	v1 =	vmul.f32 v8, v5  }
0xa8: {  	s1 =	sadd.s32 $0x100, s1;
	s11 =	smov.u32 s12;
	v5 =	vand.u32 $0xFFFFFFFC, v4;
	v4 =	vand.u32 $0xFFFFFFFD, v6  }
0xa9: {  	v2 =	vadd.f32 v2, v3  }
0xaa: {  	v5 =	vbroadcast v5, $0x0;
	s11 =	sadd.s32 $0x2, s9  }
0xab: {  	v3 =	vbroadcast v4, $0x0;
	v46 =	vmov s11;
	v1 =	vadd.f32 v1, v2  }
0xac: {  	v4 =	vand.u32 $0xFFFFFFFE, v46  }
0xad: {  	v2 =	vbroadcast v4, $0x0;
	[tilespmem:s10+$0x10] =	vst v1  }
0xae: {  	v1 =	vld [tilespmem:s1+$0xFFFFFF80]  }
0xaf: {  	s16 =	sadd.s32 $0x3, s9;
	v6 =	vld [tilespmem:s1+$0xFFFFFFC0]  }
0xb0: {  	v48 =	vmov s16;
	v47 =	vld.idx.msk [tilespmem:v5+s19+$0x0], $0xffff  }
0xb1: {  	v3 =	vld.idx.msk [tilespmem:v3+s19+$0x0], $0xffff  }
0xb2: {  	v7 =	vld [tilespmem:s1+$0x0]  }
0xb3: {  	v2 =	vld.idx.msk [tilespmem:v2+s19+$0x0], $0xffff  }
0xb4: {  	v8 =	vld [tilespmem:s1+$0x40]  }
0xb5: {  	v5 =	vld.idx.msk [tilespmem:v48+s19+$0x0], $0xffff  }
0xb6: {  	v1 =	vmul.f32 v1, v47;
	v6 =	vmul.f32 v6, v3;
	_ =	sdelay $0x1  }
0xb7: {  	v1 =	vadd.f32 v6, v1;
	v49 =	vmul.f32 v7, v2;
	_ =	sdelay $0x1  }
0xb8: {  	v50 =	vmul.f32 v8, v5;
	v1 =	vadd.f32 v49, v1;
	_ =	sdelay $0x1  }
0xb9: {  	v1 =	vadd.f32 v50, v1  }
0xba: {  	s0 =	sadd.s32 $0x40, s0  }
0xbb: {  	[tilespmem:s0+$0xFFFFFFE0] =	vst v1  }
0xbc: {  	v1 =	vld [tilespmem:s1+$0xFFFFFF90]  }
0xbd: {  	v51 =	vld [tilespmem:s1+$0xFFFFFFD0];
	_ =	sdelay $0x1  }
0xbe: {  	v52 =	vld [tilespmem:s1+$0x10];
	_ =	sdelay $0x1  }
0xbf: {  	v53 =	vld [tilespmem:s1+$0x50]  }
0xc0: {  	v1 =	vmul.f32 v1, v47;
	v6 =	vmul.f32 v51, v3;
	_ =	sdelay $0x1  }
0xc1: {  	v54 =	vmul.f32 v52, v2;
	v1 =	vadd.f32 v6, v1;
	_ =	sdelay $0x1  }
0xc2: {  	v55 =	vmul.f32 v53, v5;
	v1 =	vadd.f32 v54, v1;
	_ =	sdelay $0x1  }
0xc3: {  	v1 =	vadd.f32 v55, v1;
	_ =	sdelay $0x1  }
0xc4: {  	[tilespmem:s0+$0xFFFFFFF0] =	vst v1  }
0xc5: {  	v1 =	vld [tilespmem:s1+$0xFFFFFFA0]  }
0xc6: {  	v56 =	vld [tilespmem:s1+$0xFFFFFFE0];
	_ =	sdelay $0x1  }
0xc7: {  	v57 =	vld [tilespmem:s1+$0x20];
	_ =	sdelay $0x1  }
0xc8: {  	v58 =	vld [tilespmem:s1+$0x60]  }
0xc9: {  	v1 =	vmul.f32 v1, v47;
	v6 =	vmul.f32 v56, v3;
	_ =	sdelay $0x1  }
0xca: {  	v59 =	vmul.f32 v57, v2;
	v1 =	vadd.f32 v6, v1;
	_ =	sdelay $0x1  }
0xcb: {  	v60 =	vmul.f32 v58, v5;
	v1 =	vadd.f32 v59, v1;
	_ =	sdelay $0x1  }
0xcc: {  	v1 =	vadd.f32 v60, v1;
	_ =	sdelay $0x1  }
0xcd: {  	[tilespmem:s0+$0x0] =	vst v1  }
0xce: {  	v1 =	vld [tilespmem:s1+$0xFFFFFFB0]  }
0xcf: {  	v61 =	vld [tilespmem:s1+$0xFFFFFFF0];
	_ =	sdelay $0x1  }
0xd0: {  	v62 =	vld [tilespmem:s1+$0x30];
	_ =	sdelay $0x1  }
0xd1: {  	v63 =	vld [tilespmem:s1+$0x70]  }
0xd2: {  	v1 =	vmul.f32 v1, v47;
	v3 =	vmul.f32 v61, v3;
	_ =	sdelay $0x1  }
0xd3: {  	v2 =	vmul.f32 v62, v2;
	v1 =	vadd.f32 v3, v1;
	_ =	sdelay $0x1  }
0xd4: {  	v3 =	vmul.f32 v63, v5;
	v1 =	vadd.f32 v2, v1;
	_ =	sdelay $0x1  }
0xd5: {  	s31 =	sadd.s32 $0x1, s31;
	v1 =	vadd.f32 v3, v1  }
0xd6: {  	p0 =	sne.s32 s31, $0x28  }
.Ltmp2:
0xd7: {  	[tilespmem:s0+$0x10] =	vst v1;
	(pc) =	sbr.rel @p0 .LBB2_4-.Ltmp2, $4  }
0xd8: {  	[spmem:s2] =	stream.indirect.scatter.add.f32 [tilespmem:s29], [sflag:$0x1], $0x40, s20, s21, $0xb8;
	[tilespmem:$0x16480] =	vst v63  }
0xd9: {  	_ =	swait.ge [sflag:s18], $0x2000  }
0xda: {  	[sflag:s18] =	ssyncset.done $0x0  }
0xdb: {  	[sflag:s18] =	ssyncadd.s32 $0xFFFFE000  }
0xdc: {  	s0 =	stileid.u32  }
0xdd: {  	[bflag:$0x0] =	sbarrier.arrive $0xFFFF;
	s0 =	sshll.u32 s0, $0x6  }
0xde: {  	s1 =	sshrl.u32 s8, $0x3;
	s9 =	rddreg [dreg:$0x7];
	s0 =	sor.u32 $0x1C01, s0  }
0xdf: {  	[hbm:s9], [sflag:s0] =	dma.local [spmem:s1], $0x1400  }
0xe0: {  	_ =	swait.ge [sflag:s18], $0x1400  }
0xe1: {  	s3 =	sadd.s32 $0x1, s3;
	s31 =	rddreg [dreg:$0x8]  }
0xe2: {  	p0 =	sne.s32 s3, s31  }
.Ltmp3:
0xe3: {  	_ = 	snop;
	(pc) =	sbr.rel @p0 .LBB2_1-.Ltmp3, $3  }
0xe4: {  	_ =	sdelay $0x1  }
0xe5: {  	[sflag:s18] =	ssyncset.done $0x0  }
0xe6: {  	[sflag:s18] =	ssyncadd.s32 $0xFFFFEC00  }
0xe7: {  	_ =	sfence.sel $0x180000  }
0xe8: {  	[bflag:$0x0] =	sbarrier.arrive $0xFFFF  }
0xe9: {  	_ =	strace $0x9000004A  }
0xea: {  	s0 =	stileid.u32;
	[bflag:$0x2] =	sbarrier.arrive $0xFFFF  }
0xeb: {  	p0 =	sne.s32 s0, $0x0;
	s0 =	rddreg [dreg:$0x2]  }
0xec: {  	s0 =	sadd.s32 @!p0 $0x100000, s0  }
0xed: {  	[sflag:s0] =	ssyncadd.tile.s32 @!p0 $0x1;
	_ =	shalt  }
.Lfunc_end2:
_tile_overlayer_lowered:
.L_overlay_start_2:
0xee: {  	(tag) =	ssettag $0x2  }
0xef: {  	s0 =	rddreg [dreg:$0x0];
	s2 =	stileid.u32  }
0xf0: {  	s1 =	rddreg [dreg:$0x1];
	p0 =	sne.s32 s2, $0x0  }
0xf1: {  	s3 =	rddreg [dreg:$0x2];
	[bflag:$0x3] =	sbarrier.arrive $0xFFFF;
	s2 =	simm.s32 @!p0 $0x1C01  }
0xf2: {  	[timem:s3], [sflag:s2] =	dma.local @!p0 [hbm:s0], s1  }
0xf3: {  	s0 =	simm.s32 @!p0 $0x1  }
0xf4: {  	_ =	swait.ge @!p0 [sflag:s0], s1  }
0xf5: {  	s1 =	ssub.s32 @!p0 $0x0, s1;
	[sflag:s0] =	ssyncset.done @!p0 $0x0  }
0xf6: {  	[sflag:s0] =	ssyncadd.s32 @!p0 s1  }
0xf7: {  	[bflag:$0x3] =	sbarrier.arrive $0xFFFF  }
0xf8: {  	_ =	shalt  }

// kernel: kernel.22.cloned.1.call-start
scs
__scs_entry_jumppad:
0x0: {  	(pc) =	sbr.rel $0x88, $3  }
0x1: {  	(tag) =	ssettag $0x0;
	lr =	simm.s32 $0x1  }
0x2: {  	[smem:$0x3F8F] =	sst lr;
	_ =	strace $0xD0000000  }
0x3: {  	_ = 	snop  }
0x4: {  	_ = 	snop  }
0x5: {  	_ = 	snop  }
0x6: {  	_ = 	snop  }
0x7: {  	_ = 	snop  }
__scs_overlays_trampoline_lowered:
0x8: {  	[smem:$0x3F9E] =	sst s0  }
0x9: {  	[smem:$0x3F9F] =	sst s1  }
0xa: {  	[smem:$0x3FA0] =	sst s2  }
0xb: {  	[smem:$0x3FA1] =	sst s3  }
0xc: {  	[smem:$0x3FA2] =	sst s4  }
0xd: {  	[smem:$0x3FA3] =	sst s5  }
0xe: {  	[smem:$0x3FA4] =	sst s6  }
0xf: {  	[smem:$0x3FA5] =	sst s7  }
0x10: {  	[smem:$0x3FA6] =	sst s8  }
0x11: {  	[smem:$0x3FA7] =	sst s9;
	s0 =	simm.s32 @!p0 $0x0  }
0x12: {  	s1 =	sld [smem:$0x3F8D];
	s0 =	simm.s32 @p0 $0x1  }
0x13: {  	[smem:$0x3FA8] =	sst s0;
	s0 =	simm.s32 @!p1 $0x0  }
0x14: {  	s2 =	sld [smem:$0x3F8C];
	s0 =	simm.s32 @p1 $0x1  }
0x15: {  	[smem:$0x3FA9] =	sst s0;
	s0 =	simm.s32 @!p2 $0x0  }
0x16: {  	s3 =	sld [smem:$0x3FDB];
	s0 =	simm.s32 @p2 $0x1  }
0x17: {  	s4 =	simm.s32 $0x1BF5;
	[smem:$0x3FAB] =	sst s0  }
0x18: {  	s0 =	sld [smem:$0x3F8E];
	_ =	swait.ge [sflag:s4], $0x0  }
0x19: {  	s7 =	sld [smem:$0x3F8F]  }
0x1a: {  	s8 =	sadd.s32 $0xFFFFE003, lr  }
0x1b: {  	s9 =	sadd.s32 $0xFFFFFEF7, lr;
	s5 =	simm.s32 $0xFFFFFFFF;
	p2 =	slt.u32 s8, $0xFFFFF086  }
0x1c: {  	p1 =	slt.u32 s9, $0xF7A;
	s5 =	simm.s32 @!p2 $0x0  }
0x1d: {  	s5 =	simm.s32 @p1 $0x1;
	p0 =	seq.s32 s7, s2  }
0x1e: {  	s7 =	smul.u32 @!p0 $0xF7A, s2;
	p2 =	seq.s32 @!p0 s5, $0x0  }
0x1f: {  	s9 =	smul.u32 $0xF7A, s1;
	s8 =	simm.s32 @!p0 $0x1BF5;
	p2 =	por !p2, p0  }
0x20: {  	[sflag:s8] =	ssyncset.s32 @!p0 $0xFFFFF086;
	s6 =	sadd.s32 @!p0 s3, s7;
	s7 =	simm.s32 @!p0 $0x108  }
0x21: {  	s3 =	sadd.s32 s3, s9;
	s6 =	sadd.s32 @!p0 $0x88, s6;
	s7 =	simm.s32 @p2 $0x1082  }
0x22: {  	[simem:s7], [sflag:s8] =	dma.local @!p0 [hbm:s6], $0xF7A  }
0x23: {  	s9 =	sor.u32 $0xD0000000, s2;
	s6 =	simm.s32 $0x108;
	_ =	swait.ge @!p0 [sflag:s8], $0x0  }
0x24: {  	s3 =	sadd.s32 $0x88, s3;
	s6 =	simm.s32 @!p1 $0x1082;
	[sflag:s4] =	ssyncset.s32 $0xFFFFF086  }
0x25: {  	[simem:s6], [sflag:s4] =	dma.local [hbm:s3], $0xF7A  }
0x26: {  	[smem:$0x3F8F] =	sst s1;
	(tag) =	ssettag s2;
	_ =	strace s9  }
0x27: {  	s1 =	sld [smem:$0x3F9F]  }
0x28: {  	s2 =	sld [smem:$0x3FA0]  }
0x29: {  	s4 =	sld [smem:$0x3FA2]  }
0x2a: {  	p0 =	seq.s32 s5, $0x0;
	s5 =	sld [smem:$0x3FA3]  }
0x2b: {  	s6 =	sld [smem:$0x3FA4]  }
0x2c: {  	s7 =	sld [smem:$0x3FA5]  }
0x2d: {  	s3 =	simm.s32 $0x108;
	s8 =	sld [smem:$0x3FA6]  }
0x2e: {  	s3 =	simm.s32 @!p0 $0x1082;
	s9 =	sld [smem:$0x3FA7]  }
0x2f: {  	lr =	sadd.s32 s0, s3;
	s0 =	sld [smem:$0x3F9E]  }
0x30: {  	s3 =	sld [smem:$0x3FA1]  }
0x31: {  	[smem:$0x3FAA] =	sst s10  }
0x32: {  	s10 =	sld [smem:$0x3FA8];
	_ =	sdelay $0x3  }
0x33: {  	p0 =	seq.s32 s10, $0x1;
	s10 =	sld [smem:$0x3FAA];
	_ =	sdelay $0x3  }
0x34: {  	[smem:$0x3FAA] =	sst s10  }
0x35: {  	s10 =	sld [smem:$0x3FA9];
	_ =	sdelay $0x3  }
0x36: {  	p1 =	seq.s32 s10, $0x1;
	s10 =	sld [smem:$0x3FAA];
	_ =	sdelay $0x3  }
0x37: {  	[smem:$0x3FAA] =	sst s10  }
0x38: {  	s10 =	sld [smem:$0x3FAB]  }
0x39: {  	_ = 	snop;
	(pc) =	sbr.ind lr, $3  }
0x3a: {  	_ = 	snop  }
0x3b: {  	_ = 	snop  }
0x3c: {  	p2 =	seq.s32 s10, $0x1;
	s10 =	sld [smem:$0x3FAA]  }
0x3d: {  	_ =	shalt  }
0x3e: {  	_ =	shalt  }
0x3f: {  	_ =	shalt  }
0x40: {  	_ =	shalt  }
0x41: {  	_ =	shalt  }
0x42: {  	_ =	shalt  }
0x43: {  	_ =	shalt  }
0x44: {  	_ =	shalt  }
0x45: {  	_ =	shalt  }
0x46: {  	_ =	shalt  }
0x47: {  	_ =	shalt  }
0x48: {  	_ =	shalt  }
0x49: {  	_ =	shalt  }
0x4a: {  	_ =	shalt  }
0x4b: {  	_ =	shalt  }
0x4c: {  	_ =	shalt  }
0x4d: {  	_ =	shalt  }
0x4e: {  	_ =	shalt  }
0x4f: {  	_ =	shalt  }
0x50: {  	_ =	shalt  }
0x51: {  	_ =	shalt  }
0x52: {  	_ =	shalt  }
0x53: {  	_ =	shalt  }
0x54: {  	_ =	shalt  }
0x55: {  	_ =	shalt  }
0x56: {  	_ =	shalt  }
0x57: {  	_ =	shalt  }
0x58: {  	_ =	shalt  }
0x59: {  	_ =	shalt  }
0x5a: {  	_ =	shalt  }
0x5b: {  	_ =	shalt  }
0x5c: {  	_ =	shalt  }
0x5d: {  	_ =	shalt  }
0x5e: {  	_ =	shalt  }
0x5f: {  	_ =	shalt  }
0x60: {  	_ =	shalt  }
0x61: {  	_ =	shalt  }
0x62: {  	_ =	shalt  }
0x63: {  	_ =	shalt  }
0x64: {  	_ =	shalt  }
0x65: {  	_ =	shalt  }
0x66: {  	_ =	shalt  }
0x67: {  	_ =	shalt  }
0x68: {  	_ =	shalt  }
0x69: {  	_ =	shalt  }
0x6a: {  	_ =	shalt  }
0x6b: {  	_ =	shalt  }
0x6c: {  	_ =	shalt  }
0x6d: {  	_ =	shalt  }
0x6e: {  	_ =	shalt  }
0x6f: {  	_ =	shalt  }
0x70: {  	_ =	shalt  }
0x71: {  	_ =	shalt  }
0x72: {  	_ =	shalt  }
0x73: {  	_ =	shalt  }
0x74: {  	_ =	shalt  }
0x75: {  	_ =	shalt  }
0x76: {  	_ =	shalt  }
0x77: {  	_ =	shalt  }
0x78: {  	_ =	shalt  }
0x79: {  	_ =	shalt  }
0x7a: {  	_ =	shalt  }
0x7b: {  	_ =	shalt  }
0x7c: {  	_ =	shalt  }
0x7d: {  	_ =	shalt  }
0x7e: {  	_ =	shalt  }
0x7f: {  	_ =	shalt  }
0x80: {  	_ =	shalt  }
0x81: {  	_ =	shalt  }
0x82: {  	_ =	shalt  }
0x83: {  	_ =	shalt  }
0x84: {  	_ =	shalt  }
0x85: {  	_ =	shalt  }
0x86: {  	_ =	shalt  }
0x87: {  	_ =	shalt  }
.Lfunc_end0:
.L_simem_size_0:
called_computation.2_lowered:
.L_overlay_start_0:
0x88: {  	s2 =	sld [smem:$0x3FD9]  }
0x89: {  	s3 =	sld [smem:$0x3FFE];
	_ =	sdelay $0x1  }
0x8a: {  	s1 =	srdreg.scid  }
0x8b: {  	s0 =	sand.u32 $0x1, s1  }
0x8c: {  	s16 =	sshll.u32 s0, $0xA;
	s2 =	sadd.s32 s3, s2  }
0x8d: {  	s2 =	sadd.s32 s2, s16  }
0x8e: {  	[smem:$0x3FB6] =	sst s2  }
0x8f: {  	_ = 	snop  }
0x90: {  	(tm) =	ssettm $0x1  }
0x91: {  	s17 =	sld [smem:$0x3FFB];
	_ =	sdelay $0x3  }
0x92: {  	_ =	strace s17  }
0x93: {  	s2 =	sld [smem:$0x3FFC];
	_ =	sdelay $0x3  }
0x94: {  	_ =	strace s2  }
0x95: {  	s2 =	sld [smem:$0x3FFD];
	_ =	sdelay $0x3  }
0x96: {  	_ =	strace s2  }
0x97: {  	_ =	strace $0x8FFFFFFF  }
0x98: {  	s18 =	sld [smem:$0x3FDB];
	_ =	sdelay $0x1  }
0x99: {  	s19 =	simm.s32 $_scs_section_size  }
0x9a: {  	s4 =	simm.s32 $_size__tile_overlayer_lowered;
	s5 =	simm.s32 $_tile_overlayer_lowered  }
0x9b: {  	s22 =	simm.s32 $0x1BFF;
	s21 =	sshll.u32 s5, $0x1;
	s2 =	sadd.s32 s19, s18  }
0x9c: {  	s6 =	simm.s32 $0x0;
	s20 =	sshll.u32 s4, $0x1;
	s4 =	sadd.s32 s21, s2  }
0x9d: {  	[timem:s6], [sflag:s22] =	dma.local [hbm:s4], s20  }
0x9e: {  	_ =	swait.ge [sflag:s22], s20  }
0x9f: {  	s3 =	ssub.s32 $0x0, s20;
	[sflag:s22] =	ssyncset.done $0x0  }
0xa0: {  	[sflag:s22] =	ssyncadd.s32 s3;
	_ =	sdelay $0x1  }
0xa1: {  	s23 =	simm.s32 $0x1B8B  }
0xa2: {  	_ =	swait.ge [sflag:s23], $0x1  }
0xa3: {  	[sflag:s23] =	ssyncset.done $0x0  }
0xa4: {  	s25 =	simm.s32 $0x1B8E;
	s24 =	sld [smem:$0x3FFE];
	[sflag:s23] =	ssyncadd.s32 $0xFFFFFFFF  }
0xa5: {  	s26 =	simm.s32 $execute0_lowered;
	[smem:$0x3FD2] =	sst s25  }
0xa6: {  	s4 =	sshll.u32 s26, $0x1;
	_ =	strace $0x8000004C;
	[dreg:$0x1] =	wrdreg $0xFFFFFFFF  }
0xa7: {  	s28 =	simm.s32 $_size_execute0_lowered;
	s2 =	sadd.s32 s2, s4;
	[dreg:$0x0] =	wrdreg $0x0  }
0xa8: {  	s4 =	sshll.u32 s28, $0x1;
	[dreg:$0x2] =	wrdreg s2  }
0xa9: {  	[dreg:$0x3] =	wrdreg s4  }
0xaa: {  	[dreg:$0x4] =	wrdreg $0xC0  }
0xab: {  	_ =	task [dreg:s6], $0x5FFFF  }
0xac: {  	[dreg:$0x1] =	wrdreg $0xFFFFFFFF  }
0xad: {  	[dreg:$0x0] =	wrdreg $0x60  }
0xae: {  	[dreg:$0x2] =	wrdreg s24  }
0xaf: {  	[dreg:$0x3] =	wrdreg $0xC4800  }
0xb0: {  	[dreg:$0x4] =	wrdreg $0x9  }
0xb1: {  	_ =	task.clear_ibuf [dreg:s6], $0x5FFFF;
	_ =	strace $0x9000004C  }
0xb2: {  	s29 =	simm.s32 $0x9;
	_ =	strace $0x8000004E  }
0xb3: {  	_ =	swait.ge [sflag:s29], $0x1  }
0xb4: {  	[sflag:s29] =	ssyncadd.s32 $0xFFFFFFFF  }
0xb5: {  	_ =	strace $0x9000004E  }
0xb6: {  	_ =	sfence  }
0xb7: {  	s30 =	sld [smem:$0x0];
	_ =	sdelay $0x2  }
0xb8: {  	s31 =	sshll.u32 s1, $0xD;
	s1 =	sshrl.u32 s1, $0x2  }
0xb9: {  	s3 =	sand.u32 $0x4000, s31;
	s1 =	sadd.s32 s1, s30  }
0xba: {  	s0 =	sor.u32 s3, s0;
	s1 =	sshll.u32 s1, $0x11  }
0xbb: {  	s0 =	sor.u32 s1, s0  }
0xbc: {  	s0 =	sadd.s32 $0x8F2B, s0  }
0xbd: {  	[sflag:s0] =	ssyncadd.remote.s32 $0x1  }
0xbe: {  	_ =	sfence.sel $0xFFFF  }
0xbf: {  	[dreg:$0x0] =	wrdreg $0xFFFFFFFF;
	(pc) =	sbr.abs _section_cstart, $3  }
0xc0: {  	[dreg:$0x1] =	wrdreg $0xFFFFFFFF  }
0xc1: {  	_ =	task.clear_ibuf [dreg:s6], $0x2FFFF;
	_ =	strace $0x9FFFFFFF  }
0xc2: {  	(tm) =	ssettm $0x7FFFFFFF  }
0xc3: {  	_ =	shalt  }
tec
execute0_lowered:
.L_overlay_start_1:
0x0: {  	(tag) =	ssettag $0x1  }
0x1: {  	s0 =	rddreg [dreg:$0x0]  }
0x2: {  	s2 =	rddreg [dreg:$0x1]  }
0x3: {  	s1 =	srdreg.scid;
	s12 =	stileid.u32;
	s3 =	simm.s32 $0x0  }
0x4: {  	s17 =	simm.s32 $0xA480;
	s18 =	simm.s32 $0x1;
	s19 =	simm.s32 $0x200  }
0x5: {  	s20 =	simm.s32 $0x400;
	s21 =	simm.s32 $0x80;
	s22 =	simm.s32 $0x480  }
0x6: {  	s28 =	simm.s32 $0x6480;
	s29 =	simm.s32 $0x8480;
	s30 =	simm.s32 $0x0  }
0x7: {  	s1 =	sand.u32 $0x1, s1;
	s8 =	smul.u32 $0xA000, s12;
	[smem:$0x7FF] =	sst s3  }
0x8: {  	s4 =	sadd.s32 $0x27B400, s0;
	s10 =	smul.u32 $0x28000, s12;
	s12 =	sshll.u32 s12, $0x1  }
0x9: {  	s6 =	smul.u32 $0xA0000, s1;
	s23 =	ssub.s32 $0x2, s1;
	s1 =	sor.u32 s1, s12  }
0xa: {  	s5 =	sadd.s32 $0x16600, s0;
	_ =	strace $0x8000004D;
	s13 =	smul.u32 $0x5000, s1  }
0xb: {  	s11 =	sshrl.u32 s23, $0x1;
	s10 =	sshrl.u32 s10, $0x2;
	s14 =	smul.u32 $0x28, s1  }
0xc: {  	s7 =	sadd.s32 s8, s6;
	s6 =	sadd.s32 $0x2600, s0;
	s10 =	sadd.s32 s10, s2  }
0xd: {  	s8 =	sadd.s32 s8, s2;
	s9 =	sshrl.u32 s7, $0x3;
	s24 =	sadd.s32 $0x2000, s10  }
0xe: {  	s7 =	sadd.s32 $0x2A600, s0;
	s25 =	sadd.s32 $0x4000, s10;
	[dreg:$0x3] =	wrdreg s24  }
0xf: {  	s26 =	sadd.s32 $0x6000, s10;
	s10 =	sadd.s32 $0x8000, s10;
	[dreg:$0x4] =	wrdreg s25  }
0x10: {  	s0 =	sadd.s32 s9, s0;
	s9 =	ssub.s32 s23, s11;
	[dreg:$0x5] =	wrdreg s26  }
0x11: {  	[dreg:$0x6] =	wrdreg s10;
	s23 =	simm.s32 $0x2480;
	s0 =	sadd.s32 $0x7F600, s0  }
0x12: {  	s24 =	simm.s32 $0x100;
	s31 =	smax.u32 s9, $0x1;
	[dreg:$0x7] =	wrdreg s0  }
0x13: {  	v0 =	vimm.f32 $0.0e+00;
	s25 =	simm.s32 $0x4480;
	s26 =	simm.s32 $0x180;
	[dreg:$0x8] =	wrdreg s31  }
.LBB2_1:
0x14: {  	s1 =	simm.s32 $0x100;
	s0 =	simm.s32 $0x0  }
.LBB2_2:
0x15: {  	p0 =	sne.s32 s1, $0x7F00;
	[tilespmem:s0+$0xA4B0] =	vst v0;
	s9 =	smov.u32 s1;
	s1 =	sadd.s32 $0x100, s1  }
.Ltmp0:
0x16: {  	[tilespmem:s0+$0xA4A0] =	vst v0;
	(pc) =	sbr.rel @p0 .LBB2_2-.Ltmp0, $3  }
0x17: {  	[tilespmem:s0+$0xA480] =	vst v0  }
0x18: {  	[tilespmem:s0+$0xA490] =	vst v0;
	_ =	sdelay $0x1  }
0x19: {  	s0 =	sshra.s32 s9, $0x2  }
0x1a: {  	[tilespmem:s0+$0xA4B0] =	vst v0  }
0x1b: {  	[tilespmem:s0+$0xA4A0] =	vst v0  }
0x1c: {  	[tilespmem:s0+$0xA480] =	vst v0  }
0x1d: {  	[tilespmem:s0+$0xA490] =	vst v0  }
0x1e: {  	[spmem:s8] =	stream.linear.scatter [tilespmem:s17], [sflag:$0x1], $0x2000, $0x38;
	[tilespmem:$0x16480] =	vst v63  }
0x1f: {  	_ =	swait.ge [sflag:s18], $0x2000  }
0x20: {  	[sflag:s18] =	ssyncset.done $0x0  }
0x21: {  	s11 =	rddreg [dreg:$0x3];
	[sflag:s18] =	ssyncadd.s32 $0xFFFFE000  }
0x22: {  	[spmem:s11] =	stream.linear.scatter [tilespmem:s17], [sflag:$0x1], $0x2000, $0x38;
	[tilespmem:$0x16480] =	vst v63  }
0x23: {  	_ =	swait.ge [sflag:s18], $0x2000  }
0x24: {  	[sflag:s18] =	ssyncset.done $0x0  }
0x25: {  	s12 =	rddreg [dreg:$0x4];
	[sflag:s18] =	ssyncadd.s32 $0xFFFFE000  }
0x26: {  	[spmem:s12] =	stream.linear.scatter [tilespmem:s17], [sflag:$0x1], $0x2000, $0x38;
	[tilespmem:$0x16480] =	vst v63  }
0x27: {  	_ =	swait.ge [sflag:s18], $0x2000  }
0x28: {  	[sflag:s18] =	ssyncset.done $0x0  }
0x29: {  	s15 =	rddreg [dreg:$0x5];
	[sflag:s18] =	ssyncadd.s32 $0xFFFFE000  }
0x2a: {  	[spmem:s15] =	stream.linear.scatter [tilespmem:s17], [sflag:$0x1], $0x2000, $0x38;
	[tilespmem:$0x16480] =	vst v63  }
0x2b: {  	_ =	swait.ge [sflag:s18], $0x2000  }
0x2c: {  	[sflag:s18] =	ssyncset.done $0x0  }
0x2d: {  	s16 =	rddreg [dreg:$0x6];
	[sflag:s18] =	ssyncadd.s32 $0xFFFFE000  }
0x2e: {  	[spmem:s16] =	stream.linear.scatter [tilespmem:s17], [sflag:$0x1], $0x2000, $0x38;
	[tilespmem:$0x16480] =	vst v63  }
0x2f: {  	_ =	swait.ge [sflag:s18], $0x2000  }
0x30: {  	[sflag:s18] =	ssyncset.done $0x0  }
0x31: {  	[sflag:s18] =	ssyncadd.s32 $0xFFFFE000  }
0x32: {  	s31 =	simm.s32 $0x0;
	[bflag:$0x0] =	sbarrier.arrive $0xFFFF  }
.LBB2_4:
0x33: {  	s0 =	sshll.u32 s31, $0x9  }
0x34: {  	s0 =	sadd.s32 s13, s0  }
0x35: {  	s0 =	sshrl.u32 s0, $0x3  }
0x36: {  	s1 =	sadd.s32 s5, s0  }
0x37: {  	[tilespmem:s30], [sflag:$0x1] =	stream.linear.gather [hbm4b:s1+s30], $0x200, $0x38;
	[tilespmem:$0x16480] =	vst v63  }
0x38: {  	_ =	swait.ge [sflag:s18], $0x200  }
0x39: {  	[sflag:s18] =	ssyncset.done $0x0  }
0x3a: {  	s0 =	sadd.s32 s6, s0;
	[sflag:s18] =	ssyncadd.s32 $0xFFFFFE00  }
0x3b: {  	[tilespmem:s19], [sflag:$0x1] =	stream.linear.gather [hbm4b:s0+s30], $0x200, $0x38;
	[tilespmem:$0x16480] =	vst v63  }
0x3c: {  	s9 =	sadd.s32 s14, s31;
	_ =	swait.ge [sflag:s18], $0x200  }
0x3d: {  	s0 =	sshll.u32 s9, $0x4;
	[sflag:s18] =	ssyncset.done $0x0  }
0x3e: {  	s0 =	sadd.s32 s7, s0;
	[sflag:s18] =	ssyncadd.s32 $0xFFFFFE00  }
0x3f: {  	[tilespmem:s20], [sflag:$0x1] =	stream.linear.gather [hbm4b:s0+s30], $0x80, $0x38;
	[tilespmem:$0x16480] =	vst v63  }
0x40: {  	_ =	swait.ge [sflag:s18], $0x80  }
0x41: {  	[sflag:s18] =	ssyncset.done $0x0  }
0x42: {  	[sflag:s18] =	ssyncadd.s32 $0xFFFFFF80  }
0x43: {  	[tilespmem:s22], [sflag:$0x1] =	stream.indirect.gather [hbm4b:s4+s21], $0x40, s30, s21, $0xb8;
	[tilespmem:$0x16480] =	vst v63  }
0x44: {  	_ =	swait.ge [sflag:s18], $0x2000  }
0x45: {  	[sflag:s18] =	ssyncset.done $0x0  }
0x46: {  	[sflag:s18] =	ssyncadd.s32 $0xFFFFE000  }
0x47: {  	[tilespmem:s23], [sflag:$0x1] =	stream.indirect.gather [hbm4b:s4+s21], $0x40, s21, s21, $0xb8;
	[tilespmem:$0x16480] =	vst v63  }
0x48: {  	_ =	swait.ge [sflag:s18], $0x2000  }
0x49: {  	[sflag:s18] =	ssyncset.done $0x0  }
0x4a: {  	[sflag:s18] =	ssyncadd.s32 $0xFFFFE000  }
0x4b: {  	[tilespmem:s25], [sflag:$0x1] =	stream.indirect.gather [hbm4b:s4+s21], $0x40, s24, s21, $0xb8;
	[tilespmem:$0x16480] =	vst v63  }
0x4c: {  	v1 =	vmov s30;
	s10 =	simm.s32 $0x1;
	_ =	swait.ge [sflag:s18], $0x2000  }
0x4d: {  	v2 =	vmov s10;
	v1 =	vand.u32 $0xFFFFFFFC, v1;
	[sflag:s18] =	ssyncset.done $0x0  }
0x4e: {  	s11 =	simm.s32 $0x2;
	v2 =	vand.u32 $0xFFFFFFFD, v2;
	v1 =	vbroadcast v1, $0x0;
	[sflag:s18] =	ssyncadd.s32 $0xFFFFE000  }
0x4f: {  	v3 =	vmov s11;
	v2 =	vbroadcast v2, $0x0;
	[tilespmem:s28], [sflag:$0x1] =	stream.indirect.gather [hbm4b:s4+s21], $0x40, s26, s21, $0xb8;
	[tilespmem:$0x16480] =	vst v63  }
0x50: {  	v3 =	vand.u32 $0xFFFFFFFE, v3;
	_ =	swait.ge [sflag:s18], $0x2000  }
0x51: {  	v3 =	vbroadcast v3, $0x0;
	[sflag:s18] =	ssyncset.done $0x0  }
0x52: {  	s12 =	simm.s32 $0x500;
	[sflag:s18] =	ssyncadd.s32 $0xFFFFE000  }
0x53: {  	s15 =	simm.s32 $0x3;
	v4 =	vld [tilespmem:s12+$0xFFFFFF80]  }
0x54: {  	v5 =	vmov s15;
	v1 =	vld.idx.msk [tilespmem:v1+s19+$0x0], $0xffff  }
0x55: {  	v2 =	vld.idx.msk [tilespmem:v2+s19+$0x0], $0xffff  }
0x56: {  	v6 =	vld [tilespmem:s12+$0xFFFFFFC0]  }
0x57: {  	v3 =	vld.idx.msk [tilespmem:v3+s19+$0x0], $0xffff  }
0x58: {  	v7 =	vld [tilespmem:s12+$0x0]  }
0x59: {  	v5 =	vld.idx.msk [tilespmem:v5+s19+$0x0], $0xffff  }
0x5a: {  	v8 =	vld [tilespmem:s12+$0x40]  }
0x5b: {  	v4 =	vmul.f32 v4, v1;
	v6 =	vmul.f32 v6, v2;
	_ =	sdelay $0x1  }
0x5c: {  	v4 =	vadd.f32 v6, v4;
	v6 =	vmul.f32 v7, v3;
	_ =	sdelay $0x1  }
0x5d: {  	v4 =	vadd.f32 v6, v4;
	v6 =	vmul.f32 v8, v5;
	_ =	sdelay $0x1  }
0x5e: {  	v4 =	vadd.f32 v6, v4  }
0x5f: {  	s0 =	simm.s32 $0x84A0  }
0x60: {  	[tilespmem:s0+$0xFFFFFFE0] =	vst v4  }
0x61: {  	v4 =	vld [tilespmem:s12+$0xFFFFFF90]  }
0x62: {  	v6 =	vld [tilespmem:s12+$0xFFFFFFD0];
	_ =	sdelay $0x1  }
0x63: {  	v7 =	vld [tilespmem:s12+$0x10];
	_ =	sdelay $0x1  }
0x64: {  	v61 =	vld [tilespmem:s12+$0x50]  }
0x65: {  	v4 =	vmul.f32 v4, v1;
	v6 =	vmul.f32 v6, v2;
	_ =	sdelay $0x1  }
0x66: {  	v4 =	vadd.f32 v6, v4;
	v6 =	vmul.f32 v7, v3;
	_ =	sdelay $0x1  }
0x67: {  	v4 =	vadd.f32 v6, v4;
	v6 =	vmul.f32 v61, v5;
	_ =	sdelay $0x1  }
0x68: {  	v4 =	vadd.f32 v6, v4;
	_ =	sdelay $0x1  }
0x69: {  	[tilespmem:s0+$0xFFFFFFF0] =	vst v4  }
0x6a: {  	v4 =	vld [tilespmem:s12+$0xFFFFFFA0]  }
0x6b: {  	v6 =	vld [tilespmem:s12+$0xFFFFFFE0];
	_ =	sdelay $0x1  }
0x6c: {  	v7 =	vld [tilespmem:s12+$0x20];
	_ =	sdelay $0x1  }
0x6d: {  	v62 =	vld [tilespmem:s12+$0x60]  }
0x6e: {  	v4 =	vmul.f32 v4, v1;
	v6 =	vmul.f32 v6, v2;
	_ =	sdelay $0x1  }
0x6f: {  	v4 =	vadd.f32 v6, v4;
	v6 =	vmul.f32 v7, v3;
	_ =	sdelay $0x1  }
0x70: {  	v4 =	vadd.f32 v6, v4;
	v6 =	vmul.f32 v62, v5;
	_ =	sdelay $0x1  }
0x71: {  	v4 =	vadd.f32 v6, v4;
	_ =	sdelay $0x1  }
0x72: {  	[tilespmem:s0+$0x0] =	vst v4  }
0x73: {  	v4 =	vld [tilespmem:s12+$0xFFFFFFB0]  }
0x74: {  	v6 =	vld [tilespmem:s12+$0xFFFFFFF0];
	_ =	sdelay $0x1  }
0x75: {  	v7 =	vld [tilespmem:s12+$0x30]  }
0x76: {  	v63 =	vld [tilespmem:s12+$0x70];
	_ =	sdelay $0x1  }
0x77: {  	s9 =	simm.s32 $0x4;
	v1 =	vmul.f32 v4, v1;
	v4 =	vmul.f32 v6, v2  }
0x78: {  	s16 =	simm.s32 $0x5;
	v6 =	vmov s9  }
0x79: {  	v2 =	vmul.f32 v7, v3;
	v7 =	vmov s16;
	v3 =	vadd.f32 v4, v1  }
0x7a: {  	s11 =	simm.s32 $0x8;
	s10 =	simm.s32 $0x84A0;
	s1 =	simm.s32 $0x600;
	v1 =	vmul.f32 v63, v5;
	v5 =	vand.u32 $0xFFFFFFFC, v6;
	v4 =	vand.u32 $0xFFFFFFFD, v7  }
.LBB2_5:
0x7b: {  	s15 =	sadd.s32 $0x2, s9  }
0x7c: {  	v5 =	vbroadcast v5, $0x0;
	v4 =	vbroadcast v4, $0x0;
	v2 =	vadd.f32 v2, v3;
	s0 =	sadd.s32 $0x40, s0;
	s16 =	smov.u32 s11;
	s12 =	sadd.s32 $0x4, s11  }
0x7d: {  	p0 =	sne.s32 s11, $0x1FC;
	v3 =	vmov s15  }
0x7e: {  	v3 =	vand.u32 $0xFFFFFFFE, v3;
	v1 =	vadd.f32 v1, v2  }
0x7f: {  	v2 =	vbroadcast v3, $0x0  }
0x80: {  	[tilespmem:s10+$0x10] =	vst v1;
	s10 =	smov.u32 s0  }
0x81: {  	s11 =	sadd.s32 $0x3, s9;
	s9 =	smov.u32 s16;
	v1 =	vld [tilespmem:s1+$0xFFFFFF80]  }
0x82: {  	v3 =	vld.idx.msk [tilespmem:v5+s19+$0x0], $0xffff;
	v5 =	vmov s11  }
0x83: {  	v4 =	vld.idx.msk [tilespmem:v4+s19+$0x0], $0xffff  }
0x84: {  	v6 =	vld [tilespmem:s1+$0xFFFFFFC0]  }
0x85: {  	v2 =	vld.idx.msk [tilespmem:v2+s19+$0x0], $0xffff  }
0x86: {  	v7 =	vld [tilespmem:s1+$0x0]  }
0x87: {  	v5 =	vld.idx.msk [tilespmem:v5+s19+$0x0], $0xffff  }
0x88: {  	v1 =	vmul.f32 v1, v3;
	v8 =	vld [tilespmem:s1+$0x40]  }
0x89: {  	v6 =	vmul.f32 v6, v4;
	_ =	sdelay $0x1  }
0x8a: {  	v1 =	vadd.f32 v6, v1;
	v6 =	vmul.f32 v7, v2;
	_ =	sdelay $0x1  }
0x8b: {  	v1 =	vadd.f32 v6, v1;
	v6 =	vmul.f32 v8, v5;
	_ =	sdelay $0x1  }
0x8c: {  	v1 =	vadd.f32 v6, v1;
	_ =	sdelay $0x1  }
0x8d: {  	[tilespmem:s0+$0xFFFFFFE0] =	vst v1  }
0x8e: {  	v1 =	vld [tilespmem:s1+$0xFFFFFF90]  }
0x8f: {  	v6 =	vld [tilespmem:s1+$0xFFFFFFD0];
	_ =	sdelay $0x1  }
0x90: {  	v7 =	vld [tilespmem:s1+$0x10];
	_ =	sdelay $0x1  }
0x91: {  	v1 =	vmul.f32 v1, v3;
	v8 =	vld [tilespmem:s1+$0x50]  }
0x92: {  	v6 =	vmul.f32 v6, v4;
	_ =	sdelay $0x1  }
0x93: {  	v1 =	vadd.f32 v6, v1;
	v6 =	vmul.f32 v7, v2;
	_ =	sdelay $0x1  }
0x94: {  	v1 =	vadd.f32 v6, v1;
	v6 =	vmul.f32 v8, v5;
	_ =	sdelay $0x1  }
0x95: {  	v1 =	vadd.f32 v6, v1;
	_ =	sdelay $0x1  }
0x96: {  	[tilespmem:s0+$0xFFFFFFF0] =	vst v1  }
0x97: {  	v1 =	vld [tilespmem:s1+$0xFFFFFFA0]  }
0x98: {  	v6 =	vld [tilespmem:s1+$0xFFFFFFE0];
	_ =	sdelay $0x1  }
0x99: {  	v7 =	vld [tilespmem:s1+$0x20];
	_ =	sdelay $0x1  }
0x9a: {  	v1 =	vmul.f32 v1, v3;
	v8 =	vld [tilespmem:s1+$0x60]  }
0x9b: {  	v6 =	vmul.f32 v6, v4;
	_ =	sdelay $0x1  }
0x9c: {  	v1 =	vadd.f32 v6, v1;
	v6 =	vmul.f32 v7, v2;
	_ =	sdelay $0x1  }
0x9d: {  	v1 =	vadd.f32 v6, v1;
	v6 =	vmul.f32 v8, v5;
	_ =	sdelay $0x1  }
0x9e: {  	v1 =	vadd.f32 v6, v1;
	_ =	sdelay $0x1  }
0x9f: {  	[tilespmem:s0+$0x0] =	vst v1  }
0xa0: {  	v1 =	vld [tilespmem:s1+$0xFFFFFFB0]  }
0xa1: {  	v6 =	vld [tilespmem:s1+$0xFFFFFFF0]  }
0xa2: {  	v7 =	vld [tilespmem:s1+$0x30]  }
0xa3: {  	v8 =	vld [tilespmem:s1+$0x70];
	_ =	sdelay $0x1  }
.Ltmp1:
0xa4: {  	v1 =	vmul.f32 v1, v3;
	(pc) =	sbr.rel @p0 .LBB2_5-.Ltmp1, $4  }
0xa5: {  	v3 =	vmul.f32 v6, v4  }
0xa6: {  	s11 =	sadd.s32 $0x1, s9;
	v4 =	vmov s9;
	v2 =	vmul.f32 v7, v2  }
0xa7: {  	v6 =	vmov s11;
	v3 =	vadd.f32 v3, v1;
	v1 =	vmul.f32 v8, v5  }
0xa8: {  	s1 =	sadd.s32 $0x100, s1;
	s11 =	smov.u32 s12;
	v5 =	vand.u32 $0xFFFFFFFC, v4;
	v4 =	vand.u32 $0xFFFFFFFD, v6  }
0xa9: {  	v2 =	vadd.f32 v2, v3  }
0xaa: {  	v5 =	vbroadcast v5, $0x0;
	s11 =	sadd.s32 $0x2, s9  }
0xab: {  	v3 =	vbroadcast v4, $0x0;
	v46 =	vmov s11;
	v1 =	vadd.f32 v1, v2  }
0xac: {  	v4 =	vand.u32 $0xFFFFFFFE, v46  }
0xad: {  	v2 =	vbroadcast v4, $0x0;
	[tilespmem:s10+$0x10] =	vst v1  }
0xae: {  	v1 =	vld [tilespmem:s1+$0xFFFFFF80]  }
0xaf: {  	s16 =	sadd.s32 $0x3, s9;
	v6 =	vld [tilespmem:s1+$0xFFFFFFC0]  }
0xb0: {  	v48 =	vmov s16;
	v47 =	vld.idx.msk [tilespmem:v5+s19+$0x0], $0xffff  }
0xb1: {  	v3 =	vld.idx.msk [tilespmem:v3+s19+$0x0], $0xffff  }
0xb2: {  	v7 =	vld [tilespmem:s1+$0x0]  }
0xb3: {  	v2 =	vld.idx.msk [tilespmem:v2+s19+$0x0], $0xffff  }
0xb4: {  	v8 =	vld [tilespmem:s1+$0x40]  }
0xb5: {  	v5 =	vld.idx.msk [tilespmem:v48+s19+$0x0], $0xffff  }
0xb6: {  	v1 =	vmul.f32 v1, v47;
	v6 =	vmul.f32 v6, v3;
	_ =	sdelay $0x1  }
0xb7: {  	v1 =	vadd.f32 v6, v1;
	v49 =	vmul.f32 v7, v2;
	_ =	sdelay $0x1  }
0xb8: {  	v50 =	vmul.f32 v8, v5;
	v1 =	vadd.f32 v49, v1;
	_ =	sdelay $0x1  }
0xb9: {  	v1 =	vadd.f32 v50, v1  }
0xba: {  	s0 =	sadd.s32 $0x40, s0  }
0xbb: {  	[tilespmem:s0+$0xFFFFFFE0] =	vst v1  }
0xbc: {  	v1 =	vld [tilespmem:s1+$0xFFFFFF90]  }
0xbd: {  	v51 =	vld [tilespmem:s1+$0xFFFFFFD0];
	_ =	sdelay $0x1  }
0xbe: {  	v52 =	vld [tilespmem:s1+$0x10];
	_ =	sdelay $0x1  }
0xbf: {  	v53 =	vld [tilespmem:s1+$0x50]  }
0xc0: {  	v1 =	vmul.f32 v1, v47;
	v6 =	vmul.f32 v51, v3;
	_ =	sdelay $0x1  }
0xc1: {  	v54 =	vmul.f32 v52, v2;
	v1 =	vadd.f32 v6, v1;
	_ =	sdelay $0x1  }
0xc2: {  	v55 =	vmul.f32 v53, v5;
	v1 =	vadd.f32 v54, v1;
	_ =	sdelay $0x1  }
0xc3: {  	v1 =	vadd.f32 v55, v1;
	_ =	sdelay $0x1  }
0xc4: {  	[tilespmem:s0+$0xFFFFFFF0] =	vst v1  }
0xc5: {  	v1 =	vld [tilespmem:s1+$0xFFFFFFA0]  }
0xc6: {  	v56 =	vld [tilespmem:s1+$0xFFFFFFE0];
	_ =	sdelay $0x1  }
0xc7: {  	v57 =	vld [tilespmem:s1+$0x20];
	_ =	sdelay $0x1  }
0xc8: {  	v58 =	vld [tilespmem:s1+$0x60]  }
0xc9: {  	v1 =	vmul.f32 v1, v47;
	v6 =	vmul.f32 v56, v3;
	_ =	sdelay $0x1  }
0xca: {  	v59 =	vmul.f32 v57, v2;
	v1 =	vadd.f32 v6, v1;
	_ =	sdelay $0x1  }
0xcb: {  	v60 =	vmul.f32 v58, v5;
	v1 =	vadd.f32 v59, v1;
	_ =	sdelay $0x1  }
0xcc: {  	v1 =	vadd.f32 v60, v1;
	_ =	sdelay $0x1  }
0xcd: {  	[tilespmem:s0+$0x0] =	vst v1  }
0xce: {  	v1 =	vld [tilespmem:s1+$0xFFFFFFB0]  }
0xcf: {  	v61 =	vld [tilespmem:s1+$0xFFFFFFF0];
	_ =	sdelay $0x1  }
0xd0: {  	v62 =	vld [tilespmem:s1+$0x30];
	_ =	sdelay $0x1  }
0xd1: {  	v63 =	vld [tilespmem:s1+$0x70]  }
0xd2: {  	v1 =	vmul.f32 v1, v47;
	v3 =	vmul.f32 v61, v3;
	_ =	sdelay $0x1  }
0xd3: {  	v2 =	vmul.f32 v62, v2;
	v1 =	vadd.f32 v3, v1;
	_ =	sdelay $0x1  }
0xd4: {  	v3 =	vmul.f32 v63, v5;
	v1 =	vadd.f32 v2, v1;
	_ =	sdelay $0x1  }
0xd5: {  	s31 =	sadd.s32 $0x1, s31;
	v1 =	vadd.f32 v3, v1  }
0xd6: {  	p0 =	sne.s32 s31, $0x28  }
.Ltmp2:
0xd7: {  	[tilespmem:s0+$0x10] =	vst v1;
	(pc) =	sbr.rel @p0 .LBB2_4-.Ltmp2, $4  }
0xd8: {  	[spmem:s2] =	stream.indirect.scatter.add.f32 [tilespmem:s29], [sflag:$0x1], $0x40, s20, s21, $0xb8;
	[tilespmem:$0x16480] =	vst v63  }
0xd9: {  	_ =	swait.ge [sflag:s18], $0x2000  }
0xda: {  	[sflag:s18] =	ssyncset.done $0x0  }
0xdb: {  	[sflag:s18] =	ssyncadd.s32 $0xFFFFE000  }
0xdc: {  	s0 =	stileid.u32  }
0xdd: {  	[bflag:$0x0] =	sbarrier.arrive $0xFFFF;
	s0 =	sshll.u32 s0, $0x6  }
0xde: {  	s1 =	sshrl.u32 s8, $0x3;
	s9 =	rddreg [dreg:$0x7];
	s0 =	sor.u32 $0x1C01, s0  }
0xdf: {  	[hbm:s9], [sflag:s0] =	dma.local [spmem:s1], $0x1400  }
0xe0: {  	_ =	swait.ge [sflag:s18], $0x1400  }
0xe1: {  	s3 =	sadd.s32 $0x1, s3;
	s31 =	rddreg [dreg:$0x8]  }
0xe2: {  	p0 =	sne.s32 s3, s31  }
.Ltmp3:
0xe3: {  	_ = 	snop;
	(pc) =	sbr.rel @p0 .LBB2_1-.Ltmp3, $3  }
0xe4: {  	_ =	sdelay $0x1  }
0xe5: {  	[sflag:s18] =	ssyncset.done $0x0  }
0xe6: {  	[sflag:s18] =	ssyncadd.s32 $0xFFFFEC00  }
0xe7: {  	_ =	sfence.sel $0x180000  }
0xe8: {  	[bflag:$0x0] =	sbarrier.arrive $0xFFFF  }
0xe9: {  	_ =	strace $0x9000004D  }
0xea: {  	s0 =	stileid.u32;
	[bflag:$0x2] =	sbarrier.arrive $0xFFFF  }
0xeb: {  	p0 =	sne.s32 s0, $0x0;
	s0 =	rddreg [dreg:$0x2]  }
0xec: {  	s0 =	sadd.s32 @!p0 $0x100000, s0  }
0xed: {  	[sflag:s0] =	ssyncadd.tile.s32 @!p0 $0x1;
	_ =	shalt  }
.Lfunc_end2:
_tile_overlayer_lowered:
.L_overlay_start_2:
0xee: {  	(tag) =	ssettag $0x2  }
0xef: {  	s0 =	rddreg [dreg:$0x0];
	s2 =	stileid.u32  }
0xf0: {  	s1 =	rddreg [dreg:$0x1];
	p0 =	sne.s32 s2, $0x0  }
0xf1: {  	s3 =	rddreg [dreg:$0x2];
	[bflag:$0x3] =	sbarrier.arrive $0xFFFF;
	s2 =	simm.s32 @!p0 $0x1C01  }
0xf2: {  	[timem:s3], [sflag:s2] =	dma.local @!p0 [hbm:s0], s1  }
0xf3: {  	s0 =	simm.s32 @!p0 $0x1  }
0xf4: {  	_ =	swait.ge @!p0 [sflag:s0], s1  }
0xf5: {  	s1 =	ssub.s32 @!p0 $0x0, s1;
	[sflag:s0] =	ssyncset.done @!p0 $0x0  }
0xf6: {  	[sflag:s0] =	ssyncadd.s32 @!p0 s1  }
0xf7: {  	[bflag:$0x3] =	sbarrier.arrive $0xFFFF  }
0xf8: {  	_ =	shalt  }

// kernel: kernel.25.cloned.1.call-start
scs
__scs_entry_jumppad:
0x0: {  	(pc) =	sbr.rel $0x88, $3  }
0x1: {  	(tag) =	ssettag $0x0;
	lr =	simm.s32 $0x1  }
0x2: {  	[smem:$0x3F8F] =	sst lr;
	_ =	strace $0xD0000000  }
0x3: {  	_ = 	snop  }
0x4: {  	_ = 	snop  }
0x5: {  	_ = 	snop  }
0x6: {  	_ = 	snop  }
0x7: {  	_ = 	snop  }
__scs_overlays_trampoline_lowered:
0x8: {  	[smem:$0x3F9E] =	sst s0  }
0x9: {  	[smem:$0x3F9F] =	sst s1  }
0xa: {  	[smem:$0x3FA0] =	sst s2  }
0xb: {  	[smem:$0x3FA1] =	sst s3  }
0xc: {  	[smem:$0x3FA2] =	sst s4  }
0xd: {  	[smem:$0x3FA3] =	sst s5  }
0xe: {  	[smem:$0x3FA4] =	sst s6  }
0xf: {  	[smem:$0x3FA5] =	sst s7  }
0x10: {  	[smem:$0x3FA6] =	sst s8  }
0x11: {  	[smem:$0x3FA7] =	sst s9;
	s0 =	simm.s32 @!p0 $0x0  }
0x12: {  	s1 =	sld [smem:$0x3F8D];
	s0 =	simm.s32 @p0 $0x1  }
0x13: {  	[smem:$0x3FA8] =	sst s0;
	s0 =	simm.s32 @!p1 $0x0  }
0x14: {  	s2 =	sld [smem:$0x3F8C];
	s0 =	simm.s32 @p1 $0x1  }
0x15: {  	[smem:$0x3FA9] =	sst s0;
	s0 =	simm.s32 @!p2 $0x0  }
0x16: {  	s3 =	sld [smem:$0x3FDB];
	s0 =	simm.s32 @p2 $0x1  }
0x17: {  	s4 =	simm.s32 $0x1BF5;
	[smem:$0x3FAB] =	sst s0  }
0x18: {  	s0 =	sld [smem:$0x3F8E];
	_ =	swait.ge [sflag:s4], $0x0  }
0x19: {  	s7 =	sld [smem:$0x3F8F]  }
0x1a: {  	s8 =	sadd.s32 $0xFFFFE003, lr  }
0x1b: {  	s9 =	sadd.s32 $0xFFFFFEF7, lr;
	s5 =	simm.s32 $0xFFFFFFFF;
	p2 =	slt.u32 s8, $0xFFFFF086  }
0x1c: {  	p1 =	slt.u32 s9, $0xF7A;
	s5 =	simm.s32 @!p2 $0x0  }
0x1d: {  	s5 =	simm.s32 @p1 $0x1;
	p0 =	seq.s32 s7, s2  }
0x1e: {  	s7 =	smul.u32 @!p0 $0xF7A, s2;
	p2 =	seq.s32 @!p0 s5, $0x0  }
0x1f: {  	s9 =	smul.u32 $0xF7A, s1;
	s8 =	simm.s32 @!p0 $0x1BF5;
	p2 =	por !p2, p0  }
0x20: {  	[sflag:s8] =	ssyncset.s32 @!p0 $0xFFFFF086;
	s6 =	sadd.s32 @!p0 s3, s7;
	s7 =	simm.s32 @!p0 $0x108  }
0x21: {  	s3 =	sadd.s32 s3, s9;
	s6 =	sadd.s32 @!p0 $0x88, s6;
	s7 =	simm.s32 @p2 $0x1082  }
0x22: {  	[simem:s7], [sflag:s8] =	dma.local @!p0 [hbm:s6], $0xF7A  }
0x23: {  	s9 =	sor.u32 $0xD0000000, s2;
	s6 =	simm.s32 $0x108;
	_ =	swait.ge @!p0 [sflag:s8], $0x0  }
0x24: {  	s3 =	sadd.s32 $0x88, s3;
	s6 =	simm.s32 @!p1 $0x1082;
	[sflag:s4] =	ssyncset.s32 $0xFFFFF086  }
0x25: {  	[simem:s6], [sflag:s4] =	dma.local [hbm:s3], $0xF7A  }
0x26: {  	[smem:$0x3F8F] =	sst s1;
	(tag) =	ssettag s2;
	_ =	strace s9  }
0x27: {  	s1 =	sld [smem:$0x3F9F]  }
0x28: {  	s2 =	sld [smem:$0x3FA0]  }
0x29: {  	s4 =	sld [smem:$0x3FA2]  }
0x2a: {  	p0 =	seq.s32 s5, $0x0;
	s5 =	sld [smem:$0x3FA3]  }
0x2b: {  	s6 =	sld [smem:$0x3FA4]  }
0x2c: {  	s7 =	sld [smem:$0x3FA5]  }
0x2d: {  	s3 =	simm.s32 $0x108;
	s8 =	sld [smem:$0x3FA6]  }
0x2e: {  	s3 =	simm.s32 @!p0 $0x1082;
	s9 =	sld [smem:$0x3FA7]  }
0x2f: {  	lr =	sadd.s32 s0, s3;
	s0 =	sld [smem:$0x3F9E]  }
0x30: {  	s3 =	sld [smem:$0x3FA1]  }
0x31: {  	[smem:$0x3FAA] =	sst s10  }
0x32: {  	s10 =	sld [smem:$0x3FA8];
	_ =	sdelay $0x3  }
0x33: {  	p0 =	seq.s32 s10, $0x1;
	s10 =	sld [smem:$0x3FAA];
	_ =	sdelay $0x3  }
0x34: {  	[smem:$0x3FAA] =	sst s10  }
0x35: {  	s10 =	sld [smem:$0x3FA9];
	_ =	sdelay $0x3  }
0x36: {  	p1 =	seq.s32 s10, $0x1;
	s10 =	sld [smem:$0x3FAA];
	_ =	sdelay $0x3  }
0x37: {  	[smem:$0x3FAA] =	sst s10  }
0x38: {  	s10 =	sld [smem:$0x3FAB]  }
0x39: {  	_ = 	snop;
	(pc) =	sbr.ind lr, $3  }
0x3a: {  	_ = 	snop  }
0x3b: {  	_ = 	snop  }
0x3c: {  	p2 =	seq.s32 s10, $0x1;
	s10 =	sld [smem:$0x3FAA]  }
0x3d: {  	_ =	shalt  }
0x3e: {  	_ =	shalt  }
0x3f: {  	_ =	shalt  }
0x40: {  	_ =	shalt  }
0x41: {  	_ =	shalt  }
0x42: {  	_ =	shalt  }
0x43: {  	_ =	shalt  }
0x44: {  	_ =	shalt  }
0x45: {  	_ =	shalt  }
0x46: {  	_ =	shalt  }
0x47: {  	_ =	shalt  }
0x48: {  	_ =	shalt  }
0x49: {  	_ =	shalt  }
0x4a: {  	_ =	shalt  }
0x4b: {  	_ =	shalt  }
0x4c: {  	_ =	shalt  }
0x4d: {  	_ =	shalt  }
0x4e: {  	_ =	shalt  }
0x4f: {  	_ =	shalt  }
0x50: {  	_ =	shalt  }
0x51: {  	_ =	shalt  }
0x52: {  	_ =	shalt  }
0x53: {  	_ =	shalt  }
0x54: {  	_ =	shalt  }
0x55: {  	_ =	shalt  }
0x56: {  	_ =	shalt  }
0x57: {  	_ =	shalt  }
0x58: {  	_ =	shalt  }
0x59: {  	_ =	shalt  }
0x5a: {  	_ =	shalt  }
0x5b: {  	_ =	shalt  }
0x5c: {  	_ =	shalt  }
0x5d: {  	_ =	shalt  }
0x5e: {  	_ =	shalt  }
0x5f: {  	_ =	shalt  }
0x60: {  	_ =	shalt  }
0x61: {  	_ =	shalt  }
0x62: {  	_ =	shalt  }
0x63: {  	_ =	shalt  }
0x64: {  	_ =	shalt  }
0x65: {  	_ =	shalt  }
0x66: {  	_ =	shalt  }
0x67: {  	_ =	shalt  }
0x68: {  	_ =	shalt  }
0x69: {  	_ =	shalt  }
0x6a: {  	_ =	shalt  }
0x6b: {  	_ =	shalt  }
0x6c: {  	_ =	shalt  }
0x6d: {  	_ =	shalt  }
0x6e: {  	_ =	shalt  }
0x6f: {  	_ =	shalt  }
0x70: {  	_ =	shalt  }
0x71: {  	_ =	shalt  }
0x72: {  	_ =	shalt  }
0x73: {  	_ =	shalt  }
0x74: {  	_ =	shalt  }
0x75: {  	_ =	shalt  }
0x76: {  	_ =	shalt  }
0x77: {  	_ =	shalt  }
0x78: {  	_ =	shalt  }
0x79: {  	_ =	shalt  }
0x7a: {  	_ =	shalt  }
0x7b: {  	_ =	shalt  }
0x7c: {  	_ =	shalt  }
0x7d: {  	_ =	shalt  }
0x7e: {  	_ =	shalt  }
0x7f: {  	_ =	shalt  }
0x80: {  	_ =	shalt  }
0x81: {  	_ =	shalt  }
0x82: {  	_ =	shalt  }
0x83: {  	_ =	shalt  }
0x84: {  	_ =	shalt  }
0x85: {  	_ =	shalt  }
0x86: {  	_ =	shalt  }
0x87: {  	_ =	shalt  }
.Lfunc_end0:
.L_simem_size_0:
called_computation.3_lowered:
.L_overlay_start_0:
0x88: {  	s2 =	sld [smem:$0x3FD9]  }
0x89: {  	s3 =	sld [smem:$0x3FFE];
	_ =	sdelay $0x1  }
0x8a: {  	s1 =	srdreg.scid  }
0x8b: {  	s0 =	sand.u32 $0x1, s1  }
0x8c: {  	s16 =	sshll.u32 s0, $0xA;
	s2 =	sadd.s32 s3, s2  }
0x8d: {  	s2 =	sadd.s32 s2, s16  }
0x8e: {  	[smem:$0x3FB6] =	sst s2  }
0x8f: {  	_ = 	snop  }
0x90: {  	(tm) =	ssettm $0x1  }
0x91: {  	s17 =	sld [smem:$0x3FFB];
	_ =	sdelay $0x3  }
0x92: {  	_ =	strace s17  }
0x93: {  	s2 =	sld [smem:$0x3FFC];
	_ =	sdelay $0x3  }
0x94: {  	_ =	strace s2  }
0x95: {  	s2 =	sld [smem:$0x3FFD];
	_ =	sdelay $0x3  }
0x96: {  	_ =	strace s2  }
0x97: {  	_ =	strace $0x8FFFFFFF  }
0x98: {  	s18 =	sld [smem:$0x3FDB];
	_ =	sdelay $0x1  }
0x99: {  	s19 =	simm.s32 $_scs_section_size  }
0x9a: {  	s4 =	simm.s32 $_size__tile_overlayer_lowered;
	s5 =	simm.s32 $_tile_overlayer_lowered  }
0x9b: {  	s22 =	simm.s32 $0x1BFF;
	s21 =	sshll.u32 s5, $0x1;
	s2 =	sadd.s32 s19, s18  }
0x9c: {  	s6 =	simm.s32 $0x0;
	s20 =	sshll.u32 s4, $0x1;
	s4 =	sadd.s32 s21, s2  }
0x9d: {  	[timem:s6], [sflag:s22] =	dma.local [hbm:s4], s20  }
0x9e: {  	_ =	swait.ge [sflag:s22], s20  }
0x9f: {  	s3 =	ssub.s32 $0x0, s20;
	[sflag:s22] =	ssyncset.done $0x0  }
0xa0: {  	[sflag:s22] =	ssyncadd.s32 s3;
	_ =	sdelay $0x1  }
0xa1: {  	s23 =	simm.s32 $0x1B8B  }
0xa2: {  	_ =	swait.ge [sflag:s23], $0x1  }
0xa3: {  	[sflag:s23] =	ssyncset.done $0x0  }
0xa4: {  	s25 =	simm.s32 $0x1B8E;
	s24 =	sld [smem:$0x3FFE];
	[sflag:s23] =	ssyncadd.s32 $0xFFFFFFFF  }
0xa5: {  	s26 =	simm.s32 $execute0_lowered;
	[smem:$0x3FD2] =	sst s25  }
0xa6: {  	s4 =	sshll.u32 s26, $0x1;
	_ =	strace $0x8000004F;
	[dreg:$0x1] =	wrdreg $0xFFFFFFFF  }
0xa7: {  	s28 =	simm.s32 $_size_execute0_lowered;
	s2 =	sadd.s32 s2, s4;
	[dreg:$0x0] =	wrdreg $0x0  }
0xa8: {  	s4 =	sshll.u32 s28, $0x1;
	[dreg:$0x2] =	wrdreg s2  }
0xa9: {  	[dreg:$0x3] =	wrdreg s4  }
0xaa: {  	[dreg:$0x4] =	wrdreg $0xC0  }
0xab: {  	_ =	task [dreg:s6], $0x5FFFF  }
0xac: {  	[dreg:$0x1] =	wrdreg $0xFFFFFFFF  }
0xad: {  	[dreg:$0x0] =	wrdreg $0x60  }
0xae: {  	[dreg:$0x2] =	wrdreg s24  }
0xaf: {  	[dreg:$0x3] =	wrdreg $0x9  }
0xb0: {  	_ =	task.clear_ibuf [dreg:s6], $0x4FFFF;
	_ =	strace $0x9000004F  }
0xb1: {  	s29 =	simm.s32 $0x9;
	_ =	strace $0x80000051  }
0xb2: {  	_ =	swait.ge [sflag:s29], $0x1  }
0xb3: {  	[sflag:s29] =	ssyncadd.s32 $0xFFFFFFFF  }
0xb4: {  	_ =	strace $0x90000051  }
0xb5: {  	_ =	sfence  }
0xb6: {  	s30 =	sld [smem:$0x0];
	_ =	sdelay $0x2  }
0xb7: {  	s31 =	sshll.u32 s1, $0xD;
	s1 =	sshrl.u32 s1, $0x2  }
0xb8: {  	s3 =	sand.u32 $0x4000, s31;
	s1 =	sadd.s32 s1, s30  }
0xb9: {  	s0 =	sor.u32 s3, s0;
	s1 =	sshll.u32 s1, $0x11  }
0xba: {  	s0 =	sor.u32 s1, s0  }
0xbb: {  	s0 =	sadd.s32 $0x8F2B, s0  }
0xbc: {  	[sflag:s0] =	ssyncadd.remote.s32 $0x1  }
0xbd: {  	_ =	sfence.sel $0xFFFF  }
0xbe: {  	[dreg:$0x0] =	wrdreg $0xFFFFFFFF;
	(pc) =	sbr.abs _section_cstart, $3  }
0xbf: {  	[dreg:$0x1] =	wrdreg $0xFFFFFFFF  }
0xc0: {  	_ =	task.clear_ibuf [dreg:s6], $0x2FFFF;
	_ =	strace $0x9FFFFFFF  }
0xc1: {  	(tm) =	ssettm $0x7FFFFFFF  }
tec
execute0_lowered:
.L_overlay_start_1:
0x0: {  	(tag) =	ssettag $0x1  }
0x1: {  	s1 =	srdreg.scid;
	s0 =	stileid.u32  }
0x2: {  	s3 =	sand.u32 $0x1, s1;
	s30 =	sshll.u32 s0, $0x1  }
0x3: {  	s5 =	rddreg [dreg:$0x0];
	s4 =	sor.u32 s3, s30  }
0x4: {  	s2 =	simm.s32 $0x0;
	s9 =	simm.s32 $0x5140;
	s6 =	smul.u32 $0xA00, s4  }
0x5: {  	s10 =	simm.s32 $0x0;
	s3 =	ssub.s32 $0x2, s3;
	s7 =	smul.u32 $0x28, s4  }
0x6: {  	[smem:$0x7FF] =	sst s2;
	s4 =	smul.u32 $0x1040, s4;
	s31 =	sshrl.u32 s3, $0x1  }
0x7: {  	s1 =	rddreg [dreg:$0x1];
	_ =	strace $0x80000050;
	s8 =	ssub.s32 s3, s31  }
0x8: {  	s6 =	sadd.s32 s6, s5;
	s7 =	sadd.s32 s7, s5;
	s5 =	sadd.s32 s4, s5  }
0x9: {  	v0 =	vimm.f32 $-Inf;
	v1 =	vlaneseq.u32;
	s3 =	sadd.s32 $0x2600, s6;
	s4 =	sadd.s32 $0xA7600, s7;
	s5 =	sadd.s32 $0x16600, s5  }
0xa: {  	v2 =	vor.u32 $0x10, v1;
	v3 =	vor.u32 $0x20, v1;
	v4 =	vor.u32 $0x30, v1;
	s6 =	smax.u32 s8, $0x1;
	s7 =	simm.s32 $0x1;
	s8 =	simm.s32 $0x5000  }
.LBB2_1:
0xb: {  	s12 =	simm.s32 $0x100;
	s11 =	simm.s32 $0x0  }
.LBB2_2:
0xc: {  	p0 =	sne.s32 s12, $0x20700;
	[tilespmem:s11+$0x5170] =	vst v0;
	s13 =	smov.u32 s12;
	s12 =	sadd.s32 $0x100, s12  }
.Ltmp0:
0xd: {  	[tilespmem:s11+$0x5160] =	vst v0;
	(pc) =	sbr.rel @p0 .LBB2_2-.Ltmp0, $3  }
0xe: {  	[tilespmem:s11+$0x5140] =	vst v0  }
0xf: {  	[tilespmem:s11+$0x5150] =	vst v0;
	_ =	sdelay $0x1  }
0x10: {  	s11 =	sshra.s32 s13, $0x2  }
0x11: {  	[tilespmem:s11+$0x5170] =	vst v0  }
0x12: {  	[tilespmem:s11+$0x5160] =	vst v0  }
0x13: {  	[tilespmem:s11+$0x5140] =	vst v0  }
0x14: {  	[tilespmem:s11+$0x5150] =	vst v0;
	s31 =	simm.s32 $0x0  }
0x15: {  	[tilespmem:s31], [sflag:$0x1] =	stream.linear.gather [hbm4b:s3+s31], $0x5000, $0x38;
	[tilespmem:$0xD340] =	vst v63  }
0x16: {  	_ =	swait.ge [sflag:s7], $0x5000  }
0x17: {  	[sflag:s7] =	ssyncset.done $0x0  }
0x18: {  	v5 =	vmov s31;
	[sflag:s7] =	ssyncadd.s32 $0xFFFFB000  }
0x19: {  	[tilespmem:s8], [sflag:$0x1] =	stream.linear.gather [hbm4b:s4+s31], $0x140, $0x38;
	[tilespmem:$0xD340] =	vst v63  }
0x1a: {  	_ =	swait.ge [sflag:s7], $0x140  }
0x1b: {  	[sflag:s7] =	ssyncset.done $0x0  }
0x1c: {  	[sflag:s7] =	ssyncadd.s32 $0xFFFFFEC0  }
0x1d: {  	v5 =	vld.idx.msk [tilespmem:v5+s8+$0x0], $0xffff;
	_ =	sdelay $0x4  }
0x1e: {  	v5 =	vshll.u32 v5, $0x6  }
0x1f: {  	v6 =	vor.u32 v1, v5;
	_ =	sdelay $0x2  }
0x20: {  	s11 =	simm.s32 $0x20  }
0x21: {  	v8 =	vld [tilespmem:s11+$0xFFFFFFE0]  }
0x22: {  	v7 =	vld.idx.msk [tilespmem:v6+s9+$0x0], $0xffff;
	_ =	sdelay $0x1  }
0x23: {  	v9 =	vor.u32 v2, v5;
	_ =	sdelay $0x2  }
0x24: {  	v7 =	vmax.f32 v7, v8  }
0x25: {  	[tilespmem:v6+s9+$0x0] =	vst.idx.msk $0xffff, v7  }
0x26: {  	v6 =	vld.idx.msk [tilespmem:v9+s9+$0x0], $0xffff  }
0x27: {  	v7 =	vld [tilespmem:s11+$0xFFFFFFF0];
	_ =	sdelay $0x1  }
0x28: {  	v8 =	vor.u32 v3, v5;
	_ =	sdelay $0x2  }
0x29: {  	v6 =	vmax.f32 v6, v7  }
0x2a: {  	[tilespmem:v9+s9+$0x0] =	vst.idx.msk $0xffff, v6  }
0x2b: {  	v6 =	vld.idx.msk [tilespmem:v8+s9+$0x0], $0xffff  }
0x2c: {  	v7 =	vld [tilespmem:s11+$0x0];
	_ =	sdelay $0x1  }
0x2d: {  	v5 =	vor.u32 v4, v5;
	_ =	sdelay $0x2  }
0x2e: {  	v6 =	vmax.f32 v6, v7  }
0x2f: {  	[tilespmem:v8+s9+$0x0] =	vst.idx.msk $0xffff, v6  }
0x30: {  	v7 =	vld.idx.msk [tilespmem:v5+s9+$0x0], $0xffff  }
0x31: {  	v8 =	vld [tilespmem:s11+$0x10];
	_ =	sdelay $0x1  }
0x32: {  	s13 =	simm.s32 $0x1  }
0x33: {  	v6 =	vmov s13;
	_ =	sdelay $0x1  }
0x34: {  	s12 =	simm.s32 $0x2;
	v7 =	vmax.f32 v7, v8  }
.LBB2_4:
0x35: {  	p0 =	sne.s32 s12, $0x13F  }
0x36: {  	[tilespmem:v5+s9+$0x0] =	vst.idx.msk $0xffff, v7;
	s11 =	sadd.s32 $0x40, s11;
	s13 =	smov.u32 s12;
	s12 =	sadd.s32 $0x1, s12  }
0x37: {  	v5 =	vld.idx.msk [tilespmem:v6+s8+$0x0], $0xffff;
	_ =	sdelay $0x5  }
0x38: {  	v5 =	vshll.u32 v5, $0x6  }
0x39: {  	v6 =	vor.u32 v1, v5;
	_ =	sdelay $0x4  }
0x3a: {  	v7 =	vld.idx.msk [tilespmem:v6+s9+$0x0], $0xffff  }
0x3b: {  	v8 =	vld [tilespmem:s11+$0xFFFFFFE0];
	_ =	sdelay $0x1  }
0x3c: {  	v9 =	vor.u32 v2, v5;
	_ =	sdelay $0x2  }
0x3d: {  	v7 =	vmax.f32 v7, v8  }
0x3e: {  	[tilespmem:v6+s9+$0x0] =	vst.idx.msk $0xffff, v7  }
0x3f: {  	v6 =	vld.idx.msk [tilespmem:v9+s9+$0x0], $0xffff  }
0x40: {  	v7 =	vld [tilespmem:s11+$0xFFFFFFF0];
	_ =	sdelay $0x1  }
0x41: {  	v8 =	vor.u32 v3, v5;
	_ =	sdelay $0x2  }
0x42: {  	v6 =	vmax.f32 v6, v7  }
0x43: {  	[tilespmem:v9+s9+$0x0] =	vst.idx.msk $0xffff, v6  }
0x44: {  	v6 =	vld.idx.msk [tilespmem:v8+s9+$0x0], $0xffff  }
0x45: {  	v7 =	vld [tilespmem:s11+$0x0];
	_ =	sdelay $0x1  }
0x46: {  	v5 =	vor.u32 v4, v5;
	_ =	sdelay $0x2  }
0x47: {  	v6 =	vmax.f32 v6, v7  }
0x48: {  	[tilespmem:v8+s9+$0x0] =	vst.idx.msk $0xffff, v6  }
0x49: {  	v7 =	vld.idx.msk [tilespmem:v5+s9+$0x0], $0xffff  }
0x4a: {  	v8 =	vld [tilespmem:s11+$0x10]  }
.Ltmp1:
0x4b: {  	(pc) =	sbr.rel @p0 .LBB2_4-.Ltmp1, $2  }
0x4c: {  	v6 =	vmov s13;
	_ =	sdelay $0x2  }
0x4d: {  	v7 =	vmax.f32 v7, v8  }
0x4e: {  	_ =	sdelay $0x3  }
0x4f: {  	[tilespmem:v5+s9+$0x0] =	vst.idx.msk $0xffff, v7  }
0x50: {  	v5 =	vld.idx.msk [tilespmem:v6+s8+$0x0], $0xffff;
	_ =	sdelay $0x4  }
0x51: {  	v5 =	vshll.u32 v5, $0x6  }
0x52: {  	v6 =	vor.u32 v1, v5;
	_ =	sdelay $0x2  }
0x53: {  	s11 =	sadd.s32 $0x40, s11  }
0x54: {  	v8 =	vld [tilespmem:s11+$0xFFFFFFE0]  }
0x55: {  	v7 =	vld.idx.msk [tilespmem:v6+s9+$0x0], $0xffff;
	_ =	sdelay $0x1  }
0x56: {  	v9 =	vor.u32 v2, v5;
	_ =	sdelay $0x2  }
0x57: {  	v7 =	vmax.f32 v7, v8  }
0x58: {  	[tilespmem:v6+s9+$0x0] =	vst.idx.msk $0xffff, v7  }
0x59: {  	v6 =	vld.idx.msk [tilespmem:v9+s9+$0x0], $0xffff  }
0x5a: {  	v7 =	vld [tilespmem:s11+$0xFFFFFFF0];
	_ =	sdelay $0x1  }
0x5b: {  	v63 =	vor.u32 v3, v5;
	_ =	sdelay $0x2  }
0x5c: {  	v6 =	vmax.f32 v6, v7  }
0x5d: {  	[tilespmem:v9+s9+$0x0] =	vst.idx.msk $0xffff, v6  }
0x5e: {  	v6 =	vld.idx.msk [tilespmem:v63+s9+$0x0], $0xffff  }
0x5f: {  	v7 =	vld [tilespmem:s11+$0x0];
	_ =	sdelay $0x1  }
0x60: {  	v5 =	vor.u32 v4, v5;
	_ =	sdelay $0x2  }
0x61: {  	v6 =	vmax.f32 v6, v7  }
0x62: {  	[tilespmem:v63+s9+$0x0] =	vst.idx.msk $0xffff, v6  }
0x63: {  	v6 =	vld.idx.msk [tilespmem:v5+s9+$0x0], $0xffff  }
0x64: {  	v7 =	vld [tilespmem:s11+$0x10];
	_ =	sdelay $0x3  }
0x65: {  	s10 =	sadd.s32 $0x1, s10  }
0x66: {  	p0 =	sne.s32 s10, s6;
	v6 =	vmax.f32 v6, v7  }
.Ltmp2:
0x67: {  	[tilespmem:v5+s9+$0x0] =	vst.idx.msk $0xffff, v6;
	(pc) =	sbr.rel @p0 .LBB2_1-.Ltmp2, $4  }
0x68: {  	[hbm4b:s5+s2] =	stream.linear.scatter [tilespmem:s9], [sflag:$0x1], $0x8200, $0x38;
	[tilespmem:$0xD340] =	vst v63  }
0x69: {  	_ =	swait.ge [sflag:s7], $0x8200  }
0x6a: {  	[sflag:s7] =	ssyncset.done $0x0  }
0x6b: {  	[sflag:s7] =	ssyncadd.s32 $0xFFFF7E00  }
0x6c: {  	_ =	sfence.sel $0x180000  }
0x6d: {  	[bflag:$0x0] =	sbarrier.arrive $0xFFFF  }
0x6e: {  	p0 =	sne.s32 s0, $0x0;
	_ =	strace $0x90000050  }
0x6f: {  	s0 =	sadd.s32 @!p0 $0x100000, s1;
	[bflag:$0x2] =	sbarrier.arrive $0xFFFF  }
0x70: {  	[sflag:s0] =	ssyncadd.tile.s32 @!p0 $0x1;
	_ =	shalt  }
.Lfunc_end2:
_tile_overlayer_lowered:
.L_overlay_start_2:
0x71: {  	(tag) =	ssettag $0x2  }
0x72: {  	s0 =	rddreg [dreg:$0x0];
	s2 =	stileid.u32  }
0x73: {  	s1 =	rddreg [dreg:$0x1];
	p0 =	sne.s32 s2, $0x0  }
0x74: {  	s3 =	rddreg [dreg:$0x2];
	[bflag:$0x3] =	sbarrier.arrive $0xFFFF;
	s2 =	simm.s32 @!p0 $0x1C01  }
0x75: {  	[timem:s3], [sflag:s2] =	dma.local @!p0 [hbm:s0], s1  }
0x76: {  	s0 =	simm.s32 @!p0 $0x1  }
0x77: {  	_ =	swait.ge @!p0 [sflag:s0], s1  }
0x78: {  	s1 =	ssub.s32 @!p0 $0x0, s1;
	[sflag:s0] =	ssyncset.done @!p0 $0x0  }
0x79: {  	[sflag:s0] =	ssyncadd.s32 @!p0 s1  }
0x7a: {  	[bflag:$0x3] =	sbarrier.arrive $0xFFFF  }
0x7b: {  	_ =	shalt  }

</sc_bundles>
